<compile_context>
chip_gen: v7x
topology: tpu7x:2x2x1
jax: 0.10.2.dev20260603
libtpu: 0.0.44.dev20260713+nightly
codegen_flags: <defaults>
</compile_context>

<pallas_src>
import functools

import jax
import jax.numpy as jnp
from jax import lax
from jax.experimental import pallas as pl
from jax.experimental.pallas import tpu as pltpu
from jax.experimental.pallas import tpu_sc as plsc

NB = 4096
S = 200
D = 64
V = 1000000
TBLK = 2048
NTB = (V + 2 * TBLK - 1) // (2 * TBLK)
VHP = NTB * TBLK
NC, NS = 2, 16
NW = NC * NS
GRPS = 128 // 16


def _make_table_transpose():
    dn = (((0,), (0,)), ((), ()))

    def body(a_ref, out_ref):
        r = lax.broadcasted_iota(jnp.int32, (D, D), 0)
        c = lax.broadcasted_iota(jnp.int32, (D, D), 1)
        eye = (r == c).astype(jnp.float32)

        def tr(x):
            return lax.dot_general(x, eye, dn,
                                   precision=lax.Precision.HIGHEST,
                                   preferred_element_type=jnp.float32)

        x = a_ref[...]
        out_ref[:, 0:D] = tr(x[:, 0:TBLK])
        out_ref[:, D:128] = tr(x[:, TBLK:2 * TBLK])

    return pl.pallas_call(
        body,
        grid=(NTB,),
        in_specs=[pl.BlockSpec((D, 2 * TBLK), lambda i: (0, i))],
        out_specs=pl.BlockSpec((TBLK, 128), lambda i: (i, 0)),
        out_shape=jax.ShapeDtypeStruct((VHP, 128), jnp.float32),
    )


def _make_sc_gather():
    mesh = plsc.VectorSubcoreMesh(core_axis_name="c", subcore_axis_name="s")

    @functools.partial(
        pl.kernel,
        mesh=mesh,
        out_type=jax.ShapeDtypeStruct((S, D, NB), jnp.float32),
        scratch_types=[
            pltpu.VMEM((S, 128), jnp.int32),
            pltpu.VMEM((4, 128), jnp.int32),
            pltpu.VMEM((4, 128, 128), jnp.float32),
            pltpu.VMEM((4, D, 128), jnp.float32),
            pltpu.SemaphoreType.DMA((4,)),
            pltpu.SemaphoreType.DMA((4,)),
        ],
        compiler_params=pltpu.CompilerParams(use_tc_tiling_on_sc=True,
                                             needs_layout_passes=False),
    )
    def gather_kernel(idx_hbm, rm_hbm, out_hbm, idxv, rowsv, gbuf, obuf,
                      gsem, ssem):
        wid = lax.axis_index("s") * NC + lax.axis_index("c")
        col = wid * 128
        pltpu.sync_copy(idx_hbm.at[:, pl.ds(col, 128)], idxv)

        def prep_rows(s, p):
            for k in range(GRPS):
                ids = idxv[s, pl.ds(16 * k, 16)]
                rowsv[p, pl.ds(16 * k, 16)] = (
                    ((ids >> 12) << 11) | (ids & 2047))

        def start_gather(p):
            pltpu.async_copy(rm_hbm.at[rowsv.at[p]], gbuf.at[p], gsem.at[p])

        def wait_gather(p):
            pltpu.make_async_copy(rm_hbm.at[rowsv.at[p]], gbuf.at[p],
                                  gsem.at[p]).wait()

        def start_store(s, p):
            pltpu.async_copy(obuf.at[p], out_hbm.at[s, :, pl.ds(col, 128)],
                             ssem.at[p])

        def wait_store(s, p):
            pltpu.make_async_copy(obuf.at[p], out_hbm.at[s, :, pl.ds(col, 128)],
                                  ssem.at[p]).wait()

        def transform(s, p):
            def grp(g, carry):
                t16 = lax.iota(jnp.int32, 16) + 16 * g
                ids = idxv[s, pl.ds(16 * g, 16)]
                h64 = (ids >> 5) & D

                @plsc.parallel_loop(0, D, unroll=16)
                def floop(f):
                    vals = plsc.load_gather(gbuf.at[p], [t16, h64 + f])
                    obuf[p, f, pl.ds(16 * g, 16)] = vals

                return carry

            lax.fori_loop(0, GRPS, grp, 0)

        NBUF = 4

        for p in range(NBUF):
            prep_rows(p, p)
            start_gather(p)
        for p in range(NBUF):
            wait_gather(p)
            transform(p, p)
            start_store(p, p)
            prep_rows(p + NBUF, p)
            start_gather(p)

        def body(i, carry):
            for p in range(NBUF):
                s = NBUF * i + p
                wait_gather(p)
                wait_store(s - NBUF, p)
                transform(s, p)
                start_store(s, p)
                prep_rows(s + NBUF, p)
                start_gather(p)
            return carry

        lax.fori_loop(1, S // NBUF - 1, body, 0)

        for p in range(NBUF):
            s = S - NBUF + p
            wait_gather(p)
            wait_store(s - NBUF, p)
            transform(s, p)
            start_store(s, p)
        for p in range(NBUF):
            wait_store(S - NBUF + p, p)

    return gather_kernel


_tc_transpose = _make_table_transpose()
_sc_gather = _make_sc_gather()


@jax.jit
def kernel(token_ids, embedding):
    emb_t = embedding.T
    idx_t = token_ids.T.astype(jnp.int32)
    rm = _tc_transpose(emb_t)
    out = _sc_gather(idx_t, rm)
    return out.transpose(2, 0, 1)

# --- scband reference (transcript-rebuilt; emitter-appended) ---
"""Pipeline reference for scband-embedding-65944927862811 (READ-ONLY COPY).

The authoritative reference and input builder live on the scoring server;
editing this copy changes nothing except your own understanding.
"""

import jax, jax.numpy as jnp
import numpy as np

NUM_EMBEDDINGS = 1000000
EMBEDDING_DIM = 64

def _trunc_normal(key, shape, mean=0.0, std=1.0, a=-3.0, b=3.0):
    # truncated normal in [a, b] with given mean/std (matches torch trunc_normal_ semantics)
    lo = (a - mean) / std
    hi = (b - mean) / std
    x = jax.random.truncated_normal(key, lo, hi, shape, dtype=jnp.float32)
    return x * std + mean

def setup_inputs(seed: int = 0) -> dict:
    key = jax.random.key(seed)
    k_idx, k_tab = jax.random.split(key)
    token_ids = jax.random.randint(k_idx, (4096, 200), 0, NUM_EMBEDDINGS, dtype=jnp.int64 if jax.config.jax_enable_x64 else jnp.int32)
    embedding = _trunc_normal(k_tab, (NUM_EMBEDDINGS, EMBEDDING_DIM))
    return {"token_ids": token_ids, "embedding": embedding}

def reference(token_ids, embedding):
    # Faithful translation of: return self.embedding[token_ids]
    return jnp.take(embedding, token_ids, axis=0)

if __name__ == "__main__":
    import jax
    _d = setup_inputs()
    print(jax.jit(kernel)(*tuple(_d.values())))

</pallas_src>

<mosaic_0001>
#map = affine_map<(d0, d1) -> (0, 0)>
#map1 = affine_map<(d0, d1) -> (0, 0, 0)>
module attributes {stable_mosaic.version = 14 : i64} {
  func.func @gather_kernel(%arg0: i32, %arg1: i32, %arg2: memref<200x4096xi32, #tpu.memory_space<hbm>>, %arg3: memref<501760x128xf32, #tpu.memory_space<hbm>>, %arg4: memref<200x64x4096xf32, #tpu.memory_space<hbm>>, %arg5: memref<200x128xi32, #tpu.memory_space<vmem>>, %arg6: memref<4x128xi32, #tpu.memory_space<vmem>>, %arg7: memref<4x128x128xf32, #tpu.memory_space<vmem>>, %arg8: memref<4x64x128xf32, #tpu.memory_space<vmem>>, %arg9: memref<4x!tpu.dma_semaphore, #tpu.memory_space<semaphore_mem>>, %arg10: memref<4x!tpu.dma_semaphore, #tpu.memory_space<semaphore_mem>>) attributes {dimension_semantics = [#tpu.dimension_semantics<core_parallel>, #tpu.dimension_semantics<subcore_parallel>], iteration_bounds = array<i64: 2, 16>, scalar_prefetch = 0 : i64, scratch_operands = 6 : i64, tpu.core_type = #tpu.core_type<sc_vector_subcore>, window_params = [{transform_indices = #map}, {transform_indices = #map}, {transform_indices = #map1}]} {
    %mul3A = arith.constant 2 : i32
    %mul3A_0 = arith.muli %arg1, %mul3A : i32
    %add3A = arith.addi %mul3A_0, %arg0 : i32
    %mul3A_1 = arith.constant 128 : i32
    %mul3A_2 = arith.muli %add3A, %mul3A_1 : i32
    "tpu.region"() ({
      %run_scoped3A = tpu.sem_alloc : memref<!tpu.dma_semaphore, #tpu.memory_space<semaphore_mem>>
      %dma_start3A_1744 = arith.constant 0 : i32
      %dma_start3A_1745 = tpu.memref_slice %arg2[%dma_start3A_1744, %mul3A_2] : memref<200x4096xi32, #tpu.memory_space<hbm>> -> memref<200x128xi32, #tpu.memory_space<hbm>>
      %dma_start3A_1746 = arith.constant 0 : i32
      %dma_start3A_1747 = tpu.memref_slice %arg2[%dma_start3A_1746, %mul3A_2] : memref<200x4096xi32, #tpu.memory_space<hbm>> -> memref<200x128xi32, #tpu.memory_space<hbm>>
      tpu.enqueue_dma source(%dma_start3A_1747 : memref<200x128xi32, #tpu.memory_space<hbm>>) target(%arg5 : memref<200x128xi32, #tpu.memory_space<vmem>>) target_semaphore(%run_scoped3A : memref<!tpu.dma_semaphore, #tpu.memory_space<semaphore_mem>>)
      %dma_wait3A_1748 = arith.constant 0 : i32
      %dma_wait3A_1749 = tpu.memref_slice %arg2[%dma_wait3A_1748, %mul3A_2] : memref<200x4096xi32, #tpu.memory_space<hbm>> -> memref<200x128xi32, #tpu.memory_space<hbm>>
      %dma_wait3A_1750 = arith.constant 0 : i32
      %dma_wait3A_1751 = tpu.memref_slice %arg2[%dma_wait3A_1750, %mul3A_2] : memref<200x4096xi32, #tpu.memory_space<hbm>> -> memref<200x128xi32, #tpu.memory_space<hbm>>
      tpu.wait_dma2 semaphore(%run_scoped3A : memref<!tpu.dma_semaphore, #tpu.memory_space<semaphore_mem>>) src(%dma_wait3A_1751 : memref<200x128xi32, #tpu.memory_space<hbm>>) dst(%arg5 : memref<200x128xi32, #tpu.memory_space<vmem>>)
      tpu.yield
    }) : () -> ()
    %get3A = arith.constant 0 : i32
    %get3A_3 = arith.index_cast %get3A : i32 to index
    %get3A_4 = arith.constant 0 : index
    %get3A_5 = tpu.vector_load %arg5[%get3A_3, %get3A_4] {strides = array<i32>} : memref<200x128xi32, #tpu.memory_space<vmem>>, vector<16xi32>,
    %shift_right_arithmetic3A = arith.constant 12 : i32
    %shift_right_arithmetic3A_6 = vector.broadcast %shift_right_arithmetic3A : i32 to vector<16xi32>
    %shift_right_arithmetic3A_7 = arith.shrsi %get3A_5, %shift_right_arithmetic3A_6 : vector<16xi32>
    %shift_left3A = arith.constant 11 : i32
    %shift_left3A_8 = vector.broadcast %shift_left3A : i32 to vector<16xi32>
    %shift_left3A_9 = arith.shli %shift_right_arithmetic3A_7, %shift_left3A_8 : vector<16xi32>
    %and3A = arith.constant 2047 : i32
    %and3A_10 = vector.broadcast %and3A : i32 to vector<16xi32>
    %and3A_11 = arith.andi %get3A_5, %and3A_10 : vector<16xi32>
    %or3A = arith.ori %shift_left3A_9, %and3A_11 : vector<16xi32>
    %swap3A = arith.constant 0 : i32
    %swap3A_12 = arith.index_cast %swap3A : i32 to index
    %swap3A_13 = arith.constant 0 : index
    %swap3A_14 = tpu.vector_load %arg6[%swap3A_12, %swap3A_13] {strides = array<i32>} : memref<4x128xi32, #tpu.memory_space<vmem>>, vector<16xi32>,
    tpu.vector_store %arg6[%swap3A_12, %swap3A_13], %or3A {strides = array<i32>} : memref<4x128xi32, #tpu.memory_space<vmem>>, vector<16xi32>,
    %get3A_15 = arith.constant 0 : i32
    %get3A_16 = arith.index_cast %get3A_15 : i32 to index
    %get3A_17 = arith.constant 16 : index
    %get3A_18 = tpu.vector_load %arg5[%get3A_16, %get3A_17] {strides = array<i32>} : memref<200x128xi32, #tpu.memory_space<vmem>>, vector<16xi32>,
    %shift_right_arithmetic3A_19 = arith.constant 12 : i32
    %shift_right_arithmetic3A_20 = vector.broadcast %shift_right_arithmetic3A_19 : i32 to vector<16xi32>
    %shift_right_arithmetic3A_21 = arith.shrsi %get3A_18, %shift_right_arithmetic3A_20 : vector<16xi32>
    %shift_left3A_22 = arith.constant 11 : i32
    %shift_left3A_23 = vector.broadcast %shift_left3A_22 : i32 to vector<16xi32>
    %shift_left3A_24 = arith.shli %shift_right_arithmetic3A_21, %shift_left3A_23 : vector<16xi32>
    %and3A_25 = arith.constant 2047 : i32
    %and3A_26 = vector.broadcast %and3A_25 : i32 to vector<16xi32>
    %and3A_27 = arith.andi %get3A_18, %and3A_26 : vector<16xi32>
    %or3A_28 = arith.ori %shift_left3A_24, %and3A_27 : vector<16xi32>
    %swap3A_29 = arith.constant 0 : i32
    %swap3A_30 = arith.index_cast %swap3A_29 : i32 to index
    %swap3A_31 = arith.constant 16 : index
    %swap3A_32 = tpu.vector_load %arg6[%swap3A_30, %swap3A_31] {strides = array<i32>} : memref<4x128xi32, #tpu.memory_space<vmem>>, vector<16xi32>,
    tpu.vector_store %arg6[%swap3A_30, %swap3A_31], %or3A_28 {strides = array<i32>} : memref<4x128xi32, #tpu.memory_space<vmem>>, vector<16xi32>,
    %get3A_33 = arith.constant 0 : i32
    %get3A_34 = arith.index_cast %get3A_33 : i32 to index
    %get3A_35 = arith.constant 32 : index
    %get3A_36 = tpu.vector_load %arg5[%get3A_34, %get3A_35] {strides = array<i32>} : memref<200x128xi32, #tpu.memory_space<vmem>>, vector<16xi32>,
    %shift_right_arithmetic3A_37 = arith.constant 12 : i32
    %shift_right_arithmetic3A_38 = vector.broadcast %shift_right_arithmetic3A_37 : i32 to vector<16xi32>
    %shift_right_arithmetic3A_39 = arith.shrsi %get3A_36, %shift_right_arithmetic3A_38 : vector<16xi32>
    %shift_left3A_40 = arith.constant 11 : i32
    %shift_left3A_41 = vector.broadcast %shift_left3A_40 : i32 to vector<16xi32>
    %shift_left3A_42 = arith.shli %shift_right_arithmetic3A_39, %shift_left3A_41 : vector<16xi32>
    %and3A_43 = arith.constant 2047 : i32
    %and3A_44 = vector.broadcast %and3A_43 : i32 to vector<16xi32>
    %and3A_45 = arith.andi %get3A_36, %and3A_44 : vector<16xi32>
    %or3A_46 = arith.ori %shift_left3A_42, %and3A_45 : vector<16xi32>
    %swap3A_47 = arith.constant 0 : i32
    %swap3A_48 = arith.index_cast %swap3A_47 : i32 to index
    %swap3A_49 = arith.constant 32 : index
    %swap3A_50 = tpu.vector_load %arg6[%swap3A_48, %swap3A_49] {strides = array<i32>} : memref<4x128xi32, #tpu.memory_space<vmem>>, vector<16xi32>,
    tpu.vector_store %arg6[%swap3A_48, %swap3A_49], %or3A_46 {strides = array<i32>} : memref<4x128xi32, #tpu.memory_space<vmem>>, vector<16xi32>,
    %get3A_51 = arith.constant 0 : i32
    %get3A_52 = arith.index_cast %get3A_51 : i32 to index
    %get3A_53 = arith.constant 48 : index
    %get3A_54 = tpu.vector_load %arg5[%get3A_52, %get3A_53] {strides = array<i32>} : memref<200x128xi32, #tpu.memory_space<vmem>>, vector<16xi32>,
    %shift_right_arithmetic3A_55 = arith.constant 12 : i32
    %shift_right_arithmetic3A_56 = vector.broadcast %shift_right_arithmetic3A_55 : i32 to vector<16xi32>
    %shift_right_arithmetic3A_57 = arith.shrsi %get3A_54, %shift_right_arithmetic3A_56 : vector<16xi32>
    %shift_left3A_58 = arith.constant 11 : i32
    %shift_left3A_59 = vector.broadcast %shift_left3A_58 : i32 to vector<16xi32>
    %shift_left3A_60 = arith.shli %shift_right_arithmetic3A_57, %shift_left3A_59 : vector<16xi32>
    %and3A_61 = arith.constant 2047 : i32
    %and3A_62 = vector.broadcast %and3A_61 : i32 to vector<16xi32>
    %and3A_63 = arith.andi %get3A_54, %and3A_62 : vector<16xi32>
    %or3A_64 = arith.ori %shift_left3A_60, %and3A_63 : vector<16xi32>
    %swap3A_65 = arith.constant 0 : i32
    %swap3A_66 = arith.index_cast %swap3A_65 : i32 to index
    %swap3A_67 = arith.constant 48 : index
    %swap3A_68 = tpu.vector_load %arg6[%swap3A_66, %swap3A_67] {strides = array<i32>} : memref<4x128xi32, #tpu.memory_space<vmem>>, vector<16xi32>,
    tpu.vector_store %arg6[%swap3A_66, %swap3A_67], %or3A_64 {strides = array<i32>} : memref<4x128xi32, #tpu.memory_space<vmem>>, vector<16xi32>,
    %get3A_69 = arith.constant 0 : i32
    %get3A_70 = arith.index_cast %get3A_69 : i32 to index
    %get3A_71 = arith.constant 64 : index
    %get3A_72 = tpu.vector_load %arg5[%get3A_70, %get3A_71] {strides = array<i32>} : memref<200x128xi32, #tpu.memory_space<vmem>>, vector<16xi32>,
    %shift_right_arithmetic3A_73 = arith.constant 12 : i32
    %shift_right_arithmetic3A_74 = vector.broadcast %shift_right_arithmetic3A_73 : i32 to vector<16xi32>
    %shift_right_arithmetic3A_75 = arith.shrsi %get3A_72, %shift_right_arithmetic3A_74 : vector<16xi32>
    %shift_left3A_76 = arith.constant 11 : i32
    %shift_left3A_77 = vector.broadcast %shift_left3A_76 : i32 to vector<16xi32>
    %shift_left3A_78 = arith.shli %shift_right_arithmetic3A_75, %shift_left3A_77 : vector<16xi32>
    %and3A_79 = arith.constant 2047 : i32
    %and3A_80 = vector.broadcast %and3A_79 : i32 to vector<16xi32>
    %and3A_81 = arith.andi %get3A_72, %and3A_80 : vector<16xi32>
    %or3A_82 = arith.ori %shift_left3A_78, %and3A_81 : vector<16xi32>
    %swap3A_83 = arith.constant 0 : i32
    %swap3A_84 = arith.index_cast %swap3A_83 : i32 to index
    %swap3A_85 = arith.constant 64 : index
    %swap3A_86 = tpu.vector_load %arg6[%swap3A_84, %swap3A_85] {strides = array<i32>} : memref<4x128xi32, #tpu.memory_space<vmem>>, vector<16xi32>,
    tpu.vector_store %arg6[%swap3A_84, %swap3A_85], %or3A_82 {strides = array<i32>} : memref<4x128xi32, #tpu.memory_space<vmem>>, vector<16xi32>,
    %get3A_87 = arith.constant 0 : i32
    %get3A_88 = arith.index_cast %get3A_87 : i32 to index
    %get3A_89 = arith.constant 80 : index
    %get3A_90 = tpu.vector_load %arg5[%get3A_88, %get3A_89] {strides = array<i32>} : memref<200x128xi32, #tpu.memory_space<vmem>>, vector<16xi32>,
    %shift_right_arithmetic3A_91 = arith.constant 12 : i32
    %shift_right_arithmetic3A_92 = vector.broadcast %shift_right_arithmetic3A_91 : i32 to vector<16xi32>
    %shift_right_arithmetic3A_93 = arith.shrsi %get3A_90, %shift_right_arithmetic3A_92 : vector<16xi32>
    %shift_left3A_94 = arith.constant 11 : i32
    %shift_left3A_95 = vector.broadcast %shift_left3A_94 : i32 to vector<16xi32>
    %shift_left3A_96 = arith.shli %shift_right_arithmetic3A_93, %shift_left3A_95 : vector<16xi32>
    %and3A_97 = arith.constant 2047 : i32
    %and3A_98 = vector.broadcast %and3A_97 : i32 to vector<16xi32>
    %and3A_99 = arith.andi %get3A_90, %and3A_98 : vector<16xi32>
    %or3A_100 = arith.ori %shift_left3A_96, %and3A_99 : vector<16xi32>
    %swap3A_101 = arith.constant 0 : i32
    %swap3A_102 = arith.index_cast %swap3A_101 : i32 to index
    %swap3A_103 = arith.constant 80 : index
    %swap3A_104 = tpu.vector_load %arg6[%swap3A_102, %swap3A_103] {strides = array<i32>} : memref<4x128xi32, #tpu.memory_space<vmem>>, vector<16xi32>,
    tpu.vector_store %arg6[%swap3A_102, %swap3A_103], %or3A_100 {strides = array<i32>} : memref<4x128xi32, #tpu.memory_space<vmem>>, vector<16xi32>,
    %get3A_105 = arith.constant 0 : i32
    %get3A_106 = arith.index_cast %get3A_105 : i32 to index
    %get3A_107 = arith.constant 96 : index
    %get3A_108 = tpu.vector_load %arg5[%get3A_106, %get3A_107] {strides = array<i32>} : memref<200x128xi32, #tpu.memory_space<vmem>>, vector<16xi32>,
    %shift_right_arithmetic3A_109 = arith.constant 12 : i32
    %shift_right_arithmetic3A_110 = vector.broadcast %shift_right_arithmetic3A_109 : i32 to vector<16xi32>
    %shift_right_arithmetic3A_111 = arith.shrsi %get3A_108, %shift_right_arithmetic3A_110 : vector<16xi32>
    %shift_left3A_112 = arith.constant 11 : i32
    %shift_left3A_113 = vector.broadcast %shift_left3A_112 : i32 to vector<16xi32>
    %shift_left3A_114 = arith.shli %shift_right_arithmetic3A_111, %shift_left3A_113 : vector<16xi32>
    %and3A_115 = arith.constant 2047 : i32
    %and3A_116 = vector.broadcast %and3A_115 : i32 to vector<16xi32>
    %and3A_117 = arith.andi %get3A_108, %and3A_116 : vector<16xi32>
    %or3A_118 = arith.ori %shift_left3A_114, %and3A_117 : vector<16xi32>
    %swap3A_119 = arith.constant 0 : i32
    %swap3A_120 = arith.index_cast %swap3A_119 : i32 to index
    %swap3A_121 = arith.constant 96 : index
    %swap3A_122 = tpu.vector_load %arg6[%swap3A_120, %swap3A_121] {strides = array<i32>} : memref<4x128xi32, #tpu.memory_space<vmem>>, vector<16xi32>,
    tpu.vector_store %arg6[%swap3A_120, %swap3A_121], %or3A_118 {strides = array<i32>} : memref<4x128xi32, #tpu.memory_space<vmem>>, vector<16xi32>,
    %get3A_123 = arith.constant 0 : i32
    %get3A_124 = arith.index_cast %get3A_123 : i32 to index
    %get3A_125 = arith.constant 112 : index
    %get3A_126 = tpu.vector_load %arg5[%get3A_124, %get3A_125] {strides = array<i32>} : memref<200x128xi32, #tpu.memory_space<vmem>>, vector<16xi32>,
    %shift_right_arithmetic3A_127 = arith.constant 12 : i32
    %shift_right_arithmetic3A_128 = vector.broadcast %shift_right_arithmetic3A_127 : i32 to vector<16xi32>
    %shift_right_arithmetic3A_129 = arith.shrsi %get3A_126, %shift_right_arithmetic3A_128 : vector<16xi32>
    %shift_left3A_130 = arith.constant 11 : i32
    %shift_left3A_131 = vector.broadcast %shift_left3A_130 : i32 to vector<16xi32>
    %shift_left3A_132 = arith.shli %shift_right_arithmetic3A_129, %shift_left3A_131 : vector<16xi32>
    %and3A_133 = arith.constant 2047 : i32
    %and3A_134 = vector.broadcast %and3A_133 : i32 to vector<16xi32>
    %and3A_135 = arith.andi %get3A_126, %and3A_134 : vector<16xi32>
    %or3A_136 = arith.ori %shift_left3A_132, %and3A_135 : vector<16xi32>
    %swap3A_137 = arith.constant 0 : i32
    %swap3A_138 = arith.index_cast %swap3A_137 : i32 to index
    %swap3A_139 = arith.constant 112 : index
    %swap3A_140 = tpu.vector_load %arg6[%swap3A_138, %swap3A_139] {strides = array<i32>} : memref<4x128xi32, #tpu.memory_space<vmem>>, vector<16xi32>,
    tpu.vector_store %arg6[%swap3A_138, %swap3A_139], %or3A_136 {strides = array<i32>} : memref<4x128xi32, #tpu.memory_space<vmem>>, vector<16xi32>,
    %dma_start3A = arith.constant 0 : i32
    %dma_start3A_141 = arith.constant 0 : i32
    %dma_start3A_142 = arith.constant 0 : i32
    %dma_start3A_143 = arith.constant 0 : i32
    %dma_start3A_144 = arith.constant 0 : i32
    %dma_start3A_145 = tpu.memref_slice %arg7[%dma_start3A_141, %dma_start3A_143, %dma_start3A_144] : memref<4x128x128xf32, #tpu.memory_space<vmem>> -> memref<1x128x128xf32, #tpu.memory_space<vmem>>
    %dma_start3A_146 = tpu.memref_squeeze %dma_start3A_145 : memref<1x128x128xf32, #tpu.memory_space<vmem>> -> memref<128x128xf32, #tpu.memory_space<vmem>>
    %dma_start3A_147 = arith.constant 0 : i32
    %dma_start3A_148 = tpu.memref_slice %arg6[%dma_start3A, %dma_start3A_147] : memref<4x128xi32, #tpu.memory_space<vmem>> -> memref<1x128xi32, #tpu.memory_space<vmem>>
    %dma_start3A_149 = tpu.memref_squeeze %dma_start3A_148 : memref<1x128xi32, #tpu.memory_space<vmem>> -> memref<128xi32, #tpu.memory_space<vmem>>
    %dma_start3A_150 = arith.constant 0 : i32
    %dma_start3A_151 = arith.constant 0 : i32
    %dma_start3A_152 = tpu.memref_slice %arg3[%dma_start3A_150, %dma_start3A_151] : memref<501760x128xf32, #tpu.memory_space<hbm>> -> memref<501760x128xf32, #tpu.memory_space<hbm>>
    %dma_start3A_153 = tpu.memref_slice %arg9[%dma_start3A_142] : memref<4x!tpu.dma_semaphore, #tpu.memory_space<semaphore_mem>> -> memref<1x!tpu.dma_semaphore, #tpu.memory_space<semaphore_mem>>
    %dma_start3A_154 = tpu.memref_squeeze %dma_start3A_153 : memref<1x!tpu.dma_semaphore, #tpu.memory_space<semaphore_mem>> -> memref<!tpu.dma_semaphore, #tpu.memory_space<semaphore_mem>>
    tpu.enqueue_indirect_dma source(%dma_start3A_152 : memref<501760x128xf32, #tpu.memory_space<hbm>>) target(%dma_start3A_146 : memref<128x128xf32, #tpu.memory_space<vmem>>) offsets(%dma_start3A_149 : memref<128xi32, #tpu.memory_space<vmem>>) semaphore(%dma_start3A_154 : memref<!tpu.dma_semaphore, #tpu.memory_space<semaphore_mem>>)
    %get3A_155 = arith.constant 1 : i32
    %get3A_156 = arith.index_cast %get3A_155 : i32 to index
    %get3A_157 = arith.constant 0 : index
    %get3A_158 = tpu.vector_load %arg5[%get3A_156, %get3A_157] {strides = array<i32>} : memref<200x128xi32, #tpu.memory_space<vmem>>, vector<16xi32>,
    %shift_right_arithmetic3A_159 = arith.constant 12 : i32
    %shift_right_arithmetic3A_160 = vector.broadcast %shift_right_arithmetic3A_159 : i32 to vector<16xi32>
    %shift_right_arithmetic3A_161 = arith.shrsi %get3A_158, %shift_right_arithmetic3A_160 : vector<16xi32>
    %shift_left3A_162 = arith.constant 11 : i32
    %shift_left3A_163 = vector.broadcast %shift_left3A_162 : i32 to vector<16xi32>
    %shift_left3A_164 = arith.shli %shift_right_arithmetic3A_161, %shift_left3A_163 : vector<16xi32>
    %and3A_165 = arith.constant 2047 : i32
    %and3A_166 = vector.broadcast %and3A_165 : i32 to vector<16xi32>
    %and3A_167 = arith.andi %get3A_158, %and3A_166 : vector<16xi32>
    %or3A_168 = arith.ori %shift_left3A_164, %and3A_167 : vector<16xi32>
    %swap3A_169 = arith.constant 1 : i32
    %swap3A_170 = arith.index_cast %swap3A_169 : i32 to index
    %swap3A_171 = arith.constant 0 : index
    %swap3A_172 = tpu.vector_load %arg6[%swap3A_170, %swap3A_171] {strides = array<i32>} : memref<4x128xi32, #tpu.memory_space<vmem>>, vector<16xi32>,
    tpu.vector_store %arg6[%swap3A_170, %swap3A_171], %or3A_168 {strides = array<i32>} : memref<4x128xi32, #tpu.memory_space<vmem>>, vector<16xi32>,
    %get3A_173 = arith.constant 1 : i32
    %get3A_174 = arith.index_cast %get3A_173 : i32 to index
    %get3A_175 = arith.constant 16 : index
    %get3A_176 = tpu.vector_load %arg5[%get3A_174, %get3A_175] {strides = array<i32>} : memref<200x128xi32, #tpu.memory_space<vmem>>, vector<16xi32>,
    %shift_right_arithmetic3A_177 = arith.constant 12 : i32
    %shift_right_arithmetic3A_178 = vector.broadcast %shift_right_arithmetic3A_177 : i32 to vector<16xi32>
    %shift_right_arithmetic3A_179 = arith.shrsi %get3A_176, %shift_right_arithmetic3A_178 : vector<16xi32>
    %shift_left3A_180 = arith.constant 11 : i32
    %shift_left3A_181 = vector.broadcast %shift_left3A_180 : i32 to vector<16xi32>
    %shift_left3A_182 = arith.shli %shift_right_arithmetic3A_179, %shift_left3A_181 : vector<16xi32>
    %and3A_183 = arith.constant 2047 : i32
    %and3A_184 = vector.broadcast %and3A_183 : i32 to vector<16xi32>
    %and3A_185 = arith.andi %get3A_176, %and3A_184 : vector<16xi32>
    %or3A_186 = arith.ori %shift_left3A_182, %and3A_185 : vector<16xi32>
    %swap3A_187 = arith.constant 1 : i32
    %swap3A_188 = arith.index_cast %swap3A_187 : i32 to index
    %swap3A_189 = arith.constant 16 : index
    %swap3A_190 = tpu.vector_load %arg6[%swap3A_188, %swap3A_189] {strides = array<i32>} : memref<4x128xi32, #tpu.memory_space<vmem>>, vector<16xi32>,
    tpu.vector_store %arg6[%swap3A_188, %swap3A_189], %or3A_186 {strides = array<i32>} : memref<4x128xi32, #tpu.memory_space<vmem>>, vector<16xi32>,
    %get3A_191 = arith.constant 1 : i32
    %get3A_192 = arith.index_cast %get3A_191 : i32 to index
    %get3A_193 = arith.constant 32 : index
    %get3A_194 = tpu.vector_load %arg5[%get3A_192, %get3A_193] {strides = array<i32>} : memref<200x128xi32, #tpu.memory_space<vmem>>, vector<16xi32>,
    %shift_right_arithmetic3A_195 = arith.constant 12 : i32
    %shift_right_arithmetic3A_196 = vector.broadcast %shift_right_arithmetic3A_195 : i32 to vector<16xi32>
    %shift_right_arithmetic3A_197 = arith.shrsi %get3A_194, %shift_right_arithmetic3A_196 : vector<16xi32>
    %shift_left3A_198 = arith.constant 11 : i32
    %shift_left3A_199 = vector.broadcast %shift_left3A_198 : i32 to vector<16xi32>
    %shift_left3A_200 = arith.shli %shift_right_arithmetic3A_197, %shift_left3A_199 : vector<16xi32>
    %and3A_201 = arith.constant 2047 : i32
    %and3A_202 = vector.broadcast %and3A_201 : i32 to vector<16xi32>
    %and3A_203 = arith.andi %get3A_194, %and3A_202 : vector<16xi32>
    %or3A_204 = arith.ori %shift_left3A_200, %and3A_203 : vector<16xi32>
    %swap3A_205 = arith.constant 1 : i32
    %swap3A_206 = arith.index_cast %swap3A_205 : i32 to index
    %swap3A_207 = arith.constant 32 : index
    %swap3A_208 = tpu.vector_load %arg6[%swap3A_206, %swap3A_207] {strides = array<i32>} : memref<4x128xi32, #tpu.memory_space<vmem>>, vector<16xi32>,
    tpu.vector_store %arg6[%swap3A_206, %swap3A_207], %or3A_204 {strides = array<i32>} : memref<4x128xi32, #tpu.memory_space<vmem>>, vector<16xi32>,
    %get3A_209 = arith.constant 1 : i32
    %get3A_210 = arith.index_cast %get3A_209 : i32 to index
    %get3A_211 = arith.constant 48 : index
    %get3A_212 = tpu.vector_load %arg5[%get3A_210, %get3A_211] {strides = array<i32>} : memref<200x128xi32, #tpu.memory_space<vmem>>, vector<16xi32>,
    %shift_right_arithmetic3A_213 = arith.constant 12 : i32
    %shift_right_arithmetic3A_214 = vector.broadcast %shift_right_arithmetic3A_213 : i32 to vector<16xi32>
    %shift_right_arithmetic3A_215 = arith.shrsi %get3A_212, %shift_right_arithmetic3A_214 : vector<16xi32>
    %shift_left3A_216 = arith.constant 11 : i32
    %shift_left3A_217 = vector.broadcast %shift_left3A_216 : i32 to vector<16xi32>
    %shift_left3A_218 = arith.shli %shift_right_arithmetic3A_215, %shift_left3A_217 : vector<16xi32>
    %and3A_219 = arith.constant 2047 : i32
    %and3A_220 = vector.broadcast %and3A_219 : i32 to vector<16xi32>
    %and3A_221 = arith.andi %get3A_212, %and3A_220 : vector<16xi32>
    %or3A_222 = arith.ori %shift_left3A_218, %and3A_221 : vector<16xi32>
    %swap3A_223 = arith.constant 1 : i32
    %swap3A_224 = arith.index_cast %swap3A_223 : i32 to index
    %swap3A_225 = arith.constant 48 : index
    %swap3A_226 = tpu.vector_load %arg6[%swap3A_224, %swap3A_225] {strides = array<i32>} : memref<4x128xi32, #tpu.memory_space<vmem>>, vector<16xi32>,
    tpu.vector_store %arg6[%swap3A_224, %swap3A_225], %or3A_222 {strides = array<i32>} : memref<4x128xi32, #tpu.memory_space<vmem>>, vector<16xi32>,
    %get3A_227 = arith.constant 1 : i32
    %get3A_228 = arith.index_cast %get3A_227 : i32 to index
    %get3A_229 = arith.constant 64 : index
    %get3A_230 = tpu.vector_load %arg5[%get3A_228, %get3A_229] {strides = array<i32>} : memref<200x128xi32, #tpu.memory_space<vmem>>, vector<16xi32>,
    %shift_right_arithmetic3A_231 = arith.constant 12 : i32
    %shift_right_arithmetic3A_232 = vector.broadcast %shift_right_arithmetic3A_231 : i32 to vector<16xi32>
    %shift_right_arithmetic3A_233 = arith.shrsi %get3A_230, %shift_right_arithmetic3A_232 : vector<16xi32>
    %shift_left3A_234 = arith.constant 11 : i32
    %shift_left3A_235 = vector.broadcast %shift_left3A_234 : i32 to vector<16xi32>
    %shift_left3A_236 = arith.shli %shift_right_arithmetic3A_233, %shift_left3A_235 : vector<16xi32>
    %and3A_237 = arith.constant 2047 : i32
    %and3A_238 = vector.broadcast %and3A_237 : i32 to vector<16xi32>
    %and3A_239 = arith.andi %get3A_230, %and3A_238 : vector<16xi32>
    %or3A_240 = arith.ori %shift_left3A_236, %and3A_239 : vector<16xi32>
    %swap3A_241 = arith.constant 1 : i32
    %swap3A_242 = arith.index_cast %swap3A_241 : i32 to index
    %swap3A_243 = arith.constant 64 : index
    %swap3A_244 = tpu.vector_load %arg6[%swap3A_242, %swap3A_243] {strides = array<i32>} : memref<4x128xi32, #tpu.memory_space<vmem>>, vector<16xi32>,
    tpu.vector_store %arg6[%swap3A_242, %swap3A_243], %or3A_240 {strides = array<i32>} : memref<4x128xi32, #tpu.memory_space<vmem>>, vector<16xi32>,
    %get3A_245 = arith.constant 1 : i32
    %get3A_246 = arith.index_cast %get3A_245 : i32 to index
    %get3A_247 = arith.constant 80 : index
    %get3A_248 = tpu.vector_load %arg5[%get3A_246, %get3A_247] {strides = array<i32>} : memref<200x128xi32, #tpu.memory_space<vmem>>, vector<16xi32>,
    %shift_right_arithmetic3A_249 = arith.constant 12 : i32
    %shift_right_arithmetic3A_250 = vector.broadcast %shift_right_arithmetic3A_249 : i32 to vector<16xi32>
    %shift_right_arithmetic3A_251 = arith.shrsi %get3A_248, %shift_right_arithmetic3A_250 : vector<16xi32>
    %shift_left3A_252 = arith.constant 11 : i32
    %shift_left3A_253 = vector.broadcast %shift_left3A_252 : i32 to vector<16xi32>
    %shift_left3A_254 = arith.shli %shift_right_arithmetic3A_251, %shift_left3A_253 : vector<16xi32>
    %and3A_255 = arith.constant 2047 : i32
    %and3A_256 = vector.broadcast %and3A_255 : i32 to vector<16xi32>
    %and3A_257 = arith.andi %get3A_248, %and3A_256 : vector<16xi32>
    %or3A_258 = arith.ori %shift_left3A_254, %and3A_257 : vector<16xi32>
    %swap3A_259 = arith.constant 1 : i32
    %swap3A_260 = arith.index_cast %swap3A_259 : i32 to index
    %swap3A_261 = arith.constant 80 : index
    %swap3A_262 = tpu.vector_load %arg6[%swap3A_260, %swap3A_261] {strides = array<i32>} : memref<4x128xi32, #tpu.memory_space<vmem>>, vector<16xi32>,
    tpu.vector_store %arg6[%swap3A_260, %swap3A_261], %or3A_258 {strides = array<i32>} : memref<4x128xi32, #tpu.memory_space<vmem>>, vector<16xi32>,
    %get3A_263 = arith.constant 1 : i32
    %get3A_264 = arith.index_cast %get3A_263 : i32 to index
    %get3A_265 = arith.constant 96 : index
    %get3A_266 = tpu.vector_load %arg5[%get3A_264, %get3A_265] {strides = array<i32>} : memref<200x128xi32, #tpu.memory_space<vmem>>, vector<16xi32>,
    %shift_right_arithmetic3A_267 = arith.constant 12 : i32
    %shift_right_arithmetic3A_268 = vector.broadcast %shift_right_arithmetic3A_267 : i32 to vector<16xi32>
    %shift_right_arithmetic3A_269 = arith.shrsi %get3A_266, %shift_right_arithmetic3A_268 : vector<16xi32>
    %shift_left3A_270 = arith.constant 11 : i32
    %shift_left3A_271 = vector.broadcast %shift_left3A_270 : i32 to vector<16xi32>
    %shift_left3A_272 = arith.shli %shift_right_arithmetic3A_269, %shift_left3A_271 : vector<16xi32>
    %and3A_273 = arith.constant 2047 : i32
    %and3A_274 = vector.broadcast %and3A_273 : i32 to vector<16xi32>
    %and3A_275 = arith.andi %get3A_266, %and3A_274 : vector<16xi32>
    %or3A_276 = arith.ori %shift_left3A_272, %and3A_275 : vector<16xi32>
    %swap3A_277 = arith.constant 1 : i32
    %swap3A_278 = arith.index_cast %swap3A_277 : i32 to index
    %swap3A_279 = arith.constant 96 : index
    %swap3A_280 = tpu.vector_load %arg6[%swap3A_278, %swap3A_279] {strides = array<i32>} : memref<4x128xi32, #tpu.memory_space<vmem>>, vector<16xi32>,
    tpu.vector_store %arg6[%swap3A_278, %swap3A_279], %or3A_276 {strides = array<i32>} : memref<4x128xi32, #tpu.memory_space<vmem>>, vector<16xi32>,
    %get3A_281 = arith.constant 1 : i32
    %get3A_282 = arith.index_cast %get3A_281 : i32 to index
    %get3A_283 = arith.constant 112 : index
    %get3A_284 = tpu.vector_load %arg5[%get3A_282, %get3A_283] {strides = array<i32>} : memref<200x128xi32, #tpu.memory_space<vmem>>, vector<16xi32>,
    %shift_right_arithmetic3A_285 = arith.constant 12 : i32
    %shift_right_arithmetic3A_286 = vector.broadcast %shift_right_arithmetic3A_285 : i32 to vector<16xi32>
    %shift_right_arithmetic3A_287 = arith.shrsi %get3A_284, %shift_right_arithmetic3A_286 : vector<16xi32>
    %shift_left3A_288 = arith.constant 11 : i32
    %shift_left3A_289 = vector.broadcast %shift_left3A_288 : i32 to vector<16xi32>
    %shift_left3A_290 = arith.shli %shift_right_arithmetic3A_287, %shift_left3A_289 : vector<16xi32>
    %and3A_291 = arith.constant 2047 : i32
    %and3A_292 = vector.broadcast %and3A_291 : i32 to vector<16xi32>
    %and3A_293 = arith.andi %get3A_284, %and3A_292 : vector<16xi32>
    %or3A_294 = arith.ori %shift_left3A_290, %and3A_293 : vector<16xi32>
    %swap3A_295 = arith.constant 1 : i32
    %swap3A_296 = arith.index_cast %swap3A_295 : i32 to index
    %swap3A_297 = arith.constant 112 : index
    %swap3A_298 = tpu.vector_load %arg6[%swap3A_296, %swap3A_297] {strides = array<i32>} : memref<4x128xi32, #tpu.memory_space<vmem>>, vector<16xi32>,
    tpu.vector_store %arg6[%swap3A_296, %swap3A_297], %or3A_294 {strides = array<i32>} : memref<4x128xi32, #tpu.memory_space<vmem>>, vector<16xi32>,
    %dma_start3A_299 = arith.constant 1 : i32
    %dma_start3A_300 = arith.constant 1 : i32
    %dma_start3A_301 = arith.constant 1 : i32
    %dma_start3A_302 = arith.constant 0 : i32
    %dma_start3A_303 = arith.constant 0 : i32
    %dma_start3A_304 = tpu.memref_slice %arg7[%dma_start3A_300, %dma_start3A_302, %dma_start3A_303] : memref<4x128x128xf32, #tpu.memory_space<vmem>> -> memref<1x128x128xf32, #tpu.memory_space<vmem>>
    %dma_start3A_305 = tpu.memref_squeeze %dma_start3A_304 : memref<1x128x128xf32, #tpu.memory_space<vmem>> -> memref<128x128xf32, #tpu.memory_space<vmem>>
    %dma_start3A_306 = arith.constant 0 : i32
    %dma_start3A_307 = tpu.memref_slice %arg6[%dma_start3A_299, %dma_start3A_306] : memref<4x128xi32, #tpu.memory_space<vmem>> -> memref<1x128xi32, #tpu.memory_space<vmem>>
    %dma_start3A_308 = tpu.memref_squeeze %dma_start3A_307 : memref<1x128xi32, #tpu.memory_space<vmem>> -> memref<128xi32, #tpu.memory_space<vmem>>
    %dma_start3A_309 = arith.constant 0 : i32
    %dma_start3A_310 = arith.constant 0 : i32
    %dma_start3A_311 = tpu.memref_slice %arg3[%dma_start3A_309, %dma_start3A_310] : memref<501760x128xf32, #tpu.memory_space<hbm>> -> memref<501760x128xf32, #tpu.memory_space<hbm>>
    %dma_start3A_312 = tpu.memref_slice %arg9[%dma_start3A_301] : memref<4x!tpu.dma_semaphore, #tpu.memory_space<semaphore_mem>> -> memref<1x!tpu.dma_semaphore, #tpu.memory_space<semaphore_mem>>
    %dma_start3A_313 = tpu.memref_squeeze %dma_start3A_312 : memref<1x!tpu.dma_semaphore, #tpu.memory_space<semaphore_mem>> -> memref<!tpu.dma_semaphore, #tpu.memory_space<semaphore_mem>>
    tpu.enqueue_indirect_dma source(%dma_start3A_311 : memref<501760x128xf32, #tpu.memory_space<hbm>>) target(%dma_start3A_305 : memref<128x128xf32, #tpu.memory_space<vmem>>) offsets(%dma_start3A_308 : memref<128xi32, #tpu.memory_space<vmem>>) semaphore(%dma_start3A_313 : memref<!tpu.dma_semaphore, #tpu.memory_space<semaphore_mem>>)
    %get3A_314 = arith.constant 2 : i32
    %get3A_315 = arith.index_cast %get3A_314 : i32 to index
    %get3A_316 = arith.constant 0 : index
    %get3A_317 = tpu.vector_load %arg5[%get3A_315, %get3A_316] {strides = array<i32>} : memref<200x128xi32, #tpu.memory_space<vmem>>, vector<16xi32>,
    %shift_right_arithmetic3A_318 = arith.constant 12 : i32
    %shift_right_arithmetic3A_319 = vector.broadcast %shift_right_arithmetic3A_318 : i32 to vector<16xi32>
    %shift_right_arithmetic3A_320 = arith.shrsi %get3A_317, %shift_right_arithmetic3A_319 : vector<16xi32>
    %shift_left3A_321 = arith.constant 11 : i32
    %shift_left3A_322 = vector.broadcast %shift_left3A_321 : i32 to vector<16xi32>
    %shift_left3A_323 = arith.shli %shift_right_arithmetic3A_320, %shift_left3A_322 : vector<16xi32>
    %and3A_324 = arith.constant 2047 : i32
    %and3A_325 = vector.broadcast %and3A_324 : i32 to vector<16xi32>
    %and3A_326 = arith.andi %get3A_317, %and3A_325 : vector<16xi32>
    %or3A_327 = arith.ori %shift_left3A_323, %and3A_326 : vector<16xi32>
    %swap3A_328 = arith.constant 2 : i32
    %swap3A_329 = arith.index_cast %swap3A_328 : i32 to index
    %swap3A_330 = arith.constant 0 : index
    %swap3A_331 = tpu.vector_load %arg6[%swap3A_329, %swap3A_330] {strides = array<i32>} : memref<4x128xi32, #tpu.memory_space<vmem>>, vector<16xi32>,
    tpu.vector_store %arg6[%swap3A_329, %swap3A_330], %or3A_327 {strides = array<i32>} : memref<4x128xi32, #tpu.memory_space<vmem>>, vector<16xi32>,
    %get3A_332 = arith.constant 2 : i32
    %get3A_333 = arith.index_cast %get3A_332 : i32 to index
    %get3A_334 = arith.constant 16 : index
    %get3A_335 = tpu.vector_load %arg5[%get3A_333, %get3A_334] {strides = array<i32>} : memref<200x128xi32, #tpu.memory_space<vmem>>, vector<16xi32>,
    %shift_right_arithmetic3A_336 = arith.constant 12 : i32
    %shift_right_arithmetic3A_337 = vector.broadcast %shift_right_arithmetic3A_336 : i32 to vector<16xi32>
    %shift_right_arithmetic3A_338 = arith.shrsi %get3A_335, %shift_right_arithmetic3A_337 : vector<16xi32>
    %shift_left3A_339 = arith.constant 11 : i32
    %shift_left3A_340 = vector.broadcast %shift_left3A_339 : i32 to vector<16xi32>
    %shift_left3A_341 = arith.shli %shift_right_arithmetic3A_338, %shift_left3A_340 : vector<16xi32>
    %and3A_342 = arith.constant 2047 : i32
    %and3A_343 = vector.broadcast %and3A_342 : i32 to vector<16xi32>
    %and3A_344 = arith.andi %get3A_335, %and3A_343 : vector<16xi32>
    %or3A_345 = arith.ori %shift_left3A_341, %and3A_344 : vector<16xi32>
    %swap3A_346 = arith.constant 2 : i32
    %swap3A_347 = arith.index_cast %swap3A_346 : i32 to index
    %swap3A_348 = arith.constant 16 : index
    %swap3A_349 = tpu.vector_load %arg6[%swap3A_347, %swap3A_348] {strides = array<i32>} : memref<4x128xi32, #tpu.memory_space<vmem>>, vector<16xi32>,
    tpu.vector_store %arg6[%swap3A_347, %swap3A_348], %or3A_345 {strides = array<i32>} : memref<4x128xi32, #tpu.memory_space<vmem>>, vector<16xi32>,
    %get3A_350 = arith.constant 2 : i32
    %get3A_351 = arith.index_cast %get3A_350 : i32 to index
    %get3A_352 = arith.constant 32 : index
    %get3A_353 = tpu.vector_load %arg5[%get3A_351, %get3A_352] {strides = array<i32>} : memref<200x128xi32, #tpu.memory_space<vmem>>, vector<16xi32>,
    %shift_right_arithmetic3A_354 = arith.constant 12 : i32
    %shift_right_arithmetic3A_355 = vector.broadcast %shift_right_arithmetic3A_354 : i32 to vector<16xi32>
    %shift_right_arithmetic3A_356 = arith.shrsi %get3A_353, %shift_right_arithmetic3A_355 : vector<16xi32>
    %shift_left3A_357 = arith.constant 11 : i32
    %shift_left3A_358 = vector.broadcast %shift_left3A_357 : i32 to vector<16xi32>
    %shift_left3A_359 = arith.shli %shift_right_arithmetic3A_356, %shift_left3A_358 : vector<16xi32>
    %and3A_360 = arith.constant 2047 : i32
    %and3A_361 = vector.broadcast %and3A_360 : i32 to vector<16xi32>
    %and3A_362 = arith.andi %get3A_353, %and3A_361 : vector<16xi32>
    %or3A_363 = arith.ori %shift_left3A_359, %and3A_362 : vector<16xi32>
    %swap3A_364 = arith.constant 2 : i32
    %swap3A_365 = arith.index_cast %swap3A_364 : i32 to index
    %swap3A_366 = arith.constant 32 : index
    %swap3A_367 = tpu.vector_load %arg6[%swap3A_365, %swap3A_366] {strides = array<i32>} : memref<4x128xi32, #tpu.memory_space<vmem>>, vector<16xi32>,
    tpu.vector_store %arg6[%swap3A_365, %swap3A_366], %or3A_363 {strides = array<i32>} : memref<4x128xi32, #tpu.memory_space<vmem>>, vector<16xi32>,
    %get3A_368 = arith.constant 2 : i32
    %get3A_369 = arith.index_cast %get3A_368 : i32 to index
    %get3A_370 = arith.constant 48 : index
    %get3A_371 = tpu.vector_load %arg5[%get3A_369, %get3A_370] {strides = array<i32>} : memref<200x128xi32, #tpu.memory_space<vmem>>, vector<16xi32>,
    %shift_right_arithmetic3A_372 = arith.constant 12 : i32
    %shift_right_arithmetic3A_373 = vector.broadcast %shift_right_arithmetic3A_372 : i32 to vector<16xi32>
    %shift_right_arithmetic3A_374 = arith.shrsi %get3A_371, %shift_right_arithmetic3A_373 : vector<16xi32>
    %shift_left3A_375 = arith.constant 11 : i32
    %shift_left3A_376 = vector.broadcast %shift_left3A_375 : i32 to vector<16xi32>
    %shift_left3A_377 = arith.shli %shift_right_arithmetic3A_374, %shift_left3A_376 : vector<16xi32>
    %and3A_378 = arith.constant 2047 : i32
    %and3A_379 = vector.broadcast %and3A_378 : i32 to vector<16xi32>
    %and3A_380 = arith.andi %get3A_371, %and3A_379 : vector<16xi32>
    %or3A_381 = arith.ori %shift_left3A_377, %and3A_380 : vector<16xi32>
    %swap3A_382 = arith.constant 2 : i32
    %swap3A_383 = arith.index_cast %swap3A_382 : i32 to index
    %swap3A_384 = arith.constant 48 : index
    %swap3A_385 = tpu.vector_load %arg6[%swap3A_383, %swap3A_384] {strides = array<i32>} : memref<4x128xi32, #tpu.memory_space<vmem>>, vector<16xi32>,
    tpu.vector_store %arg6[%swap3A_383, %swap3A_384], %or3A_381 {strides = array<i32>} : memref<4x128xi32, #tpu.memory_space<vmem>>, vector<16xi32>,
    %get3A_386 = arith.constant 2 : i32
    %get3A_387 = arith.index_cast %get3A_386 : i32 to index
    %get3A_388 = arith.constant 64 : index
    %get3A_389 = tpu.vector_load %arg5[%get3A_387, %get3A_388] {strides = array<i32>} : memref<200x128xi32, #tpu.memory_space<vmem>>, vector<16xi32>,
    %shift_right_arithmetic3A_390 = arith.constant 12 : i32
    %shift_right_arithmetic3A_391 = vector.broadcast %shift_right_arithmetic3A_390 : i32 to vector<16xi32>
    %shift_right_arithmetic3A_392 = arith.shrsi %get3A_389, %shift_right_arithmetic3A_391 : vector<16xi32>
    %shift_left3A_393 = arith.constant 11 : i32
    %shift_left3A_394 = vector.broadcast %shift_left3A_393 : i32 to vector<16xi32>
    %shift_left3A_395 = arith.shli %shift_right_arithmetic3A_392, %shift_left3A_394 : vector<16xi32>
    %and3A_396 = arith.constant 2047 : i32
    %and3A_397 = vector.broadcast %and3A_396 : i32 to vector<16xi32>
    %and3A_398 = arith.andi %get3A_389, %and3A_397 : vector<16xi32>
    %or3A_399 = arith.ori %shift_left3A_395, %and3A_398 : vector<16xi32>
    %swap3A_400 = arith.constant 2 : i32
    %swap3A_401 = arith.index_cast %swap3A_400 : i32 to index
    %swap3A_402 = arith.constant 64 : index
    %swap3A_403 = tpu.vector_load %arg6[%swap3A_401, %swap3A_402] {strides = array<i32>} : memref<4x128xi32, #tpu.memory_space<vmem>>, vector<16xi32>,
    tpu.vector_store %arg6[%swap3A_401, %swap3A_402], %or3A_399 {strides = array<i32>} : memref<4x128xi32, #tpu.memory_space<vmem>>, vector<16xi32>,
    %get3A_404 = arith.constant 2 : i32
    %get3A_405 = arith.index_cast %get3A_404 : i32 to index
    %get3A_406 = arith.constant 80 : index
    %get3A_407 = tpu.vector_load %arg5[%get3A_405, %get3A_406] {strides = array<i32>} : memref<200x128xi32, #tpu.memory_space<vmem>>, vector<16xi32>,
    %shift_right_arithmetic3A_408 = arith.constant 12 : i32
    %shift_right_arithmetic3A_409 = vector.broadcast %shift_right_arithmetic3A_408 : i32 to vector<16xi32>
    %shift_right_arithmetic3A_410 = arith.shrsi %get3A_407, %shift_right_arithmetic3A_409 : vector<16xi32>
    %shift_left3A_411 = arith.constant 11 : i32
    %shift_left3A_412 = vector.broadcast %shift_left3A_411 : i32 to vector<16xi32>
    %shift_left3A_413 = arith.shli %shift_right_arithmetic3A_410, %shift_left3A_412 : vector<16xi32>
    %and3A_414 = arith.constant 2047 : i32
    %and3A_415 = vector.broadcast %and3A_414 : i32 to vector<16xi32>
    %and3A_416 = arith.andi %get3A_407, %and3A_415 : vector<16xi32>
    %or3A_417 = arith.ori %shift_left3A_413, %and3A_416 : vector<16xi32>
    %swap3A_418 = arith.constant 2 : i32
    %swap3A_419 = arith.index_cast %swap3A_418 : i32 to index
    %swap3A_420 = arith.constant 80 : index
    %swap3A_421 = tpu.vector_load %arg6[%swap3A_419, %swap3A_420] {strides = array<i32>} : memref<4x128xi32, #tpu.memory_space<vmem>>, vector<16xi32>,
    tpu.vector_store %arg6[%swap3A_419, %swap3A_420], %or3A_417 {strides = array<i32>} : memref<4x128xi32, #tpu.memory_space<vmem>>, vector<16xi32>,
    %get3A_422 = arith.constant 2 : i32
    %get3A_423 = arith.index_cast %get3A_422 : i32 to index
    %get3A_424 = arith.constant 96 : index
    %get3A_425 = tpu.vector_load %arg5[%get3A_423, %get3A_424] {strides = array<i32>} : memref<200x128xi32, #tpu.memory_space<vmem>>, vector<16xi32>,
    %shift_right_arithmetic3A_426 = arith.constant 12 : i32
    %shift_right_arithmetic3A_427 = vector.broadcast %shift_right_arithmetic3A_426 : i32 to vector<16xi32>
    %shift_right_arithmetic3A_428 = arith.shrsi %get3A_425, %shift_right_arithmetic3A_427 : vector<16xi32>
    %shift_left3A_429 = arith.constant 11 : i32
    %shift_left3A_430 = vector.broadcast %shift_left3A_429 : i32 to vector<16xi32>
    %shift_left3A_431 = arith.shli %shift_right_arithmetic3A_428, %shift_left3A_430 : vector<16xi32>
    %and3A_432 = arith.constant 2047 : i32
    %and3A_433 = vector.broadcast %and3A_432 : i32 to vector<16xi32>
    %and3A_434 = arith.andi %get3A_425, %and3A_433 : vector<16xi32>
    %or3A_435 = arith.ori %shift_left3A_431, %and3A_434 : vector<16xi32>
    %swap3A_436 = arith.constant 2 : i32
    %swap3A_437 = arith.index_cast %swap3A_436 : i32 to index
    %swap3A_438 = arith.constant 96 : index
    %swap3A_439 = tpu.vector_load %arg6[%swap3A_437, %swap3A_438] {strides = array<i32>} : memref<4x128xi32, #tpu.memory_space<vmem>>, vector<16xi32>,
    tpu.vector_store %arg6[%swap3A_437, %swap3A_438], %or3A_435 {strides = array<i32>} : memref<4x128xi32, #tpu.memory_space<vmem>>, vector<16xi32>,
    %get3A_440 = arith.constant 2 : i32
    %get3A_441 = arith.index_cast %get3A_440 : i32 to index
    %get3A_442 = arith.constant 112 : index
    %get3A_443 = tpu.vector_load %arg5[%get3A_441, %get3A_442] {strides = array<i32>} : memref<200x128xi32, #tpu.memory_space<vmem>>, vector<16xi32>,
    %shift_right_arithmetic3A_444 = arith.constant 12 : i32
    %shift_right_arithmetic3A_445 = vector.broadcast %shift_right_arithmetic3A_444 : i32 to vector<16xi32>
    %shift_right_arithmetic3A_446 = arith.shrsi %get3A_443, %shift_right_arithmetic3A_445 : vector<16xi32>
    %shift_left3A_447 = arith.constant 11 : i32
    %shift_left3A_448 = vector.broadcast %shift_left3A_447 : i32 to vector<16xi32>
    %shift_left3A_449 = arith.shli %shift_right_arithmetic3A_446, %shift_left3A_448 : vector<16xi32>
    %and3A_450 = arith.constant 2047 : i32
    %and3A_451 = vector.broadcast %and3A_450 : i32 to vector<16xi32>
    %and3A_452 = arith.andi %get3A_443, %and3A_451 : vector<16xi32>
    %or3A_453 = arith.ori %shift_left3A_449, %and3A_452 : vector<16xi32>
    %swap3A_454 = arith.constant 2 : i32
    %swap3A_455 = arith.index_cast %swap3A_454 : i32 to index
    %swap3A_456 = arith.constant 112 : index
    %swap3A_457 = tpu.vector_load %arg6[%swap3A_455, %swap3A_456] {strides = array<i32>} : memref<4x128xi32, #tpu.memory_space<vmem>>, vector<16xi32>,
    tpu.vector_store %arg6[%swap3A_455, %swap3A_456], %or3A_453 {strides = array<i32>} : memref<4x128xi32, #tpu.memory_space<vmem>>, vector<16xi32>,
    %dma_start3A_458 = arith.constant 2 : i32
    %dma_start3A_459 = arith.constant 2 : i32
    %dma_start3A_460 = arith.constant 2 : i32
    %dma_start3A_461 = arith.constant 0 : i32
    %dma_start3A_462 = arith.constant 0 : i32
    %dma_start3A_463 = tpu.memref_slice %arg7[%dma_start3A_459, %dma_start3A_461, %dma_start3A_462] : memref<4x128x128xf32, #tpu.memory_space<vmem>> -> memref<1x128x128xf32, #tpu.memory_space<vmem>>
    %dma_start3A_464 = tpu.memref_squeeze %dma_start3A_463 : memref<1x128x128xf32, #tpu.memory_space<vmem>> -> memref<128x128xf32, #tpu.memory_space<vmem>>
    %dma_start3A_465 = arith.constant 0 : i32
    %dma_start3A_466 = tpu.memref_slice %arg6[%dma_start3A_458, %dma_start3A_465] : memref<4x128xi32, #tpu.memory_space<vmem>> -> memref<1x128xi32, #tpu.memory_space<vmem>>
    %dma_start3A_467 = tpu.memref_squeeze %dma_start3A_466 : memref<1x128xi32, #tpu.memory_space<vmem>> -> memref<128xi32, #tpu.memory_space<vmem>>
    %dma_start3A_468 = arith.constant 0 : i32
    %dma_start3A_469 = arith.constant 0 : i32
    %dma_start3A_470 = tpu.memref_slice %arg3[%dma_start3A_468, %dma_start3A_469] : memref<501760x128xf32, #tpu.memory_space<hbm>> -> memref<501760x128xf32, #tpu.memory_space<hbm>>
    %dma_start3A_471 = tpu.memref_slice %arg9[%dma_start3A_460] : memref<4x!tpu.dma_semaphore, #tpu.memory_space<semaphore_mem>> -> memref<1x!tpu.dma_semaphore, #tpu.memory_space<semaphore_mem>>
    %dma_start3A_472 = tpu.memref_squeeze %dma_start3A_471 : memref<1x!tpu.dma_semaphore, #tpu.memory_space<semaphore_mem>> -> memref<!tpu.dma_semaphore, #tpu.memory_space<semaphore_mem>>
    tpu.enqueue_indirect_dma source(%dma_start3A_470 : memref<501760x128xf32, #tpu.memory_space<hbm>>) target(%dma_start3A_464 : memref<128x128xf32, #tpu.memory_space<vmem>>) offsets(%dma_start3A_467 : memref<128xi32, #tpu.memory_space<vmem>>) semaphore(%dma_start3A_472 : memref<!tpu.dma_semaphore, #tpu.memory_space<semaphore_mem>>)
    %get3A_473 = arith.constant 3 : i32
    %get3A_474 = arith.index_cast %get3A_473 : i32 to index
    %get3A_475 = arith.constant 0 : index
    %get3A_476 = tpu.vector_load %arg5[%get3A_474, %get3A_475] {strides = array<i32>} : memref<200x128xi32, #tpu.memory_space<vmem>>, vector<16xi32>,
    %shift_right_arithmetic3A_477 = arith.constant 12 : i32
    %shift_right_arithmetic3A_478 = vector.broadcast %shift_right_arithmetic3A_477 : i32 to vector<16xi32>
    %shift_right_arithmetic3A_479 = arith.shrsi %get3A_476, %shift_right_arithmetic3A_478 : vector<16xi32>
    %shift_left3A_480 = arith.constant 11 : i32
    %shift_left3A_481 = vector.broadcast %shift_left3A_480 : i32 to vector<16xi32>
    %shift_left3A_482 = arith.shli %shift_right_arithmetic3A_479, %shift_left3A_481 : vector<16xi32>
    %and3A_483 = arith.constant 2047 : i32
    %and3A_484 = vector.broadcast %and3A_483 : i32 to vector<16xi32>
    %and3A_485 = arith.andi %get3A_476, %and3A_484 : vector<16xi32>
    %or3A_486 = arith.ori %shift_left3A_482, %and3A_485 : vector<16xi32>
    %swap3A_487 = arith.constant 3 : i32
    %swap3A_488 = arith.index_cast %swap3A_487 : i32 to index
    %swap3A_489 = arith.constant 0 : index
    %swap3A_490 = tpu.vector_load %arg6[%swap3A_488, %swap3A_489] {strides = array<i32>} : memref<4x128xi32, #tpu.memory_space<vmem>>, vector<16xi32>,
    tpu.vector_store %arg6[%swap3A_488, %swap3A_489], %or3A_486 {strides = array<i32>} : memref<4x128xi32, #tpu.memory_space<vmem>>, vector<16xi32>,
    %get3A_491 = arith.constant 3 : i32
    %get3A_492 = arith.index_cast %get3A_491 : i32 to index
    %get3A_493 = arith.constant 16 : index
    %get3A_494 = tpu.vector_load %arg5[%get3A_492, %get3A_493] {strides = array<i32>} : memref<200x128xi32, #tpu.memory_space<vmem>>, vector<16xi32>,
    %shift_right_arithmetic3A_495 = arith.constant 12 : i32
    %shift_right_arithmetic3A_496 = vector.broadcast %shift_right_arithmetic3A_495 : i32 to vector<16xi32>
    %shift_right_arithmetic3A_497 = arith.shrsi %get3A_494, %shift_right_arithmetic3A_496 : vector<16xi32>
    %shift_left3A_498 = arith.constant 11 : i32
    %shift_left3A_499 = vector.broadcast %shift_left3A_498 : i32 to vector<16xi32>
    %shift_left3A_500 = arith.shli %shift_right_arithmetic3A_497, %shift_left3A_499 : vector<16xi32>
    %and3A_501 = arith.constant 2047 : i32
    %and3A_502 = vector.broadcast %and3A_501 : i32 to vector<16xi32>
    %and3A_503 = arith.andi %get3A_494, %and3A_502 : vector<16xi32>
    %or3A_504 = arith.ori %shift_left3A_500, %and3A_503 : vector<16xi32>
    %swap3A_505 = arith.constant 3 : i32
    %swap3A_506 = arith.index_cast %swap3A_505 : i32 to index
    %swap3A_507 = arith.constant 16 : index
    %swap3A_508 = tpu.vector_load %arg6[%swap3A_506, %swap3A_507] {strides = array<i32>} : memref<4x128xi32, #tpu.memory_space<vmem>>, vector<16xi32>,
    tpu.vector_store %arg6[%swap3A_506, %swap3A_507], %or3A_504 {strides = array<i32>} : memref<4x128xi32, #tpu.memory_space<vmem>>, vector<16xi32>,
    %get3A_509 = arith.constant 3 : i32
    %get3A_510 = arith.index_cast %get3A_509 : i32 to index
    %get3A_511 = arith.constant 32 : index
    %get3A_512 = tpu.vector_load %arg5[%get3A_510, %get3A_511] {strides = array<i32>} : memref<200x128xi32, #tpu.memory_space<vmem>>, vector<16xi32>,
    %shift_right_arithmetic3A_513 = arith.constant 12 : i32
    %shift_right_arithmetic3A_514 = vector.broadcast %shift_right_arithmetic3A_513 : i32 to vector<16xi32>
    %shift_right_arithmetic3A_515 = arith.shrsi %get3A_512, %shift_right_arithmetic3A_514 : vector<16xi32>
    %shift_left3A_516 = arith.constant 11 : i32
    %shift_left3A_517 = vector.broadcast %shift_left3A_516 : i32 to vector<16xi32>
    %shift_left3A_518 = arith.shli %shift_right_arithmetic3A_515, %shift_left3A_517 : vector<16xi32>
    %and3A_519 = arith.constant 2047 : i32
    %and3A_520 = vector.broadcast %and3A_519 : i32 to vector<16xi32>
    %and3A_521 = arith.andi %get3A_512, %and3A_520 : vector<16xi32>
    %or3A_522 = arith.ori %shift_left3A_518, %and3A_521 : vector<16xi32>
    %swap3A_523 = arith.constant 3 : i32
    %swap3A_524 = arith.index_cast %swap3A_523 : i32 to index
    %swap3A_525 = arith.constant 32 : index
    %swap3A_526 = tpu.vector_load %arg6[%swap3A_524, %swap3A_525] {strides = array<i32>} : memref<4x128xi32, #tpu.memory_space<vmem>>, vector<16xi32>,
    tpu.vector_store %arg6[%swap3A_524, %swap3A_525], %or3A_522 {strides = array<i32>} : memref<4x128xi32, #tpu.memory_space<vmem>>, vector<16xi32>,
    %get3A_527 = arith.constant 3 : i32
    %get3A_528 = arith.index_cast %get3A_527 : i32 to index
    %get3A_529 = arith.constant 48 : index
    %get3A_530 = tpu.vector_load %arg5[%get3A_528, %get3A_529] {strides = array<i32>} : memref<200x128xi32, #tpu.memory_space<vmem>>, vector<16xi32>,
    %shift_right_arithmetic3A_531 = arith.constant 12 : i32
    %shift_right_arithmetic3A_532 = vector.broadcast %shift_right_arithmetic3A_531 : i32 to vector<16xi32>
    %shift_right_arithmetic3A_533 = arith.shrsi %get3A_530, %shift_right_arithmetic3A_532 : vector<16xi32>
    %shift_left3A_534 = arith.constant 11 : i32
    %shift_left3A_535 = vector.broadcast %shift_left3A_534 : i32 to vector<16xi32>
    %shift_left3A_536 = arith.shli %shift_right_arithmetic3A_533, %shift_left3A_535 : vector<16xi32>
    %and3A_537 = arith.constant 2047 : i32
    %and3A_538 = vector.broadcast %and3A_537 : i32 to vector<16xi32>
    %and3A_539 = arith.andi %get3A_530, %and3A_538 : vector<16xi32>
    %or3A_540 = arith.ori %shift_left3A_536, %and3A_539 : vector<16xi32>
    %swap3A_541 = arith.constant 3 : i32
    %swap3A_542 = arith.index_cast %swap3A_541 : i32 to index
    %swap3A_543 = arith.constant 48 : index
    %swap3A_544 = tpu.vector_load %arg6[%swap3A_542, %swap3A_543] {strides = array<i32>} : memref<4x128xi32, #tpu.memory_space<vmem>>, vector<16xi32>,
    tpu.vector_store %arg6[%swap3A_542, %swap3A_543], %or3A_540 {strides = array<i32>} : memref<4x128xi32, #tpu.memory_space<vmem>>, vector<16xi32>,
    %get3A_545 = arith.constant 3 : i32
    %get3A_546 = arith.index_cast %get3A_545 : i32 to index
    %get3A_547 = arith.constant 64 : index
    %get3A_548 = tpu.vector_load %arg5[%get3A_546, %get3A_547] {strides = array<i32>} : memref<200x128xi32, #tpu.memory_space<vmem>>, vector<16xi32>,
    %shift_right_arithmetic3A_549 = arith.constant 12 : i32
    %shift_right_arithmetic3A_550 = vector.broadcast %shift_right_arithmetic3A_549 : i32 to vector<16xi32>
    %shift_right_arithmetic3A_551 = arith.shrsi %get3A_548, %shift_right_arithmetic3A_550 : vector<16xi32>
    %shift_left3A_552 = arith.constant 11 : i32
    %shift_left3A_553 = vector.broadcast %shift_left3A_552 : i32 to vector<16xi32>
    %shift_left3A_554 = arith.shli %shift_right_arithmetic3A_551, %shift_left3A_553 : vector<16xi32>
    %and3A_555 = arith.constant 2047 : i32
    %and3A_556 = vector.broadcast %and3A_555 : i32 to vector<16xi32>
    %and3A_557 = arith.andi %get3A_548, %and3A_556 : vector<16xi32>
    %or3A_558 = arith.ori %shift_left3A_554, %and3A_557 : vector<16xi32>
    %swap3A_559 = arith.constant 3 : i32
    %swap3A_560 = arith.index_cast %swap3A_559 : i32 to index
    %swap3A_561 = arith.constant 64 : index
    %swap3A_562 = tpu.vector_load %arg6[%swap3A_560, %swap3A_561] {strides = array<i32>} : memref<4x128xi32, #tpu.memory_space<vmem>>, vector<16xi32>,
    tpu.vector_store %arg6[%swap3A_560, %swap3A_561], %or3A_558 {strides = array<i32>} : memref<4x128xi32, #tpu.memory_space<vmem>>, vector<16xi32>,
    %get3A_563 = arith.constant 3 : i32
    %get3A_564 = arith.index_cast %get3A_563 : i32 to index
    %get3A_565 = arith.constant 80 : index
    %get3A_566 = tpu.vector_load %arg5[%get3A_564, %get3A_565] {strides = array<i32>} : memref<200x128xi32, #tpu.memory_space<vmem>>, vector<16xi32>,
    %shift_right_arithmetic3A_567 = arith.constant 12 : i32
    %shift_right_arithmetic3A_568 = vector.broadcast %shift_right_arithmetic3A_567 : i32 to vector<16xi32>
    %shift_right_arithmetic3A_569 = arith.shrsi %get3A_566, %shift_right_arithmetic3A_568 : vector<16xi32>
    %shift_left3A_570 = arith.constant 11 : i32
    %shift_left3A_571 = vector.broadcast %shift_left3A_570 : i32 to vector<16xi32>
    %shift_left3A_572 = arith.shli %shift_right_arithmetic3A_569, %shift_left3A_571 : vector<16xi32>
    %and3A_573 = arith.constant 2047 : i32
    %and3A_574 = vector.broadcast %and3A_573 : i32 to vector<16xi32>
    %and3A_575 = arith.andi %get3A_566, %and3A_574 : vector<16xi32>
    %or3A_576 = arith.ori %shift_left3A_572, %and3A_575 : vector<16xi32>
    %swap3A_577 = arith.constant 3 : i32
    %swap3A_578 = arith.index_cast %swap3A_577 : i32 to index
    %swap3A_579 = arith.constant 80 : index
    %swap3A_580 = tpu.vector_load %arg6[%swap3A_578, %swap3A_579] {strides = array<i32>} : memref<4x128xi32, #tpu.memory_space<vmem>>, vector<16xi32>,
    tpu.vector_store %arg6[%swap3A_578, %swap3A_579], %or3A_576 {strides = array<i32>} : memref<4x128xi32, #tpu.memory_space<vmem>>, vector<16xi32>,
    %get3A_581 = arith.constant 3 : i32
    %get3A_582 = arith.index_cast %get3A_581 : i32 to index
    %get3A_583 = arith.constant 96 : index
    %get3A_584 = tpu.vector_load %arg5[%get3A_582, %get3A_583] {strides = array<i32>} : memref<200x128xi32, #tpu.memory_space<vmem>>, vector<16xi32>,
    %shift_right_arithmetic3A_585 = arith.constant 12 : i32
    %shift_right_arithmetic3A_586 = vector.broadcast %shift_right_arithmetic3A_585 : i32 to vector<16xi32>
    %shift_right_arithmetic3A_587 = arith.shrsi %get3A_584, %shift_right_arithmetic3A_586 : vector<16xi32>
    %shift_left3A_588 = arith.constant 11 : i32
    %shift_left3A_589 = vector.broadcast %shift_left3A_588 : i32 to vector<16xi32>
    %shift_left3A_590 = arith.shli %shift_right_arithmetic3A_587, %shift_left3A_589 : vector<16xi32>
    %and3A_591 = arith.constant 2047 : i32
    %and3A_592 = vector.broadcast %and3A_591 : i32 to vector<16xi32>
    %and3A_593 = arith.andi %get3A_584, %and3A_592 : vector<16xi32>
    %or3A_594 = arith.ori %shift_left3A_590, %and3A_593 : vector<16xi32>
    %swap3A_595 = arith.constant 3 : i32
    %swap3A_596 = arith.index_cast %swap3A_595 : i32 to index
    %swap3A_597 = arith.constant 96 : index
    %swap3A_598 = tpu.vector_load %arg6[%swap3A_596, %swap3A_597] {strides = array<i32>} : memref<4x128xi32, #tpu.memory_space<vmem>>, vector<16xi32>,
    tpu.vector_store %arg6[%swap3A_596, %swap3A_597], %or3A_594 {strides = array<i32>} : memref<4x128xi32, #tpu.memory_space<vmem>>, vector<16xi32>,
    %get3A_599 = arith.constant 3 : i32
    %get3A_600 = arith.index_cast %get3A_599 : i32 to index
    %get3A_601 = arith.constant 112 : index
    %get3A_602 = tpu.vector_load %arg5[%get3A_600, %get3A_601] {strides = array<i32>} : memref<200x128xi32, #tpu.memory_space<vmem>>, vector<16xi32>,
    %shift_right_arithmetic3A_603 = arith.constant 12 : i32
    %shift_right_arithmetic3A_604 = vector.broadcast %shift_right_arithmetic3A_603 : i32 to vector<16xi32>
    %shift_right_arithmetic3A_605 = arith.shrsi %get3A_602, %shift_right_arithmetic3A_604 : vector<16xi32>
    %shift_left3A_606 = arith.constant 11 : i32
    %shift_left3A_607 = vector.broadcast %shift_left3A_606 : i32 to vector<16xi32>
    %shift_left3A_608 = arith.shli %shift_right_arithmetic3A_605, %shift_left3A_607 : vector<16xi32>
    %and3A_609 = arith.constant 2047 : i32
    %and3A_610 = vector.broadcast %and3A_609 : i32 to vector<16xi32>
    %and3A_611 = arith.andi %get3A_602, %and3A_610 : vector<16xi32>
    %or3A_612 = arith.ori %shift_left3A_608, %and3A_611 : vector<16xi32>
    %swap3A_613 = arith.constant 3 : i32
    %swap3A_614 = arith.index_cast %swap3A_613 : i32 to index
    %swap3A_615 = arith.constant 112 : index
    %swap3A_616 = tpu.vector_load %arg6[%swap3A_614, %swap3A_615] {strides = array<i32>} : memref<4x128xi32, #tpu.memory_space<vmem>>, vector<16xi32>,
    tpu.vector_store %arg6[%swap3A_614, %swap3A_615], %or3A_612 {strides = array<i32>} : memref<4x128xi32, #tpu.memory_space<vmem>>, vector<16xi32>,
    %dma_start3A_617 = arith.constant 3 : i32
    %dma_start3A_618 = arith.constant 3 : i32
    %dma_start3A_619 = arith.constant 3 : i32
    %dma_start3A_620 = arith.constant 0 : i32
    %dma_start3A_621 = arith.constant 0 : i32
    %dma_start3A_622 = tpu.memref_slice %arg7[%dma_start3A_618, %dma_start3A_620, %dma_start3A_621] : memref<4x128x128xf32, #tpu.memory_space<vmem>> -> memref<1x128x128xf32, #tpu.memory_space<vmem>>
    %dma_start3A_623 = tpu.memref_squeeze %dma_start3A_622 : memref<1x128x128xf32, #tpu.memory_space<vmem>> -> memref<128x128xf32, #tpu.memory_space<vmem>>
    %dma_start3A_624 = arith.constant 0 : i32
    %dma_start3A_625 = tpu.memref_slice %arg6[%dma_start3A_617, %dma_start3A_624] : memref<4x128xi32, #tpu.memory_space<vmem>> -> memref<1x128xi32, #tpu.memory_space<vmem>>
    %dma_start3A_626 = tpu.memref_squeeze %dma_start3A_625 : memref<1x128xi32, #tpu.memory_space<vmem>> -> memref<128xi32, #tpu.memory_space<vmem>>
    %dma_start3A_627 = arith.constant 0 : i32
    %dma_start3A_628 = arith.constant 0 : i32
    %dma_start3A_629 = tpu.memref_slice %arg3[%dma_start3A_627, %dma_start3A_628] : memref<501760x128xf32, #tpu.memory_space<hbm>> -> memref<501760x128xf32, #tpu.memory_space<hbm>>
    %dma_start3A_630 = tpu.memref_slice %arg9[%dma_start3A_619] : memref<4x!tpu.dma_semaphore, #tpu.memory_space<semaphore_mem>> -> memref<1x!tpu.dma_semaphore, #tpu.memory_space<semaphore_mem>>
    %dma_start3A_631 = tpu.memref_squeeze %dma_start3A_630 : memref<1x!tpu.dma_semaphore, #tpu.memory_space<semaphore_mem>> -> memref<!tpu.dma_semaphore, #tpu.memory_space<semaphore_mem>>
    tpu.enqueue_indirect_dma source(%dma_start3A_629 : memref<501760x128xf32, #tpu.memory_space<hbm>>) target(%dma_start3A_623 : memref<128x128xf32, #tpu.memory_space<vmem>>) offsets(%dma_start3A_626 : memref<128xi32, #tpu.memory_space<vmem>>) semaphore(%dma_start3A_631 : memref<!tpu.dma_semaphore, #tpu.memory_space<semaphore_mem>>)
    %dma_wait3A = arith.constant 0 : i32
    %dma_wait3A_632 = arith.constant 0 : i32
    %dma_wait3A_633 = arith.constant 0 : i32
    %dma_wait3A_634 = arith.constant 0 : i32
    %dma_wait3A_635 = arith.constant 0 : i32
    %dma_wait3A_636 = tpu.memref_slice %arg7[%dma_wait3A_632, %dma_wait3A_634, %dma_wait3A_635] : memref<4x128x128xf32, #tpu.memory_space<vmem>> -> memref<1x128x128xf32, #tpu.memory_space<vmem>>
    %dma_wait3A_637 = tpu.memref_squeeze %dma_wait3A_636 : memref<1x128x128xf32, #tpu.memory_space<vmem>> -> memref<128x128xf32, #tpu.memory_space<vmem>>
    %dma_wait3A_638 = arith.constant 0 : i32
    %dma_wait3A_639 = tpu.memref_slice %arg6[%dma_wait3A, %dma_wait3A_638] : memref<4x128xi32, #tpu.memory_space<vmem>> -> memref<1x128xi32, #tpu.memory_space<vmem>>
    %dma_wait3A_640 = tpu.memref_squeeze %dma_wait3A_639 : memref<1x128xi32, #tpu.memory_space<vmem>> -> memref<128xi32, #tpu.memory_space<vmem>>
    %dma_wait3A_641 = arith.constant 0 : i32
    %dma_wait3A_642 = arith.constant 0 : i32
    %dma_wait3A_643 = tpu.memref_slice %arg3[%dma_wait3A_641, %dma_wait3A_642] : memref<501760x128xf32, #tpu.memory_space<hbm>> -> memref<501760x128xf32, #tpu.memory_space<hbm>>
    %dma_wait3A_644 = tpu.memref_slice %arg9[%dma_wait3A_633] : memref<4x!tpu.dma_semaphore, #tpu.memory_space<semaphore_mem>> -> memref<1x!tpu.dma_semaphore, #tpu.memory_space<semaphore_mem>>
    %dma_wait3A_645 = tpu.memref_squeeze %dma_wait3A_644 : memref<1x!tpu.dma_semaphore, #tpu.memory_space<semaphore_mem>> -> memref<!tpu.dma_semaphore, #tpu.memory_space<semaphore_mem>>
    tpu.wait_indirect_dma semaphore(%dma_wait3A_645 : memref<!tpu.dma_semaphore, #tpu.memory_space<semaphore_mem>>) src(%dma_wait3A_643 : memref<501760x128xf32, #tpu.memory_space<hbm>>) dst(%dma_wait3A_637 : memref<128x128xf32, #tpu.memory_space<vmem>>)
    %scan3A = arith.constant 0 : i32
    %scan3A_646 = arith.constant 0 : i32
    %scan3A_647 = arith.constant 8 : i32
    %scan3A_648 = arith.addi %scan3A_646, %scan3A_647 : i32
    %scan3A_649 = arith.constant 1 : i32
    scf.for %scan3A_1744 = %scan3A_646 to %scan3A_648 step %scan3A_649  : i32 {
      %iota3A = tpu.iota {dimensions = array<i32: 0>} : vector<16xi32>
      %mul3A_1745 = arith.constant 16 : i32
      %mul3A_1746 = arith.muli %mul3A_1745, %scan3A_1744 : i32
      %add3A_1747 = vector.broadcast %mul3A_1746 : i32 to vector<16xi32>
      %add3A_1748 = arith.addi %iota3A, %add3A_1747 : vector<16xi32>
      %mul3A_1749 = arith.constant 16 : i32
      %mul3A_1750 = arith.muli %mul3A_1749, %scan3A_1744 : i32
      %get3A_1751 = arith.constant 0 : i32
      %get3A_1752 = arith.index_cast %get3A_1751 : i32 to index
      %get3A_1753 = arith.index_cast %mul3A_1750 : i32 to index
      %get3A_1754 = tpu.vector_load %arg5[%get3A_1752, %get3A_1753] {strides = array<i32>} : memref<200x128xi32, #tpu.memory_space<vmem>>, vector<16xi32>,
      %shift_right_arithmetic3A_1755 = arith.constant 5 : i32
      %shift_right_arithmetic3A_1756 = vector.broadcast %shift_right_arithmetic3A_1755 : i32 to vector<16xi32>
      %shift_right_arithmetic3A_1757 = arith.shrsi %get3A_1754, %shift_right_arithmetic3A_1756 : vector<16xi32>
      %and3A_1758 = arith.constant 64 : i32
      %and3A_1759 = vector.broadcast %and3A_1758 : i32 to vector<16xi32>
      %and3A_1760 = arith.andi %shift_right_arithmetic3A_1757, %and3A_1759 : vector<16xi32>
      %parallel_loop3A = arith.constant 0 : i32
      %parallel_loop3A_1761 = arith.constant 64 : i32
      %parallel_loop3A_1762 = arith.constant 1 : i32
      scf.for %parallel_loop3A_1763 = %parallel_loop3A to %parallel_loop3A_1761 step %parallel_loop3A_1762  : i32 {
        %parallel_loop3A_1764 = vector.broadcast %parallel_loop3A_1763 : i32 to vector<16xi32>
        %parallel_loop3A_1765 = arith.addi %and3A_1760, %parallel_loop3A_1764 : vector<16xi32>
        %parallel_loop3A_1766 = arith.constant 0 : i32
        %parallel_loop3A_1767 = arith.constant 0 : i32
        %parallel_loop3A_1768 = arith.constant 0 : i32
        %parallel_loop3A_1769 = tpu.memref_slice %arg7[%parallel_loop3A_1766, %parallel_loop3A_1767, %parallel_loop3A_1768] : memref<4x128x128xf32, #tpu.memory_space<vmem>> -> memref<1x128x128xf32, #tpu.memory_space<vmem>>
        %parallel_loop3A_1770 = tpu.memref_squeeze %parallel_loop3A_1769 : memref<1x128x128xf32, #tpu.memory_space<vmem>> -> memref<128x128xf32, #tpu.memory_space<vmem>>
        %parallel_loop3A_1771 = tpu.vector_load_idx %parallel_loop3A_1770[%add3A_1748, %parallel_loop3A_1765] : memref<128x128xf32, #tpu.memory_space<vmem>>[vector<16xi32>, vector<16xi32>], vector<16xf32>,
        %parallel_loop3A_1772 = arith.constant 16 : i32
        %parallel_loop3A_1773 = arith.muli %parallel_loop3A_1772, %scan3A_1744 : i32
        %parallel_loop3A_1774 = arith.constant 0 : i32
        %parallel_loop3A_1775 = arith.index_cast %parallel_loop3A_1774 : i32 to index
        %parallel_loop3A_1776 = arith.index_cast %parallel_loop3A_1763 : i32 to index
        %parallel_loop3A_1777 = arith.index_cast %parallel_loop3A_1773 : i32 to index
        %parallel_loop3A_1778 = tpu.vector_load %arg8[%parallel_loop3A_1775, %parallel_loop3A_1776, %parallel_loop3A_1777] {strides = array<i32>} : memref<4x64x128xf32, #tpu.memory_space<vmem>>, vector<16xf32>,
        tpu.vector_store %arg8[%parallel_loop3A_1775, %parallel_loop3A_1776, %parallel_loop3A_1777], %parallel_loop3A_1771 {strides = array<i32>} : memref<4x64x128xf32, #tpu.memory_space<vmem>>, vector<16xf32>,
      } {sc.loop_unroll_factor = 16 : i64, sc.parallel_access}
    }
    %scan3A_650 = arith.constant 8 : i32
    %dma_start3A_651 = arith.constant 0 : i32
    %dma_start3A_652 = arith.constant 0 : i32
    %dma_start3A_653 = arith.constant 0 : i32
    %dma_start3A_654 = arith.constant 0 : i32
    %dma_start3A_655 = arith.constant 0 : i32
    %dma_start3A_656 = tpu.memref_slice %arg8[%dma_start3A_651, %dma_start3A_654, %dma_start3A_655] : memref<4x64x128xf32, #tpu.memory_space<vmem>> -> memref<1x64x128xf32, #tpu.memory_space<vmem>>
    %dma_start3A_657 = tpu.memref_squeeze %dma_start3A_656 : memref<1x64x128xf32, #tpu.memory_space<vmem>> -> memref<64x128xf32, #tpu.memory_space<vmem>>
    %dma_start3A_658 = arith.constant 0 : i32
    %dma_start3A_659 = tpu.memref_slice %arg4[%dma_start3A_652, %dma_start3A_658, %mul3A_2] : memref<200x64x4096xf32, #tpu.memory_space<hbm>> -> memref<1x64x128xf32, #tpu.memory_space<hbm>>
    %dma_start3A_660 = tpu.memref_squeeze %dma_start3A_659 : memref<1x64x128xf32, #tpu.memory_space<hbm>> -> memref<64x128xf32, #tpu.memory_space<hbm>>
    %dma_start3A_661 = tpu.memref_slice %arg10[%dma_start3A_653] : memref<4x!tpu.dma_semaphore, #tpu.memory_space<semaphore_mem>> -> memref<1x!tpu.dma_semaphore, #tpu.memory_space<semaphore_mem>>
    %dma_start3A_662 = tpu.memref_squeeze %dma_start3A_661 : memref<1x!tpu.dma_semaphore, #tpu.memory_space<semaphore_mem>> -> memref<!tpu.dma_semaphore, #tpu.memory_space<semaphore_mem>>
    %dma_start3A_663 = arith.constant 0 : i32
    %dma_start3A_664 = tpu.memref_slice %arg4[%dma_start3A_652, %dma_start3A_663, %mul3A_2] : memref<200x64x4096xf32, #tpu.memory_space<hbm>> -> memref<1x64x128xf32, #tpu.memory_space<hbm>>
    %dma_start3A_665 = tpu.memref_squeeze %dma_start3A_664 : memref<1x64x128xf32, #tpu.memory_space<hbm>> -> memref<64x128xf32, #tpu.memory_space<hbm>>
    %dma_start3A_666 = arith.constant 0 : i32
    %dma_start3A_667 = arith.constant 0 : i32
    %dma_start3A_668 = tpu.memref_slice %arg8[%dma_start3A_651, %dma_start3A_666, %dma_start3A_667] : memref<4x64x128xf32, #tpu.memory_space<vmem>> -> memref<1x64x128xf32, #tpu.memory_space<vmem>>
    %dma_start3A_669 = tpu.memref_squeeze %dma_start3A_668 : memref<1x64x128xf32, #tpu.memory_space<vmem>> -> memref<64x128xf32, #tpu.memory_space<vmem>>
    tpu.enqueue_dma source(%dma_start3A_669 : memref<64x128xf32, #tpu.memory_space<vmem>>) target(%dma_start3A_665 : memref<64x128xf32, #tpu.memory_space<hbm>>) target_semaphore(%dma_start3A_662 : memref<!tpu.dma_semaphore, #tpu.memory_space<semaphore_mem>>)
    %get3A_670 = arith.constant 4 : i32
    %get3A_671 = arith.index_cast %get3A_670 : i32 to index
    %get3A_672 = arith.constant 0 : index
    %get3A_673 = tpu.vector_load %arg5[%get3A_671, %get3A_672] {strides = array<i32>} : memref<200x128xi32, #tpu.memory_space<vmem>>, vector<16xi32>,
    %shift_right_arithmetic3A_674 = arith.constant 12 : i32
    %shift_right_arithmetic3A_675 = vector.broadcast %shift_right_arithmetic3A_674 : i32 to vector<16xi32>
    %shift_right_arithmetic3A_676 = arith.shrsi %get3A_673, %shift_right_arithmetic3A_675 : vector<16xi32>
    %shift_left3A_677 = arith.constant 11 : i32
    %shift_left3A_678 = vector.broadcast %shift_left3A_677 : i32 to vector<16xi32>
    %shift_left3A_679 = arith.shli %shift_right_arithmetic3A_676, %shift_left3A_678 : vector<16xi32>
    %and3A_680 = arith.constant 2047 : i32
    %and3A_681 = vector.broadcast %and3A_680 : i32 to vector<16xi32>
    %and3A_682 = arith.andi %get3A_673, %and3A_681 : vector<16xi32>
    %or3A_683 = arith.ori %shift_left3A_679, %and3A_682 : vector<16xi32>
    %swap3A_684 = arith.constant 0 : i32
    %swap3A_685 = arith.index_cast %swap3A_684 : i32 to index
    %swap3A_686 = arith.constant 0 : index
    %swap3A_687 = tpu.vector_load %arg6[%swap3A_685, %swap3A_686] {strides = array<i32>} : memref<4x128xi32, #tpu.memory_space<vmem>>, vector<16xi32>,
    tpu.vector_store %arg6[%swap3A_685, %swap3A_686], %or3A_683 {strides = array<i32>} : memref<4x128xi32, #tpu.memory_space<vmem>>, vector<16xi32>,
    %get3A_688 = arith.constant 4 : i32
    %get3A_689 = arith.index_cast %get3A_688 : i32 to index
    %get3A_690 = arith.constant 16 : index
    %get3A_691 = tpu.vector_load %arg5[%get3A_689, %get3A_690] {strides = array<i32>} : memref<200x128xi32, #tpu.memory_space<vmem>>, vector<16xi32>,
    %shift_right_arithmetic3A_692 = arith.constant 12 : i32
    %shift_right_arithmetic3A_693 = vector.broadcast %shift_right_arithmetic3A_692 : i32 to vector<16xi32>
    %shift_right_arithmetic3A_694 = arith.shrsi %get3A_691, %shift_right_arithmetic3A_693 : vector<16xi32>
    %shift_left3A_695 = arith.constant 11 : i32
    %shift_left3A_696 = vector.broadcast %shift_left3A_695 : i32 to vector<16xi32>
    %shift_left3A_697 = arith.shli %shift_right_arithmetic3A_694, %shift_left3A_696 : vector<16xi32>
    %and3A_698 = arith.constant 2047 : i32
    %and3A_699 = vector.broadcast %and3A_698 : i32 to vector<16xi32>
    %and3A_700 = arith.andi %get3A_691, %and3A_699 : vector<16xi32>
    %or3A_701 = arith.ori %shift_left3A_697, %and3A_700 : vector<16xi32>
    %swap3A_702 = arith.constant 0 : i32
    %swap3A_703 = arith.index_cast %swap3A_702 : i32 to index
    %swap3A_704 = arith.constant 16 : index
    %swap3A_705 = tpu.vector_load %arg6[%swap3A_703, %swap3A_704] {strides = array<i32>} : memref<4x128xi32, #tpu.memory_space<vmem>>, vector<16xi32>,
    tpu.vector_store %arg6[%swap3A_703, %swap3A_704], %or3A_701 {strides = array<i32>} : memref<4x128xi32, #tpu.memory_space<vmem>>, vector<16xi32>,
    %get3A_706 = arith.constant 4 : i32
    %get3A_707 = arith.index_cast %get3A_706 : i32 to index
    %get3A_708 = arith.constant 32 : index
    %get3A_709 = tpu.vector_load %arg5[%get3A_707, %get3A_708] {strides = array<i32>} : memref<200x128xi32, #tpu.memory_space<vmem>>, vector<16xi32>,
    %shift_right_arithmetic3A_710 = arith.constant 12 : i32
    %shift_right_arithmetic3A_711 = vector.broadcast %shift_right_arithmetic3A_710 : i32 to vector<16xi32>
    %shift_right_arithmetic3A_712 = arith.shrsi %get3A_709, %shift_right_arithmetic3A_711 : vector<16xi32>
    %shift_left3A_713 = arith.constant 11 : i32
    %shift_left3A_714 = vector.broadcast %shift_left3A_713 : i32 to vector<16xi32>
    %shift_left3A_715 = arith.shli %shift_right_arithmetic3A_712, %shift_left3A_714 : vector<16xi32>
    %and3A_716 = arith.constant 2047 : i32
    %and3A_717 = vector.broadcast %and3A_716 : i32 to vector<16xi32>
    %and3A_718 = arith.andi %get3A_709, %and3A_717 : vector<16xi32>
    %or3A_719 = arith.ori %shift_left3A_715, %and3A_718 : vector<16xi32>
    %swap3A_720 = arith.constant 0 : i32
    %swap3A_721 = arith.index_cast %swap3A_720 : i32 to index
    %swap3A_722 = arith.constant 32 : index
    %swap3A_723 = tpu.vector_load %arg6[%swap3A_721, %swap3A_722] {strides = array<i32>} : memref<4x128xi32, #tpu.memory_space<vmem>>, vector<16xi32>,
    tpu.vector_store %arg6[%swap3A_721, %swap3A_722], %or3A_719 {strides = array<i32>} : memref<4x128xi32, #tpu.memory_space<vmem>>, vector<16xi32>,
    %get3A_724 = arith.constant 4 : i32
    %get3A_725 = arith.index_cast %get3A_724 : i32 to index
    %get3A_726 = arith.constant 48 : index
    %get3A_727 = tpu.vector_load %arg5[%get3A_725, %get3A_726] {strides = array<i32>} : memref<200x128xi32, #tpu.memory_space<vmem>>, vector<16xi32>,
    %shift_right_arithmetic3A_728 = arith.constant 12 : i32
    %shift_right_arithmetic3A_729 = vector.broadcast %shift_right_arithmetic3A_728 : i32 to vector<16xi32>
    %shift_right_arithmetic3A_730 = arith.shrsi %get3A_727, %shift_right_arithmetic3A_729 : vector<16xi32>
    %shift_left3A_731 = arith.constant 11 : i32
    %shift_left3A_732 = vector.broadcast %shift_left3A_731 : i32 to vector<16xi32>
    %shift_left3A_733 = arith.shli %shift_right_arithmetic3A_730, %shift_left3A_732 : vector<16xi32>
    %and3A_734 = arith.constant 2047 : i32
    %and3A_735 = vector.broadcast %and3A_734 : i32 to vector<16xi32>
    %and3A_736 = arith.andi %get3A_727, %and3A_735 : vector<16xi32>
    %or3A_737 = arith.ori %shift_left3A_733, %and3A_736 : vector<16xi32>
    %swap3A_738 = arith.constant 0 : i32
    %swap3A_739 = arith.index_cast %swap3A_738 : i32 to index
    %swap3A_740 = arith.constant 48 : index
    %swap3A_741 = tpu.vector_load %arg6[%swap3A_739, %swap3A_740] {strides = array<i32>} : memref<4x128xi32, #tpu.memory_space<vmem>>, vector<16xi32>,
    tpu.vector_store %arg6[%swap3A_739, %swap3A_740], %or3A_737 {strides = array<i32>} : memref<4x128xi32, #tpu.memory_space<vmem>>, vector<16xi32>,
    %get3A_742 = arith.constant 4 : i32
    %get3A_743 = arith.index_cast %get3A_742 : i32 to index
    %get3A_744 = arith.constant 64 : index
    %get3A_745 = tpu.vector_load %arg5[%get3A_743, %get3A_744] {strides = array<i32>} : memref<200x128xi32, #tpu.memory_space<vmem>>, vector<16xi32>,
    %shift_right_arithmetic3A_746 = arith.constant 12 : i32
    %shift_right_arithmetic3A_747 = vector.broadcast %shift_right_arithmetic3A_746 : i32 to vector<16xi32>
    %shift_right_arithmetic3A_748 = arith.shrsi %get3A_745, %shift_right_arithmetic3A_747 : vector<16xi32>
    %shift_left3A_749 = arith.constant 11 : i32
    %shift_left3A_750 = vector.broadcast %shift_left3A_749 : i32 to vector<16xi32>
    %shift_left3A_751 = arith.shli %shift_right_arithmetic3A_748, %shift_left3A_750 : vector<16xi32>
    %and3A_752 = arith.constant 2047 : i32
    %and3A_753 = vector.broadcast %and3A_752 : i32 to vector<16xi32>
    %and3A_754 = arith.andi %get3A_745, %and3A_753 : vector<16xi32>
    %or3A_755 = arith.ori %shift_left3A_751, %and3A_754 : vector<16xi32>
    %swap3A_756 = arith.constant 0 : i32
    %swap3A_757 = arith.index_cast %swap3A_756 : i32 to index
    %swap3A_758 = arith.constant 64 : index
    %swap3A_759 = tpu.vector_load %arg6[%swap3A_757, %swap3A_758] {strides = array<i32>} : memref<4x128xi32, #tpu.memory_space<vmem>>, vector<16xi32>,
    tpu.vector_store %arg6[%swap3A_757, %swap3A_758], %or3A_755 {strides = array<i32>} : memref<4x128xi32, #tpu.memory_space<vmem>>, vector<16xi32>,
    %get3A_760 = arith.constant 4 : i32
    %get3A_761 = arith.index_cast %get3A_760 : i32 to index
    %get3A_762 = arith.constant 80 : index
    %get3A_763 = tpu.vector_load %arg5[%get3A_761, %get3A_762] {strides = array<i32>} : memref<200x128xi32, #tpu.memory_space<vmem>>, vector<16xi32>,
    %shift_right_arithmetic3A_764 = arith.constant 12 : i32
    %shift_right_arithmetic3A_765 = vector.broadcast %shift_right_arithmetic3A_764 : i32 to vector<16xi32>
    %shift_right_arithmetic3A_766 = arith.shrsi %get3A_763, %shift_right_arithmetic3A_765 : vector<16xi32>
    %shift_left3A_767 = arith.constant 11 : i32
    %shift_left3A_768 = vector.broadcast %shift_left3A_767 : i32 to vector<16xi32>
    %shift_left3A_769 = arith.shli %shift_right_arithmetic3A_766, %shift_left3A_768 : vector<16xi32>
    %and3A_770 = arith.constant 2047 : i32
    %and3A_771 = vector.broadcast %and3A_770 : i32 to vector<16xi32>
    %and3A_772 = arith.andi %get3A_763, %and3A_771 : vector<16xi32>
    %or3A_773 = arith.ori %shift_left3A_769, %and3A_772 : vector<16xi32>
    %swap3A_774 = arith.constant 0 : i32
    %swap3A_775 = arith.index_cast %swap3A_774 : i32 to index
    %swap3A_776 = arith.constant 80 : index
    %swap3A_777 = tpu.vector_load %arg6[%swap3A_775, %swap3A_776] {strides = array<i32>} : memref<4x128xi32, #tpu.memory_space<vmem>>, vector<16xi32>,
    tpu.vector_store %arg6[%swap3A_775, %swap3A_776], %or3A_773 {strides = array<i32>} : memref<4x128xi32, #tpu.memory_space<vmem>>, vector<16xi32>,
    %get3A_778 = arith.constant 4 : i32
    %get3A_779 = arith.index_cast %get3A_778 : i32 to index
    %get3A_780 = arith.constant 96 : index
    %get3A_781 = tpu.vector_load %arg5[%get3A_779, %get3A_780] {strides = array<i32>} : memref<200x128xi32, #tpu.memory_space<vmem>>, vector<16xi32>,
    %shift_right_arithmetic3A_782 = arith.constant 12 : i32
    %shift_right_arithmetic3A_783 = vector.broadcast %shift_right_arithmetic3A_782 : i32 to vector<16xi32>
    %shift_right_arithmetic3A_784 = arith.shrsi %get3A_781, %shift_right_arithmetic3A_783 : vector<16xi32>
    %shift_left3A_785 = arith.constant 11 : i32
    %shift_left3A_786 = vector.broadcast %shift_left3A_785 : i32 to vector<16xi32>
    %shift_left3A_787 = arith.shli %shift_right_arithmetic3A_784, %shift_left3A_786 : vector<16xi32>
    %and3A_788 = arith.constant 2047 : i32
    %and3A_789 = vector.broadcast %and3A_788 : i32 to vector<16xi32>
    %and3A_790 = arith.andi %get3A_781, %and3A_789 : vector<16xi32>
    %or3A_791 = arith.ori %shift_left3A_787, %and3A_790 : vector<16xi32>
    %swap3A_792 = arith.constant 0 : i32
    %swap3A_793 = arith.index_cast %swap3A_792 : i32 to index
    %swap3A_794 = arith.constant 96 : index
    %swap3A_795 = tpu.vector_load %arg6[%swap3A_793, %swap3A_794] {strides = array<i32>} : memref<4x128xi32, #tpu.memory_space<vmem>>, vector<16xi32>,
    tpu.vector_store %arg6[%swap3A_793, %swap3A_794], %or3A_791 {strides = array<i32>} : memref<4x128xi32, #tpu.memory_space<vmem>>, vector<16xi32>,
    %get3A_796 = arith.constant 4 : i32
    %get3A_797 = arith.index_cast %get3A_796 : i32 to index
    %get3A_798 = arith.constant 112 : index
    %get3A_799 = tpu.vector_load %arg5[%get3A_797, %get3A_798] {strides = array<i32>} : memref<200x128xi32, #tpu.memory_space<vmem>>, vector<16xi32>,
    %shift_right_arithmetic3A_800 = arith.constant 12 : i32
    %shift_right_arithmetic3A_801 = vector.broadcast %shift_right_arithmetic3A_800 : i32 to vector<16xi32>
    %shift_right_arithmetic3A_802 = arith.shrsi %get3A_799, %shift_right_arithmetic3A_801 : vector<16xi32>
    %shift_left3A_803 = arith.constant 11 : i32
    %shift_left3A_804 = vector.broadcast %shift_left3A_803 : i32 to vector<16xi32>
    %shift_left3A_805 = arith.shli %shift_right_arithmetic3A_802, %shift_left3A_804 : vector<16xi32>
    %and3A_806 = arith.constant 2047 : i32
    %and3A_807 = vector.broadcast %and3A_806 : i32 to vector<16xi32>
    %and3A_808 = arith.andi %get3A_799, %and3A_807 : vector<16xi32>
    %or3A_809 = arith.ori %shift_left3A_805, %and3A_808 : vector<16xi32>
    %swap3A_810 = arith.constant 0 : i32
    %swap3A_811 = arith.index_cast %swap3A_810 : i32 to index
    %swap3A_812 = arith.constant 112 : index
    %swap3A_813 = tpu.vector_load %arg6[%swap3A_811, %swap3A_812] {strides = array<i32>} : memref<4x128xi32, #tpu.memory_space<vmem>>, vector<16xi32>,
    tpu.vector_store %arg6[%swap3A_811, %swap3A_812], %or3A_809 {strides = array<i32>} : memref<4x128xi32, #tpu.memory_space<vmem>>, vector<16xi32>,
    %dma_start3A_814 = arith.constant 0 : i32
    %dma_start3A_815 = arith.constant 0 : i32
    %dma_start3A_816 = arith.constant 0 : i32
    %dma_start3A_817 = arith.constant 0 : i32
    %dma_start3A_818 = arith.constant 0 : i32
    %dma_start3A_819 = tpu.memref_slice %arg7[%dma_start3A_815, %dma_start3A_817, %dma_start3A_818] : memref<4x128x128xf32, #tpu.memory_space<vmem>> -> memref<1x128x128xf32, #tpu.memory_space<vmem>>
    %dma_start3A_820 = tpu.memref_squeeze %dma_start3A_819 : memref<1x128x128xf32, #tpu.memory_space<vmem>> -> memref<128x128xf32, #tpu.memory_space<vmem>>
    %dma_start3A_821 = arith.constant 0 : i32
    %dma_start3A_822 = tpu.memref_slice %arg6[%dma_start3A_814, %dma_start3A_821] : memref<4x128xi32, #tpu.memory_space<vmem>> -> memref<1x128xi32, #tpu.memory_space<vmem>>
    %dma_start3A_823 = tpu.memref_squeeze %dma_start3A_822 : memref<1x128xi32, #tpu.memory_space<vmem>> -> memref<128xi32, #tpu.memory_space<vmem>>
    %dma_start3A_824 = arith.constant 0 : i32
    %dma_start3A_825 = arith.constant 0 : i32
    %dma_start3A_826 = tpu.memref_slice %arg3[%dma_start3A_824, %dma_start3A_825] : memref<501760x128xf32, #tpu.memory_space<hbm>> -> memref<501760x128xf32, #tpu.memory_space<hbm>>
    %dma_start3A_827 = tpu.memref_slice %arg9[%dma_start3A_816] : memref<4x!tpu.dma_semaphore, #tpu.memory_space<semaphore_mem>> -> memref<1x!tpu.dma_semaphore, #tpu.memory_space<semaphore_mem>>
    %dma_start3A_828 = tpu.memref_squeeze %dma_start3A_827 : memref<1x!tpu.dma_semaphore, #tpu.memory_space<semaphore_mem>> -> memref<!tpu.dma_semaphore, #tpu.memory_space<semaphore_mem>>
    tpu.enqueue_indirect_dma source(%dma_start3A_826 : memref<501760x128xf32, #tpu.memory_space<hbm>>) target(%dma_start3A_820 : memref<128x128xf32, #tpu.memory_space<vmem>>) offsets(%dma_start3A_823 : memref<128xi32, #tpu.memory_space<vmem>>) semaphore(%dma_start3A_828 : memref<!tpu.dma_semaphore, #tpu.memory_space<semaphore_mem>>)
    %dma_wait3A_829 = arith.constant 1 : i32
    %dma_wait3A_830 = arith.constant 1 : i32
    %dma_wait3A_831 = arith.constant 1 : i32
    %dma_wait3A_832 = arith.constant 0 : i32
    %dma_wait3A_833 = arith.constant 0 : i32
    %dma_wait3A_834 = tpu.memref_slice %arg7[%dma_wait3A_830, %dma_wait3A_832, %dma_wait3A_833] : memref<4x128x128xf32, #tpu.memory_space<vmem>> -> memref<1x128x128xf32, #tpu.memory_space<vmem>>
    %dma_wait3A_835 = tpu.memref_squeeze %dma_wait3A_834 : memref<1x128x128xf32, #tpu.memory_space<vmem>> -> memref<128x128xf32, #tpu.memory_space<vmem>>
    %dma_wait3A_836 = arith.constant 0 : i32
    %dma_wait3A_837 = tpu.memref_slice %arg6[%dma_wait3A_829, %dma_wait3A_836] : memref<4x128xi32, #tpu.memory_space<vmem>> -> memref<1x128xi32, #tpu.memory_space<vmem>>
    %dma_wait3A_838 = tpu.memref_squeeze %dma_wait3A_837 : memref<1x128xi32, #tpu.memory_space<vmem>> -> memref<128xi32, #tpu.memory_space<vmem>>
    %dma_wait3A_839 = arith.constant 0 : i32
    %dma_wait3A_840 = arith.constant 0 : i32
    %dma_wait3A_841 = tpu.memref_slice %arg3[%dma_wait3A_839, %dma_wait3A_840] : memref<501760x128xf32, #tpu.memory_space<hbm>> -> memref<501760x128xf32, #tpu.memory_space<hbm>>
    %dma_wait3A_842 = tpu.memref_slice %arg9[%dma_wait3A_831] : memref<4x!tpu.dma_semaphore, #tpu.memory_space<semaphore_mem>> -> memref<1x!tpu.dma_semaphore, #tpu.memory_space<semaphore_mem>>
    %dma_wait3A_843 = tpu.memref_squeeze %dma_wait3A_842 : memref<1x!tpu.dma_semaphore, #tpu.memory_space<semaphore_mem>> -> memref<!tpu.dma_semaphore, #tpu.memory_space<semaphore_mem>>
    tpu.wait_indirect_dma semaphore(%dma_wait3A_843 : memref<!tpu.dma_semaphore, #tpu.memory_space<semaphore_mem>>) src(%dma_wait3A_841 : memref<501760x128xf32, #tpu.memory_space<hbm>>) dst(%dma_wait3A_835 : memref<128x128xf32, #tpu.memory_space<vmem>>)
    %scan3A_844 = arith.constant 0 : i32
    %scan3A_845 = arith.constant 0 : i32
    %scan3A_846 = arith.constant 8 : i32
    %scan3A_847 = arith.addi %scan3A_845, %scan3A_846 : i32
    %scan3A_848 = arith.constant 1 : i32
    scf.for %scan3A_1744 = %scan3A_845 to %scan3A_847 step %scan3A_848  : i32 {
      %iota3A = tpu.iota {dimensions = array<i32: 0>} : vector<16xi32>
      %mul3A_1745 = arith.constant 16 : i32
      %mul3A_1746 = arith.muli %mul3A_1745, %scan3A_1744 : i32
      %add3A_1747 = vector.broadcast %mul3A_1746 : i32 to vector<16xi32>
      %add3A_1748 = arith.addi %iota3A, %add3A_1747 : vector<16xi32>
      %mul3A_1749 = arith.constant 16 : i32
      %mul3A_1750 = arith.muli %mul3A_1749, %scan3A_1744 : i32
      %get3A_1751 = arith.constant 1 : i32
      %get3A_1752 = arith.index_cast %get3A_1751 : i32 to index
      %get3A_1753 = arith.index_cast %mul3A_1750 : i32 to index
      %get3A_1754 = tpu.vector_load %arg5[%get3A_1752, %get3A_1753] {strides = array<i32>} : memref<200x128xi32, #tpu.memory_space<vmem>>, vector<16xi32>,
      %shift_right_arithmetic3A_1755 = arith.constant 5 : i32
      %shift_right_arithmetic3A_1756 = vector.broadcast %shift_right_arithmetic3A_1755 : i32 to vector<16xi32>
      %shift_right_arithmetic3A_1757 = arith.shrsi %get3A_1754, %shift_right_arithmetic3A_1756 : vector<16xi32>
      %and3A_1758 = arith.constant 64 : i32
      %and3A_1759 = vector.broadcast %and3A_1758 : i32 to vector<16xi32>
      %and3A_1760 = arith.andi %shift_right_arithmetic3A_1757, %and3A_1759 : vector<16xi32>
      %parallel_loop3A = arith.constant 0 : i32
      %parallel_loop3A_1761 = arith.constant 64 : i32
      %parallel_loop3A_1762 = arith.constant 1 : i32
      scf.for %parallel_loop3A_1763 = %parallel_loop3A to %parallel_loop3A_1761 step %parallel_loop3A_1762  : i32 {
        %parallel_loop3A_1764 = vector.broadcast %parallel_loop3A_1763 : i32 to vector<16xi32>
        %parallel_loop3A_1765 = arith.addi %and3A_1760, %parallel_loop3A_1764 : vector<16xi32>
        %parallel_loop3A_1766 = arith.constant 1 : i32
        %parallel_loop3A_1767 = arith.constant 0 : i32
        %parallel_loop3A_1768 = arith.constant 0 : i32
        %parallel_loop3A_1769 = tpu.memref_slice %arg7[%parallel_loop3A_1766, %parallel_loop3A_1767, %parallel_loop3A_1768] : memref<4x128x128xf32, #tpu.memory_space<vmem>> -> memref<1x128x128xf32, #tpu.memory_space<vmem>>
        %parallel_loop3A_1770 = tpu.memref_squeeze %parallel_loop3A_1769 : memref<1x128x128xf32, #tpu.memory_space<vmem>> -> memref<128x128xf32, #tpu.memory_space<vmem>>
        %parallel_loop3A_1771 = tpu.vector_load_idx %parallel_loop3A_1770[%add3A_1748, %parallel_loop3A_1765] : memref<128x128xf32, #tpu.memory_space<vmem>>[vector<16xi32>, vector<16xi32>], vector<16xf32>,
        %parallel_loop3A_1772 = arith.constant 16 : i32
        %parallel_loop3A_1773 = arith.muli %parallel_loop3A_1772, %scan3A_1744 : i32
        %parallel_loop3A_1774 = arith.constant 1 : i32
        %parallel_loop3A_1775 = arith.index_cast %parallel_loop3A_1774 : i32 to index
        %parallel_loop3A_1776 = arith.index_cast %parallel_loop3A_1763 : i32 to index
        %parallel_loop3A_1777 = arith.index_cast %parallel_loop3A_1773 : i32 to index
        %parallel_loop3A_1778 = tpu.vector_load %arg8[%parallel_loop3A_1775, %parallel_loop3A_1776, %parallel_loop3A_1777] {strides = array<i32>} : memref<4x64x128xf32, #tpu.memory_space<vmem>>, vector<16xf32>,
        tpu.vector_store %arg8[%parallel_loop3A_1775, %parallel_loop3A_1776, %parallel_loop3A_1777], %parallel_loop3A_1771 {strides = array<i32>} : memref<4x64x128xf32, #tpu.memory_space<vmem>>, vector<16xf32>,
      } {sc.loop_unroll_factor = 16 : i64, sc.parallel_access}
    }
    %scan3A_849 = arith.constant 8 : i32
    %dma_start3A_850 = arith.constant 1 : i32
    %dma_start3A_851 = arith.constant 1 : i32
    %dma_start3A_852 = arith.constant 1 : i32
    %dma_start3A_853 = arith.constant 0 : i32
    %dma_start3A_854 = arith.constant 0 : i32
    %dma_start3A_855 = tpu.memref_slice %arg8[%dma_start3A_850, %dma_start3A_853, %dma_start3A_854] : memref<4x64x128xf32, #tpu.memory_space<vmem>> -> memref<1x64x128xf32, #tpu.memory_space<vmem>>
    %dma_start3A_856 = tpu.memref_squeeze %dma_start3A_855 : memref<1x64x128xf32, #tpu.memory_space<vmem>> -> memref<64x128xf32, #tpu.memory_space<vmem>>
    %dma_start3A_857 = arith.constant 0 : i32
    %dma_start3A_858 = tpu.memref_slice %arg4[%dma_start3A_851, %dma_start3A_857, %mul3A_2] : memref<200x64x4096xf32, #tpu.memory_space<hbm>> -> memref<1x64x128xf32, #tpu.memory_space<hbm>>
    %dma_start3A_859 = tpu.memref_squeeze %dma_start3A_858 : memref<1x64x128xf32, #tpu.memory_space<hbm>> -> memref<64x128xf32, #tpu.memory_space<hbm>>
    %dma_start3A_860 = tpu.memref_slice %arg10[%dma_start3A_852] : memref<4x!tpu.dma_semaphore, #tpu.memory_space<semaphore_mem>> -> memref<1x!tpu.dma_semaphore, #tpu.memory_space<semaphore_mem>>
    %dma_start3A_861 = tpu.memref_squeeze %dma_start3A_860 : memref<1x!tpu.dma_semaphore, #tpu.memory_space<semaphore_mem>> -> memref<!tpu.dma_semaphore, #tpu.memory_space<semaphore_mem>>
    %dma_start3A_862 = arith.constant 0 : i32
    %dma_start3A_863 = tpu.memref_slice %arg4[%dma_start3A_851, %dma_start3A_862, %mul3A_2] : memref<200x64x4096xf32, #tpu.memory_space<hbm>> -> memref<1x64x128xf32, #tpu.memory_space<hbm>>
    %dma_start3A_864 = tpu.memref_squeeze %dma_start3A_863 : memref<1x64x128xf32, #tpu.memory_space<hbm>> -> memref<64x128xf32, #tpu.memory_space<hbm>>
    %dma_start3A_865 = arith.constant 0 : i32
    %dma_start3A_866 = arith.constant 0 : i32
    %dma_start3A_867 = tpu.memref_slice %arg8[%dma_start3A_850, %dma_start3A_865, %dma_start3A_866] : memref<4x64x128xf32, #tpu.memory_space<vmem>> -> memref<1x64x128xf32, #tpu.memory_space<vmem>>
    %dma_start3A_868 = tpu.memref_squeeze %dma_start3A_867 : memref<1x64x128xf32, #tpu.memory_space<vmem>> -> memref<64x128xf32, #tpu.memory_space<vmem>>
    tpu.enqueue_dma source(%dma_start3A_868 : memref<64x128xf32, #tpu.memory_space<vmem>>) target(%dma_start3A_864 : memref<64x128xf32, #tpu.memory_space<hbm>>) target_semaphore(%dma_start3A_861 : memref<!tpu.dma_semaphore, #tpu.memory_space<semaphore_mem>>)
    %get3A_869 = arith.constant 5 : i32
    %get3A_870 = arith.index_cast %get3A_869 : i32 to index
    %get3A_871 = arith.constant 0 : index
    %get3A_872 = tpu.vector_load %arg5[%get3A_870, %get3A_871] {strides = array<i32>} : memref<200x128xi32, #tpu.memory_space<vmem>>, vector<16xi32>,
    %shift_right_arithmetic3A_873 = arith.constant 12 : i32
    %shift_right_arithmetic3A_874 = vector.broadcast %shift_right_arithmetic3A_873 : i32 to vector<16xi32>
    %shift_right_arithmetic3A_875 = arith.shrsi %get3A_872, %shift_right_arithmetic3A_874 : vector<16xi32>
    %shift_left3A_876 = arith.constant 11 : i32
    %shift_left3A_877 = vector.broadcast %shift_left3A_876 : i32 to vector<16xi32>
    %shift_left3A_878 = arith.shli %shift_right_arithmetic3A_875, %shift_left3A_877 : vector<16xi32>
    %and3A_879 = arith.constant 2047 : i32
    %and3A_880 = vector.broadcast %and3A_879 : i32 to vector<16xi32>
    %and3A_881 = arith.andi %get3A_872, %and3A_880 : vector<16xi32>
    %or3A_882 = arith.ori %shift_left3A_878, %and3A_881 : vector<16xi32>
    %swap3A_883 = arith.constant 1 : i32
    %swap3A_884 = arith.index_cast %swap3A_883 : i32 to index
    %swap3A_885 = arith.constant 0 : index
    %swap3A_886 = tpu.vector_load %arg6[%swap3A_884, %swap3A_885] {strides = array<i32>} : memref<4x128xi32, #tpu.memory_space<vmem>>, vector<16xi32>,
    tpu.vector_store %arg6[%swap3A_884, %swap3A_885], %or3A_882 {strides = array<i32>} : memref<4x128xi32, #tpu.memory_space<vmem>>, vector<16xi32>,
    %get3A_887 = arith.constant 5 : i32
    %get3A_888 = arith.index_cast %get3A_887 : i32 to index
    %get3A_889 = arith.constant 16 : index
    %get3A_890 = tpu.vector_load %arg5[%get3A_888, %get3A_889] {strides = array<i32>} : memref<200x128xi32, #tpu.memory_space<vmem>>, vector<16xi32>,
    %shift_right_arithmetic3A_891 = arith.constant 12 : i32
    %shift_right_arithmetic3A_892 = vector.broadcast %shift_right_arithmetic3A_891 : i32 to vector<16xi32>
    %shift_right_arithmetic3A_893 = arith.shrsi %get3A_890, %shift_right_arithmetic3A_892 : vector<16xi32>
    %shift_left3A_894 = arith.constant 11 : i32
    %shift_left3A_895 = vector.broadcast %shift_left3A_894 : i32 to vector<16xi32>
    %shift_left3A_896 = arith.shli %shift_right_arithmetic3A_893, %shift_left3A_895 : vector<16xi32>
    %and3A_897 = arith.constant 2047 : i32
    %and3A_898 = vector.broadcast %and3A_897 : i32 to vector<16xi32>
    %and3A_899 = arith.andi %get3A_890, %and3A_898 : vector<16xi32>
    %or3A_900 = arith.ori %shift_left3A_896, %and3A_899 : vector<16xi32>
    %swap3A_901 = arith.constant 1 : i32
    %swap3A_902 = arith.index_cast %swap3A_901 : i32 to index
    %swap3A_903 = arith.constant 16 : index
    %swap3A_904 = tpu.vector_load %arg6[%swap3A_902, %swap3A_903] {strides = array<i32>} : memref<4x128xi32, #tpu.memory_space<vmem>>, vector<16xi32>,
    tpu.vector_store %arg6[%swap3A_902, %swap3A_903], %or3A_900 {strides = array<i32>} : memref<4x128xi32, #tpu.memory_space<vmem>>, vector<16xi32>,
    %get3A_905 = arith.constant 5 : i32
    %get3A_906 = arith.index_cast %get3A_905 : i32 to index
    %get3A_907 = arith.constant 32 : index
    %get3A_908 = tpu.vector_load %arg5[%get3A_906, %get3A_907] {strides = array<i32>} : memref<200x128xi32, #tpu.memory_space<vmem>>, vector<16xi32>,
    %shift_right_arithmetic3A_909 = arith.constant 12 : i32
    %shift_right_arithmetic3A_910 = vector.broadcast %shift_right_arithmetic3A_909 : i32 to vector<16xi32>
    %shift_right_arithmetic3A_911 = arith.shrsi %get3A_908, %shift_right_arithmetic3A_910 : vector<16xi32>
    %shift_left3A_912 = arith.constant 11 : i32
    %shift_left3A_913 = vector.broadcast %shift_left3A_912 : i32 to vector<16xi32>
    %shift_left3A_914 = arith.shli %shift_right_arithmetic3A_911, %shift_left3A_913 : vector<16xi32>
    %and3A_915 = arith.constant 2047 : i32
    %and3A_916 = vector.broadcast %and3A_915 : i32 to vector<16xi32>
    %and3A_917 = arith.andi %get3A_908, %and3A_916 : vector<16xi32>
    %or3A_918 = arith.ori %shift_left3A_914, %and3A_917 : vector<16xi32>
    %swap3A_919 = arith.constant 1 : i32
    %swap3A_920 = arith.index_cast %swap3A_919 : i32 to index
    %swap3A_921 = arith.constant 32 : index
    %swap3A_922 = tpu.vector_load %arg6[%swap3A_920, %swap3A_921] {strides = array<i32>} : memref<4x128xi32, #tpu.memory_space<vmem>>, vector<16xi32>,
    tpu.vector_store %arg6[%swap3A_920, %swap3A_921], %or3A_918 {strides = array<i32>} : memref<4x128xi32, #tpu.memory_space<vmem>>, vector<16xi32>,
    %get3A_923 = arith.constant 5 : i32
    %get3A_924 = arith.index_cast %get3A_923 : i32 to index
    %get3A_925 = arith.constant 48 : index
    %get3A_926 = tpu.vector_load %arg5[%get3A_924, %get3A_925] {strides = array<i32>} : memref<200x128xi32, #tpu.memory_space<vmem>>, vector<16xi32>,
    %shift_right_arithmetic3A_927 = arith.constant 12 : i32
    %shift_right_arithmetic3A_928 = vector.broadcast %shift_right_arithmetic3A_927 : i32 to vector<16xi32>
    %shift_right_arithmetic3A_929 = arith.shrsi %get3A_926, %shift_right_arithmetic3A_928 : vector<16xi32>
    %shift_left3A_930 = arith.constant 11 : i32
    %shift_left3A_931 = vector.broadcast %shift_left3A_930 : i32 to vector<16xi32>
    %shift_left3A_932 = arith.shli %shift_right_arithmetic3A_929, %shift_left3A_931 : vector<16xi32>
    %and3A_933 = arith.constant 2047 : i32
    %and3A_934 = vector.broadcast %and3A_933 : i32 to vector<16xi32>
    %and3A_935 = arith.andi %get3A_926, %and3A_934 : vector<16xi32>
    %or3A_936 = arith.ori %shift_left3A_932, %and3A_935 : vector<16xi32>
    %swap3A_937 = arith.constant 1 : i32
    %swap3A_938 = arith.index_cast %swap3A_937 : i32 to index
    %swap3A_939 = arith.constant 48 : index
    %swap3A_940 = tpu.vector_load %arg6[%swap3A_938, %swap3A_939] {strides = array<i32>} : memref<4x128xi32, #tpu.memory_space<vmem>>, vector<16xi32>,
    tpu.vector_store %arg6[%swap3A_938, %swap3A_939], %or3A_936 {strides = array<i32>} : memref<4x128xi32, #tpu.memory_space<vmem>>, vector<16xi32>,
    %get3A_941 = arith.constant 5 : i32
    %get3A_942 = arith.index_cast %get3A_941 : i32 to index
    %get3A_943 = arith.constant 64 : index
    %get3A_944 = tpu.vector_load %arg5[%get3A_942, %get3A_943] {strides = array<i32>} : memref<200x128xi32, #tpu.memory_space<vmem>>, vector<16xi32>,
    %shift_right_arithmetic3A_945 = arith.constant 12 : i32
    %shift_right_arithmetic3A_946 = vector.broadcast %shift_right_arithmetic3A_945 : i32 to vector<16xi32>
    %shift_right_arithmetic3A_947 = arith.shrsi %get3A_944, %shift_right_arithmetic3A_946 : vector<16xi32>
    %shift_left3A_948 = arith.constant 11 : i32
    %shift_left3A_949 = vector.broadcast %shift_left3A_948 : i32 to vector<16xi32>
    %shift_left3A_950 = arith.shli %shift_right_arithmetic3A_947, %shift_left3A_949 : vector<16xi32>
    %and3A_951 = arith.constant 2047 : i32
    %and3A_952 = vector.broadcast %and3A_951 : i32 to vector<16xi32>
    %and3A_953 = arith.andi %get3A_944, %and3A_952 : vector<16xi32>
    %or3A_954 = arith.ori %shift_left3A_950, %and3A_953 : vector<16xi32>
    %swap3A_955 = arith.constant 1 : i32
    %swap3A_956 = arith.index_cast %swap3A_955 : i32 to index
    %swap3A_957 = arith.constant 64 : index
    %swap3A_958 = tpu.vector_load %arg6[%swap3A_956, %swap3A_957] {strides = array<i32>} : memref<4x128xi32, #tpu.memory_space<vmem>>, vector<16xi32>,
    tpu.vector_store %arg6[%swap3A_956, %swap3A_957], %or3A_954 {strides = array<i32>} : memref<4x128xi32, #tpu.memory_space<vmem>>, vector<16xi32>,
    %get3A_959 = arith.constant 5 : i32
    %get3A_960 = arith.index_cast %get3A_959 : i32 to index
    %get3A_961 = arith.constant 80 : index
    %get3A_962 = tpu.vector_load %arg5[%get3A_960, %get3A_961] {strides = array<i32>} : memref<200x128xi32, #tpu.memory_space<vmem>>, vector<16xi32>,
    %shift_right_arithmetic3A_963 = arith.constant 12 : i32
    %shift_right_arithmetic3A_964 = vector.broadcast %shift_right_arithmetic3A_963 : i32 to vector<16xi32>
    %shift_right_arithmetic3A_965 = arith.shrsi %get3A_962, %shift_right_arithmetic3A_964 : vector<16xi32>
    %shift_left3A_966 = arith.constant 11 : i32
    %shift_left3A_967 = vector.broadcast %shift_left3A_966 : i32 to vector<16xi32>
    %shift_left3A_968 = arith.shli %shift_right_arithmetic3A_965, %shift_left3A_967 : vector<16xi32>
    %and3A_969 = arith.constant 2047 : i32
    %and3A_970 = vector.broadcast %and3A_969 : i32 to vector<16xi32>
    %and3A_971 = arith.andi %get3A_962, %and3A_970 : vector<16xi32>
    %or3A_972 = arith.ori %shift_left3A_968, %and3A_971 : vector<16xi32>
    %swap3A_973 = arith.constant 1 : i32
    %swap3A_974 = arith.index_cast %swap3A_973 : i32 to index
    %swap3A_975 = arith.constant 80 : index
    %swap3A_976 = tpu.vector_load %arg6[%swap3A_974, %swap3A_975] {strides = array<i32>} : memref<4x128xi32, #tpu.memory_space<vmem>>, vector<16xi32>,
    tpu.vector_store %arg6[%swap3A_974, %swap3A_975], %or3A_972 {strides = array<i32>} : memref<4x128xi32, #tpu.memory_space<vmem>>, vector<16xi32>,
    %get3A_977 = arith.constant 5 : i32
    %get3A_978 = arith.index_cast %get3A_977 : i32 to index
    %get3A_979 = arith.constant 96 : index
    %get3A_980 = tpu.vector_load %arg5[%get3A_978, %get3A_979] {strides = array<i32>} : memref<200x128xi32, #tpu.memory_space<vmem>>, vector<16xi32>,
    %shift_right_arithmetic3A_981 = arith.constant 12 : i32
    %shift_right_arithmetic3A_982 = vector.broadcast %shift_right_arithmetic3A_981 : i32 to vector<16xi32>
    %shift_right_arithmetic3A_983 = arith.shrsi %get3A_980, %shift_right_arithmetic3A_982 : vector<16xi32>
    %shift_left3A_984 = arith.constant 11 : i32
    %shift_left3A_985 = vector.broadcast %shift_left3A_984 : i32 to vector<16xi32>
    %shift_left3A_986 = arith.shli %shift_right_arithmetic3A_983, %shift_left3A_985 : vector<16xi32>
    %and3A_987 = arith.constant 2047 : i32
    %and3A_988 = vector.broadcast %and3A_987 : i32 to vector<16xi32>
    %and3A_989 = arith.andi %get3A_980, %and3A_988 : vector<16xi32>
    %or3A_990 = arith.ori %shift_left3A_986, %and3A_989 : vector<16xi32>
    %swap3A_991 = arith.constant 1 : i32
    %swap3A_992 = arith.index_cast %swap3A_991 : i32 to index
    %swap3A_993 = arith.constant 96 : index
    %swap3A_994 = tpu.vector_load %arg6[%swap3A_992, %swap3A_993] {strides = array<i32>} : memref<4x128xi32, #tpu.memory_space<vmem>>, vector<16xi32>,
    tpu.vector_store %arg6[%swap3A_992, %swap3A_993], %or3A_990 {strides = array<i32>} : memref<4x128xi32, #tpu.memory_space<vmem>>, vector<16xi32>,
    %get3A_995 = arith.constant 5 : i32
    %get3A_996 = arith.index_cast %get3A_995 : i32 to index
    %get3A_997 = arith.constant 112 : index
    %get3A_998 = tpu.vector_load %arg5[%get3A_996, %get3A_997] {strides = array<i32>} : memref<200x128xi32, #tpu.memory_space<vmem>>, vector<16xi32>,
    %shift_right_arithmetic3A_999 = arith.constant 12 : i32
    %shift_right_arithmetic3A_1000 = vector.broadcast %shift_right_arithmetic3A_999 : i32 to vector<16xi32>
    %shift_right_arithmetic3A_1001 = arith.shrsi %get3A_998, %shift_right_arithmetic3A_1000 : vector<16xi32>
    %shift_left3A_1002 = arith.constant 11 : i32
    %shift_left3A_1003 = vector.broadcast %shift_left3A_1002 : i32 to vector<16xi32>
    %shift_left3A_1004 = arith.shli %shift_right_arithmetic3A_1001, %shift_left3A_1003 : vector<16xi32>
    %and3A_1005 = arith.constant 2047 : i32
    %and3A_1006 = vector.broadcast %and3A_1005 : i32 to vector<16xi32>
    %and3A_1007 = arith.andi %get3A_998, %and3A_1006 : vector<16xi32>
    %or3A_1008 = arith.ori %shift_left3A_1004, %and3A_1007 : vector<16xi32>
    %swap3A_1009 = arith.constant 1 : i32
    %swap3A_1010 = arith.index_cast %swap3A_1009 : i32 to index
    %swap3A_1011 = arith.constant 112 : index
    %swap3A_1012 = tpu.vector_load %arg6[%swap3A_1010, %swap3A_1011] {strides = array<i32>} : memref<4x128xi32, #tpu.memory_space<vmem>>, vector<16xi32>,
    tpu.vector_store %arg6[%swap3A_1010, %swap3A_1011], %or3A_1008 {strides = array<i32>} : memref<4x128xi32, #tpu.memory_space<vmem>>, vector<16xi32>,
    %dma_start3A_1013 = arith.constant 1 : i32
    %dma_start3A_1014 = arith.constant 1 : i32
    %dma_start3A_1015 = arith.constant 1 : i32
    %dma_start3A_1016 = arith.constant 0 : i32
    %dma_start3A_1017 = arith.constant 0 : i32
    %dma_start3A_1018 = tpu.memref_slice %arg7[%dma_start3A_1014, %dma_start3A_1016, %dma_start3A_1017] : memref<4x128x128xf32, #tpu.memory_space<vmem>> -> memref<1x128x128xf32, #tpu.memory_space<vmem>>
    %dma_start3A_1019 = tpu.memref_squeeze %dma_start3A_1018 : memref<1x128x128xf32, #tpu.memory_space<vmem>> -> memref<128x128xf32, #tpu.memory_space<vmem>>
    %dma_start3A_1020 = arith.constant 0 : i32
    %dma_start3A_1021 = tpu.memref_slice %arg6[%dma_start3A_1013, %dma_start3A_1020] : memref<4x128xi32, #tpu.memory_space<vmem>> -> memref<1x128xi32, #tpu.memory_space<vmem>>
    %dma_start3A_1022 = tpu.memref_squeeze %dma_start3A_1021 : memref<1x128xi32, #tpu.memory_space<vmem>> -> memref<128xi32, #tpu.memory_space<vmem>>
    %dma_start3A_1023 = arith.constant 0 : i32
    %dma_start3A_1024 = arith.constant 0 : i32
    %dma_start3A_1025 = tpu.memref_slice %arg3[%dma_start3A_1023, %dma_start3A_1024] : memref<501760x128xf32, #tpu.memory_space<hbm>> -> memref<501760x128xf32, #tpu.memory_space<hbm>>
    %dma_start3A_1026 = tpu.memref_slice %arg9[%dma_start3A_1015] : memref<4x!tpu.dma_semaphore, #tpu.memory_space<semaphore_mem>> -> memref<1x!tpu.dma_semaphore, #tpu.memory_space<semaphore_mem>>
    %dma_start3A_1027 = tpu.memref_squeeze %dma_start3A_1026 : memref<1x!tpu.dma_semaphore, #tpu.memory_space<semaphore_mem>> -> memref<!tpu.dma_semaphore, #tpu.memory_space<semaphore_mem>>
    tpu.enqueue_indirect_dma source(%dma_start3A_1025 : memref<501760x128xf32, #tpu.memory_space<hbm>>) target(%dma_start3A_1019 : memref<128x128xf32, #tpu.memory_space<vmem>>) offsets(%dma_start3A_1022 : memref<128xi32, #tpu.memory_space<vmem>>) semaphore(%dma_start3A_1027 : memref<!tpu.dma_semaphore, #tpu.memory_space<semaphore_mem>>)
    %dma_wait3A_1028 = arith.constant 2 : i32
    %dma_wait3A_1029 = arith.constant 2 : i32
    %dma_wait3A_1030 = arith.constant 2 : i32
    %dma_wait3A_1031 = arith.constant 0 : i32
    %dma_wait3A_1032 = arith.constant 0 : i32
    %dma_wait3A_1033 = tpu.memref_slice %arg7[%dma_wait3A_1029, %dma_wait3A_1031, %dma_wait3A_1032] : memref<4x128x128xf32, #tpu.memory_space<vmem>> -> memref<1x128x128xf32, #tpu.memory_space<vmem>>
    %dma_wait3A_1034 = tpu.memref_squeeze %dma_wait3A_1033 : memref<1x128x128xf32, #tpu.memory_space<vmem>> -> memref<128x128xf32, #tpu.memory_space<vmem>>
    %dma_wait3A_1035 = arith.constant 0 : i32
    %dma_wait3A_1036 = tpu.memref_slice %arg6[%dma_wait3A_1028, %dma_wait3A_1035] : memref<4x128xi32, #tpu.memory_space<vmem>> -> memref<1x128xi32, #tpu.memory_space<vmem>>
    %dma_wait3A_1037 = tpu.memref_squeeze %dma_wait3A_1036 : memref<1x128xi32, #tpu.memory_space<vmem>> -> memref<128xi32, #tpu.memory_space<vmem>>
    %dma_wait3A_1038 = arith.constant 0 : i32
    %dma_wait3A_1039 = arith.constant 0 : i32
    %dma_wait3A_1040 = tpu.memref_slice %arg3[%dma_wait3A_1038, %dma_wait3A_1039] : memref<501760x128xf32, #tpu.memory_space<hbm>> -> memref<501760x128xf32, #tpu.memory_space<hbm>>
    %dma_wait3A_1041 = tpu.memref_slice %arg9[%dma_wait3A_1030] : memref<4x!tpu.dma_semaphore, #tpu.memory_space<semaphore_mem>> -> memref<1x!tpu.dma_semaphore, #tpu.memory_space<semaphore_mem>>
    %dma_wait3A_1042 = tpu.memref_squeeze %dma_wait3A_1041 : memref<1x!tpu.dma_semaphore, #tpu.memory_space<semaphore_mem>> -> memref<!tpu.dma_semaphore, #tpu.memory_space<semaphore_mem>>
    tpu.wait_indirect_dma semaphore(%dma_wait3A_1042 : memref<!tpu.dma_semaphore, #tpu.memory_space<semaphore_mem>>) src(%dma_wait3A_1040 : memref<501760x128xf32, #tpu.memory_space<hbm>>) dst(%dma_wait3A_1034 : memref<128x128xf32, #tpu.memory_space<vmem>>)
    %scan3A_1043 = arith.constant 0 : i32
    %scan3A_1044 = arith.constant 0 : i32
    %scan3A_1045 = arith.constant 8 : i32
    %scan3A_1046 = arith.addi %scan3A_1044, %scan3A_1045 : i32
    %scan3A_1047 = arith.constant 1 : i32
    scf.for %scan3A_1744 = %scan3A_1044 to %scan3A_1046 step %scan3A_1047  : i32 {
      %iota3A = tpu.iota {dimensions = array<i32: 0>} : vector<16xi32>
      %mul3A_1745 = arith.constant 16 : i32
      %mul3A_1746 = arith.muli %mul3A_1745, %scan3A_1744 : i32
      %add3A_1747 = vector.broadcast %mul3A_1746 : i32 to vector<16xi32>
      %add3A_1748 = arith.addi %iota3A, %add3A_1747 : vector<16xi32>
      %mul3A_1749 = arith.constant 16 : i32
      %mul3A_1750 = arith.muli %mul3A_1749, %scan3A_1744 : i32
      %get3A_1751 = arith.constant 2 : i32
      %get3A_1752 = arith.index_cast %get3A_1751 : i32 to index
      %get3A_1753 = arith.index_cast %mul3A_1750 : i32 to index
      %get3A_1754 = tpu.vector_load %arg5[%get3A_1752, %get3A_1753] {strides = array<i32>} : memref<200x128xi32, #tpu.memory_space<vmem>>, vector<16xi32>,
      %shift_right_arithmetic3A_1755 = arith.constant 5 : i32
      %shift_right_arithmetic3A_1756 = vector.broadcast %shift_right_arithmetic3A_1755 : i32 to vector<16xi32>
      %shift_right_arithmetic3A_1757 = arith.shrsi %get3A_1754, %shift_right_arithmetic3A_1756 : vector<16xi32>
      %and3A_1758 = arith.constant 64 : i32
      %and3A_1759 = vector.broadcast %and3A_1758 : i32 to vector<16xi32>
      %and3A_1760 = arith.andi %shift_right_arithmetic3A_1757, %and3A_1759 : vector<16xi32>
      %parallel_loop3A = arith.constant 0 : i32
      %parallel_loop3A_1761 = arith.constant 64 : i32
      %parallel_loop3A_1762 = arith.constant 1 : i32
      scf.for %parallel_loop3A_1763 = %parallel_loop3A to %parallel_loop3A_1761 step %parallel_loop3A_1762  : i32 {
        %parallel_loop3A_1764 = vector.broadcast %parallel_loop3A_1763 : i32 to vector<16xi32>
        %parallel_loop3A_1765 = arith.addi %and3A_1760, %parallel_loop3A_1764 : vector<16xi32>
        %parallel_loop3A_1766 = arith.constant 2 : i32
        %parallel_loop3A_1767 = arith.constant 0 : i32
        %parallel_loop3A_1768 = arith.constant 0 : i32
        %parallel_loop3A_1769 = tpu.memref_slice %arg7[%parallel_loop3A_1766, %parallel_loop3A_1767, %parallel_loop3A_1768] : memref<4x128x128xf32, #tpu.memory_space<vmem>> -> memref<1x128x128xf32, #tpu.memory_space<vmem>>
        %parallel_loop3A_1770 = tpu.memref_squeeze %parallel_loop3A_1769 : memref<1x128x128xf32, #tpu.memory_space<vmem>> -> memref<128x128xf32, #tpu.memory_space<vmem>>
        %parallel_loop3A_1771 = tpu.vector_load_idx %parallel_loop3A_1770[%add3A_1748, %parallel_loop3A_1765] : memref<128x128xf32, #tpu.memory_space<vmem>>[vector<16xi32>, vector<16xi32>], vector<16xf32>,
        %parallel_loop3A_1772 = arith.constant 16 : i32
        %parallel_loop3A_1773 = arith.muli %parallel_loop3A_1772, %scan3A_1744 : i32
        %parallel_loop3A_1774 = arith.constant 2 : i32
        %parallel_loop3A_1775 = arith.index_cast %parallel_loop3A_1774 : i32 to index
        %parallel_loop3A_1776 = arith.index_cast %parallel_loop3A_1763 : i32 to index
        %parallel_loop3A_1777 = arith.index_cast %parallel_loop3A_1773 : i32 to index
        %parallel_loop3A_1778 = tpu.vector_load %arg8[%parallel_loop3A_1775, %parallel_loop3A_1776, %parallel_loop3A_1777] {strides = array<i32>} : memref<4x64x128xf32, #tpu.memory_space<vmem>>, vector<16xf32>,
        tpu.vector_store %arg8[%parallel_loop3A_1775, %parallel_loop3A_1776, %parallel_loop3A_1777], %parallel_loop3A_1771 {strides = array<i32>} : memref<4x64x128xf32, #tpu.memory_space<vmem>>, vector<16xf32>,
      } {sc.loop_unroll_factor = 16 : i64, sc.parallel_access}
    }
    %scan3A_1048 = arith.constant 8 : i32
    %dma_start3A_1049 = arith.constant 2 : i32
    %dma_start3A_1050 = arith.constant 2 : i32
    %dma_start3A_1051 = arith.constant 2 : i32
    %dma_start3A_1052 = arith.constant 0 : i32
    %dma_start3A_1053 = arith.constant 0 : i32
    %dma_start3A_1054 = tpu.memref_slice %arg8[%dma_start3A_1049, %dma_start3A_1052, %dma_start3A_1053] : memref<4x64x128xf32, #tpu.memory_space<vmem>> -> memref<1x64x128xf32, #tpu.memory_space<vmem>>
    %dma_start3A_1055 = tpu.memref_squeeze %dma_start3A_1054 : memref<1x64x128xf32, #tpu.memory_space<vmem>> -> memref<64x128xf32, #tpu.memory_space<vmem>>
    %dma_start3A_1056 = arith.constant 0 : i32
    %dma_start3A_1057 = tpu.memref_slice %arg4[%dma_start3A_1050, %dma_start3A_1056, %mul3A_2] : memref<200x64x4096xf32, #tpu.memory_space<hbm>> -> memref<1x64x128xf32, #tpu.memory_space<hbm>>
    %dma_start3A_1058 = tpu.memref_squeeze %dma_start3A_1057 : memref<1x64x128xf32, #tpu.memory_space<hbm>> -> memref<64x128xf32, #tpu.memory_space<hbm>>
    %dma_start3A_1059 = tpu.memref_slice %arg10[%dma_start3A_1051] : memref<4x!tpu.dma_semaphore, #tpu.memory_space<semaphore_mem>> -> memref<1x!tpu.dma_semaphore, #tpu.memory_space<semaphore_mem>>
    %dma_start3A_1060 = tpu.memref_squeeze %dma_start3A_1059 : memref<1x!tpu.dma_semaphore, #tpu.memory_space<semaphore_mem>> -> memref<!tpu.dma_semaphore, #tpu.memory_space<semaphore_mem>>
    %dma_start3A_1061 = arith.constant 0 : i32
    %dma_start3A_1062 = tpu.memref_slice %arg4[%dma_start3A_1050, %dma_start3A_1061, %mul3A_2] : memref<200x64x4096xf32, #tpu.memory_space<hbm>> -> memref<1x64x128xf32, #tpu.memory_space<hbm>>
    %dma_start3A_1063 = tpu.memref_squeeze %dma_start3A_1062 : memref<1x64x128xf32, #tpu.memory_space<hbm>> -> memref<64x128xf32, #tpu.memory_space<hbm>>
    %dma_start3A_1064 = arith.constant 0 : i32
    %dma_start3A_1065 = arith.constant 0 : i32
    %dma_start3A_1066 = tpu.memref_slice %arg8[%dma_start3A_1049, %dma_start3A_1064, %dma_start3A_1065] : memref<4x64x128xf32, #tpu.memory_space<vmem>> -> memref<1x64x128xf32, #tpu.memory_space<vmem>>
    %dma_start3A_1067 = tpu.memref_squeeze %dma_start3A_1066 : memref<1x64x128xf32, #tpu.memory_space<vmem>> -> memref<64x128xf32, #tpu.memory_space<vmem>>
    tpu.enqueue_dma source(%dma_start3A_1067 : memref<64x128xf32, #tpu.memory_space<vmem>>) target(%dma_start3A_1063 : memref<64x128xf32, #tpu.memory_space<hbm>>) target_semaphore(%dma_start3A_1060 : memref<!tpu.dma_semaphore, #tpu.memory_space<semaphore_mem>>)
    %get3A_1068 = arith.constant 6 : i32
    %get3A_1069 = arith.index_cast %get3A_1068 : i32 to index
    %get3A_1070 = arith.constant 0 : index
    %get3A_1071 = tpu.vector_load %arg5[%get3A_1069, %get3A_1070] {strides = array<i32>} : memref<200x128xi32, #tpu.memory_space<vmem>>, vector<16xi32>,
    %shift_right_arithmetic3A_1072 = arith.constant 12 : i32
    %shift_right_arithmetic3A_1073 = vector.broadcast %shift_right_arithmetic3A_1072 : i32 to vector<16xi32>
    %shift_right_arithmetic3A_1074 = arith.shrsi %get3A_1071, %shift_right_arithmetic3A_1073 : vector<16xi32>
    %shift_left3A_1075 = arith.constant 11 : i32
    %shift_left3A_1076 = vector.broadcast %shift_left3A_1075 : i32 to vector<16xi32>
    %shift_left3A_1077 = arith.shli %shift_right_arithmetic3A_1074, %shift_left3A_1076 : vector<16xi32>
    %and3A_1078 = arith.constant 2047 : i32
    %and3A_1079 = vector.broadcast %and3A_1078 : i32 to vector<16xi32>
    %and3A_1080 = arith.andi %get3A_1071, %and3A_1079 : vector<16xi32>
    %or3A_1081 = arith.ori %shift_left3A_1077, %and3A_1080 : vector<16xi32>
    %swap3A_1082 = arith.constant 2 : i32
    %swap3A_1083 = arith.index_cast %swap3A_1082 : i32 to index
    %swap3A_1084 = arith.constant 0 : index
    %swap3A_1085 = tpu.vector_load %arg6[%swap3A_1083, %swap3A_1084] {strides = array<i32>} : memref<4x128xi32, #tpu.memory_space<vmem>>, vector<16xi32>,
    tpu.vector_store %arg6[%swap3A_1083, %swap3A_1084], %or3A_1081 {strides = array<i32>} : memref<4x128xi32, #tpu.memory_space<vmem>>, vector<16xi32>,
    %get3A_1086 = arith.constant 6 : i32
    %get3A_1087 = arith.index_cast %get3A_1086 : i32 to index
    %get3A_1088 = arith.constant 16 : index
    %get3A_1089 = tpu.vector_load %arg5[%get3A_1087, %get3A_1088] {strides = array<i32>} : memref<200x128xi32, #tpu.memory_space<vmem>>, vector<16xi32>,
    %shift_right_arithmetic3A_1090 = arith.constant 12 : i32
    %shift_right_arithmetic3A_1091 = vector.broadcast %shift_right_arithmetic3A_1090 : i32 to vector<16xi32>
    %shift_right_arithmetic3A_1092 = arith.shrsi %get3A_1089, %shift_right_arithmetic3A_1091 : vector<16xi32>
    %shift_left3A_1093 = arith.constant 11 : i32
    %shift_left3A_1094 = vector.broadcast %shift_left3A_1093 : i32 to vector<16xi32>
    %shift_left3A_1095 = arith.shli %shift_right_arithmetic3A_1092, %shift_left3A_1094 : vector<16xi32>
    %and3A_1096 = arith.constant 2047 : i32
    %and3A_1097 = vector.broadcast %and3A_1096 : i32 to vector<16xi32>
    %and3A_1098 = arith.andi %get3A_1089, %and3A_1097 : vector<16xi32>
    %or3A_1099 = arith.ori %shift_left3A_1095, %and3A_1098 : vector<16xi32>
    %swap3A_1100 = arith.constant 2 : i32
    %swap3A_1101 = arith.index_cast %swap3A_1100 : i32 to index
    %swap3A_1102 = arith.constant 16 : index
    %swap3A_1103 = tpu.vector_load %arg6[%swap3A_1101, %swap3A_1102] {strides = array<i32>} : memref<4x128xi32, #tpu.memory_space<vmem>>, vector<16xi32>,
    tpu.vector_store %arg6[%swap3A_1101, %swap3A_1102], %or3A_1099 {strides = array<i32>} : memref<4x128xi32, #tpu.memory_space<vmem>>, vector<16xi32>,
    %get3A_1104 = arith.constant 6 : i32
    %get3A_1105 = arith.index_cast %get3A_1104 : i32 to index
    %get3A_1106 = arith.constant 32 : index
    %get3A_1107 = tpu.vector_load %arg5[%get3A_1105, %get3A_1106] {strides = array<i32>} : memref<200x128xi32, #tpu.memory_space<vmem>>, vector<16xi32>,
    %shift_right_arithmetic3A_1108 = arith.constant 12 : i32
    %shift_right_arithmetic3A_1109 = vector.broadcast %shift_right_arithmetic3A_1108 : i32 to vector<16xi32>
    %shift_right_arithmetic3A_1110 = arith.shrsi %get3A_1107, %shift_right_arithmetic3A_1109 : vector<16xi32>
    %shift_left3A_1111 = arith.constant 11 : i32
    %shift_left3A_1112 = vector.broadcast %shift_left3A_1111 : i32 to vector<16xi32>
    %shift_left3A_1113 = arith.shli %shift_right_arithmetic3A_1110, %shift_left3A_1112 : vector<16xi32>
    %and3A_1114 = arith.constant 2047 : i32
    %and3A_1115 = vector.broadcast %and3A_1114 : i32 to vector<16xi32>
    %and3A_1116 = arith.andi %get3A_1107, %and3A_1115 : vector<16xi32>
    %or3A_1117 = arith.ori %shift_left3A_1113, %and3A_1116 : vector<16xi32>
    %swap3A_1118 = arith.constant 2 : i32
    %swap3A_1119 = arith.index_cast %swap3A_1118 : i32 to index
    %swap3A_1120 = arith.constant 32 : index
    %swap3A_1121 = tpu.vector_load %arg6[%swap3A_1119, %swap3A_1120] {strides = array<i32>} : memref<4x128xi32, #tpu.memory_space<vmem>>, vector<16xi32>,
    tpu.vector_store %arg6[%swap3A_1119, %swap3A_1120], %or3A_1117 {strides = array<i32>} : memref<4x128xi32, #tpu.memory_space<vmem>>, vector<16xi32>,
    %get3A_1122 = arith.constant 6 : i32
    %get3A_1123 = arith.index_cast %get3A_1122 : i32 to index
    %get3A_1124 = arith.constant 48 : index
    %get3A_1125 = tpu.vector_load %arg5[%get3A_1123, %get3A_1124] {strides = array<i32>} : memref<200x128xi32, #tpu.memory_space<vmem>>, vector<16xi32>,
    %shift_right_arithmetic3A_1126 = arith.constant 12 : i32
    %shift_right_arithmetic3A_1127 = vector.broadcast %shift_right_arithmetic3A_1126 : i32 to vector<16xi32>
    %shift_right_arithmetic3A_1128 = arith.shrsi %get3A_1125, %shift_right_arithmetic3A_1127 : vector<16xi32>
    %shift_left3A_1129 = arith.constant 11 : i32
    %shift_left3A_1130 = vector.broadcast %shift_left3A_1129 : i32 to vector<16xi32>
    %shift_left3A_1131 = arith.shli %shift_right_arithmetic3A_1128, %shift_left3A_1130 : vector<16xi32>
    %and3A_1132 = arith.constant 2047 : i32
    %and3A_1133 = vector.broadcast %and3A_1132 : i32 to vector<16xi32>
    %and3A_1134 = arith.andi %get3A_1125, %and3A_1133 : vector<16xi32>
    %or3A_1135 = arith.ori %shift_left3A_1131, %and3A_1134 : vector<16xi32>
    %swap3A_1136 = arith.constant 2 : i32
    %swap3A_1137 = arith.index_cast %swap3A_1136 : i32 to index
    %swap3A_1138 = arith.constant 48 : index
    %swap3A_1139 = tpu.vector_load %arg6[%swap3A_1137, %swap3A_1138] {strides = array<i32>} : memref<4x128xi32, #tpu.memory_space<vmem>>, vector<16xi32>,
    tpu.vector_store %arg6[%swap3A_1137, %swap3A_1138], %or3A_1135 {strides = array<i32>} : memref<4x128xi32, #tpu.memory_space<vmem>>, vector<16xi32>,
    %get3A_1140 = arith.constant 6 : i32
    %get3A_1141 = arith.index_cast %get3A_1140 : i32 to index
    %get3A_1142 = arith.constant 64 : index
    %get3A_1143 = tpu.vector_load %arg5[%get3A_1141, %get3A_1142] {strides = array<i32>} : memref<200x128xi32, #tpu.memory_space<vmem>>, vector<16xi32>,
    %shift_right_arithmetic3A_1144 = arith.constant 12 : i32
    %shift_right_arithmetic3A_1145 = vector.broadcast %shift_right_arithmetic3A_1144 : i32 to vector<16xi32>
    %shift_right_arithmetic3A_1146 = arith.shrsi %get3A_1143, %shift_right_arithmetic3A_1145 : vector<16xi32>
    %shift_left3A_1147 = arith.constant 11 : i32
    %shift_left3A_1148 = vector.broadcast %shift_left3A_1147 : i32 to vector<16xi32>
    %shift_left3A_1149 = arith.shli %shift_right_arithmetic3A_1146, %shift_left3A_1148 : vector<16xi32>
    %and3A_1150 = arith.constant 2047 : i32
    %and3A_1151 = vector.broadcast %and3A_1150 : i32 to vector<16xi32>
    %and3A_1152 = arith.andi %get3A_1143, %and3A_1151 : vector<16xi32>
    %or3A_1153 = arith.ori %shift_left3A_1149, %and3A_1152 : vector<16xi32>
    %swap3A_1154 = arith.constant 2 : i32
    %swap3A_1155 = arith.index_cast %swap3A_1154 : i32 to index
    %swap3A_1156 = arith.constant 64 : index
    %swap3A_1157 = tpu.vector_load %arg6[%swap3A_1155, %swap3A_1156] {strides = array<i32>} : memref<4x128xi32, #tpu.memory_space<vmem>>, vector<16xi32>,
    tpu.vector_store %arg6[%swap3A_1155, %swap3A_1156], %or3A_1153 {strides = array<i32>} : memref<4x128xi32, #tpu.memory_space<vmem>>, vector<16xi32>,
    %get3A_1158 = arith.constant 6 : i32
    %get3A_1159 = arith.index_cast %get3A_1158 : i32 to index
    %get3A_1160 = arith.constant 80 : index
    %get3A_1161 = tpu.vector_load %arg5[%get3A_1159, %get3A_1160] {strides = array<i32>} : memref<200x128xi32, #tpu.memory_space<vmem>>, vector<16xi32>,
    %shift_right_arithmetic3A_1162 = arith.constant 12 : i32
    %shift_right_arithmetic3A_1163 = vector.broadcast %shift_right_arithmetic3A_1162 : i32 to vector<16xi32>
    %shift_right_arithmetic3A_1164 = arith.shrsi %get3A_1161, %shift_right_arithmetic3A_1163 : vector<16xi32>
    %shift_left3A_1165 = arith.constant 11 : i32
    %shift_left3A_1166 = vector.broadcast %shift_left3A_1165 : i32 to vector<16xi32>
    %shift_left3A_1167 = arith.shli %shift_right_arithmetic3A_1164, %shift_left3A_1166 : vector<16xi32>
    %and3A_1168 = arith.constant 2047 : i32
    %and3A_1169 = vector.broadcast %and3A_1168 : i32 to vector<16xi32>
    %and3A_1170 = arith.andi %get3A_1161, %and3A_1169 : vector<16xi32>
    %or3A_1171 = arith.ori %shift_left3A_1167, %and3A_1170 : vector<16xi32>
    %swap3A_1172 = arith.constant 2 : i32
    %swap3A_1173 = arith.index_cast %swap3A_1172 : i32 to index
    %swap3A_1174 = arith.constant 80 : index
    %swap3A_1175 = tpu.vector_load %arg6[%swap3A_1173, %swap3A_1174] {strides = array<i32>} : memref<4x128xi32, #tpu.memory_space<vmem>>, vector<16xi32>,
    tpu.vector_store %arg6[%swap3A_1173, %swap3A_1174], %or3A_1171 {strides = array<i32>} : memref<4x128xi32, #tpu.memory_space<vmem>>, vector<16xi32>,
    %get3A_1176 = arith.constant 6 : i32
    %get3A_1177 = arith.index_cast %get3A_1176 : i32 to index
    %get3A_1178 = arith.constant 96 : index
    %get3A_1179 = tpu.vector_load %arg5[%get3A_1177, %get3A_1178] {strides = array<i32>} : memref<200x128xi32, #tpu.memory_space<vmem>>, vector<16xi32>,
    %shift_right_arithmetic3A_1180 = arith.constant 12 : i32
    %shift_right_arithmetic3A_1181 = vector.broadcast %shift_right_arithmetic3A_1180 : i32 to vector<16xi32>
    %shift_right_arithmetic3A_1182 = arith.shrsi %get3A_1179, %shift_right_arithmetic3A_1181 : vector<16xi32>
    %shift_left3A_1183 = arith.constant 11 : i32
    %shift_left3A_1184 = vector.broadcast %shift_left3A_1183 : i32 to vector<16xi32>
    %shift_left3A_1185 = arith.shli %shift_right_arithmetic3A_1182, %shift_left3A_1184 : vector<16xi32>
    %and3A_1186 = arith.constant 2047 : i32
    %and3A_1187 = vector.broadcast %and3A_1186 : i32 to vector<16xi32>
    %and3A_1188 = arith.andi %get3A_1179, %and3A_1187 : vector<16xi32>
    %or3A_1189 = arith.ori %shift_left3A_1185, %and3A_1188 : vector<16xi32>
    %swap3A_1190 = arith.constant 2 : i32
    %swap3A_1191 = arith.index_cast %swap3A_1190 : i32 to index
    %swap3A_1192 = arith.constant 96 : index
    %swap3A_1193 = tpu.vector_load %arg6[%swap3A_1191, %swap3A_1192] {strides = array<i32>} : memref<4x128xi32, #tpu.memory_space<vmem>>, vector<16xi32>,
    tpu.vector_store %arg6[%swap3A_1191, %swap3A_1192], %or3A_1189 {strides = array<i32>} : memref<4x128xi32, #tpu.memory_space<vmem>>, vector<16xi32>,
    %get3A_1194 = arith.constant 6 : i32
    %get3A_1195 = arith.index_cast %get3A_1194 : i32 to index
    %get3A_1196 = arith.constant 112 : index
    %get3A_1197 = tpu.vector_load %arg5[%get3A_1195, %get3A_1196] {strides = array<i32>} : memref<200x128xi32, #tpu.memory_space<vmem>>, vector<16xi32>,
    %shift_right_arithmetic3A_1198 = arith.constant 12 : i32
    %shift_right_arithmetic3A_1199 = vector.broadcast %shift_right_arithmetic3A_1198 : i32 to vector<16xi32>
    %shift_right_arithmetic3A_1200 = arith.shrsi %get3A_1197, %shift_right_arithmetic3A_1199 : vector<16xi32>
    %shift_left3A_1201 = arith.constant 11 : i32
    %shift_left3A_1202 = vector.broadcast %shift_left3A_1201 : i32 to vector<16xi32>
    %shift_left3A_1203 = arith.shli %shift_right_arithmetic3A_1200, %shift_left3A_1202 : vector<16xi32>
    %and3A_1204 = arith.constant 2047 : i32
    %and3A_1205 = vector.broadcast %and3A_1204 : i32 to vector<16xi32>
    %and3A_1206 = arith.andi %get3A_1197, %and3A_1205 : vector<16xi32>
    %or3A_1207 = arith.ori %shift_left3A_1203, %and3A_1206 : vector<16xi32>
    %swap3A_1208 = arith.constant 2 : i32
    %swap3A_1209 = arith.index_cast %swap3A_1208 : i32 to index
    %swap3A_1210 = arith.constant 112 : index
    %swap3A_1211 = tpu.vector_load %arg6[%swap3A_1209, %swap3A_1210] {strides = array<i32>} : memref<4x128xi32, #tpu.memory_space<vmem>>, vector<16xi32>,
    tpu.vector_store %arg6[%swap3A_1209, %swap3A_1210], %or3A_1207 {strides = array<i32>} : memref<4x128xi32, #tpu.memory_space<vmem>>, vector<16xi32>,
    %dma_start3A_1212 = arith.constant 2 : i32
    %dma_start3A_1213 = arith.constant 2 : i32
    %dma_start3A_1214 = arith.constant 2 : i32
    %dma_start3A_1215 = arith.constant 0 : i32
    %dma_start3A_1216 = arith.constant 0 : i32
    %dma_start3A_1217 = tpu.memref_slice %arg7[%dma_start3A_1213, %dma_start3A_1215, %dma_start3A_1216] : memref<4x128x128xf32, #tpu.memory_space<vmem>> -> memref<1x128x128xf32, #tpu.memory_space<vmem>>
    %dma_start3A_1218 = tpu.memref_squeeze %dma_start3A_1217 : memref<1x128x128xf32, #tpu.memory_space<vmem>> -> memref<128x128xf32, #tpu.memory_space<vmem>>
    %dma_start3A_1219 = arith.constant 0 : i32
    %dma_start3A_1220 = tpu.memref_slice %arg6[%dma_start3A_1212, %dma_start3A_1219] : memref<4x128xi32, #tpu.memory_space<vmem>> -> memref<1x128xi32, #tpu.memory_space<vmem>>
    %dma_start3A_1221 = tpu.memref_squeeze %dma_start3A_1220 : memref<1x128xi32, #tpu.memory_space<vmem>> -> memref<128xi32, #tpu.memory_space<vmem>>
    %dma_start3A_1222 = arith.constant 0 : i32
    %dma_start3A_1223 = arith.constant 0 : i32
    %dma_start3A_1224 = tpu.memref_slice %arg3[%dma_start3A_1222, %dma_start3A_1223] : memref<501760x128xf32, #tpu.memory_space<hbm>> -> memref<501760x128xf32, #tpu.memory_space<hbm>>
    %dma_start3A_1225 = tpu.memref_slice %arg9[%dma_start3A_1214] : memref<4x!tpu.dma_semaphore, #tpu.memory_space<semaphore_mem>> -> memref<1x!tpu.dma_semaphore, #tpu.memory_space<semaphore_mem>>
    %dma_start3A_1226 = tpu.memref_squeeze %dma_start3A_1225 : memref<1x!tpu.dma_semaphore, #tpu.memory_space<semaphore_mem>> -> memref<!tpu.dma_semaphore, #tpu.memory_space<semaphore_mem>>
    tpu.enqueue_indirect_dma source(%dma_start3A_1224 : memref<501760x128xf32, #tpu.memory_space<hbm>>) target(%dma_start3A_1218 : memref<128x128xf32, #tpu.memory_space<vmem>>) offsets(%dma_start3A_1221 : memref<128xi32, #tpu.memory_space<vmem>>) semaphore(%dma_start3A_1226 : memref<!tpu.dma_semaphore, #tpu.memory_space<semaphore_mem>>)
    %dma_wait3A_1227 = arith.constant 3 : i32
    %dma_wait3A_1228 = arith.constant 3 : i32
    %dma_wait3A_1229 = arith.constant 3 : i32
    %dma_wait3A_1230 = arith.constant 0 : i32
    %dma_wait3A_1231 = arith.constant 0 : i32
    %dma_wait3A_1232 = tpu.memref_slice %arg7[%dma_wait3A_1228, %dma_wait3A_1230, %dma_wait3A_1231] : memref<4x128x128xf32, #tpu.memory_space<vmem>> -> memref<1x128x128xf32, #tpu.memory_space<vmem>>
    %dma_wait3A_1233 = tpu.memref_squeeze %dma_wait3A_1232 : memref<1x128x128xf32, #tpu.memory_space<vmem>> -> memref<128x128xf32, #tpu.memory_space<vmem>>
    %dma_wait3A_1234 = arith.constant 0 : i32
    %dma_wait3A_1235 = tpu.memref_slice %arg6[%dma_wait3A_1227, %dma_wait3A_1234] : memref<4x128xi32, #tpu.memory_space<vmem>> -> memref<1x128xi32, #tpu.memory_space<vmem>>
    %dma_wait3A_1236 = tpu.memref_squeeze %dma_wait3A_1235 : memref<1x128xi32, #tpu.memory_space<vmem>> -> memref<128xi32, #tpu.memory_space<vmem>>
    %dma_wait3A_1237 = arith.constant 0 : i32
    %dma_wait3A_1238 = arith.constant 0 : i32
    %dma_wait3A_1239 = tpu.memref_slice %arg3[%dma_wait3A_1237, %dma_wait3A_1238] : memref<501760x128xf32, #tpu.memory_space<hbm>> -> memref<501760x128xf32, #tpu.memory_space<hbm>>
    %dma_wait3A_1240 = tpu.memref_slice %arg9[%dma_wait3A_1229] : memref<4x!tpu.dma_semaphore, #tpu.memory_space<semaphore_mem>> -> memref<1x!tpu.dma_semaphore, #tpu.memory_space<semaphore_mem>>
    %dma_wait3A_1241 = tpu.memref_squeeze %dma_wait3A_1240 : memref<1x!tpu.dma_semaphore, #tpu.memory_space<semaphore_mem>> -> memref<!tpu.dma_semaphore, #tpu.memory_space<semaphore_mem>>
    tpu.wait_indirect_dma semaphore(%dma_wait3A_1241 : memref<!tpu.dma_semaphore, #tpu.memory_space<semaphore_mem>>) src(%dma_wait3A_1239 : memref<501760x128xf32, #tpu.memory_space<hbm>>) dst(%dma_wait3A_1233 : memref<128x128xf32, #tpu.memory_space<vmem>>)
    %scan3A_1242 = arith.constant 0 : i32
    %scan3A_1243 = arith.constant 0 : i32
    %scan3A_1244 = arith.constant 8 : i32
    %scan3A_1245 = arith.addi %scan3A_1243, %scan3A_1244 : i32
    %scan3A_1246 = arith.constant 1 : i32
    scf.for %scan3A_1744 = %scan3A_1243 to %scan3A_1245 step %scan3A_1246  : i32 {
      %iota3A = tpu.iota {dimensions = array<i32: 0>} : vector<16xi32>
      %mul3A_1745 = arith.constant 16 : i32
      %mul3A_1746 = arith.muli %mul3A_1745, %scan3A_1744 : i32
      %add3A_1747 = vector.broadcast %mul3A_1746 : i32 to vector<16xi32>
      %add3A_1748 = arith.addi %iota3A, %add3A_1747 : vector<16xi32>
      %mul3A_1749 = arith.constant 16 : i32
      %mul3A_1750 = arith.muli %mul3A_1749, %scan3A_1744 : i32
      %get3A_1751 = arith.constant 3 : i32
      %get3A_1752 = arith.index_cast %get3A_1751 : i32 to index
      %get3A_1753 = arith.index_cast %mul3A_1750 : i32 to index
      %get3A_1754 = tpu.vector_load %arg5[%get3A_1752, %get3A_1753] {strides = array<i32>} : memref<200x128xi32, #tpu.memory_space<vmem>>, vector<16xi32>,
      %shift_right_arithmetic3A_1755 = arith.constant 5 : i32
      %shift_right_arithmetic3A_1756 = vector.broadcast %shift_right_arithmetic3A_1755 : i32 to vector<16xi32>
      %shift_right_arithmetic3A_1757 = arith.shrsi %get3A_1754, %shift_right_arithmetic3A_1756 : vector<16xi32>
      %and3A_1758 = arith.constant 64 : i32
      %and3A_1759 = vector.broadcast %and3A_1758 : i32 to vector<16xi32>
      %and3A_1760 = arith.andi %shift_right_arithmetic3A_1757, %and3A_1759 : vector<16xi32>
      %parallel_loop3A = arith.constant 0 : i32
      %parallel_loop3A_1761 = arith.constant 64 : i32
      %parallel_loop3A_1762 = arith.constant 1 : i32
      scf.for %parallel_loop3A_1763 = %parallel_loop3A to %parallel_loop3A_1761 step %parallel_loop3A_1762  : i32 {
        %parallel_loop3A_1764 = vector.broadcast %parallel_loop3A_1763 : i32 to vector<16xi32>
        %parallel_loop3A_1765 = arith.addi %and3A_1760, %parallel_loop3A_1764 : vector<16xi32>
        %parallel_loop3A_1766 = arith.constant 3 : i32
        %parallel_loop3A_1767 = arith.constant 0 : i32
        %parallel_loop3A_1768 = arith.constant 0 : i32
        %parallel_loop3A_1769 = tpu.memref_slice %arg7[%parallel_loop3A_1766, %parallel_loop3A_1767, %parallel_loop3A_1768] : memref<4x128x128xf32, #tpu.memory_space<vmem>> -> memref<1x128x128xf32, #tpu.memory_space<vmem>>
        %parallel_loop3A_1770 = tpu.memref_squeeze %parallel_loop3A_1769 : memref<1x128x128xf32, #tpu.memory_space<vmem>> -> memref<128x128xf32, #tpu.memory_space<vmem>>
        %parallel_loop3A_1771 = tpu.vector_load_idx %parallel_loop3A_1770[%add3A_1748, %parallel_loop3A_1765] : memref<128x128xf32, #tpu.memory_space<vmem>>[vector<16xi32>, vector<16xi32>], vector<16xf32>,
        %parallel_loop3A_1772 = arith.constant 16 : i32
        %parallel_loop3A_1773 = arith.muli %parallel_loop3A_1772, %scan3A_1744 : i32
        %parallel_loop3A_1774 = arith.constant 3 : i32
        %parallel_loop3A_1775 = arith.index_cast %parallel_loop3A_1774 : i32 to index
        %parallel_loop3A_1776 = arith.index_cast %parallel_loop3A_1763 : i32 to index
        %parallel_loop3A_1777 = arith.index_cast %parallel_loop3A_1773 : i32 to index
        %parallel_loop3A_1778 = tpu.vector_load %arg8[%parallel_loop3A_1775, %parallel_loop3A_1776, %parallel_loop3A_1777] {strides = array<i32>} : memref<4x64x128xf32, #tpu.memory_space<vmem>>, vector<16xf32>,
        tpu.vector_store %arg8[%parallel_loop3A_1775, %parallel_loop3A_1776, %parallel_loop3A_1777], %parallel_loop3A_1771 {strides = array<i32>} : memref<4x64x128xf32, #tpu.memory_space<vmem>>, vector<16xf32>,
      } {sc.loop_unroll_factor = 16 : i64, sc.parallel_access}
    }
    %scan3A_1247 = arith.constant 8 : i32
    %dma_start3A_1248 = arith.constant 3 : i32
    %dma_start3A_1249 = arith.constant 3 : i32
    %dma_start3A_1250 = arith.constant 3 : i32
    %dma_start3A_1251 = arith.constant 0 : i32
    %dma_start3A_1252 = arith.constant 0 : i32
    %dma_start3A_1253 = tpu.memref_slice %arg8[%dma_start3A_1248, %dma_start3A_1251, %dma_start3A_1252] : memref<4x64x128xf32, #tpu.memory_space<vmem>> -> memref<1x64x128xf32, #tpu.memory_space<vmem>>
    %dma_start3A_1254 = tpu.memref_squeeze %dma_start3A_1253 : memref<1x64x128xf32, #tpu.memory_space<vmem>> -> memref<64x128xf32, #tpu.memory_space<vmem>>
    %dma_start3A_1255 = arith.constant 0 : i32
    %dma_start3A_1256 = tpu.memref_slice %arg4[%dma_start3A_1249, %dma_start3A_1255, %mul3A_2] : memref<200x64x4096xf32, #tpu.memory_space<hbm>> -> memref<1x64x128xf32, #tpu.memory_space<hbm>>
    %dma_start3A_1257 = tpu.memref_squeeze %dma_start3A_1256 : memref<1x64x128xf32, #tpu.memory_space<hbm>> -> memref<64x128xf32, #tpu.memory_space<hbm>>
    %dma_start3A_1258 = tpu.memref_slice %arg10[%dma_start3A_1250] : memref<4x!tpu.dma_semaphore, #tpu.memory_space<semaphore_mem>> -> memref<1x!tpu.dma_semaphore, #tpu.memory_space<semaphore_mem>>
    %dma_start3A_1259 = tpu.memref_squeeze %dma_start3A_1258 : memref<1x!tpu.dma_semaphore, #tpu.memory_space<semaphore_mem>> -> memref<!tpu.dma_semaphore, #tpu.memory_space<semaphore_mem>>
    %dma_start3A_1260 = arith.constant 0 : i32
    %dma_start3A_1261 = tpu.memref_slice %arg4[%dma_start3A_1249, %dma_start3A_1260, %mul3A_2] : memref<200x64x4096xf32, #tpu.memory_space<hbm>> -> memref<1x64x128xf32, #tpu.memory_space<hbm>>
    %dma_start3A_1262 = tpu.memref_squeeze %dma_start3A_1261 : memref<1x64x128xf32, #tpu.memory_space<hbm>> -> memref<64x128xf32, #tpu.memory_space<hbm>>
    %dma_start3A_1263 = arith.constant 0 : i32
    %dma_start3A_1264 = arith.constant 0 : i32
    %dma_start3A_1265 = tpu.memref_slice %arg8[%dma_start3A_1248, %dma_start3A_1263, %dma_start3A_1264] : memref<4x64x128xf32, #tpu.memory_space<vmem>> -> memref<1x64x128xf32, #tpu.memory_space<vmem>>
    %dma_start3A_1266 = tpu.memref_squeeze %dma_start3A_1265 : memref<1x64x128xf32, #tpu.memory_space<vmem>> -> memref<64x128xf32, #tpu.memory_space<vmem>>
    tpu.enqueue_dma source(%dma_start3A_1266 : memref<64x128xf32, #tpu.memory_space<vmem>>) target(%dma_start3A_1262 : memref<64x128xf32, #tpu.memory_space<hbm>>) target_semaphore(%dma_start3A_1259 : memref<!tpu.dma_semaphore, #tpu.memory_space<semaphore_mem>>)
    %get3A_1267 = arith.constant 7 : i32
    %get3A_1268 = arith.index_cast %get3A_1267 : i32 to index
    %get3A_1269 = arith.constant 0 : index
    %get3A_1270 = tpu.vector_load %arg5[%get3A_1268, %get3A_1269] {strides = array<i32>} : memref<200x128xi32, #tpu.memory_space<vmem>>, vector<16xi32>,
    %shift_right_arithmetic3A_1271 = arith.constant 12 : i32
    %shift_right_arithmetic3A_1272 = vector.broadcast %shift_right_arithmetic3A_1271 : i32 to vector<16xi32>
    %shift_right_arithmetic3A_1273 = arith.shrsi %get3A_1270, %shift_right_arithmetic3A_1272 : vector<16xi32>
    %shift_left3A_1274 = arith.constant 11 : i32
    %shift_left3A_1275 = vector.broadcast %shift_left3A_1274 : i32 to vector<16xi32>
    %shift_left3A_1276 = arith.shli %shift_right_arithmetic3A_1273, %shift_left3A_1275 : vector<16xi32>
    %and3A_1277 = arith.constant 2047 : i32
    %and3A_1278 = vector.broadcast %and3A_1277 : i32 to vector<16xi32>
    %and3A_1279 = arith.andi %get3A_1270, %and3A_1278 : vector<16xi32>
    %or3A_1280 = arith.ori %shift_left3A_1276, %and3A_1279 : vector<16xi32>
    %swap3A_1281 = arith.constant 3 : i32
    %swap3A_1282 = arith.index_cast %swap3A_1281 : i32 to index
    %swap3A_1283 = arith.constant 0 : index
    %swap3A_1284 = tpu.vector_load %arg6[%swap3A_1282, %swap3A_1283] {strides = array<i32>} : memref<4x128xi32, #tpu.memory_space<vmem>>, vector<16xi32>,
    tpu.vector_store %arg6[%swap3A_1282, %swap3A_1283], %or3A_1280 {strides = array<i32>} : memref<4x128xi32, #tpu.memory_space<vmem>>, vector<16xi32>,
    %get3A_1285 = arith.constant 7 : i32
    %get3A_1286 = arith.index_cast %get3A_1285 : i32 to index
    %get3A_1287 = arith.constant 16 : index
    %get3A_1288 = tpu.vector_load %arg5[%get3A_1286, %get3A_1287] {strides = array<i32>} : memref<200x128xi32, #tpu.memory_space<vmem>>, vector<16xi32>,
    %shift_right_arithmetic3A_1289 = arith.constant 12 : i32
    %shift_right_arithmetic3A_1290 = vector.broadcast %shift_right_arithmetic3A_1289 : i32 to vector<16xi32>
    %shift_right_arithmetic3A_1291 = arith.shrsi %get3A_1288, %shift_right_arithmetic3A_1290 : vector<16xi32>
    %shift_left3A_1292 = arith.constant 11 : i32
    %shift_left3A_1293 = vector.broadcast %shift_left3A_1292 : i32 to vector<16xi32>
    %shift_left3A_1294 = arith.shli %shift_right_arithmetic3A_1291, %shift_left3A_1293 : vector<16xi32>
    %and3A_1295 = arith.constant 2047 : i32
    %and3A_1296 = vector.broadcast %and3A_1295 : i32 to vector<16xi32>
    %and3A_1297 = arith.andi %get3A_1288, %and3A_1296 : vector<16xi32>
    %or3A_1298 = arith.ori %shift_left3A_1294, %and3A_1297 : vector<16xi32>
    %swap3A_1299 = arith.constant 3 : i32
    %swap3A_1300 = arith.index_cast %swap3A_1299 : i32 to index
    %swap3A_1301 = arith.constant 16 : index
    %swap3A_1302 = tpu.vector_load %arg6[%swap3A_1300, %swap3A_1301] {strides = array<i32>} : memref<4x128xi32, #tpu.memory_space<vmem>>, vector<16xi32>,
    tpu.vector_store %arg6[%swap3A_1300, %swap3A_1301], %or3A_1298 {strides = array<i32>} : memref<4x128xi32, #tpu.memory_space<vmem>>, vector<16xi32>,
    %get3A_1303 = arith.constant 7 : i32
    %get3A_1304 = arith.index_cast %get3A_1303 : i32 to index
    %get3A_1305 = arith.constant 32 : index
    %get3A_1306 = tpu.vector_load %arg5[%get3A_1304, %get3A_1305] {strides = array<i32>} : memref<200x128xi32, #tpu.memory_space<vmem>>, vector<16xi32>,
    %shift_right_arithmetic3A_1307 = arith.constant 12 : i32
    %shift_right_arithmetic3A_1308 = vector.broadcast %shift_right_arithmetic3A_1307 : i32 to vector<16xi32>
    %shift_right_arithmetic3A_1309 = arith.shrsi %get3A_1306, %shift_right_arithmetic3A_1308 : vector<16xi32>
    %shift_left3A_1310 = arith.constant 11 : i32
    %shift_left3A_1311 = vector.broadcast %shift_left3A_1310 : i32 to vector<16xi32>
    %shift_left3A_1312 = arith.shli %shift_right_arithmetic3A_1309, %shift_left3A_1311 : vector<16xi32>
    %and3A_1313 = arith.constant 2047 : i32
    %and3A_1314 = vector.broadcast %and3A_1313 : i32 to vector<16xi32>
    %and3A_1315 = arith.andi %get3A_1306, %and3A_1314 : vector<16xi32>
    %or3A_1316 = arith.ori %shift_left3A_1312, %and3A_1315 : vector<16xi32>
    %swap3A_1317 = arith.constant 3 : i32
    %swap3A_1318 = arith.index_cast %swap3A_1317 : i32 to index
    %swap3A_1319 = arith.constant 32 : index
    %swap3A_1320 = tpu.vector_load %arg6[%swap3A_1318, %swap3A_1319] {strides = array<i32>} : memref<4x128xi32, #tpu.memory_space<vmem>>, vector<16xi32>,
    tpu.vector_store %arg6[%swap3A_1318, %swap3A_1319], %or3A_1316 {strides = array<i32>} : memref<4x128xi32, #tpu.memory_space<vmem>>, vector<16xi32>,
    %get3A_1321 = arith.constant 7 : i32
    %get3A_1322 = arith.index_cast %get3A_1321 : i32 to index
    %get3A_1323 = arith.constant 48 : index
    %get3A_1324 = tpu.vector_load %arg5[%get3A_1322, %get3A_1323] {strides = array<i32>} : memref<200x128xi32, #tpu.memory_space<vmem>>, vector<16xi32>,
    %shift_right_arithmetic3A_1325 = arith.constant 12 : i32
    %shift_right_arithmetic3A_1326 = vector.broadcast %shift_right_arithmetic3A_1325 : i32 to vector<16xi32>
    %shift_right_arithmetic3A_1327 = arith.shrsi %get3A_1324, %shift_right_arithmetic3A_1326 : vector<16xi32>
    %shift_left3A_1328 = arith.constant 11 : i32
    %shift_left3A_1329 = vector.broadcast %shift_left3A_1328 : i32 to vector<16xi32>
    %shift_left3A_1330 = arith.shli %shift_right_arithmetic3A_1327, %shift_left3A_1329 : vector<16xi32>
    %and3A_1331 = arith.constant 2047 : i32
    %and3A_1332 = vector.broadcast %and3A_1331 : i32 to vector<16xi32>
    %and3A_1333 = arith.andi %get3A_1324, %and3A_1332 : vector<16xi32>
    %or3A_1334 = arith.ori %shift_left3A_1330, %and3A_1333 : vector<16xi32>
    %swap3A_1335 = arith.constant 3 : i32
    %swap3A_1336 = arith.index_cast %swap3A_1335 : i32 to index
    %swap3A_1337 = arith.constant 48 : index
    %swap3A_1338 = tpu.vector_load %arg6[%swap3A_1336, %swap3A_1337] {strides = array<i32>} : memref<4x128xi32, #tpu.memory_space<vmem>>, vector<16xi32>,
    tpu.vector_store %arg6[%swap3A_1336, %swap3A_1337], %or3A_1334 {strides = array<i32>} : memref<4x128xi32, #tpu.memory_space<vmem>>, vector<16xi32>,
    %get3A_1339 = arith.constant 7 : i32
    %get3A_1340 = arith.index_cast %get3A_1339 : i32 to index
    %get3A_1341 = arith.constant 64 : index
    %get3A_1342 = tpu.vector_load %arg5[%get3A_1340, %get3A_1341] {strides = array<i32>} : memref<200x128xi32, #tpu.memory_space<vmem>>, vector<16xi32>,
    %shift_right_arithmetic3A_1343 = arith.constant 12 : i32
    %shift_right_arithmetic3A_1344 = vector.broadcast %shift_right_arithmetic3A_1343 : i32 to vector<16xi32>
    %shift_right_arithmetic3A_1345 = arith.shrsi %get3A_1342, %shift_right_arithmetic3A_1344 : vector<16xi32>
    %shift_left3A_1346 = arith.constant 11 : i32
    %shift_left3A_1347 = vector.broadcast %shift_left3A_1346 : i32 to vector<16xi32>
    %shift_left3A_1348 = arith.shli %shift_right_arithmetic3A_1345, %shift_left3A_1347 : vector<16xi32>
    %and3A_1349 = arith.constant 2047 : i32
    %and3A_1350 = vector.broadcast %and3A_1349 : i32 to vector<16xi32>
    %and3A_1351 = arith.andi %get3A_1342, %and3A_1350 : vector<16xi32>
    %or3A_1352 = arith.ori %shift_left3A_1348, %and3A_1351 : vector<16xi32>
    %swap3A_1353 = arith.constant 3 : i32
    %swap3A_1354 = arith.index_cast %swap3A_1353 : i32 to index
    %swap3A_1355 = arith.constant 64 : index
    %swap3A_1356 = tpu.vector_load %arg6[%swap3A_1354, %swap3A_1355] {strides = array<i32>} : memref<4x128xi32, #tpu.memory_space<vmem>>, vector<16xi32>,
    tpu.vector_store %arg6[%swap3A_1354, %swap3A_1355], %or3A_1352 {strides = array<i32>} : memref<4x128xi32, #tpu.memory_space<vmem>>, vector<16xi32>,
    %get3A_1357 = arith.constant 7 : i32
    %get3A_1358 = arith.index_cast %get3A_1357 : i32 to index
    %get3A_1359 = arith.constant 80 : index
    %get3A_1360 = tpu.vector_load %arg5[%get3A_1358, %get3A_1359] {strides = array<i32>} : memref<200x128xi32, #tpu.memory_space<vmem>>, vector<16xi32>,
    %shift_right_arithmetic3A_1361 = arith.constant 12 : i32
    %shift_right_arithmetic3A_1362 = vector.broadcast %shift_right_arithmetic3A_1361 : i32 to vector<16xi32>
    %shift_right_arithmetic3A_1363 = arith.shrsi %get3A_1360, %shift_right_arithmetic3A_1362 : vector<16xi32>
    %shift_left3A_1364 = arith.constant 11 : i32
    %shift_left3A_1365 = vector.broadcast %shift_left3A_1364 : i32 to vector<16xi32>
    %shift_left3A_1366 = arith.shli %shift_right_arithmetic3A_1363, %shift_left3A_1365 : vector<16xi32>
    %and3A_1367 = arith.constant 2047 : i32
    %and3A_1368 = vector.broadcast %and3A_1367 : i32 to vector<16xi32>
    %and3A_1369 = arith.andi %get3A_1360, %and3A_1368 : vector<16xi32>
    %or3A_1370 = arith.ori %shift_left3A_1366, %and3A_1369 : vector<16xi32>
    %swap3A_1371 = arith.constant 3 : i32
    %swap3A_1372 = arith.index_cast %swap3A_1371 : i32 to index
    %swap3A_1373 = arith.constant 80 : index
    %swap3A_1374 = tpu.vector_load %arg6[%swap3A_1372, %swap3A_1373] {strides = array<i32>} : memref<4x128xi32, #tpu.memory_space<vmem>>, vector<16xi32>,
    tpu.vector_store %arg6[%swap3A_1372, %swap3A_1373], %or3A_1370 {strides = array<i32>} : memref<4x128xi32, #tpu.memory_space<vmem>>, vector<16xi32>,
    %get3A_1375 = arith.constant 7 : i32
    %get3A_1376 = arith.index_cast %get3A_1375 : i32 to index
    %get3A_1377 = arith.constant 96 : index
    %get3A_1378 = tpu.vector_load %arg5[%get3A_1376, %get3A_1377] {strides = array<i32>} : memref<200x128xi32, #tpu.memory_space<vmem>>, vector<16xi32>,
    %shift_right_arithmetic3A_1379 = arith.constant 12 : i32
    %shift_right_arithmetic3A_1380 = vector.broadcast %shift_right_arithmetic3A_1379 : i32 to vector<16xi32>
    %shift_right_arithmetic3A_1381 = arith.shrsi %get3A_1378, %shift_right_arithmetic3A_1380 : vector<16xi32>
    %shift_left3A_1382 = arith.constant 11 : i32
    %shift_left3A_1383 = vector.broadcast %shift_left3A_1382 : i32 to vector<16xi32>
    %shift_left3A_1384 = arith.shli %shift_right_arithmetic3A_1381, %shift_left3A_1383 : vector<16xi32>
    %and3A_1385 = arith.constant 2047 : i32
    %and3A_1386 = vector.broadcast %and3A_1385 : i32 to vector<16xi32>
    %and3A_1387 = arith.andi %get3A_1378, %and3A_1386 : vector<16xi32>
    %or3A_1388 = arith.ori %shift_left3A_1384, %and3A_1387 : vector<16xi32>
    %swap3A_1389 = arith.constant 3 : i32
    %swap3A_1390 = arith.index_cast %swap3A_1389 : i32 to index
    %swap3A_1391 = arith.constant 96 : index
    %swap3A_1392 = tpu.vector_load %arg6[%swap3A_1390, %swap3A_1391] {strides = array<i32>} : memref<4x128xi32, #tpu.memory_space<vmem>>, vector<16xi32>,
    tpu.vector_store %arg6[%swap3A_1390, %swap3A_1391], %or3A_1388 {strides = array<i32>} : memref<4x128xi32, #tpu.memory_space<vmem>>, vector<16xi32>,
    %get3A_1393 = arith.constant 7 : i32
    %get3A_1394 = arith.index_cast %get3A_1393 : i32 to index
    %get3A_1395 = arith.constant 112 : index
    %get3A_1396 = tpu.vector_load %arg5[%get3A_1394, %get3A_1395] {strides = array<i32>} : memref<200x128xi32, #tpu.memory_space<vmem>>, vector<16xi32>,
    %shift_right_arithmetic3A_1397 = arith.constant 12 : i32
    %shift_right_arithmetic3A_1398 = vector.broadcast %shift_right_arithmetic3A_1397 : i32 to vector<16xi32>
    %shift_right_arithmetic3A_1399 = arith.shrsi %get3A_1396, %shift_right_arithmetic3A_1398 : vector<16xi32>
    %shift_left3A_1400 = arith.constant 11 : i32
    %shift_left3A_1401 = vector.broadcast %shift_left3A_1400 : i32 to vector<16xi32>
    %shift_left3A_1402 = arith.shli %shift_right_arithmetic3A_1399, %shift_left3A_1401 : vector<16xi32>
    %and3A_1403 = arith.constant 2047 : i32
    %and3A_1404 = vector.broadcast %and3A_1403 : i32 to vector<16xi32>
    %and3A_1405 = arith.andi %get3A_1396, %and3A_1404 : vector<16xi32>
    %or3A_1406 = arith.ori %shift_left3A_1402, %and3A_1405 : vector<16xi32>
    %swap3A_1407 = arith.constant 3 : i32
    %swap3A_1408 = arith.index_cast %swap3A_1407 : i32 to index
    %swap3A_1409 = arith.constant 112 : index
    %swap3A_1410 = tpu.vector_load %arg6[%swap3A_1408, %swap3A_1409] {strides = array<i32>} : memref<4x128xi32, #tpu.memory_space<vmem>>, vector<16xi32>,
    tpu.vector_store %arg6[%swap3A_1408, %swap3A_1409], %or3A_1406 {strides = array<i32>} : memref<4x128xi32, #tpu.memory_space<vmem>>, vector<16xi32>,
    %dma_start3A_1411 = arith.constant 3 : i32
    %dma_start3A_1412 = arith.constant 3 : i32
    %dma_start3A_1413 = arith.constant 3 : i32
    %dma_start3A_1414 = arith.constant 0 : i32
    %dma_start3A_1415 = arith.constant 0 : i32
    %dma_start3A_1416 = tpu.memref_slice %arg7[%dma_start3A_1412, %dma_start3A_1414, %dma_start3A_1415] : memref<4x128x128xf32, #tpu.memory_space<vmem>> -> memref<1x128x128xf32, #tpu.memory_space<vmem>>
    %dma_start3A_1417 = tpu.memref_squeeze %dma_start3A_1416 : memref<1x128x128xf32, #tpu.memory_space<vmem>> -> memref<128x128xf32, #tpu.memory_space<vmem>>
    %dma_start3A_1418 = arith.constant 0 : i32
    %dma_start3A_1419 = tpu.memref_slice %arg6[%dma_start3A_1411, %dma_start3A_1418] : memref<4x128xi32, #tpu.memory_space<vmem>> -> memref<1x128xi32, #tpu.memory_space<vmem>>
    %dma_start3A_1420 = tpu.memref_squeeze %dma_start3A_1419 : memref<1x128xi32, #tpu.memory_space<vmem>> -> memref<128xi32, #tpu.memory_space<vmem>>
    %dma_start3A_1421 = arith.constant 0 : i32
    %dma_start3A_1422 = arith.constant 0 : i32
    %dma_start3A_1423 = tpu.memref_slice %arg3[%dma_start3A_1421, %dma_start3A_1422] : memref<501760x128xf32, #tpu.memory_space<hbm>> -> memref<501760x128xf32, #tpu.memory_space<hbm>>
    %dma_start3A_1424 = tpu.memref_slice %arg9[%dma_start3A_1413] : memref<4x!tpu.dma_semaphore, #tpu.memory_space<semaphore_mem>> -> memref<1x!tpu.dma_semaphore, #tpu.memory_space<semaphore_mem>>
    %dma_start3A_1425 = tpu.memref_squeeze %dma_start3A_1424 : memref<1x!tpu.dma_semaphore, #tpu.memory_space<semaphore_mem>> -> memref<!tpu.dma_semaphore, #tpu.memory_space<semaphore_mem>>
    tpu.enqueue_indirect_dma source(%dma_start3A_1423 : memref<501760x128xf32, #tpu.memory_space<hbm>>) target(%dma_start3A_1417 : memref<128x128xf32, #tpu.memory_space<vmem>>) offsets(%dma_start3A_1420 : memref<128xi32, #tpu.memory_space<vmem>>) semaphore(%dma_start3A_1425 : memref<!tpu.dma_semaphore, #tpu.memory_space<semaphore_mem>>)
    %scan3A_1426 = arith.constant 0 : i32
    %scan3A_1427 = arith.constant 1 : i32
    %scan3A_1428 = arith.constant 48 : i32
    %scan3A_1429 = arith.addi %scan3A_1427, %scan3A_1428 : i32
    %scan3A_1430 = arith.constant 1 : i32
    scf.for %scan3A_1744 = %scan3A_1427 to %scan3A_1429 step %scan3A_1430  : i32 {
      %mul3A_1745 = arith.constant 4 : i32
      %mul3A_1746 = arith.muli %mul3A_1745, %scan3A_1744 : i32
      %add3A_1747 = arith.constant 0 : i32
      %add3A_1748 = arith.addi %mul3A_1746, %add3A_1747 : i32
      %dma_wait3A_1749 = arith.constant 0 : i32
      %dma_wait3A_1750 = arith.constant 0 : i32
      %dma_wait3A_1751 = arith.constant 0 : i32
      %dma_wait3A_1752 = arith.constant 0 : i32
      %dma_wait3A_1753 = arith.constant 0 : i32
      %dma_wait3A_1754 = tpu.memref_slice %arg7[%dma_wait3A_1750, %dma_wait3A_1752, %dma_wait3A_1753] : memref<4x128x128xf32, #tpu.memory_space<vmem>> -> memref<1x128x128xf32, #tpu.memory_space<vmem>>
      %dma_wait3A_1755 = tpu.memref_squeeze %dma_wait3A_1754 : memref<1x128x128xf32, #tpu.memory_space<vmem>> -> memref<128x128xf32, #tpu.memory_space<vmem>>
      %dma_wait3A_1756 = arith.constant 0 : i32
      %dma_wait3A_1757 = tpu.memref_slice %arg6[%dma_wait3A_1749, %dma_wait3A_1756] : memref<4x128xi32, #tpu.memory_space<vmem>> -> memref<1x128xi32, #tpu.memory_space<vmem>>
      %dma_wait3A_1758 = tpu.memref_squeeze %dma_wait3A_1757 : memref<1x128xi32, #tpu.memory_space<vmem>> -> memref<128xi32, #tpu.memory_space<vmem>>
      %dma_wait3A_1759 = arith.constant 0 : i32
      %dma_wait3A_1760 = arith.constant 0 : i32
      %dma_wait3A_1761 = tpu.memref_slice %arg3[%dma_wait3A_1759, %dma_wait3A_1760] : memref<501760x128xf32, #tpu.memory_space<hbm>> -> memref<501760x128xf32, #tpu.memory_space<hbm>>
      %dma_wait3A_1762 = tpu.memref_slice %arg9[%dma_wait3A_1751] : memref<4x!tpu.dma_semaphore, #tpu.memory_space<semaphore_mem>> -> memref<1x!tpu.dma_semaphore, #tpu.memory_space<semaphore_mem>>
      %dma_wait3A_1763 = tpu.memref_squeeze %dma_wait3A_1762 : memref<1x!tpu.dma_semaphore, #tpu.memory_space<semaphore_mem>> -> memref<!tpu.dma_semaphore, #tpu.memory_space<semaphore_mem>>
      tpu.wait_indirect_dma semaphore(%dma_wait3A_1763 : memref<!tpu.dma_semaphore, #tpu.memory_space<semaphore_mem>>) src(%dma_wait3A_1761 : memref<501760x128xf32, #tpu.memory_space<hbm>>) dst(%dma_wait3A_1755 : memref<128x128xf32, #tpu.memory_space<vmem>>)
      %sub3A = arith.constant 4 : i32
      %sub3A_1764 = arith.subi %add3A_1748, %sub3A : i32
      %dma_wait3A_1765 = arith.constant 0 : i32
      %dma_wait3A_1766 = arith.constant 0 : i32
      %dma_wait3A_1767 = arith.constant 0 : i32
      %dma_wait3A_1768 = arith.constant 0 : i32
      %dma_wait3A_1769 = tpu.memref_slice %arg8[%dma_wait3A_1765, %dma_wait3A_1767, %dma_wait3A_1768] : memref<4x64x128xf32, #tpu.memory_space<vmem>> -> memref<1x64x128xf32, #tpu.memory_space<vmem>>
      %dma_wait3A_1770 = tpu.memref_squeeze %dma_wait3A_1769 : memref<1x64x128xf32, #tpu.memory_space<vmem>> -> memref<64x128xf32, #tpu.memory_space<vmem>>
      %dma_wait3A_1771 = arith.constant 0 : i32
      %dma_wait3A_1772 = tpu.memref_slice %arg4[%sub3A_1764, %dma_wait3A_1771, %mul3A_2] : memref<200x64x4096xf32, #tpu.memory_space<hbm>> -> memref<1x64x128xf32, #tpu.memory_space<hbm>>
      %dma_wait3A_1773 = tpu.memref_squeeze %dma_wait3A_1772 : memref<1x64x128xf32, #tpu.memory_space<hbm>> -> memref<64x128xf32, #tpu.memory_space<hbm>>
      %dma_wait3A_1774 = tpu.memref_slice %arg10[%dma_wait3A_1766] : memref<4x!tpu.dma_semaphore, #tpu.memory_space<semaphore_mem>> -> memref<1x!tpu.dma_semaphore, #tpu.memory_space<semaphore_mem>>
      %dma_wait3A_1775 = tpu.memref_squeeze %dma_wait3A_1774 : memref<1x!tpu.dma_semaphore, #tpu.memory_space<semaphore_mem>> -> memref<!tpu.dma_semaphore, #tpu.memory_space<semaphore_mem>>
      %dma_wait3A_1776 = arith.constant 0 : i32
      %dma_wait3A_1777 = tpu.memref_slice %arg4[%sub3A_1764, %dma_wait3A_1776, %mul3A_2] : memref<200x64x4096xf32, #tpu.memory_space<hbm>> -> memref<1x64x128xf32, #tpu.memory_space<hbm>>
      %dma_wait3A_1778 = tpu.memref_squeeze %dma_wait3A_1777 : memref<1x64x128xf32, #tpu.memory_space<hbm>> -> memref<64x128xf32, #tpu.memory_space<hbm>>
      %dma_wait3A_1779 = arith.constant 0 : i32
      %dma_wait3A_1780 = arith.constant 0 : i32
      %dma_wait3A_1781 = tpu.memref_slice %arg8[%dma_wait3A_1765, %dma_wait3A_1779, %dma_wait3A_1780] : memref<4x64x128xf32, #tpu.memory_space<vmem>> -> memref<1x64x128xf32, #tpu.memory_space<vmem>>
      %dma_wait3A_1782 = tpu.memref_squeeze %dma_wait3A_1781 : memref<1x64x128xf32, #tpu.memory_space<vmem>> -> memref<64x128xf32, #tpu.memory_space<vmem>>
      tpu.wait_dma2 semaphore(%dma_wait3A_1775 : memref<!tpu.dma_semaphore, #tpu.memory_space<semaphore_mem>>) src(%dma_wait3A_1782 : memref<64x128xf32, #tpu.memory_space<vmem>>) dst(%dma_wait3A_1778 : memref<64x128xf32, #tpu.memory_space<hbm>>)
      %scan3A_1783 = arith.constant 0 : i32
      %scan3A_1784 = arith.constant 0 : i32
      %scan3A_1785 = arith.constant 8 : i32
      %scan3A_1786 = arith.addi %scan3A_1784, %scan3A_1785 : i32
      %scan3A_1787 = arith.constant 1 : i32
      scf.for %scan3A_2608 = %scan3A_1784 to %scan3A_1786 step %scan3A_1787  : i32 {
        %iota3A = tpu.iota {dimensions = array<i32: 0>} : vector<16xi32>
        %mul3A_2609 = arith.constant 16 : i32
        %mul3A_2610 = arith.muli %mul3A_2609, %scan3A_2608 : i32
        %add3A_2611 = vector.broadcast %mul3A_2610 : i32 to vector<16xi32>
        %add3A_2612 = arith.addi %iota3A, %add3A_2611 : vector<16xi32>
        %mul3A_2613 = arith.constant 16 : i32
        %mul3A_2614 = arith.muli %mul3A_2613, %scan3A_2608 : i32
        %get3A_2615 = arith.index_cast %add3A_1748 : i32 to index
        %get3A_2616 = arith.index_cast %mul3A_2614 : i32 to index
        %get3A_2617 = tpu.vector_load %arg5[%get3A_2615, %get3A_2616] {strides = array<i32>} : memref<200x128xi32, #tpu.memory_space<vmem>>, vector<16xi32>,
        %shift_right_arithmetic3A_2618 = arith.constant 5 : i32
        %shift_right_arithmetic3A_2619 = vector.broadcast %shift_right_arithmetic3A_2618 : i32 to vector<16xi32>
        %shift_right_arithmetic3A_2620 = arith.shrsi %get3A_2617, %shift_right_arithmetic3A_2619 : vector<16xi32>
        %and3A_2621 = arith.constant 64 : i32
        %and3A_2622 = vector.broadcast %and3A_2621 : i32 to vector<16xi32>
        %and3A_2623 = arith.andi %shift_right_arithmetic3A_2620, %and3A_2622 : vector<16xi32>
        %parallel_loop3A = arith.constant 0 : i32
        %parallel_loop3A_2624 = arith.constant 64 : i32
        %parallel_loop3A_2625 = arith.constant 1 : i32
        scf.for %parallel_loop3A_2626 = %parallel_loop3A to %parallel_loop3A_2624 step %parallel_loop3A_2625  : i32 {
          %parallel_loop3A_2627 = vector.broadcast %parallel_loop3A_2626 : i32 to vector<16xi32>
          %parallel_loop3A_2628 = arith.addi %and3A_2623, %parallel_loop3A_2627 : vector<16xi32>
          %parallel_loop3A_2629 = arith.constant 0 : i32
          %parallel_loop3A_2630 = arith.constant 0 : i32
          %parallel_loop3A_2631 = arith.constant 0 : i32
          %parallel_loop3A_2632 = tpu.memref_slice %arg7[%parallel_loop3A_2629, %parallel_loop3A_2630, %parallel_loop3A_2631] : memref<4x128x128xf32, #tpu.memory_space<vmem>> -> memref<1x128x128xf32, #tpu.memory_space<vmem>>
          %parallel_loop3A_2633 = tpu.memref_squeeze %parallel_loop3A_2632 : memref<1x128x128xf32, #tpu.memory_space<vmem>> -> memref<128x128xf32, #tpu.memory_space<vmem>>
          %parallel_loop3A_2634 = tpu.vector_load_idx %parallel_loop3A_2633[%add3A_2612, %parallel_loop3A_2628] : memref<128x128xf32, #tpu.memory_space<vmem>>[vector<16xi32>, vector<16xi32>], vector<16xf32>,
          %parallel_loop3A_2635 = arith.constant 16 : i32
          %parallel_loop3A_2636 = arith.muli %parallel_loop3A_2635, %scan3A_2608 : i32
          %parallel_loop3A_2637 = arith.constant 0 : i32
          %parallel_loop3A_2638 = arith.index_cast %parallel_loop3A_2637 : i32 to index
          %parallel_loop3A_2639 = arith.index_cast %parallel_loop3A_2626 : i32 to index
          %parallel_loop3A_2640 = arith.index_cast %parallel_loop3A_2636 : i32 to index
          %parallel_loop3A_2641 = tpu.vector_load %arg8[%parallel_loop3A_2638, %parallel_loop3A_2639, %parallel_loop3A_2640] {strides = array<i32>} : memref<4x64x128xf32, #tpu.memory_space<vmem>>, vector<16xf32>,
          tpu.vector_store %arg8[%parallel_loop3A_2638, %parallel_loop3A_2639, %parallel_loop3A_2640], %parallel_loop3A_2634 {strides = array<i32>} : memref<4x64x128xf32, #tpu.memory_space<vmem>>, vector<16xf32>,
        } {sc.loop_unroll_factor = 16 : i64, sc.parallel_access}
      }
      %scan3A_1788 = arith.constant 8 : i32
      %dma_start3A_1789 = arith.constant 0 : i32
      %dma_start3A_1790 = arith.constant 0 : i32
      %dma_start3A_1791 = arith.constant 0 : i32
      %dma_start3A_1792 = arith.constant 0 : i32
      %dma_start3A_1793 = tpu.memref_slice %arg8[%dma_start3A_1789, %dma_start3A_1791, %dma_start3A_1792] : memref<4x64x128xf32, #tpu.memory_space<vmem>> -> memref<1x64x128xf32, #tpu.memory_space<vmem>>
      %dma_start3A_1794 = tpu.memref_squeeze %dma_start3A_1793 : memref<1x64x128xf32, #tpu.memory_space<vmem>> -> memref<64x128xf32, #tpu.memory_space<vmem>>
      %dma_start3A_1795 = arith.constant 0 : i32
      %dma_start3A_1796 = tpu.memref_slice %arg4[%add3A_1748, %dma_start3A_1795, %mul3A_2] : memref<200x64x4096xf32, #tpu.memory_space<hbm>> -> memref<1x64x128xf32, #tpu.memory_space<hbm>>
      %dma_start3A_1797 = tpu.memref_squeeze %dma_start3A_1796 : memref<1x64x128xf32, #tpu.memory_space<hbm>> -> memref<64x128xf32, #tpu.memory_space<hbm>>
      %dma_start3A_1798 = tpu.memref_slice %arg10[%dma_start3A_1790] : memref<4x!tpu.dma_semaphore, #tpu.memory_space<semaphore_mem>> -> memref<1x!tpu.dma_semaphore, #tpu.memory_space<semaphore_mem>>
      %dma_start3A_1799 = tpu.memref_squeeze %dma_start3A_1798 : memref<1x!tpu.dma_semaphore, #tpu.memory_space<semaphore_mem>> -> memref<!tpu.dma_semaphore, #tpu.memory_space<semaphore_mem>>
      %dma_start3A_1800 = arith.constant 0 : i32
      %dma_start3A_1801 = tpu.memref_slice %arg4[%add3A_1748, %dma_start3A_1800, %mul3A_2] : memref<200x64x4096xf32, #tpu.memory_space<hbm>> -> memref<1x64x128xf32, #tpu.memory_space<hbm>>
      %dma_start3A_1802 = tpu.memref_squeeze %dma_start3A_1801 : memref<1x64x128xf32, #tpu.memory_space<hbm>> -> memref<64x128xf32, #tpu.memory_space<hbm>>
      %dma_start3A_1803 = arith.constant 0 : i32
      %dma_start3A_1804 = arith.constant 0 : i32
      %dma_start3A_1805 = tpu.memref_slice %arg8[%dma_start3A_1789, %dma_start3A_1803, %dma_start3A_1804] : memref<4x64x128xf32, #tpu.memory_space<vmem>> -> memref<1x64x128xf32, #tpu.memory_space<vmem>>
      %dma_start3A_1806 = tpu.memref_squeeze %dma_start3A_1805 : memref<1x64x128xf32, #tpu.memory_space<vmem>> -> memref<64x128xf32, #tpu.memory_space<vmem>>
      tpu.enqueue_dma source(%dma_start3A_1806 : memref<64x128xf32, #tpu.memory_space<vmem>>) target(%dma_start3A_1802 : memref<64x128xf32, #tpu.memory_space<hbm>>) target_semaphore(%dma_start3A_1799 : memref<!tpu.dma_semaphore, #tpu.memory_space<semaphore_mem>>)
      %add3A_1807 = arith.constant 4 : i32
      %add3A_1808 = arith.addi %add3A_1748, %add3A_1807 : i32
      %get3A_1809 = arith.index_cast %add3A_1808 : i32 to index
      %get3A_1810 = arith.constant 0 : index
      %get3A_1811 = tpu.vector_load %arg5[%get3A_1809, %get3A_1810] {strides = array<i32>} : memref<200x128xi32, #tpu.memory_space<vmem>>, vector<16xi32>,
      %shift_right_arithmetic3A_1812 = arith.constant 12 : i32
      %shift_right_arithmetic3A_1813 = vector.broadcast %shift_right_arithmetic3A_1812 : i32 to vector<16xi32>
      %shift_right_arithmetic3A_1814 = arith.shrsi %get3A_1811, %shift_right_arithmetic3A_1813 : vector<16xi32>
      %shift_left3A_1815 = arith.constant 11 : i32
      %shift_left3A_1816 = vector.broadcast %shift_left3A_1815 : i32 to vector<16xi32>
      %shift_left3A_1817 = arith.shli %shift_right_arithmetic3A_1814, %shift_left3A_1816 : vector<16xi32>
      %and3A_1818 = arith.constant 2047 : i32
      %and3A_1819 = vector.broadcast %and3A_1818 : i32 to vector<16xi32>
      %and3A_1820 = arith.andi %get3A_1811, %and3A_1819 : vector<16xi32>
      %or3A_1821 = arith.ori %shift_left3A_1817, %and3A_1820 : vector<16xi32>
      %swap3A_1822 = arith.constant 0 : i32
      %swap3A_1823 = arith.index_cast %swap3A_1822 : i32 to index
      %swap3A_1824 = arith.constant 0 : index
      %swap3A_1825 = tpu.vector_load %arg6[%swap3A_1823, %swap3A_1824] {strides = array<i32>} : memref<4x128xi32, #tpu.memory_space<vmem>>, vector<16xi32>,
      tpu.vector_store %arg6[%swap3A_1823, %swap3A_1824], %or3A_1821 {strides = array<i32>} : memref<4x128xi32, #tpu.memory_space<vmem>>, vector<16xi32>,
      %get3A_1826 = arith.index_cast %add3A_1808 : i32 to index
      %get3A_1827 = arith.constant 16 : index
      %get3A_1828 = tpu.vector_load %arg5[%get3A_1826, %get3A_1827] {strides = array<i32>} : memref<200x128xi32, #tpu.memory_space<vmem>>, vector<16xi32>,
      %shift_right_arithmetic3A_1829 = arith.constant 12 : i32
      %shift_right_arithmetic3A_1830 = vector.broadcast %shift_right_arithmetic3A_1829 : i32 to vector<16xi32>
      %shift_right_arithmetic3A_1831 = arith.shrsi %get3A_1828, %shift_right_arithmetic3A_1830 : vector<16xi32>
      %shift_left3A_1832 = arith.constant 11 : i32
      %shift_left3A_1833 = vector.broadcast %shift_left3A_1832 : i32 to vector<16xi32>
      %shift_left3A_1834 = arith.shli %shift_right_arithmetic3A_1831, %shift_left3A_1833 : vector<16xi32>
      %and3A_1835 = arith.constant 2047 : i32
      %and3A_1836 = vector.broadcast %and3A_1835 : i32 to vector<16xi32>
      %and3A_1837 = arith.andi %get3A_1828, %and3A_1836 : vector<16xi32>
      %or3A_1838 = arith.ori %shift_left3A_1834, %and3A_1837 : vector<16xi32>
      %swap3A_1839 = arith.constant 0 : i32
      %swap3A_1840 = arith.index_cast %swap3A_1839 : i32 to index
      %swap3A_1841 = arith.constant 16 : index
      %swap3A_1842 = tpu.vector_load %arg6[%swap3A_1840, %swap3A_1841] {strides = array<i32>} : memref<4x128xi32, #tpu.memory_space<vmem>>, vector<16xi32>,
      tpu.vector_store %arg6[%swap3A_1840, %swap3A_1841], %or3A_1838 {strides = array<i32>} : memref<4x128xi32, #tpu.memory_space<vmem>>, vector<16xi32>,
      %get3A_1843 = arith.index_cast %add3A_1808 : i32 to index
      %get3A_1844 = arith.constant 32 : index
      %get3A_1845 = tpu.vector_load %arg5[%get3A_1843, %get3A_1844] {strides = array<i32>} : memref<200x128xi32, #tpu.memory_space<vmem>>, vector<16xi32>,
      %shift_right_arithmetic3A_1846 = arith.constant 12 : i32
      %shift_right_arithmetic3A_1847 = vector.broadcast %shift_right_arithmetic3A_1846 : i32 to vector<16xi32>
      %shift_right_arithmetic3A_1848 = arith.shrsi %get3A_1845, %shift_right_arithmetic3A_1847 : vector<16xi32>
      %shift_left3A_1849 = arith.constant 11 : i32
      %shift_left3A_1850 = vector.broadcast %shift_left3A_1849 : i32 to vector<16xi32>
      %shift_left3A_1851 = arith.shli %shift_right_arithmetic3A_1848, %shift_left3A_1850 : vector<16xi32>
      %and3A_1852 = arith.constant 2047 : i32
      %and3A_1853 = vector.broadcast %and3A_1852 : i32 to vector<16xi32>
      %and3A_1854 = arith.andi %get3A_1845, %and3A_1853 : vector<16xi32>
      %or3A_1855 = arith.ori %shift_left3A_1851, %and3A_1854 : vector<16xi32>
      %swap3A_1856 = arith.constant 0 : i32
      %swap3A_1857 = arith.index_cast %swap3A_1856 : i32 to index
      %swap3A_1858 = arith.constant 32 : index
      %swap3A_1859 = tpu.vector_load %arg6[%swap3A_1857, %swap3A_1858] {strides = array<i32>} : memref<4x128xi32, #tpu.memory_space<vmem>>, vector<16xi32>,
      tpu.vector_store %arg6[%swap3A_1857, %swap3A_1858], %or3A_1855 {strides = array<i32>} : memref<4x128xi32, #tpu.memory_space<vmem>>, vector<16xi32>,
      %get3A_1860 = arith.index_cast %add3A_1808 : i32 to index
      %get3A_1861 = arith.constant 48 : index
      %get3A_1862 = tpu.vector_load %arg5[%get3A_1860, %get3A_1861] {strides = array<i32>} : memref<200x128xi32, #tpu.memory_space<vmem>>, vector<16xi32>,
      %shift_right_arithmetic3A_1863 = arith.constant 12 : i32
      %shift_right_arithmetic3A_1864 = vector.broadcast %shift_right_arithmetic3A_1863 : i32 to vector<16xi32>
      %shift_right_arithmetic3A_1865 = arith.shrsi %get3A_1862, %shift_right_arithmetic3A_1864 : vector<16xi32>
      %shift_left3A_1866 = arith.constant 11 : i32
      %shift_left3A_1867 = vector.broadcast %shift_left3A_1866 : i32 to vector<16xi32>
      %shift_left3A_1868 = arith.shli %shift_right_arithmetic3A_1865, %shift_left3A_1867 : vector<16xi32>
      %and3A_1869 = arith.constant 2047 : i32
      %and3A_1870 = vector.broadcast %and3A_1869 : i32 to vector<16xi32>
      %and3A_1871 = arith.andi %get3A_1862, %and3A_1870 : vector<16xi32>
      %or3A_1872 = arith.ori %shift_left3A_1868, %and3A_1871 : vector<16xi32>
      %swap3A_1873 = arith.constant 0 : i32
      %swap3A_1874 = arith.index_cast %swap3A_1873 : i32 to index
      %swap3A_1875 = arith.constant 48 : index
      %swap3A_1876 = tpu.vector_load %arg6[%swap3A_1874, %swap3A_1875] {strides = array<i32>} : memref<4x128xi32, #tpu.memory_space<vmem>>, vector<16xi32>,
      tpu.vector_store %arg6[%swap3A_1874, %swap3A_1875], %or3A_1872 {strides = array<i32>} : memref<4x128xi32, #tpu.memory_space<vmem>>, vector<16xi32>,
      %get3A_1877 = arith.index_cast %add3A_1808 : i32 to index
      %get3A_1878 = arith.constant 64 : index
      %get3A_1879 = tpu.vector_load %arg5[%get3A_1877, %get3A_1878] {strides = array<i32>} : memref<200x128xi32, #tpu.memory_space<vmem>>, vector<16xi32>,
      %shift_right_arithmetic3A_1880 = arith.constant 12 : i32
      %shift_right_arithmetic3A_1881 = vector.broadcast %shift_right_arithmetic3A_1880 : i32 to vector<16xi32>
      %shift_right_arithmetic3A_1882 = arith.shrsi %get3A_1879, %shift_right_arithmetic3A_1881 : vector<16xi32>
      %shift_left3A_1883 = arith.constant 11 : i32
      %shift_left3A_1884 = vector.broadcast %shift_left3A_1883 : i32 to vector<16xi32>
      %shift_left3A_1885 = arith.shli %shift_right_arithmetic3A_1882, %shift_left3A_1884 : vector<16xi32>
      %and3A_1886 = arith.constant 2047 : i32
      %and3A_1887 = vector.broadcast %and3A_1886 : i32 to vector<16xi32>
      %and3A_1888 = arith.andi %get3A_1879, %and3A_1887 : vector<16xi32>
      %or3A_1889 = arith.ori %shift_left3A_1885, %and3A_1888 : vector<16xi32>
      %swap3A_1890 = arith.constant 0 : i32
      %swap3A_1891 = arith.index_cast %swap3A_1890 : i32 to index
      %swap3A_1892 = arith.constant 64 : index
      %swap3A_1893 = tpu.vector_load %arg6[%swap3A_1891, %swap3A_1892] {strides = array<i32>} : memref<4x128xi32, #tpu.memory_space<vmem>>, vector<16xi32>,
      tpu.vector_store %arg6[%swap3A_1891, %swap3A_1892], %or3A_1889 {strides = array<i32>} : memref<4x128xi32, #tpu.memory_space<vmem>>, vector<16xi32>,
      %get3A_1894 = arith.index_cast %add3A_1808 : i32 to index
      %get3A_1895 = arith.constant 80 : index
      %get3A_1896 = tpu.vector_load %arg5[%get3A_1894, %get3A_1895] {strides = array<i32>} : memref<200x128xi32, #tpu.memory_space<vmem>>, vector<16xi32>,
      %shift_right_arithmetic3A_1897 = arith.constant 12 : i32
      %shift_right_arithmetic3A_1898 = vector.broadcast %shift_right_arithmetic3A_1897 : i32 to vector<16xi32>
      %shift_right_arithmetic3A_1899 = arith.shrsi %get3A_1896, %shift_right_arithmetic3A_1898 : vector<16xi32>
      %shift_left3A_1900 = arith.constant 11 : i32
      %shift_left3A_1901 = vector.broadcast %shift_left3A_1900 : i32 to vector<16xi32>
      %shift_left3A_1902 = arith.shli %shift_right_arithmetic3A_1899, %shift_left3A_1901 : vector<16xi32>
      %and3A_1903 = arith.constant 2047 : i32
      %and3A_1904 = vector.broadcast %and3A_1903 : i32 to vector<16xi32>
      %and3A_1905 = arith.andi %get3A_1896, %and3A_1904 : vector<16xi32>
      %or3A_1906 = arith.ori %shift_left3A_1902, %and3A_1905 : vector<16xi32>
      %swap3A_1907 = arith.constant 0 : i32
      %swap3A_1908 = arith.index_cast %swap3A_1907 : i32 to index
      %swap3A_1909 = arith.constant 80 : index
      %swap3A_1910 = tpu.vector_load %arg6[%swap3A_1908, %swap3A_1909] {strides = array<i32>} : memref<4x128xi32, #tpu.memory_space<vmem>>, vector<16xi32>,
      tpu.vector_store %arg6[%swap3A_1908, %swap3A_1909], %or3A_1906 {strides = array<i32>} : memref<4x128xi32, #tpu.memory_space<vmem>>, vector<16xi32>,
      %get3A_1911 = arith.index_cast %add3A_1808 : i32 to index
      %get3A_1912 = arith.constant 96 : index
      %get3A_1913 = tpu.vector_load %arg5[%get3A_1911, %get3A_1912] {strides = array<i32>} : memref<200x128xi32, #tpu.memory_space<vmem>>, vector<16xi32>,
      %shift_right_arithmetic3A_1914 = arith.constant 12 : i32
      %shift_right_arithmetic3A_1915 = vector.broadcast %shift_right_arithmetic3A_1914 : i32 to vector<16xi32>
      %shift_right_arithmetic3A_1916 = arith.shrsi %get3A_1913, %shift_right_arithmetic3A_1915 : vector<16xi32>
      %shift_left3A_1917 = arith.constant 11 : i32
      %shift_left3A_1918 = vector.broadcast %shift_left3A_1917 : i32 to vector<16xi32>
      %shift_left3A_1919 = arith.shli %shift_right_arithmetic3A_1916, %shift_left3A_1918 : vector<16xi32>
      %and3A_1920 = arith.constant 2047 : i32
      %and3A_1921 = vector.broadcast %and3A_1920 : i32 to vector<16xi32>
      %and3A_1922 = arith.andi %get3A_1913, %and3A_1921 : vector<16xi32>
      %or3A_1923 = arith.ori %shift_left3A_1919, %and3A_1922 : vector<16xi32>
      %swap3A_1924 = arith.constant 0 : i32
      %swap3A_1925 = arith.index_cast %swap3A_1924 : i32 to index
      %swap3A_1926 = arith.constant 96 : index
      %swap3A_1927 = tpu.vector_load %arg6[%swap3A_1925, %swap3A_1926] {strides = array<i32>} : memref<4x128xi32, #tpu.memory_space<vmem>>, vector<16xi32>,
      tpu.vector_store %arg6[%swap3A_1925, %swap3A_1926], %or3A_1923 {strides = array<i32>} : memref<4x128xi32, #tpu.memory_space<vmem>>, vector<16xi32>,
      %get3A_1928 = arith.index_cast %add3A_1808 : i32 to index
      %get3A_1929 = arith.constant 112 : index
      %get3A_1930 = tpu.vector_load %arg5[%get3A_1928, %get3A_1929] {strides = array<i32>} : memref<200x128xi32, #tpu.memory_space<vmem>>, vector<16xi32>,
      %shift_right_arithmetic3A_1931 = arith.constant 12 : i32
      %shift_right_arithmetic3A_1932 = vector.broadcast %shift_right_arithmetic3A_1931 : i32 to vector<16xi32>
      %shift_right_arithmetic3A_1933 = arith.shrsi %get3A_1930, %shift_right_arithmetic3A_1932 : vector<16xi32>
      %shift_left3A_1934 = arith.constant 11 : i32
      %shift_left3A_1935 = vector.broadcast %shift_left3A_1934 : i32 to vector<16xi32>
      %shift_left3A_1936 = arith.shli %shift_right_arithmetic3A_1933, %shift_left3A_1935 : vector<16xi32>
      %and3A_1937 = arith.constant 2047 : i32
      %and3A_1938 = vector.broadcast %and3A_1937 : i32 to vector<16xi32>
      %and3A_1939 = arith.andi %get3A_1930, %and3A_1938 : vector<16xi32>
      %or3A_1940 = arith.ori %shift_left3A_1936, %and3A_1939 : vector<16xi32>
      %swap3A_1941 = arith.constant 0 : i32
      %swap3A_1942 = arith.index_cast %swap3A_1941 : i32 to index
      %swap3A_1943 = arith.constant 112 : index
      %swap3A_1944 = tpu.vector_load %arg6[%swap3A_1942, %swap3A_1943] {strides = array<i32>} : memref<4x128xi32, #tpu.memory_space<vmem>>, vector<16xi32>,
      tpu.vector_store %arg6[%swap3A_1942, %swap3A_1943], %or3A_1940 {strides = array<i32>} : memref<4x128xi32, #tpu.memory_space<vmem>>, vector<16xi32>,
      %dma_start3A_1945 = arith.constant 0 : i32
      %dma_start3A_1946 = arith.constant 0 : i32
      %dma_start3A_1947 = arith.constant 0 : i32
      %dma_start3A_1948 = arith.constant 0 : i32
      %dma_start3A_1949 = arith.constant 0 : i32
      %dma_start3A_1950 = tpu.memref_slice %arg7[%dma_start3A_1946, %dma_start3A_1948, %dma_start3A_1949] : memref<4x128x128xf32, #tpu.memory_space<vmem>> -> memref<1x128x128xf32, #tpu.memory_space<vmem>>
      %dma_start3A_1951 = tpu.memref_squeeze %dma_start3A_1950 : memref<1x128x128xf32, #tpu.memory_space<vmem>> -> memref<128x128xf32, #tpu.memory_space<vmem>>
      %dma_start3A_1952 = arith.constant 0 : i32
      %dma_start3A_1953 = tpu.memref_slice %arg6[%dma_start3A_1945, %dma_start3A_1952] : memref<4x128xi32, #tpu.memory_space<vmem>> -> memref<1x128xi32, #tpu.memory_space<vmem>>
      %dma_start3A_1954 = tpu.memref_squeeze %dma_start3A_1953 : memref<1x128xi32, #tpu.memory_space<vmem>> -> memref<128xi32, #tpu.memory_space<vmem>>
      %dma_start3A_1955 = arith.constant 0 : i32
      %dma_start3A_1956 = arith.constant 0 : i32
      %dma_start3A_1957 = tpu.memref_slice %arg3[%dma_start3A_1955, %dma_start3A_1956] : memref<501760x128xf32, #tpu.memory_space<hbm>> -> memref<501760x128xf32, #tpu.memory_space<hbm>>
      %dma_start3A_1958 = tpu.memref_slice %arg9[%dma_start3A_1947] : memref<4x!tpu.dma_semaphore, #tpu.memory_space<semaphore_mem>> -> memref<1x!tpu.dma_semaphore, #tpu.memory_space<semaphore_mem>>
      %dma_start3A_1959 = tpu.memref_squeeze %dma_start3A_1958 : memref<1x!tpu.dma_semaphore, #tpu.memory_space<semaphore_mem>> -> memref<!tpu.dma_semaphore, #tpu.memory_space<semaphore_mem>>
      tpu.enqueue_indirect_dma source(%dma_start3A_1957 : memref<501760x128xf32, #tpu.memory_space<hbm>>) target(%dma_start3A_1951 : memref<128x128xf32, #tpu.memory_space<vmem>>) offsets(%dma_start3A_1954 : memref<128xi32, #tpu.memory_space<vmem>>) semaphore(%dma_start3A_1959 : memref<!tpu.dma_semaphore, #tpu.memory_space<semaphore_mem>>)
      %mul3A_1960 = arith.constant 4 : i32
      %mul3A_1961 = arith.muli %mul3A_1960, %scan3A_1744 : i32
      %add3A_1962 = arith.constant 1 : i32
      %add3A_1963 = arith.addi %mul3A_1961, %add3A_1962 : i32
      %dma_wait3A_1964 = arith.constant 1 : i32
      %dma_wait3A_1965 = arith.constant 1 : i32
      %dma_wait3A_1966 = arith.constant 1 : i32
      %dma_wait3A_1967 = arith.constant 0 : i32
      %dma_wait3A_1968 = arith.constant 0 : i32
      %dma_wait3A_1969 = tpu.memref_slice %arg7[%dma_wait3A_1965, %dma_wait3A_1967, %dma_wait3A_1968] : memref<4x128x128xf32, #tpu.memory_space<vmem>> -> memref<1x128x128xf32, #tpu.memory_space<vmem>>
      %dma_wait3A_1970 = tpu.memref_squeeze %dma_wait3A_1969 : memref<1x128x128xf32, #tpu.memory_space<vmem>> -> memref<128x128xf32, #tpu.memory_space<vmem>>
      %dma_wait3A_1971 = arith.constant 0 : i32
      %dma_wait3A_1972 = tpu.memref_slice %arg6[%dma_wait3A_1964, %dma_wait3A_1971] : memref<4x128xi32, #tpu.memory_space<vmem>> -> memref<1x128xi32, #tpu.memory_space<vmem>>
      %dma_wait3A_1973 = tpu.memref_squeeze %dma_wait3A_1972 : memref<1x128xi32, #tpu.memory_space<vmem>> -> memref<128xi32, #tpu.memory_space<vmem>>
      %dma_wait3A_1974 = arith.constant 0 : i32
      %dma_wait3A_1975 = arith.constant 0 : i32
      %dma_wait3A_1976 = tpu.memref_slice %arg3[%dma_wait3A_1974, %dma_wait3A_1975] : memref<501760x128xf32, #tpu.memory_space<hbm>> -> memref<501760x128xf32, #tpu.memory_space<hbm>>
      %dma_wait3A_1977 = tpu.memref_slice %arg9[%dma_wait3A_1966] : memref<4x!tpu.dma_semaphore, #tpu.memory_space<semaphore_mem>> -> memref<1x!tpu.dma_semaphore, #tpu.memory_space<semaphore_mem>>
      %dma_wait3A_1978 = tpu.memref_squeeze %dma_wait3A_1977 : memref<1x!tpu.dma_semaphore, #tpu.memory_space<semaphore_mem>> -> memref<!tpu.dma_semaphore, #tpu.memory_space<semaphore_mem>>
      tpu.wait_indirect_dma semaphore(%dma_wait3A_1978 : memref<!tpu.dma_semaphore, #tpu.memory_space<semaphore_mem>>) src(%dma_wait3A_1976 : memref<501760x128xf32, #tpu.memory_space<hbm>>) dst(%dma_wait3A_1970 : memref<128x128xf32, #tpu.memory_space<vmem>>)
      %sub3A_1979 = arith.constant 4 : i32
      %sub3A_1980 = arith.subi %add3A_1963, %sub3A_1979 : i32
      %dma_wait3A_1981 = arith.constant 1 : i32
      %dma_wait3A_1982 = arith.constant 1 : i32
      %dma_wait3A_1983 = arith.constant 0 : i32
      %dma_wait3A_1984 = arith.constant 0 : i32
      %dma_wait3A_1985 = tpu.memref_slice %arg8[%dma_wait3A_1981, %dma_wait3A_1983, %dma_wait3A_1984] : memref<4x64x128xf32, #tpu.memory_space<vmem>> -> memref<1x64x128xf32, #tpu.memory_space<vmem>>
      %dma_wait3A_1986 = tpu.memref_squeeze %dma_wait3A_1985 : memref<1x64x128xf32, #tpu.memory_space<vmem>> -> memref<64x128xf32, #tpu.memory_space<vmem>>
      %dma_wait3A_1987 = arith.constant 0 : i32
      %dma_wait3A_1988 = tpu.memref_slice %arg4[%sub3A_1980, %dma_wait3A_1987, %mul3A_2] : memref<200x64x4096xf32, #tpu.memory_space<hbm>> -> memref<1x64x128xf32, #tpu.memory_space<hbm>>
      %dma_wait3A_1989 = tpu.memref_squeeze %dma_wait3A_1988 : memref<1x64x128xf32, #tpu.memory_space<hbm>> -> memref<64x128xf32, #tpu.memory_space<hbm>>
      %dma_wait3A_1990 = tpu.memref_slice %arg10[%dma_wait3A_1982] : memref<4x!tpu.dma_semaphore, #tpu.memory_space<semaphore_mem>> -> memref<1x!tpu.dma_semaphore, #tpu.memory_space<semaphore_mem>>
      %dma_wait3A_1991 = tpu.memref_squeeze %dma_wait3A_1990 : memref<1x!tpu.dma_semaphore, #tpu.memory_space<semaphore_mem>> -> memref<!tpu.dma_semaphore, #tpu.memory_space<semaphore_mem>>
      %dma_wait3A_1992 = arith.constant 0 : i32
      %dma_wait3A_1993 = tpu.memref_slice %arg4[%sub3A_1980, %dma_wait3A_1992, %mul3A_2] : memref<200x64x4096xf32, #tpu.memory_space<hbm>> -> memref<1x64x128xf32, #tpu.memory_space<hbm>>
      %dma_wait3A_1994 = tpu.memref_squeeze %dma_wait3A_1993 : memref<1x64x128xf32, #tpu.memory_space<hbm>> -> memref<64x128xf32, #tpu.memory_space<hbm>>
      %dma_wait3A_1995 = arith.constant 0 : i32
      %dma_wait3A_1996 = arith.constant 0 : i32
      %dma_wait3A_1997 = tpu.memref_slice %arg8[%dma_wait3A_1981, %dma_wait3A_1995, %dma_wait3A_1996] : memref<4x64x128xf32, #tpu.memory_space<vmem>> -> memref<1x64x128xf32, #tpu.memory_space<vmem>>
      %dma_wait3A_1998 = tpu.memref_squeeze %dma_wait3A_1997 : memref<1x64x128xf32, #tpu.memory_space<vmem>> -> memref<64x128xf32, #tpu.memory_space<vmem>>
      tpu.wait_dma2 semaphore(%dma_wait3A_1991 : memref<!tpu.dma_semaphore, #tpu.memory_space<semaphore_mem>>) src(%dma_wait3A_1998 : memref<64x128xf32, #tpu.memory_space<vmem>>) dst(%dma_wait3A_1994 : memref<64x128xf32, #tpu.memory_space<hbm>>)
      %scan3A_1999 = arith.constant 0 : i32
      %scan3A_2000 = arith.constant 0 : i32
      %scan3A_2001 = arith.constant 8 : i32
      %scan3A_2002 = arith.addi %scan3A_2000, %scan3A_2001 : i32
      %scan3A_2003 = arith.constant 1 : i32
      scf.for %scan3A_2608 = %scan3A_2000 to %scan3A_2002 step %scan3A_2003  : i32 {
        %iota3A = tpu.iota {dimensions = array<i32: 0>} : vector<16xi32>
        %mul3A_2609 = arith.constant 16 : i32
        %mul3A_2610 = arith.muli %mul3A_2609, %scan3A_2608 : i32
        %add3A_2611 = vector.broadcast %mul3A_2610 : i32 to vector<16xi32>
        %add3A_2612 = arith.addi %iota3A, %add3A_2611 : vector<16xi32>
        %mul3A_2613 = arith.constant 16 : i32
        %mul3A_2614 = arith.muli %mul3A_2613, %scan3A_2608 : i32
        %get3A_2615 = arith.index_cast %add3A_1963 : i32 to index
        %get3A_2616 = arith.index_cast %mul3A_2614 : i32 to index
        %get3A_2617 = tpu.vector_load %arg5[%get3A_2615, %get3A_2616] {strides = array<i32>} : memref<200x128xi32, #tpu.memory_space<vmem>>, vector<16xi32>,
        %shift_right_arithmetic3A_2618 = arith.constant 5 : i32
        %shift_right_arithmetic3A_2619 = vector.broadcast %shift_right_arithmetic3A_2618 : i32 to vector<16xi32>
        %shift_right_arithmetic3A_2620 = arith.shrsi %get3A_2617, %shift_right_arithmetic3A_2619 : vector<16xi32>
        %and3A_2621 = arith.constant 64 : i32
        %and3A_2622 = vector.broadcast %and3A_2621 : i32 to vector<16xi32>
        %and3A_2623 = arith.andi %shift_right_arithmetic3A_2620, %and3A_2622 : vector<16xi32>
        %parallel_loop3A = arith.constant 0 : i32
        %parallel_loop3A_2624 = arith.constant 64 : i32
        %parallel_loop3A_2625 = arith.constant 1 : i32
        scf.for %parallel_loop3A_2626 = %parallel_loop3A to %parallel_loop3A_2624 step %parallel_loop3A_2625  : i32 {
          %parallel_loop3A_2627 = vector.broadcast %parallel_loop3A_2626 : i32 to vector<16xi32>
          %parallel_loop3A_2628 = arith.addi %and3A_2623, %parallel_loop3A_2627 : vector<16xi32>
          %parallel_loop3A_2629 = arith.constant 1 : i32
          %parallel_loop3A_2630 = arith.constant 0 : i32
          %parallel_loop3A_2631 = arith.constant 0 : i32
          %parallel_loop3A_2632 = tpu.memref_slice %arg7[%parallel_loop3A_2629, %parallel_loop3A_2630, %parallel_loop3A_2631] : memref<4x128x128xf32, #tpu.memory_space<vmem>> -> memref<1x128x128xf32, #tpu.memory_space<vmem>>
          %parallel_loop3A_2633 = tpu.memref_squeeze %parallel_loop3A_2632 : memref<1x128x128xf32, #tpu.memory_space<vmem>> -> memref<128x128xf32, #tpu.memory_space<vmem>>
          %parallel_loop3A_2634 = tpu.vector_load_idx %parallel_loop3A_2633[%add3A_2612, %parallel_loop3A_2628] : memref<128x128xf32, #tpu.memory_space<vmem>>[vector<16xi32>, vector<16xi32>], vector<16xf32>,
          %parallel_loop3A_2635 = arith.constant 16 : i32
          %parallel_loop3A_2636 = arith.muli %parallel_loop3A_2635, %scan3A_2608 : i32
          %parallel_loop3A_2637 = arith.constant 1 : i32
          %parallel_loop3A_2638 = arith.index_cast %parallel_loop3A_2637 : i32 to index
          %parallel_loop3A_2639 = arith.index_cast %parallel_loop3A_2626 : i32 to index
          %parallel_loop3A_2640 = arith.index_cast %parallel_loop3A_2636 : i32 to index
          %parallel_loop3A_2641 = tpu.vector_load %arg8[%parallel_loop3A_2638, %parallel_loop3A_2639, %parallel_loop3A_2640] {strides = array<i32>} : memref<4x64x128xf32, #tpu.memory_space<vmem>>, vector<16xf32>,
          tpu.vector_store %arg8[%parallel_loop3A_2638, %parallel_loop3A_2639, %parallel_loop3A_2640], %parallel_loop3A_2634 {strides = array<i32>} : memref<4x64x128xf32, #tpu.memory_space<vmem>>, vector<16xf32>,
        } {sc.loop_unroll_factor = 16 : i64, sc.parallel_access}
      }
      %scan3A_2004 = arith.constant 8 : i32
      %dma_start3A_2005 = arith.constant 1 : i32
      %dma_start3A_2006 = arith.constant 1 : i32
      %dma_start3A_2007 = arith.constant 0 : i32
      %dma_start3A_2008 = arith.constant 0 : i32
      %dma_start3A_2009 = tpu.memref_slice %arg8[%dma_start3A_2005, %dma_start3A_2007, %dma_start3A_2008] : memref<4x64x128xf32, #tpu.memory_space<vmem>> -> memref<1x64x128xf32, #tpu.memory_space<vmem>>
      %dma_start3A_2010 = tpu.memref_squeeze %dma_start3A_2009 : memref<1x64x128xf32, #tpu.memory_space<vmem>> -> memref<64x128xf32, #tpu.memory_space<vmem>>
      %dma_start3A_2011 = arith.constant 0 : i32
      %dma_start3A_2012 = tpu.memref_slice %arg4[%add3A_1963, %dma_start3A_2011, %mul3A_2] : memref<200x64x4096xf32, #tpu.memory_space<hbm>> -> memref<1x64x128xf32, #tpu.memory_space<hbm>>
      %dma_start3A_2013 = tpu.memref_squeeze %dma_start3A_2012 : memref<1x64x128xf32, #tpu.memory_space<hbm>> -> memref<64x128xf32, #tpu.memory_space<hbm>>
      %dma_start3A_2014 = tpu.memref_slice %arg10[%dma_start3A_2006] : memref<4x!tpu.dma_semaphore, #tpu.memory_space<semaphore_mem>> -> memref<1x!tpu.dma_semaphore, #tpu.memory_space<semaphore_mem>>
      %dma_start3A_2015 = tpu.memref_squeeze %dma_start3A_2014 : memref<1x!tpu.dma_semaphore, #tpu.memory_space<semaphore_mem>> -> memref<!tpu.dma_semaphore, #tpu.memory_space<semaphore_mem>>
      %dma_start3A_2016 = arith.constant 0 : i32
      %dma_start3A_2017 = tpu.memref_slice %arg4[%add3A_1963, %dma_start3A_2016, %mul3A_2] : memref<200x64x4096xf32, #tpu.memory_space<hbm>> -> memref<1x64x128xf32, #tpu.memory_space<hbm>>
      %dma_start3A_2018 = tpu.memref_squeeze %dma_start3A_2017 : memref<1x64x128xf32, #tpu.memory_space<hbm>> -> memref<64x128xf32, #tpu.memory_space<hbm>>
      %dma_start3A_2019 = arith.constant 0 : i32
      %dma_start3A_2020 = arith.constant 0 : i32
      %dma_start3A_2021 = tpu.memref_slice %arg8[%dma_start3A_2005, %dma_start3A_2019, %dma_start3A_2020] : memref<4x64x128xf32, #tpu.memory_space<vmem>> -> memref<1x64x128xf32, #tpu.memory_space<vmem>>
      %dma_start3A_2022 = tpu.memref_squeeze %dma_start3A_2021 : memref<1x64x128xf32, #tpu.memory_space<vmem>> -> memref<64x128xf32, #tpu.memory_space<vmem>>
      tpu.enqueue_dma source(%dma_start3A_2022 : memref<64x128xf32, #tpu.memory_space<vmem>>) target(%dma_start3A_2018 : memref<64x128xf32, #tpu.memory_space<hbm>>) target_semaphore(%dma_start3A_2015 : memref<!tpu.dma_semaphore, #tpu.memory_space<semaphore_mem>>)
      %add3A_2023 = arith.constant 4 : i32
      %add3A_2024 = arith.addi %add3A_1963, %add3A_2023 : i32
      %get3A_2025 = arith.index_cast %add3A_2024 : i32 to index
      %get3A_2026 = arith.constant 0 : index
      %get3A_2027 = tpu.vector_load %arg5[%get3A_2025, %get3A_2026] {strides = array<i32>} : memref<200x128xi32, #tpu.memory_space<vmem>>, vector<16xi32>,
      %shift_right_arithmetic3A_2028 = arith.constant 12 : i32
      %shift_right_arithmetic3A_2029 = vector.broadcast %shift_right_arithmetic3A_2028 : i32 to vector<16xi32>
      %shift_right_arithmetic3A_2030 = arith.shrsi %get3A_2027, %shift_right_arithmetic3A_2029 : vector<16xi32>
      %shift_left3A_2031 = arith.constant 11 : i32
      %shift_left3A_2032 = vector.broadcast %shift_left3A_2031 : i32 to vector<16xi32>
      %shift_left3A_2033 = arith.shli %shift_right_arithmetic3A_2030, %shift_left3A_2032 : vector<16xi32>
      %and3A_2034 = arith.constant 2047 : i32
      %and3A_2035 = vector.broadcast %and3A_2034 : i32 to vector<16xi32>
      %and3A_2036 = arith.andi %get3A_2027, %and3A_2035 : vector<16xi32>
      %or3A_2037 = arith.ori %shift_left3A_2033, %and3A_2036 : vector<16xi32>
      %swap3A_2038 = arith.constant 1 : i32
      %swap3A_2039 = arith.index_cast %swap3A_2038 : i32 to index
      %swap3A_2040 = arith.constant 0 : index
      %swap3A_2041 = tpu.vector_load %arg6[%swap3A_2039, %swap3A_2040] {strides = array<i32>} : memref<4x128xi32, #tpu.memory_space<vmem>>, vector<16xi32>,
      tpu.vector_store %arg6[%swap3A_2039, %swap3A_2040], %or3A_2037 {strides = array<i32>} : memref<4x128xi32, #tpu.memory_space<vmem>>, vector<16xi32>,
      %get3A_2042 = arith.index_cast %add3A_2024 : i32 to index
      %get3A_2043 = arith.constant 16 : index
      %get3A_2044 = tpu.vector_load %arg5[%get3A_2042, %get3A_2043] {strides = array<i32>} : memref<200x128xi32, #tpu.memory_space<vmem>>, vector<16xi32>,
      %shift_right_arithmetic3A_2045 = arith.constant 12 : i32
      %shift_right_arithmetic3A_2046 = vector.broadcast %shift_right_arithmetic3A_2045 : i32 to vector<16xi32>
      %shift_right_arithmetic3A_2047 = arith.shrsi %get3A_2044, %shift_right_arithmetic3A_2046 : vector<16xi32>
      %shift_left3A_2048 = arith.constant 11 : i32
      %shift_left3A_2049 = vector.broadcast %shift_left3A_2048 : i32 to vector<16xi32>
      %shift_left3A_2050 = arith.shli %shift_right_arithmetic3A_2047, %shift_left3A_2049 : vector<16xi32>
      %and3A_2051 = arith.constant 2047 : i32
      %and3A_2052 = vector.broadcast %and3A_2051 : i32 to vector<16xi32>
      %and3A_2053 = arith.andi %get3A_2044, %and3A_2052 : vector<16xi32>
      %or3A_2054 = arith.ori %shift_left3A_2050, %and3A_2053 : vector<16xi32>
      %swap3A_2055 = arith.constant 1 : i32
      %swap3A_2056 = arith.index_cast %swap3A_2055 : i32 to index
      %swap3A_2057 = arith.constant 16 : index
      %swap3A_2058 = tpu.vector_load %arg6[%swap3A_2056, %swap3A_2057] {strides = array<i32>} : memref<4x128xi32, #tpu.memory_space<vmem>>, vector<16xi32>,
      tpu.vector_store %arg6[%swap3A_2056, %swap3A_2057], %or3A_2054 {strides = array<i32>} : memref<4x128xi32, #tpu.memory_space<vmem>>, vector<16xi32>,
      %get3A_2059 = arith.index_cast %add3A_2024 : i32 to index
      %get3A_2060 = arith.constant 32 : index
      %get3A_2061 = tpu.vector_load %arg5[%get3A_2059, %get3A_2060] {strides = array<i32>} : memref<200x128xi32, #tpu.memory_space<vmem>>, vector<16xi32>,
      %shift_right_arithmetic3A_2062 = arith.constant 12 : i32
      %shift_right_arithmetic3A_2063 = vector.broadcast %shift_right_arithmetic3A_2062 : i32 to vector<16xi32>
      %shift_right_arithmetic3A_2064 = arith.shrsi %get3A_2061, %shift_right_arithmetic3A_2063 : vector<16xi32>
      %shift_left3A_2065 = arith.constant 11 : i32
      %shift_left3A_2066 = vector.broadcast %shift_left3A_2065 : i32 to vector<16xi32>
      %shift_left3A_2067 = arith.shli %shift_right_arithmetic3A_2064, %shift_left3A_2066 : vector<16xi32>
      %and3A_2068 = arith.constant 2047 : i32
      %and3A_2069 = vector.broadcast %and3A_2068 : i32 to vector<16xi32>
      %and3A_2070 = arith.andi %get3A_2061, %and3A_2069 : vector<16xi32>
      %or3A_2071 = arith.ori %shift_left3A_2067, %and3A_2070 : vector<16xi32>
      %swap3A_2072 = arith.constant 1 : i32
      %swap3A_2073 = arith.index_cast %swap3A_2072 : i32 to index
      %swap3A_2074 = arith.constant 32 : index
      %swap3A_2075 = tpu.vector_load %arg6[%swap3A_2073, %swap3A_2074] {strides = array<i32>} : memref<4x128xi32, #tpu.memory_space<vmem>>, vector<16xi32>,
      tpu.vector_store %arg6[%swap3A_2073, %swap3A_2074], %or3A_2071 {strides = array<i32>} : memref<4x128xi32, #tpu.memory_space<vmem>>, vector<16xi32>,
      %get3A_2076 = arith.index_cast %add3A_2024 : i32 to index
      %get3A_2077 = arith.constant 48 : index
      %get3A_2078 = tpu.vector_load %arg5[%get3A_2076, %get3A_2077] {strides = array<i32>} : memref<200x128xi32, #tpu.memory_space<vmem>>, vector<16xi32>,
      %shift_right_arithmetic3A_2079 = arith.constant 12 : i32
      %shift_right_arithmetic3A_2080 = vector.broadcast %shift_right_arithmetic3A_2079 : i32 to vector<16xi32>
      %shift_right_arithmetic3A_2081 = arith.shrsi %get3A_2078, %shift_right_arithmetic3A_2080 : vector<16xi32>
      %shift_left3A_2082 = arith.constant 11 : i32
      %shift_left3A_2083 = vector.broadcast %shift_left3A_2082 : i32 to vector<16xi32>
      %shift_left3A_2084 = arith.shli %shift_right_arithmetic3A_2081, %shift_left3A_2083 : vector<16xi32>
      %and3A_2085 = arith.constant 2047 : i32
      %and3A_2086 = vector.broadcast %and3A_2085 : i32 to vector<16xi32>
      %and3A_2087 = arith.andi %get3A_2078, %and3A_2086 : vector<16xi32>
      %or3A_2088 = arith.ori %shift_left3A_2084, %and3A_2087 : vector<16xi32>
      %swap3A_2089 = arith.constant 1 : i32
      %swap3A_2090 = arith.index_cast %swap3A_2089 : i32 to index
      %swap3A_2091 = arith.constant 48 : index
      %swap3A_2092 = tpu.vector_load %arg6[%swap3A_2090, %swap3A_2091] {strides = array<i32>} : memref<4x128xi32, #tpu.memory_space<vmem>>, vector<16xi32>,
      tpu.vector_store %arg6[%swap3A_2090, %swap3A_2091], %or3A_2088 {strides = array<i32>} : memref<4x128xi32, #tpu.memory_space<vmem>>, vector<16xi32>,
      %get3A_2093 = arith.index_cast %add3A_2024 : i32 to index
      %get3A_2094 = arith.constant 64 : index
      %get3A_2095 = tpu.vector_load %arg5[%get3A_2093, %get3A_2094] {strides = array<i32>} : memref<200x128xi32, #tpu.memory_space<vmem>>, vector<16xi32>,
      %shift_right_arithmetic3A_2096 = arith.constant 12 : i32
      %shift_right_arithmetic3A_2097 = vector.broadcast %shift_right_arithmetic3A_2096 : i32 to vector<16xi32>
      %shift_right_arithmetic3A_2098 = arith.shrsi %get3A_2095, %shift_right_arithmetic3A_2097 : vector<16xi32>
      %shift_left3A_2099 = arith.constant 11 : i32
      %shift_left3A_2100 = vector.broadcast %shift_left3A_2099 : i32 to vector<16xi32>
      %shift_left3A_2101 = arith.shli %shift_right_arithmetic3A_2098, %shift_left3A_2100 : vector<16xi32>
      %and3A_2102 = arith.constant 2047 : i32
      %and3A_2103 = vector.broadcast %and3A_2102 : i32 to vector<16xi32>
      %and3A_2104 = arith.andi %get3A_2095, %and3A_2103 : vector<16xi32>
      %or3A_2105 = arith.ori %shift_left3A_2101, %and3A_2104 : vector<16xi32>
      %swap3A_2106 = arith.constant 1 : i32
      %swap3A_2107 = arith.index_cast %swap3A_2106 : i32 to index
      %swap3A_2108 = arith.constant 64 : index
      %swap3A_2109 = tpu.vector_load %arg6[%swap3A_2107, %swap3A_2108] {strides = array<i32>} : memref<4x128xi32, #tpu.memory_space<vmem>>, vector<16xi32>,
      tpu.vector_store %arg6[%swap3A_2107, %swap3A_2108], %or3A_2105 {strides = array<i32>} : memref<4x128xi32, #tpu.memory_space<vmem>>, vector<16xi32>,
      %get3A_2110 = arith.index_cast %add3A_2024 : i32 to index
      %get3A_2111 = arith.constant 80 : index
      %get3A_2112 = tpu.vector_load %arg5[%get3A_2110, %get3A_2111] {strides = array<i32>} : memref<200x128xi32, #tpu.memory_space<vmem>>, vector<16xi32>,
      %shift_right_arithmetic3A_2113 = arith.constant 12 : i32
      %shift_right_arithmetic3A_2114 = vector.broadcast %shift_right_arithmetic3A_2113 : i32 to vector<16xi32>
      %shift_right_arithmetic3A_2115 = arith.shrsi %get3A_2112, %shift_right_arithmetic3A_2114 : vector<16xi32>
      %shift_left3A_2116 = arith.constant 11 : i32
      %shift_left3A_2117 = vector.broadcast %shift_left3A_2116 : i32 to vector<16xi32>
      %shift_left3A_2118 = arith.shli %shift_right_arithmetic3A_2115, %shift_left3A_2117 : vector<16xi32>
      %and3A_2119 = arith.constant 2047 : i32
      %and3A_2120 = vector.broadcast %and3A_2119 : i32 to vector<16xi32>
      %and3A_2121 = arith.andi %get3A_2112, %and3A_2120 : vector<16xi32>
      %or3A_2122 = arith.ori %shift_left3A_2118, %and3A_2121 : vector<16xi32>
      %swap3A_2123 = arith.constant 1 : i32
      %swap3A_2124 = arith.index_cast %swap3A_2123 : i32 to index
      %swap3A_2125 = arith.constant 80 : index
      %swap3A_2126 = tpu.vector_load %arg6[%swap3A_2124, %swap3A_2125] {strides = array<i32>} : memref<4x128xi32, #tpu.memory_space<vmem>>, vector<16xi32>,
      tpu.vector_store %arg6[%swap3A_2124, %swap3A_2125], %or3A_2122 {strides = array<i32>} : memref<4x128xi32, #tpu.memory_space<vmem>>, vector<16xi32>,
      %get3A_2127 = arith.index_cast %add3A_2024 : i32 to index
      %get3A_2128 = arith.constant 96 : index
      %get3A_2129 = tpu.vector_load %arg5[%get3A_2127, %get3A_2128] {strides = array<i32>} : memref<200x128xi32, #tpu.memory_space<vmem>>, vector<16xi32>,
      %shift_right_arithmetic3A_2130 = arith.constant 12 : i32
      %shift_right_arithmetic3A_2131 = vector.broadcast %shift_right_arithmetic3A_2130 : i32 to vector<16xi32>
      %shift_right_arithmetic3A_2132 = arith.shrsi %get3A_2129, %shift_right_arithmetic3A_2131 : vector<16xi32>
      %shift_left3A_2133 = arith.constant 11 : i32
      %shift_left3A_2134 = vector.broadcast %shift_left3A_2133 : i32 to vector<16xi32>
      %shift_left3A_2135 = arith.shli %shift_right_arithmetic3A_2132, %shift_left3A_2134 : vector<16xi32>
      %and3A_2136 = arith.constant 2047 : i32
      %and3A_2137 = vector.broadcast %and3A_2136 : i32 to vector<16xi32>
      %and3A_2138 = arith.andi %get3A_2129, %and3A_2137 : vector<16xi32>
      %or3A_2139 = arith.ori %shift_left3A_2135, %and3A_2138 : vector<16xi32>
      %swap3A_2140 = arith.constant 1 : i32
      %swap3A_2141 = arith.index_cast %swap3A_2140 : i32 to index
      %swap3A_2142 = arith.constant 96 : index
      %swap3A_2143 = tpu.vector_load %arg6[%swap3A_2141, %swap3A_2142] {strides = array<i32>} : memref<4x128xi32, #tpu.memory_space<vmem>>, vector<16xi32>,
      tpu.vector_store %arg6[%swap3A_2141, %swap3A_2142], %or3A_2139 {strides = array<i32>} : memref<4x128xi32, #tpu.memory_space<vmem>>, vector<16xi32>,
      %get3A_2144 = arith.index_cast %add3A_2024 : i32 to index
      %get3A_2145 = arith.constant 112 : index
      %get3A_2146 = tpu.vector_load %arg5[%get3A_2144, %get3A_2145] {strides = array<i32>} : memref<200x128xi32, #tpu.memory_space<vmem>>, vector<16xi32>,
      %shift_right_arithmetic3A_2147 = arith.constant 12 : i32
      %shift_right_arithmetic3A_2148 = vector.broadcast %shift_right_arithmetic3A_2147 : i32 to vector<16xi32>
      %shift_right_arithmetic3A_2149 = arith.shrsi %get3A_2146, %shift_right_arithmetic3A_2148 : vector<16xi32>
      %shift_left3A_2150 = arith.constant 11 : i32
      %shift_left3A_2151 = vector.broadcast %shift_left3A_2150 : i32 to vector<16xi32>
      %shift_left3A_2152 = arith.shli %shift_right_arithmetic3A_2149, %shift_left3A_2151 : vector<16xi32>
      %and3A_2153 = arith.constant 2047 : i32
      %and3A_2154 = vector.broadcast %and3A_2153 : i32 to vector<16xi32>
      %and3A_2155 = arith.andi %get3A_2146, %and3A_2154 : vector<16xi32>
      %or3A_2156 = arith.ori %shift_left3A_2152, %and3A_2155 : vector<16xi32>
      %swap3A_2157 = arith.constant 1 : i32
      %swap3A_2158 = arith.index_cast %swap3A_2157 : i32 to index
      %swap3A_2159 = arith.constant 112 : index
      %swap3A_2160 = tpu.vector_load %arg6[%swap3A_2158, %swap3A_2159] {strides = array<i32>} : memref<4x128xi32, #tpu.memory_space<vmem>>, vector<16xi32>,
      tpu.vector_store %arg6[%swap3A_2158, %swap3A_2159], %or3A_2156 {strides = array<i32>} : memref<4x128xi32, #tpu.memory_space<vmem>>, vector<16xi32>,
      %dma_start3A_2161 = arith.constant 1 : i32
      %dma_start3A_2162 = arith.constant 1 : i32
      %dma_start3A_2163 = arith.constant 1 : i32
      %dma_start3A_2164 = arith.constant 0 : i32
      %dma_start3A_2165 = arith.constant 0 : i32
      %dma_start3A_2166 = tpu.memref_slice %arg7[%dma_start3A_2162, %dma_start3A_2164, %dma_start3A_2165] : memref<4x128x128xf32, #tpu.memory_space<vmem>> -> memref<1x128x128xf32, #tpu.memory_space<vmem>>
      %dma_start3A_2167 = tpu.memref_squeeze %dma_start3A_2166 : memref<1x128x128xf32, #tpu.memory_space<vmem>> -> memref<128x128xf32, #tpu.memory_space<vmem>>
      %dma_start3A_2168 = arith.constant 0 : i32
      %dma_start3A_2169 = tpu.memref_slice %arg6[%dma_start3A_2161, %dma_start3A_2168] : memref<4x128xi32, #tpu.memory_space<vmem>> -> memref<1x128xi32, #tpu.memory_space<vmem>>
      %dma_start3A_2170 = tpu.memref_squeeze %dma_start3A_2169 : memref<1x128xi32, #tpu.memory_space<vmem>> -> memref<128xi32, #tpu.memory_space<vmem>>
      %dma_start3A_2171 = arith.constant 0 : i32
      %dma_start3A_2172 = arith.constant 0 : i32
      %dma_start3A_2173 = tpu.memref_slice %arg3[%dma_start3A_2171, %dma_start3A_2172] : memref<501760x128xf32, #tpu.memory_space<hbm>> -> memref<501760x128xf32, #tpu.memory_space<hbm>>
      %dma_start3A_2174 = tpu.memref_slice %arg9[%dma_start3A_2163] : memref<4x!tpu.dma_semaphore, #tpu.memory_space<semaphore_mem>> -> memref<1x!tpu.dma_semaphore, #tpu.memory_space<semaphore_mem>>
      %dma_start3A_2175 = tpu.memref_squeeze %dma_start3A_2174 : memref<1x!tpu.dma_semaphore, #tpu.memory_space<semaphore_mem>> -> memref<!tpu.dma_semaphore, #tpu.memory_space<semaphore_mem>>
      tpu.enqueue_indirect_dma source(%dma_start3A_2173 : memref<501760x128xf32, #tpu.memory_space<hbm>>) target(%dma_start3A_2167 : memref<128x128xf32, #tpu.memory_space<vmem>>) offsets(%dma_start3A_2170 : memref<128xi32, #tpu.memory_space<vmem>>) semaphore(%dma_start3A_2175 : memref<!tpu.dma_semaphore, #tpu.memory_space<semaphore_mem>>)
      %mul3A_2176 = arith.constant 4 : i32
      %mul3A_2177 = arith.muli %mul3A_2176, %scan3A_1744 : i32
      %add3A_2178 = arith.constant 2 : i32
      %add3A_2179 = arith.addi %mul3A_2177, %add3A_2178 : i32
      %dma_wait3A_2180 = arith.constant 2 : i32
      %dma_wait3A_2181 = arith.constant 2 : i32
      %dma_wait3A_2182 = arith.constant 2 : i32
      %dma_wait3A_2183 = arith.constant 0 : i32
      %dma_wait3A_2184 = arith.constant 0 : i32
      %dma_wait3A_2185 = tpu.memref_slice %arg7[%dma_wait3A_2181, %dma_wait3A_2183, %dma_wait3A_2184] : memref<4x128x128xf32, #tpu.memory_space<vmem>> -> memref<1x128x128xf32, #tpu.memory_space<vmem>>
      %dma_wait3A_2186 = tpu.memref_squeeze %dma_wait3A_2185 : memref<1x128x128xf32, #tpu.memory_space<vmem>> -> memref<128x128xf32, #tpu.memory_space<vmem>>
      %dma_wait3A_2187 = arith.constant 0 : i32
      %dma_wait3A_2188 = tpu.memref_slice %arg6[%dma_wait3A_2180, %dma_wait3A_2187] : memref<4x128xi32, #tpu.memory_space<vmem>> -> memref<1x128xi32, #tpu.memory_space<vmem>>
      %dma_wait3A_2189 = tpu.memref_squeeze %dma_wait3A_2188 : memref<1x128xi32, #tpu.memory_space<vmem>> -> memref<128xi32, #tpu.memory_space<vmem>>
      %dma_wait3A_2190 = arith.constant 0 : i32
      %dma_wait3A_2191 = arith.constant 0 : i32
      %dma_wait3A_2192 = tpu.memref_slice %arg3[%dma_wait3A_2190, %dma_wait3A_2191] : memref<501760x128xf32, #tpu.memory_space<hbm>> -> memref<501760x128xf32, #tpu.memory_space<hbm>>
      %dma_wait3A_2193 = tpu.memref_slice %arg9[%dma_wait3A_2182] : memref<4x!tpu.dma_semaphore, #tpu.memory_space<semaphore_mem>> -> memref<1x!tpu.dma_semaphore, #tpu.memory_space<semaphore_mem>>
      %dma_wait3A_2194 = tpu.memref_squeeze %dma_wait3A_2193 : memref<1x!tpu.dma_semaphore, #tpu.memory_space<semaphore_mem>> -> memref<!tpu.dma_semaphore, #tpu.memory_space<semaphore_mem>>
      tpu.wait_indirect_dma semaphore(%dma_wait3A_2194 : memref<!tpu.dma_semaphore, #tpu.memory_space<semaphore_mem>>) src(%dma_wait3A_2192 : memref<501760x128xf32, #tpu.memory_space<hbm>>) dst(%dma_wait3A_2186 : memref<128x128xf32, #tpu.memory_space<vmem>>)
      %sub3A_2195 = arith.constant 4 : i32
      %sub3A_2196 = arith.subi %add3A_2179, %sub3A_2195 : i32
      %dma_wait3A_2197 = arith.constant 2 : i32
      %dma_wait3A_2198 = arith.constant 2 : i32
      %dma_wait3A_2199 = arith.constant 0 : i32
      %dma_wait3A_2200 = arith.constant 0 : i32
      %dma_wait3A_2201 = tpu.memref_slice %arg8[%dma_wait3A_2197, %dma_wait3A_2199, %dma_wait3A_2200] : memref<4x64x128xf32, #tpu.memory_space<vmem>> -> memref<1x64x128xf32, #tpu.memory_space<vmem>>
      %dma_wait3A_2202 = tpu.memref_squeeze %dma_wait3A_2201 : memref<1x64x128xf32, #tpu.memory_space<vmem>> -> memref<64x128xf32, #tpu.memory_space<vmem>>
      %dma_wait3A_2203 = arith.constant 0 : i32
      %dma_wait3A_2204 = tpu.memref_slice %arg4[%sub3A_2196, %dma_wait3A_2203, %mul3A_2] : memref<200x64x4096xf32, #tpu.memory_space<hbm>> -> memref<1x64x128xf32, #tpu.memory_space<hbm>>
      %dma_wait3A_2205 = tpu.memref_squeeze %dma_wait3A_2204 : memref<1x64x128xf32, #tpu.memory_space<hbm>> -> memref<64x128xf32, #tpu.memory_space<hbm>>
      %dma_wait3A_2206 = tpu.memref_slice %arg10[%dma_wait3A_2198] : memref<4x!tpu.dma_semaphore, #tpu.memory_space<semaphore_mem>> -> memref<1x!tpu.dma_semaphore, #tpu.memory_space<semaphore_mem>>
      %dma_wait3A_2207 = tpu.memref_squeeze %dma_wait3A_2206 : memref<1x!tpu.dma_semaphore, #tpu.memory_space<semaphore_mem>> -> memref<!tpu.dma_semaphore, #tpu.memory_space<semaphore_mem>>
      %dma_wait3A_2208 = arith.constant 0 : i32
      %dma_wait3A_2209 = tpu.memref_slice %arg4[%sub3A_2196, %dma_wait3A_2208, %mul3A_2] : memref<200x64x4096xf32, #tpu.memory_space<hbm>> -> memref<1x64x128xf32, #tpu.memory_space<hbm>>
      %dma_wait3A_2210 = tpu.memref_squeeze %dma_wait3A_2209 : memref<1x64x128xf32, #tpu.memory_space<hbm>> -> memref<64x128xf32, #tpu.memory_space<hbm>>
      %dma_wait3A_2211 = arith.constant 0 : i32
      %dma_wait3A_2212 = arith.constant 0 : i32
      %dma_wait3A_2213 = tpu.memref_slice %arg8[%dma_wait3A_2197, %dma_wait3A_2211, %dma_wait3A_2212] : memref<4x64x128xf32, #tpu.memory_space<vmem>> -> memref<1x64x128xf32, #tpu.memory_space<vmem>>
      %dma_wait3A_2214 = tpu.memref_squeeze %dma_wait3A_2213 : memref<1x64x128xf32, #tpu.memory_space<vmem>> -> memref<64x128xf32, #tpu.memory_space<vmem>>
      tpu.wait_dma2 semaphore(%dma_wait3A_2207 : memref<!tpu.dma_semaphore, #tpu.memory_space<semaphore_mem>>) src(%dma_wait3A_2214 : memref<64x128xf32, #tpu.memory_space<vmem>>) dst(%dma_wait3A_2210 : memref<64x128xf32, #tpu.memory_space<hbm>>)
      %scan3A_2215 = arith.constant 0 : i32
      %scan3A_2216 = arith.constant 0 : i32
      %scan3A_2217 = arith.constant 8 : i32
      %scan3A_2218 = arith.addi %scan3A_2216, %scan3A_2217 : i32
      %scan3A_2219 = arith.constant 1 : i32
      scf.for %scan3A_2608 = %scan3A_2216 to %scan3A_2218 step %scan3A_2219  : i32 {
        %iota3A = tpu.iota {dimensions = array<i32: 0>} : vector<16xi32>
        %mul3A_2609 = arith.constant 16 : i32
        %mul3A_2610 = arith.muli %mul3A_2609, %scan3A_2608 : i32
        %add3A_2611 = vector.broadcast %mul3A_2610 : i32 to vector<16xi32>
        %add3A_2612 = arith.addi %iota3A, %add3A_2611 : vector<16xi32>
        %mul3A_2613 = arith.constant 16 : i32
        %mul3A_2614 = arith.muli %mul3A_2613, %scan3A_2608 : i32
        %get3A_2615 = arith.index_cast %add3A_2179 : i32 to index
        %get3A_2616 = arith.index_cast %mul3A_2614 : i32 to index
        %get3A_2617 = tpu.vector_load %arg5[%get3A_2615, %get3A_2616] {strides = array<i32>} : memref<200x128xi32, #tpu.memory_space<vmem>>, vector<16xi32>,
        %shift_right_arithmetic3A_2618 = arith.constant 5 : i32
        %shift_right_arithmetic3A_2619 = vector.broadcast %shift_right_arithmetic3A_2618 : i32 to vector<16xi32>
        %shift_right_arithmetic3A_2620 = arith.shrsi %get3A_2617, %shift_right_arithmetic3A_2619 : vector<16xi32>
        %and3A_2621 = arith.constant 64 : i32
        %and3A_2622 = vector.broadcast %and3A_2621 : i32 to vector<16xi32>
        %and3A_2623 = arith.andi %shift_right_arithmetic3A_2620, %and3A_2622 : vector<16xi32>
        %parallel_loop3A = arith.constant 0 : i32
        %parallel_loop3A_2624 = arith.constant 64 : i32
        %parallel_loop3A_2625 = arith.constant 1 : i32
        scf.for %parallel_loop3A_2626 = %parallel_loop3A to %parallel_loop3A_2624 step %parallel_loop3A_2625  : i32 {
          %parallel_loop3A_2627 = vector.broadcast %parallel_loop3A_2626 : i32 to vector<16xi32>
          %parallel_loop3A_2628 = arith.addi %and3A_2623, %parallel_loop3A_2627 : vector<16xi32>
          %parallel_loop3A_2629 = arith.constant 2 : i32
          %parallel_loop3A_2630 = arith.constant 0 : i32
          %parallel_loop3A_2631 = arith.constant 0 : i32
          %parallel_loop3A_2632 = tpu.memref_slice %arg7[%parallel_loop3A_2629, %parallel_loop3A_2630, %parallel_loop3A_2631] : memref<4x128x128xf32, #tpu.memory_space<vmem>> -> memref<1x128x128xf32, #tpu.memory_space<vmem>>
          %parallel_loop3A_2633 = tpu.memref_squeeze %parallel_loop3A_2632 : memref<1x128x128xf32, #tpu.memory_space<vmem>> -> memref<128x128xf32, #tpu.memory_space<vmem>>
          %parallel_loop3A_2634 = tpu.vector_load_idx %parallel_loop3A_2633[%add3A_2612, %parallel_loop3A_2628] : memref<128x128xf32, #tpu.memory_space<vmem>>[vector<16xi32>, vector<16xi32>], vector<16xf32>,
          %parallel_loop3A_2635 = arith.constant 16 : i32
          %parallel_loop3A_2636 = arith.muli %parallel_loop3A_2635, %scan3A_2608 : i32
          %parallel_loop3A_2637 = arith.constant 2 : i32
          %parallel_loop3A_2638 = arith.index_cast %parallel_loop3A_2637 : i32 to index
          %parallel_loop3A_2639 = arith.index_cast %parallel_loop3A_2626 : i32 to index
          %parallel_loop3A_2640 = arith.index_cast %parallel_loop3A_2636 : i32 to index
          %parallel_loop3A_2641 = tpu.vector_load %arg8[%parallel_loop3A_2638, %parallel_loop3A_2639, %parallel_loop3A_2640] {strides = array<i32>} : memref<4x64x128xf32, #tpu.memory_space<vmem>>, vector<16xf32>,
          tpu.vector_store %arg8[%parallel_loop3A_2638, %parallel_loop3A_2639, %parallel_loop3A_2640], %parallel_loop3A_2634 {strides = array<i32>} : memref<4x64x128xf32, #tpu.memory_space<vmem>>, vector<16xf32>,
        } {sc.loop_unroll_factor = 16 : i64, sc.parallel_access}
      }
      %scan3A_2220 = arith.constant 8 : i32
      %dma_start3A_2221 = arith.constant 2 : i32
      %dma_start3A_2222 = arith.constant 2 : i32
      %dma_start3A_2223 = arith.constant 0 : i32
      %dma_start3A_2224 = arith.constant 0 : i32
      %dma_start3A_2225 = tpu.memref_slice %arg8[%dma_start3A_2221, %dma_start3A_2223, %dma_start3A_2224] : memref<4x64x128xf32, #tpu.memory_space<vmem>> -> memref<1x64x128xf32, #tpu.memory_space<vmem>>
      %dma_start3A_2226 = tpu.memref_squeeze %dma_start3A_2225 : memref<1x64x128xf32, #tpu.memory_space<vmem>> -> memref<64x128xf32, #tpu.memory_space<vmem>>
      %dma_start3A_2227 = arith.constant 0 : i32
      %dma_start3A_2228 = tpu.memref_slice %arg4[%add3A_2179, %dma_start3A_2227, %mul3A_2] : memref<200x64x4096xf32, #tpu.memory_space<hbm>> -> memref<1x64x128xf32, #tpu.memory_space<hbm>>
      %dma_start3A_2229 = tpu.memref_squeeze %dma_start3A_2228 : memref<1x64x128xf32, #tpu.memory_space<hbm>> -> memref<64x128xf32, #tpu.memory_space<hbm>>
      %dma_start3A_2230 = tpu.memref_slice %arg10[%dma_start3A_2222] : memref<4x!tpu.dma_semaphore, #tpu.memory_space<semaphore_mem>> -> memref<1x!tpu.dma_semaphore, #tpu.memory_space<semaphore_mem>>
      %dma_start3A_2231 = tpu.memref_squeeze %dma_start3A_2230 : memref<1x!tpu.dma_semaphore, #tpu.memory_space<semaphore_mem>> -> memref<!tpu.dma_semaphore, #tpu.memory_space<semaphore_mem>>
      %dma_start3A_2232 = arith.constant 0 : i32
      %dma_start3A_2233 = tpu.memref_slice %arg4[%add3A_2179, %dma_start3A_2232, %mul3A_2] : memref<200x64x4096xf32, #tpu.memory_space<hbm>> -> memref<1x64x128xf32, #tpu.memory_space<hbm>>
      %dma_start3A_2234 = tpu.memref_squeeze %dma_start3A_2233 : memref<1x64x128xf32, #tpu.memory_space<hbm>> -> memref<64x128xf32, #tpu.memory_space<hbm>>
      %dma_start3A_2235 = arith.constant 0 : i32
      %dma_start3A_2236 = arith.constant 0 : i32
      %dma_start3A_2237 = tpu.memref_slice %arg8[%dma_start3A_2221, %dma_start3A_2235, %dma_start3A_2236] : memref<4x64x128xf32, #tpu.memory_space<vmem>> -> memref<1x64x128xf32, #tpu.memory_space<vmem>>
      %dma_start3A_2238 = tpu.memref_squeeze %dma_start3A_2237 : memref<1x64x128xf32, #tpu.memory_space<vmem>> -> memref<64x128xf32, #tpu.memory_space<vmem>>
      tpu.enqueue_dma source(%dma_start3A_2238 : memref<64x128xf32, #tpu.memory_space<vmem>>) target(%dma_start3A_2234 : memref<64x128xf32, #tpu.memory_space<hbm>>) target_semaphore(%dma_start3A_2231 : memref<!tpu.dma_semaphore, #tpu.memory_space<semaphore_mem>>)
      %add3A_2239 = arith.constant 4 : i32
      %add3A_2240 = arith.addi %add3A_2179, %add3A_2239 : i32
      %get3A_2241 = arith.index_cast %add3A_2240 : i32 to index
      %get3A_2242 = arith.constant 0 : index
      %get3A_2243 = tpu.vector_load %arg5[%get3A_2241, %get3A_2242] {strides = array<i32>} : memref<200x128xi32, #tpu.memory_space<vmem>>, vector<16xi32>,
      %shift_right_arithmetic3A_2244 = arith.constant 12 : i32
      %shift_right_arithmetic3A_2245 = vector.broadcast %shift_right_arithmetic3A_2244 : i32 to vector<16xi32>
      %shift_right_arithmetic3A_2246 = arith.shrsi %get3A_2243, %shift_right_arithmetic3A_2245 : vector<16xi32>
      %shift_left3A_2247 = arith.constant 11 : i32
      %shift_left3A_2248 = vector.broadcast %shift_left3A_2247 : i32 to vector<16xi32>
      %shift_left3A_2249 = arith.shli %shift_right_arithmetic3A_2246, %shift_left3A_2248 : vector<16xi32>
      %and3A_2250 = arith.constant 2047 : i32
      %and3A_2251 = vector.broadcast %and3A_2250 : i32 to vector<16xi32>
      %and3A_2252 = arith.andi %get3A_2243, %and3A_2251 : vector<16xi32>
      %or3A_2253 = arith.ori %shift_left3A_2249, %and3A_2252 : vector<16xi32>
      %swap3A_2254 = arith.constant 2 : i32
      %swap3A_2255 = arith.index_cast %swap3A_2254 : i32 to index
      %swap3A_2256 = arith.constant 0 : index
      %swap3A_2257 = tpu.vector_load %arg6[%swap3A_2255, %swap3A_2256] {strides = array<i32>} : memref<4x128xi32, #tpu.memory_space<vmem>>, vector<16xi32>,
      tpu.vector_store %arg6[%swap3A_2255, %swap3A_2256], %or3A_2253 {strides = array<i32>} : memref<4x128xi32, #tpu.memory_space<vmem>>, vector<16xi32>,
      %get3A_2258 = arith.index_cast %add3A_2240 : i32 to index
      %get3A_2259 = arith.constant 16 : index
      %get3A_2260 = tpu.vector_load %arg5[%get3A_2258, %get3A_2259] {strides = array<i32>} : memref<200x128xi32, #tpu.memory_space<vmem>>, vector<16xi32>,
      %shift_right_arithmetic3A_2261 = arith.constant 12 : i32
      %shift_right_arithmetic3A_2262 = vector.broadcast %shift_right_arithmetic3A_2261 : i32 to vector<16xi32>
      %shift_right_arithmetic3A_2263 = arith.shrsi %get3A_2260, %shift_right_arithmetic3A_2262 : vector<16xi32>
      %shift_left3A_2264 = arith.constant 11 : i32
      %shift_left3A_2265 = vector.broadcast %shift_left3A_2264 : i32 to vector<16xi32>
      %shift_left3A_2266 = arith.shli %shift_right_arithmetic3A_2263, %shift_left3A_2265 : vector<16xi32>
      %and3A_2267 = arith.constant 2047 : i32
      %and3A_2268 = vector.broadcast %and3A_2267 : i32 to vector<16xi32>
      %and3A_2269 = arith.andi %get3A_2260, %and3A_2268 : vector<16xi32>
      %or3A_2270 = arith.ori %shift_left3A_2266, %and3A_2269 : vector<16xi32>
      %swap3A_2271 = arith.constant 2 : i32
      %swap3A_2272 = arith.index_cast %swap3A_2271 : i32 to index
      %swap3A_2273 = arith.constant 16 : index
      %swap3A_2274 = tpu.vector_load %arg6[%swap3A_2272, %swap3A_2273] {strides = array<i32>} : memref<4x128xi32, #tpu.memory_space<vmem>>, vector<16xi32>,
      tpu.vector_store %arg6[%swap3A_2272, %swap3A_2273], %or3A_2270 {strides = array<i32>} : memref<4x128xi32, #tpu.memory_space<vmem>>, vector<16xi32>,
      %get3A_2275 = arith.index_cast %add3A_2240 : i32 to index
      %get3A_2276 = arith.constant 32 : index
      %get3A_2277 = tpu.vector_load %arg5[%get3A_2275, %get3A_2276] {strides = array<i32>} : memref<200x128xi32, #tpu.memory_space<vmem>>, vector<16xi32>,
      %shift_right_arithmetic3A_2278 = arith.constant 12 : i32
      %shift_right_arithmetic3A_2279 = vector.broadcast %shift_right_arithmetic3A_2278 : i32 to vector<16xi32>
      %shift_right_arithmetic3A_2280 = arith.shrsi %get3A_2277, %shift_right_arithmetic3A_2279 : vector<16xi32>
      %shift_left3A_2281 = arith.constant 11 : i32
      %shift_left3A_2282 = vector.broadcast %shift_left3A_2281 : i32 to vector<16xi32>
      %shift_left3A_2283 = arith.shli %shift_right_arithmetic3A_2280, %shift_left3A_2282 : vector<16xi32>
      %and3A_2284 = arith.constant 2047 : i32
      %and3A_2285 = vector.broadcast %and3A_2284 : i32 to vector<16xi32>
      %and3A_2286 = arith.andi %get3A_2277, %and3A_2285 : vector<16xi32>
      %or3A_2287 = arith.ori %shift_left3A_2283, %and3A_2286 : vector<16xi32>
      %swap3A_2288 = arith.constant 2 : i32
      %swap3A_2289 = arith.index_cast %swap3A_2288 : i32 to index
      %swap3A_2290 = arith.constant 32 : index
      %swap3A_2291 = tpu.vector_load %arg6[%swap3A_2289, %swap3A_2290] {strides = array<i32>} : memref<4x128xi32, #tpu.memory_space<vmem>>, vector<16xi32>,
      tpu.vector_store %arg6[%swap3A_2289, %swap3A_2290], %or3A_2287 {strides = array<i32>} : memref<4x128xi32, #tpu.memory_space<vmem>>, vector<16xi32>,
      %get3A_2292 = arith.index_cast %add3A_2240 : i32 to index
      %get3A_2293 = arith.constant 48 : index
      %get3A_2294 = tpu.vector_load %arg5[%get3A_2292, %get3A_2293] {strides = array<i32>} : memref<200x128xi32, #tpu.memory_space<vmem>>, vector<16xi32>,
      %shift_right_arithmetic3A_2295 = arith.constant 12 : i32
      %shift_right_arithmetic3A_2296 = vector.broadcast %shift_right_arithmetic3A_2295 : i32 to vector<16xi32>
      %shift_right_arithmetic3A_2297 = arith.shrsi %get3A_2294, %shift_right_arithmetic3A_2296 : vector<16xi32>
      %shift_left3A_2298 = arith.constant 11 : i32
      %shift_left3A_2299 = vector.broadcast %shift_left3A_2298 : i32 to vector<16xi32>
      %shift_left3A_2300 = arith.shli %shift_right_arithmetic3A_2297, %shift_left3A_2299 : vector<16xi32>
      %and3A_2301 = arith.constant 2047 : i32
      %and3A_2302 = vector.broadcast %and3A_2301 : i32 to vector<16xi32>
      %and3A_2303 = arith.andi %get3A_2294, %and3A_2302 : vector<16xi32>
      %or3A_2304 = arith.ori %shift_left3A_2300, %and3A_2303 : vector<16xi32>
      %swap3A_2305 = arith.constant 2 : i32
      %swap3A_2306 = arith.index_cast %swap3A_2305 : i32 to index
      %swap3A_2307 = arith.constant 48 : index
      %swap3A_2308 = tpu.vector_load %arg6[%swap3A_2306, %swap3A_2307] {strides = array<i32>} : memref<4x128xi32, #tpu.memory_space<vmem>>, vector<16xi32>,
      tpu.vector_store %arg6[%swap3A_2306, %swap3A_2307], %or3A_2304 {strides = array<i32>} : memref<4x128xi32, #tpu.memory_space<vmem>>, vector<16xi32>,
      %get3A_2309 = arith.index_cast %add3A_2240 : i32 to index
      %get3A_2310 = arith.constant 64 : index
      %get3A_2311 = tpu.vector_load %arg5[%get3A_2309, %get3A_2310] {strides = array<i32>} : memref<200x128xi32, #tpu.memory_space<vmem>>, vector<16xi32>,
      %shift_right_arithmetic3A_2312 = arith.constant 12 : i32
      %shift_right_arithmetic3A_2313 = vector.broadcast %shift_right_arithmetic3A_2312 : i32 to vector<16xi32>
      %shift_right_arithmetic3A_2314 = arith.shrsi %get3A_2311, %shift_right_arithmetic3A_2313 : vector<16xi32>
      %shift_left3A_2315 = arith.constant 11 : i32
      %shift_left3A_2316 = vector.broadcast %shift_left3A_2315 : i32 to vector<16xi32>
      %shift_left3A_2317 = arith.shli %shift_right_arithmetic3A_2314, %shift_left3A_2316 : vector<16xi32>
      %and3A_2318 = arith.constant 2047 : i32
      %and3A_2319 = vector.broadcast %and3A_2318 : i32 to vector<16xi32>
      %and3A_2320 = arith.andi %get3A_2311, %and3A_2319 : vector<16xi32>
      %or3A_2321 = arith.ori %shift_left3A_2317, %and3A_2320 : vector<16xi32>
      %swap3A_2322 = arith.constant 2 : i32
      %swap3A_2323 = arith.index_cast %swap3A_2322 : i32 to index
      %swap3A_2324 = arith.constant 64 : index
      %swap3A_2325 = tpu.vector_load %arg6[%swap3A_2323, %swap3A_2324] {strides = array<i32>} : memref<4x128xi32, #tpu.memory_space<vmem>>, vector<16xi32>,
      tpu.vector_store %arg6[%swap3A_2323, %swap3A_2324], %or3A_2321 {strides = array<i32>} : memref<4x128xi32, #tpu.memory_space<vmem>>, vector<16xi32>,
      %get3A_2326 = arith.index_cast %add3A_2240 : i32 to index
      %get3A_2327 = arith.constant 80 : index
      %get3A_2328 = tpu.vector_load %arg5[%get3A_2326, %get3A_2327] {strides = array<i32>} : memref<200x128xi32, #tpu.memory_space<vmem>>, vector<16xi32>,
      %shift_right_arithmetic3A_2329 = arith.constant 12 : i32
      %shift_right_arithmetic3A_2330 = vector.broadcast %shift_right_arithmetic3A_2329 : i32 to vector<16xi32>
      %shift_right_arithmetic3A_2331 = arith.shrsi %get3A_2328, %shift_right_arithmetic3A_2330 : vector<16xi32>
      %shift_left3A_2332 = arith.constant 11 : i32
      %shift_left3A_2333 = vector.broadcast %shift_left3A_2332 : i32 to vector<16xi32>
      %shift_left3A_2334 = arith.shli %shift_right_arithmetic3A_2331, %shift_left3A_2333 : vector<16xi32>
      %and3A_2335 = arith.constant 2047 : i32
      %and3A_2336 = vector.broadcast %and3A_2335 : i32 to vector<16xi32>
      %and3A_2337 = arith.andi %get3A_2328, %and3A_2336 : vector<16xi32>
      %or3A_2338 = arith.ori %shift_left3A_2334, %and3A_2337 : vector<16xi32>
      %swap3A_2339 = arith.constant 2 : i32
      %swap3A_2340 = arith.index_cast %swap3A_2339 : i32 to index
      %swap3A_2341 = arith.constant 80 : index
      %swap3A_2342 = tpu.vector_load %arg6[%swap3A_2340, %swap3A_2341] {strides = array<i32>} : memref<4x128xi32, #tpu.memory_space<vmem>>, vector<16xi32>,
      tpu.vector_store %arg6[%swap3A_2340, %swap3A_2341], %or3A_2338 {strides = array<i32>} : memref<4x128xi32, #tpu.memory_space<vmem>>, vector<16xi32>,
      %get3A_2343 = arith.index_cast %add3A_2240 : i32 to index
      %get3A_2344 = arith.constant 96 : index
      %get3A_2345 = tpu.vector_load %arg5[%get3A_2343, %get3A_2344] {strides = array<i32>} : memref<200x128xi32, #tpu.memory_space<vmem>>, vector<16xi32>,
      %shift_right_arithmetic3A_2346 = arith.constant 12 : i32
      %shift_right_arithmetic3A_2347 = vector.broadcast %shift_right_arithmetic3A_2346 : i32 to vector<16xi32>
      %shift_right_arithmetic3A_2348 = arith.shrsi %get3A_2345, %shift_right_arithmetic3A_2347 : vector<16xi32>
      %shift_left3A_2349 = arith.constant 11 : i32
      %shift_left3A_2350 = vector.broadcast %shift_left3A_2349 : i32 to vector<16xi32>
      %shift_left3A_2351 = arith.shli %shift_right_arithmetic3A_2348, %shift_left3A_2350 : vector<16xi32>
      %and3A_2352 = arith.constant 2047 : i32
      %and3A_2353 = vector.broadcast %and3A_2352 : i32 to vector<16xi32>
      %and3A_2354 = arith.andi %get3A_2345, %and3A_2353 : vector<16xi32>
      %or3A_2355 = arith.ori %shift_left3A_2351, %and3A_2354 : vector<16xi32>
      %swap3A_2356 = arith.constant 2 : i32
      %swap3A_2357 = arith.index_cast %swap3A_2356 : i32 to index
      %swap3A_2358 = arith.constant 96 : index
      %swap3A_2359 = tpu.vector_load %arg6[%swap3A_2357, %swap3A_2358] {strides = array<i32>} : memref<4x128xi32, #tpu.memory_space<vmem>>, vector<16xi32>,
      tpu.vector_store %arg6[%swap3A_2357, %swap3A_2358], %or3A_2355 {strides = array<i32>} : memref<4x128xi32, #tpu.memory_space<vmem>>, vector<16xi32>,
      %get3A_2360 = arith.index_cast %add3A_2240 : i32 to index
      %get3A_2361 = arith.constant 112 : index
      %get3A_2362 = tpu.vector_load %arg5[%get3A_2360, %get3A_2361] {strides = array<i32>} : memref<200x128xi32, #tpu.memory_space<vmem>>, vector<16xi32>,
      %shift_right_arithmetic3A_2363 = arith.constant 12 : i32
      %shift_right_arithmetic3A_2364 = vector.broadcast %shift_right_arithmetic3A_2363 : i32 to vector<16xi32>
      %shift_right_arithmetic3A_2365 = arith.shrsi %get3A_2362, %shift_right_arithmetic3A_2364 : vector<16xi32>
      %shift_left3A_2366 = arith.constant 11 : i32
      %shift_left3A_2367 = vector.broadcast %shift_left3A_2366 : i32 to vector<16xi32>
      %shift_left3A_2368 = arith.shli %shift_right_arithmetic3A_2365, %shift_left3A_2367 : vector<16xi32>
      %and3A_2369 = arith.constant 2047 : i32
      %and3A_2370 = vector.broadcast %and3A_2369 : i32 to vector<16xi32>
      %and3A_2371 = arith.andi %get3A_2362, %and3A_2370 : vector<16xi32>
      %or3A_2372 = arith.ori %shift_left3A_2368, %and3A_2371 : vector<16xi32>
      %swap3A_2373 = arith.constant 2 : i32
      %swap3A_2374 = arith.index_cast %swap3A_2373 : i32 to index
      %swap3A_2375 = arith.constant 112 : index
      %swap3A_2376 = tpu.vector_load %arg6[%swap3A_2374, %swap3A_2375] {strides = array<i32>} : memref<4x128xi32, #tpu.memory_space<vmem>>, vector<16xi32>,
      tpu.vector_store %arg6[%swap3A_2374, %swap3A_2375], %or3A_2372 {strides = array<i32>} : memref<4x128xi32, #tpu.memory_space<vmem>>, vector<16xi32>,
      %dma_start3A_2377 = arith.constant 2 : i32
      %dma_start3A_2378 = arith.constant 2 : i32
      %dma_start3A_2379 = arith.constant 2 : i32
      %dma_start3A_2380 = arith.constant 0 : i32
      %dma_start3A_2381 = arith.constant 0 : i32
      %dma_start3A_2382 = tpu.memref_slice %arg7[%dma_start3A_2378, %dma_start3A_2380, %dma_start3A_2381] : memref<4x128x128xf32, #tpu.memory_space<vmem>> -> memref<1x128x128xf32, #tpu.memory_space<vmem>>
      %dma_start3A_2383 = tpu.memref_squeeze %dma_start3A_2382 : memref<1x128x128xf32, #tpu.memory_space<vmem>> -> memref<128x128xf32, #tpu.memory_space<vmem>>
      %dma_start3A_2384 = arith.constant 0 : i32
      %dma_start3A_2385 = tpu.memref_slice %arg6[%dma_start3A_2377, %dma_start3A_2384] : memref<4x128xi32, #tpu.memory_space<vmem>> -> memref<1x128xi32, #tpu.memory_space<vmem>>
      %dma_start3A_2386 = tpu.memref_squeeze %dma_start3A_2385 : memref<1x128xi32, #tpu.memory_space<vmem>> -> memref<128xi32, #tpu.memory_space<vmem>>
      %dma_start3A_2387 = arith.constant 0 : i32
      %dma_start3A_2388 = arith.constant 0 : i32
      %dma_start3A_2389 = tpu.memref_slice %arg3[%dma_start3A_2387, %dma_start3A_2388] : memref<501760x128xf32, #tpu.memory_space<hbm>> -> memref<501760x128xf32, #tpu.memory_space<hbm>>
      %dma_start3A_2390 = tpu.memref_slice %arg9[%dma_start3A_2379] : memref<4x!tpu.dma_semaphore, #tpu.memory_space<semaphore_mem>> -> memref<1x!tpu.dma_semaphore, #tpu.memory_space<semaphore_mem>>
      %dma_start3A_2391 = tpu.memref_squeeze %dma_start3A_2390 : memref<1x!tpu.dma_semaphore, #tpu.memory_space<semaphore_mem>> -> memref<!tpu.dma_semaphore, #tpu.memory_space<semaphore_mem>>
      tpu.enqueue_indirect_dma source(%dma_start3A_2389 : memref<501760x128xf32, #tpu.memory_space<hbm>>) target(%dma_start3A_2383 : memref<128x128xf32, #tpu.memory_space<vmem>>) offsets(%dma_start3A_2386 : memref<128xi32, #tpu.memory_space<vmem>>) semaphore(%dma_start3A_2391 : memref<!tpu.dma_semaphore, #tpu.memory_space<semaphore_mem>>)
      %mul3A_2392 = arith.constant 4 : i32
      %mul3A_2393 = arith.muli %mul3A_2392, %scan3A_1744 : i32
      %add3A_2394 = arith.constant 3 : i32
      %add3A_2395 = arith.addi %mul3A_2393, %add3A_2394 : i32
      %dma_wait3A_2396 = arith.constant 3 : i32
      %dma_wait3A_2397 = arith.constant 3 : i32
      %dma_wait3A_2398 = arith.constant 3 : i32
      %dma_wait3A_2399 = arith.constant 0 : i32
      %dma_wait3A_2400 = arith.constant 0 : i32
      %dma_wait3A_2401 = tpu.memref_slice %arg7[%dma_wait3A_2397, %dma_wait3A_2399, %dma_wait3A_2400] : memref<4x128x128xf32, #tpu.memory_space<vmem>> -> memref<1x128x128xf32, #tpu.memory_space<vmem>>
      %dma_wait3A_2402 = tpu.memref_squeeze %dma_wait3A_2401 : memref<1x128x128xf32, #tpu.memory_space<vmem>> -> memref<128x128xf32, #tpu.memory_space<vmem>>
      %dma_wait3A_2403 = arith.constant 0 : i32
      %dma_wait3A_2404 = tpu.memref_slice %arg6[%dma_wait3A_2396, %dma_wait3A_2403] : memref<4x128xi32, #tpu.memory_space<vmem>> -> memref<1x128xi32, #tpu.memory_space<vmem>>
      %dma_wait3A_2405 = tpu.memref_squeeze %dma_wait3A_2404 : memref<1x128xi32, #tpu.memory_space<vmem>> -> memref<128xi32, #tpu.memory_space<vmem>>
      %dma_wait3A_2406 = arith.constant 0 : i32
      %dma_wait3A_2407 = arith.constant 0 : i32
      %dma_wait3A_2408 = tpu.memref_slice %arg3[%dma_wait3A_2406, %dma_wait3A_2407] : memref<501760x128xf32, #tpu.memory_space<hbm>> -> memref<501760x128xf32, #tpu.memory_space<hbm>>
      %dma_wait3A_2409 = tpu.memref_slice %arg9[%dma_wait3A_2398] : memref<4x!tpu.dma_semaphore, #tpu.memory_space<semaphore_mem>> -> memref<1x!tpu.dma_semaphore, #tpu.memory_space<semaphore_mem>>
      %dma_wait3A_2410 = tpu.memref_squeeze %dma_wait3A_2409 : memref<1x!tpu.dma_semaphore, #tpu.memory_space<semaphore_mem>> -> memref<!tpu.dma_semaphore, #tpu.memory_space<semaphore_mem>>
      tpu.wait_indirect_dma semaphore(%dma_wait3A_2410 : memref<!tpu.dma_semaphore, #tpu.memory_space<semaphore_mem>>) src(%dma_wait3A_2408 : memref<501760x128xf32, #tpu.memory_space<hbm>>) dst(%dma_wait3A_2402 : memref<128x128xf32, #tpu.memory_space<vmem>>)
      %sub3A_2411 = arith.constant 4 : i32
      %sub3A_2412 = arith.subi %add3A_2395, %sub3A_2411 : i32
      %dma_wait3A_2413 = arith.constant 3 : i32
      %dma_wait3A_2414 = arith.constant 3 : i32
      %dma_wait3A_2415 = arith.constant 0 : i32
      %dma_wait3A_2416 = arith.constant 0 : i32
      %dma_wait3A_2417 = tpu.memref_slice %arg8[%dma_wait3A_2413, %dma_wait3A_2415, %dma_wait3A_2416] : memref<4x64x128xf32, #tpu.memory_space<vmem>> -> memref<1x64x128xf32, #tpu.memory_space<vmem>>
      %dma_wait3A_2418 = tpu.memref_squeeze %dma_wait3A_2417 : memref<1x64x128xf32, #tpu.memory_space<vmem>> -> memref<64x128xf32, #tpu.memory_space<vmem>>
      %dma_wait3A_2419 = arith.constant 0 : i32
      %dma_wait3A_2420 = tpu.memref_slice %arg4[%sub3A_2412, %dma_wait3A_2419, %mul3A_2] : memref<200x64x4096xf32, #tpu.memory_space<hbm>> -> memref<1x64x128xf32, #tpu.memory_space<hbm>>
      %dma_wait3A_2421 = tpu.memref_squeeze %dma_wait3A_2420 : memref<1x64x128xf32, #tpu.memory_space<hbm>> -> memref<64x128xf32, #tpu.memory_space<hbm>>
      %dma_wait3A_2422 = tpu.memref_slice %arg10[%dma_wait3A_2414] : memref<4x!tpu.dma_semaphore, #tpu.memory_space<semaphore_mem>> -> memref<1x!tpu.dma_semaphore, #tpu.memory_space<semaphore_mem>>
      %dma_wait3A_2423 = tpu.memref_squeeze %dma_wait3A_2422 : memref<1x!tpu.dma_semaphore, #tpu.memory_space<semaphore_mem>> -> memref<!tpu.dma_semaphore, #tpu.memory_space<semaphore_mem>>
      %dma_wait3A_2424 = arith.constant 0 : i32
      %dma_wait3A_2425 = tpu.memref_slice %arg4[%sub3A_2412, %dma_wait3A_2424, %mul3A_2] : memref<200x64x4096xf32, #tpu.memory_space<hbm>> -> memref<1x64x128xf32, #tpu.memory_space<hbm>>
      %dma_wait3A_2426 = tpu.memref_squeeze %dma_wait3A_2425 : memref<1x64x128xf32, #tpu.memory_space<hbm>> -> memref<64x128xf32, #tpu.memory_space<hbm>>
      %dma_wait3A_2427 = arith.constant 0 : i32
      %dma_wait3A_2428 = arith.constant 0 : i32
      %dma_wait3A_2429 = tpu.memref_slice %arg8[%dma_wait3A_2413, %dma_wait3A_2427, %dma_wait3A_2428] : memref<4x64x128xf32, #tpu.memory_space<vmem>> -> memref<1x64x128xf32, #tpu.memory_space<vmem>>
      %dma_wait3A_2430 = tpu.memref_squeeze %dma_wait3A_2429 : memref<1x64x128xf32, #tpu.memory_space<vmem>> -> memref<64x128xf32, #tpu.memory_space<vmem>>
      tpu.wait_dma2 semaphore(%dma_wait3A_2423 : memref<!tpu.dma_semaphore, #tpu.memory_space<semaphore_mem>>) src(%dma_wait3A_2430 : memref<64x128xf32, #tpu.memory_space<vmem>>) dst(%dma_wait3A_2426 : memref<64x128xf32, #tpu.memory_space<hbm>>)
      %scan3A_2431 = arith.constant 0 : i32
      %scan3A_2432 = arith.constant 0 : i32
      %scan3A_2433 = arith.constant 8 : i32
      %scan3A_2434 = arith.addi %scan3A_2432, %scan3A_2433 : i32
      %scan3A_2435 = arith.constant 1 : i32
      scf.for %scan3A_2608 = %scan3A_2432 to %scan3A_2434 step %scan3A_2435  : i32 {
        %iota3A = tpu.iota {dimensions = array<i32: 0>} : vector<16xi32>
        %mul3A_2609 = arith.constant 16 : i32
        %mul3A_2610 = arith.muli %mul3A_2609, %scan3A_2608 : i32
        %add3A_2611 = vector.broadcast %mul3A_2610 : i32 to vector<16xi32>
        %add3A_2612 = arith.addi %iota3A, %add3A_2611 : vector<16xi32>
        %mul3A_2613 = arith.constant 16 : i32
        %mul3A_2614 = arith.muli %mul3A_2613, %scan3A_2608 : i32
        %get3A_2615 = arith.index_cast %add3A_2395 : i32 to index
        %get3A_2616 = arith.index_cast %mul3A_2614 : i32 to index
        %get3A_2617 = tpu.vector_load %arg5[%get3A_2615, %get3A_2616] {strides = array<i32>} : memref<200x128xi32, #tpu.memory_space<vmem>>, vector<16xi32>,
        %shift_right_arithmetic3A_2618 = arith.constant 5 : i32
        %shift_right_arithmetic3A_2619 = vector.broadcast %shift_right_arithmetic3A_2618 : i32 to vector<16xi32>
        %shift_right_arithmetic3A_2620 = arith.shrsi %get3A_2617, %shift_right_arithmetic3A_2619 : vector<16xi32>
        %and3A_2621 = arith.constant 64 : i32
        %and3A_2622 = vector.broadcast %and3A_2621 : i32 to vector<16xi32>
        %and3A_2623 = arith.andi %shift_right_arithmetic3A_2620, %and3A_2622 : vector<16xi32>
        %parallel_loop3A = arith.constant 0 : i32
        %parallel_loop3A_2624 = arith.constant 64 : i32
        %parallel_loop3A_2625 = arith.constant 1 : i32
        scf.for %parallel_loop3A_2626 = %parallel_loop3A to %parallel_loop3A_2624 step %parallel_loop3A_2625  : i32 {
          %parallel_loop3A_2627 = vector.broadcast %parallel_loop3A_2626 : i32 to vector<16xi32>
          %parallel_loop3A_2628 = arith.addi %and3A_2623, %parallel_loop3A_2627 : vector<16xi32>
          %parallel_loop3A_2629 = arith.constant 3 : i32
          %parallel_loop3A_2630 = arith.constant 0 : i32
          %parallel_loop3A_2631 = arith.constant 0 : i32
          %parallel_loop3A_2632 = tpu.memref_slice %arg7[%parallel_loop3A_2629, %parallel_loop3A_2630, %parallel_loop3A_2631] : memref<4x128x128xf32, #tpu.memory_space<vmem>> -> memref<1x128x128xf32, #tpu.memory_space<vmem>>
          %parallel_loop3A_2633 = tpu.memref_squeeze %parallel_loop3A_2632 : memref<1x128x128xf32, #tpu.memory_space<vmem>> -> memref<128x128xf32, #tpu.memory_space<vmem>>
          %parallel_loop3A_2634 = tpu.vector_load_idx %parallel_loop3A_2633[%add3A_2612, %parallel_loop3A_2628] : memref<128x128xf32, #tpu.memory_space<vmem>>[vector<16xi32>, vector<16xi32>], vector<16xf32>,
          %parallel_loop3A_2635 = arith.constant 16 : i32
          %parallel_loop3A_2636 = arith.muli %parallel_loop3A_2635, %scan3A_2608 : i32
          %parallel_loop3A_2637 = arith.constant 3 : i32
          %parallel_loop3A_2638 = arith.index_cast %parallel_loop3A_2637 : i32 to index
          %parallel_loop3A_2639 = arith.index_cast %parallel_loop3A_2626 : i32 to index
          %parallel_loop3A_2640 = arith.index_cast %parallel_loop3A_2636 : i32 to index
          %parallel_loop3A_2641 = tpu.vector_load %arg8[%parallel_loop3A_2638, %parallel_loop3A_2639, %parallel_loop3A_2640] {strides = array<i32>} : memref<4x64x128xf32, #tpu.memory_space<vmem>>, vector<16xf32>,
          tpu.vector_store %arg8[%parallel_loop3A_2638, %parallel_loop3A_2639, %parallel_loop3A_2640], %parallel_loop3A_2634 {strides = array<i32>} : memref<4x64x128xf32, #tpu.memory_space<vmem>>, vector<16xf32>,
        } {sc.loop_unroll_factor = 16 : i64, sc.parallel_access}
      }
      %scan3A_2436 = arith.constant 8 : i32
      %dma_start3A_2437 = arith.constant 3 : i32
      %dma_start3A_2438 = arith.constant 3 : i32
      %dma_start3A_2439 = arith.constant 0 : i32
      %dma_start3A_2440 = arith.constant 0 : i32
      %dma_start3A_2441 = tpu.memref_slice %arg8[%dma_start3A_2437, %dma_start3A_2439, %dma_start3A_2440] : memref<4x64x128xf32, #tpu.memory_space<vmem>> -> memref<1x64x128xf32, #tpu.memory_space<vmem>>
      %dma_start3A_2442 = tpu.memref_squeeze %dma_start3A_2441 : memref<1x64x128xf32, #tpu.memory_space<vmem>> -> memref<64x128xf32, #tpu.memory_space<vmem>>
      %dma_start3A_2443 = arith.constant 0 : i32
      %dma_start3A_2444 = tpu.memref_slice %arg4[%add3A_2395, %dma_start3A_2443, %mul3A_2] : memref<200x64x4096xf32, #tpu.memory_space<hbm>> -> memref<1x64x128xf32, #tpu.memory_space<hbm>>
      %dma_start3A_2445 = tpu.memref_squeeze %dma_start3A_2444 : memref<1x64x128xf32, #tpu.memory_space<hbm>> -> memref<64x128xf32, #tpu.memory_space<hbm>>
      %dma_start3A_2446 = tpu.memref_slice %arg10[%dma_start3A_2438] : memref<4x!tpu.dma_semaphore, #tpu.memory_space<semaphore_mem>> -> memref<1x!tpu.dma_semaphore, #tpu.memory_space<semaphore_mem>>
      %dma_start3A_2447 = tpu.memref_squeeze %dma_start3A_2446 : memref<1x!tpu.dma_semaphore, #tpu.memory_space<semaphore_mem>> -> memref<!tpu.dma_semaphore, #tpu.memory_space<semaphore_mem>>
      %dma_start3A_2448 = arith.constant 0 : i32
      %dma_start3A_2449 = tpu.memref_slice %arg4[%add3A_2395, %dma_start3A_2448, %mul3A_2] : memref<200x64x4096xf32, #tpu.memory_space<hbm>> -> memref<1x64x128xf32, #tpu.memory_space<hbm>>
      %dma_start3A_2450 = tpu.memref_squeeze %dma_start3A_2449 : memref<1x64x128xf32, #tpu.memory_space<hbm>> -> memref<64x128xf32, #tpu.memory_space<hbm>>
      %dma_start3A_2451 = arith.constant 0 : i32
      %dma_start3A_2452 = arith.constant 0 : i32
      %dma_start3A_2453 = tpu.memref_slice %arg8[%dma_start3A_2437, %dma_start3A_2451, %dma_start3A_2452] : memref<4x64x128xf32, #tpu.memory_space<vmem>> -> memref<1x64x128xf32, #tpu.memory_space<vmem>>
      %dma_start3A_2454 = tpu.memref_squeeze %dma_start3A_2453 : memref<1x64x128xf32, #tpu.memory_space<vmem>> -> memref<64x128xf32, #tpu.memory_space<vmem>>
      tpu.enqueue_dma source(%dma_start3A_2454 : memref<64x128xf32, #tpu.memory_space<vmem>>) target(%dma_start3A_2450 : memref<64x128xf32, #tpu.memory_space<hbm>>) target_semaphore(%dma_start3A_2447 : memref<!tpu.dma_semaphore, #tpu.memory_space<semaphore_mem>>)
      %add3A_2455 = arith.constant 4 : i32
      %add3A_2456 = arith.addi %add3A_2395, %add3A_2455 : i32
      %get3A_2457 = arith.index_cast %add3A_2456 : i32 to index
      %get3A_2458 = arith.constant 0 : index
      %get3A_2459 = tpu.vector_load %arg5[%get3A_2457, %get3A_2458] {strides = array<i32>} : memref<200x128xi32, #tpu.memory_space<vmem>>, vector<16xi32>,
      %shift_right_arithmetic3A_2460 = arith.constant 12 : i32
      %shift_right_arithmetic3A_2461 = vector.broadcast %shift_right_arithmetic3A_2460 : i32 to vector<16xi32>
      %shift_right_arithmetic3A_2462 = arith.shrsi %get3A_2459, %shift_right_arithmetic3A_2461 : vector<16xi32>
      %shift_left3A_2463 = arith.constant 11 : i32
      %shift_left3A_2464 = vector.broadcast %shift_left3A_2463 : i32 to vector<16xi32>
      %shift_left3A_2465 = arith.shli %shift_right_arithmetic3A_2462, %shift_left3A_2464 : vector<16xi32>
      %and3A_2466 = arith.constant 2047 : i32
      %and3A_2467 = vector.broadcast %and3A_2466 : i32 to vector<16xi32>
      %and3A_2468 = arith.andi %get3A_2459, %and3A_2467 : vector<16xi32>
      %or3A_2469 = arith.ori %shift_left3A_2465, %and3A_2468 : vector<16xi32>
      %swap3A_2470 = arith.constant 3 : i32
      %swap3A_2471 = arith.index_cast %swap3A_2470 : i32 to index
      %swap3A_2472 = arith.constant 0 : index
      %swap3A_2473 = tpu.vector_load %arg6[%swap3A_2471, %swap3A_2472] {strides = array<i32>} : memref<4x128xi32, #tpu.memory_space<vmem>>, vector<16xi32>,
      tpu.vector_store %arg6[%swap3A_2471, %swap3A_2472], %or3A_2469 {strides = array<i32>} : memref<4x128xi32, #tpu.memory_space<vmem>>, vector<16xi32>,
      %get3A_2474 = arith.index_cast %add3A_2456 : i32 to index
      %get3A_2475 = arith.constant 16 : index
      %get3A_2476 = tpu.vector_load %arg5[%get3A_2474, %get3A_2475] {strides = array<i32>} : memref<200x128xi32, #tpu.memory_space<vmem>>, vector<16xi32>,
      %shift_right_arithmetic3A_2477 = arith.constant 12 : i32
      %shift_right_arithmetic3A_2478 = vector.broadcast %shift_right_arithmetic3A_2477 : i32 to vector<16xi32>
      %shift_right_arithmetic3A_2479 = arith.shrsi %get3A_2476, %shift_right_arithmetic3A_2478 : vector<16xi32>
      %shift_left3A_2480 = arith.constant 11 : i32
      %shift_left3A_2481 = vector.broadcast %shift_left3A_2480 : i32 to vector<16xi32>
      %shift_left3A_2482 = arith.shli %shift_right_arithmetic3A_2479, %shift_left3A_2481 : vector<16xi32>
      %and3A_2483 = arith.constant 2047 : i32
      %and3A_2484 = vector.broadcast %and3A_2483 : i32 to vector<16xi32>
      %and3A_2485 = arith.andi %get3A_2476, %and3A_2484 : vector<16xi32>
      %or3A_2486 = arith.ori %shift_left3A_2482, %and3A_2485 : vector<16xi32>
      %swap3A_2487 = arith.constant 3 : i32
      %swap3A_2488 = arith.index_cast %swap3A_2487 : i32 to index
      %swap3A_2489 = arith.constant 16 : index
      %swap3A_2490 = tpu.vector_load %arg6[%swap3A_2488, %swap3A_2489] {strides = array<i32>} : memref<4x128xi32, #tpu.memory_space<vmem>>, vector<16xi32>,
      tpu.vector_store %arg6[%swap3A_2488, %swap3A_2489], %or3A_2486 {strides = array<i32>} : memref<4x128xi32, #tpu.memory_space<vmem>>, vector<16xi32>,
      %get3A_2491 = arith.index_cast %add3A_2456 : i32 to index
      %get3A_2492 = arith.constant 32 : index
      %get3A_2493 = tpu.vector_load %arg5[%get3A_2491, %get3A_2492] {strides = array<i32>} : memref<200x128xi32, #tpu.memory_space<vmem>>, vector<16xi32>,
      %shift_right_arithmetic3A_2494 = arith.constant 12 : i32
      %shift_right_arithmetic3A_2495 = vector.broadcast %shift_right_arithmetic3A_2494 : i32 to vector<16xi32>
      %shift_right_arithmetic3A_2496 = arith.shrsi %get3A_2493, %shift_right_arithmetic3A_2495 : vector<16xi32>
      %shift_left3A_2497 = arith.constant 11 : i32
      %shift_left3A_2498 = vector.broadcast %shift_left3A_2497 : i32 to vector<16xi32>
      %shift_left3A_2499 = arith.shli %shift_right_arithmetic3A_2496, %shift_left3A_2498 : vector<16xi32>
      %and3A_2500 = arith.constant 2047 : i32
      %and3A_2501 = vector.broadcast %and3A_2500 : i32 to vector<16xi32>
      %and3A_2502 = arith.andi %get3A_2493, %and3A_2501 : vector<16xi32>
      %or3A_2503 = arith.ori %shift_left3A_2499, %and3A_2502 : vector<16xi32>
      %swap3A_2504 = arith.constant 3 : i32
      %swap3A_2505 = arith.index_cast %swap3A_2504 : i32 to index
      %swap3A_2506 = arith.constant 32 : index
      %swap3A_2507 = tpu.vector_load %arg6[%swap3A_2505, %swap3A_2506] {strides = array<i32>} : memref<4x128xi32, #tpu.memory_space<vmem>>, vector<16xi32>,
      tpu.vector_store %arg6[%swap3A_2505, %swap3A_2506], %or3A_2503 {strides = array<i32>} : memref<4x128xi32, #tpu.memory_space<vmem>>, vector<16xi32>,
      %get3A_2508 = arith.index_cast %add3A_2456 : i32 to index
      %get3A_2509 = arith.constant 48 : index
      %get3A_2510 = tpu.vector_load %arg5[%get3A_2508, %get3A_2509] {strides = array<i32>} : memref<200x128xi32, #tpu.memory_space<vmem>>, vector<16xi32>,
      %shift_right_arithmetic3A_2511 = arith.constant 12 : i32
      %shift_right_arithmetic3A_2512 = vector.broadcast %shift_right_arithmetic3A_2511 : i32 to vector<16xi32>
      %shift_right_arithmetic3A_2513 = arith.shrsi %get3A_2510, %shift_right_arithmetic3A_2512 : vector<16xi32>
      %shift_left3A_2514 = arith.constant 11 : i32
      %shift_left3A_2515 = vector.broadcast %shift_left3A_2514 : i32 to vector<16xi32>
      %shift_left3A_2516 = arith.shli %shift_right_arithmetic3A_2513, %shift_left3A_2515 : vector<16xi32>
      %and3A_2517 = arith.constant 2047 : i32
      %and3A_2518 = vector.broadcast %and3A_2517 : i32 to vector<16xi32>
      %and3A_2519 = arith.andi %get3A_2510, %and3A_2518 : vector<16xi32>
      %or3A_2520 = arith.ori %shift_left3A_2516, %and3A_2519 : vector<16xi32>
      %swap3A_2521 = arith.constant 3 : i32
      %swap3A_2522 = arith.index_cast %swap3A_2521 : i32 to index
      %swap3A_2523 = arith.constant 48 : index
      %swap3A_2524 = tpu.vector_load %arg6[%swap3A_2522, %swap3A_2523] {strides = array<i32>} : memref<4x128xi32, #tpu.memory_space<vmem>>, vector<16xi32>,
      tpu.vector_store %arg6[%swap3A_2522, %swap3A_2523], %or3A_2520 {strides = array<i32>} : memref<4x128xi32, #tpu.memory_space<vmem>>, vector<16xi32>,
      %get3A_2525 = arith.index_cast %add3A_2456 : i32 to index
      %get3A_2526 = arith.constant 64 : index
      %get3A_2527 = tpu.vector_load %arg5[%get3A_2525, %get3A_2526] {strides = array<i32>} : memref<200x128xi32, #tpu.memory_space<vmem>>, vector<16xi32>,
      %shift_right_arithmetic3A_2528 = arith.constant 12 : i32
      %shift_right_arithmetic3A_2529 = vector.broadcast %shift_right_arithmetic3A_2528 : i32 to vector<16xi32>
      %shift_right_arithmetic3A_2530 = arith.shrsi %get3A_2527, %shift_right_arithmetic3A_2529 : vector<16xi32>
      %shift_left3A_2531 = arith.constant 11 : i32
      %shift_left3A_2532 = vector.broadcast %shift_left3A_2531 : i32 to vector<16xi32>
      %shift_left3A_2533 = arith.shli %shift_right_arithmetic3A_2530, %shift_left3A_2532 : vector<16xi32>
      %and3A_2534 = arith.constant 2047 : i32
      %and3A_2535 = vector.broadcast %and3A_2534 : i32 to vector<16xi32>
      %and3A_2536 = arith.andi %get3A_2527, %and3A_2535 : vector<16xi32>
      %or3A_2537 = arith.ori %shift_left3A_2533, %and3A_2536 : vector<16xi32>
      %swap3A_2538 = arith.constant 3 : i32
      %swap3A_2539 = arith.index_cast %swap3A_2538 : i32 to index
      %swap3A_2540 = arith.constant 64 : index
      %swap3A_2541 = tpu.vector_load %arg6[%swap3A_2539, %swap3A_2540] {strides = array<i32>} : memref<4x128xi32, #tpu.memory_space<vmem>>, vector<16xi32>,
      tpu.vector_store %arg6[%swap3A_2539, %swap3A_2540], %or3A_2537 {strides = array<i32>} : memref<4x128xi32, #tpu.memory_space<vmem>>, vector<16xi32>,
      %get3A_2542 = arith.index_cast %add3A_2456 : i32 to index
      %get3A_2543 = arith.constant 80 : index
      %get3A_2544 = tpu.vector_load %arg5[%get3A_2542, %get3A_2543] {strides = array<i32>} : memref<200x128xi32, #tpu.memory_space<vmem>>, vector<16xi32>,
      %shift_right_arithmetic3A_2545 = arith.constant 12 : i32
      %shift_right_arithmetic3A_2546 = vector.broadcast %shift_right_arithmetic3A_2545 : i32 to vector<16xi32>
      %shift_right_arithmetic3A_2547 = arith.shrsi %get3A_2544, %shift_right_arithmetic3A_2546 : vector<16xi32>
      %shift_left3A_2548 = arith.constant 11 : i32
      %shift_left3A_2549 = vector.broadcast %shift_left3A_2548 : i32 to vector<16xi32>
      %shift_left3A_2550 = arith.shli %shift_right_arithmetic3A_2547, %shift_left3A_2549 : vector<16xi32>
      %and3A_2551 = arith.constant 2047 : i32
      %and3A_2552 = vector.broadcast %and3A_2551 : i32 to vector<16xi32>
      %and3A_2553 = arith.andi %get3A_2544, %and3A_2552 : vector<16xi32>
      %or3A_2554 = arith.ori %shift_left3A_2550, %and3A_2553 : vector<16xi32>
      %swap3A_2555 = arith.constant 3 : i32
      %swap3A_2556 = arith.index_cast %swap3A_2555 : i32 to index
      %swap3A_2557 = arith.constant 80 : index
      %swap3A_2558 = tpu.vector_load %arg6[%swap3A_2556, %swap3A_2557] {strides = array<i32>} : memref<4x128xi32, #tpu.memory_space<vmem>>, vector<16xi32>,
      tpu.vector_store %arg6[%swap3A_2556, %swap3A_2557], %or3A_2554 {strides = array<i32>} : memref<4x128xi32, #tpu.memory_space<vmem>>, vector<16xi32>,
      %get3A_2559 = arith.index_cast %add3A_2456 : i32 to index
      %get3A_2560 = arith.constant 96 : index
      %get3A_2561 = tpu.vector_load %arg5[%get3A_2559, %get3A_2560] {strides = array<i32>} : memref<200x128xi32, #tpu.memory_space<vmem>>, vector<16xi32>,
      %shift_right_arithmetic3A_2562 = arith.constant 12 : i32
      %shift_right_arithmetic3A_2563 = vector.broadcast %shift_right_arithmetic3A_2562 : i32 to vector<16xi32>
      %shift_right_arithmetic3A_2564 = arith.shrsi %get3A_2561, %shift_right_arithmetic3A_2563 : vector<16xi32>
      %shift_left3A_2565 = arith.constant 11 : i32
      %shift_left3A_2566 = vector.broadcast %shift_left3A_2565 : i32 to vector<16xi32>
      %shift_left3A_2567 = arith.shli %shift_right_arithmetic3A_2564, %shift_left3A_2566 : vector<16xi32>
      %and3A_2568 = arith.constant 2047 : i32
      %and3A_2569 = vector.broadcast %and3A_2568 : i32 to vector<16xi32>
      %and3A_2570 = arith.andi %get3A_2561, %and3A_2569 : vector<16xi32>
      %or3A_2571 = arith.ori %shift_left3A_2567, %and3A_2570 : vector<16xi32>
      %swap3A_2572 = arith.constant 3 : i32
      %swap3A_2573 = arith.index_cast %swap3A_2572 : i32 to index
      %swap3A_2574 = arith.constant 96 : index
      %swap3A_2575 = tpu.vector_load %arg6[%swap3A_2573, %swap3A_2574] {strides = array<i32>} : memref<4x128xi32, #tpu.memory_space<vmem>>, vector<16xi32>,
      tpu.vector_store %arg6[%swap3A_2573, %swap3A_2574], %or3A_2571 {strides = array<i32>} : memref<4x128xi32, #tpu.memory_space<vmem>>, vector<16xi32>,
      %get3A_2576 = arith.index_cast %add3A_2456 : i32 to index
      %get3A_2577 = arith.constant 112 : index
      %get3A_2578 = tpu.vector_load %arg5[%get3A_2576, %get3A_2577] {strides = array<i32>} : memref<200x128xi32, #tpu.memory_space<vmem>>, vector<16xi32>,
      %shift_right_arithmetic3A_2579 = arith.constant 12 : i32
      %shift_right_arithmetic3A_2580 = vector.broadcast %shift_right_arithmetic3A_2579 : i32 to vector<16xi32>
      %shift_right_arithmetic3A_2581 = arith.shrsi %get3A_2578, %shift_right_arithmetic3A_2580 : vector<16xi32>
      %shift_left3A_2582 = arith.constant 11 : i32
      %shift_left3A_2583 = vector.broadcast %shift_left3A_2582 : i32 to vector<16xi32>
      %shift_left3A_2584 = arith.shli %shift_right_arithmetic3A_2581, %shift_left3A_2583 : vector<16xi32>
      %and3A_2585 = arith.constant 2047 : i32
      %and3A_2586 = vector.broadcast %and3A_2585 : i32 to vector<16xi32>
      %and3A_2587 = arith.andi %get3A_2578, %and3A_2586 : vector<16xi32>
      %or3A_2588 = arith.ori %shift_left3A_2584, %and3A_2587 : vector<16xi32>
      %swap3A_2589 = arith.constant 3 : i32
      %swap3A_2590 = arith.index_cast %swap3A_2589 : i32 to index
      %swap3A_2591 = arith.constant 112 : index
      %swap3A_2592 = tpu.vector_load %arg6[%swap3A_2590, %swap3A_2591] {strides = array<i32>} : memref<4x128xi32, #tpu.memory_space<vmem>>, vector<16xi32>,
      tpu.vector_store %arg6[%swap3A_2590, %swap3A_2591], %or3A_2588 {strides = array<i32>} : memref<4x128xi32, #tpu.memory_space<vmem>>, vector<16xi32>,
      %dma_start3A_2593 = arith.constant 3 : i32
      %dma_start3A_2594 = arith.constant 3 : i32
      %dma_start3A_2595 = arith.constant 3 : i32
      %dma_start3A_2596 = arith.constant 0 : i32
      %dma_start3A_2597 = arith.constant 0 : i32
      %dma_start3A_2598 = tpu.memref_slice %arg7[%dma_start3A_2594, %dma_start3A_2596, %dma_start3A_2597] : memref<4x128x128xf32, #tpu.memory_space<vmem>> -> memref<1x128x128xf32, #tpu.memory_space<vmem>>
      %dma_start3A_2599 = tpu.memref_squeeze %dma_start3A_2598 : memref<1x128x128xf32, #tpu.memory_space<vmem>> -> memref<128x128xf32, #tpu.memory_space<vmem>>
      %dma_start3A_2600 = arith.constant 0 : i32
      %dma_start3A_2601 = tpu.memref_slice %arg6[%dma_start3A_2593, %dma_start3A_2600] : memref<4x128xi32, #tpu.memory_space<vmem>> -> memref<1x128xi32, #tpu.memory_space<vmem>>
      %dma_start3A_2602 = tpu.memref_squeeze %dma_start3A_2601 : memref<1x128xi32, #tpu.memory_space<vmem>> -> memref<128xi32, #tpu.memory_space<vmem>>
      %dma_start3A_2603 = arith.constant 0 : i32
      %dma_start3A_2604 = arith.constant 0 : i32
      %dma_start3A_2605 = tpu.memref_slice %arg3[%dma_start3A_2603, %dma_start3A_2604] : memref<501760x128xf32, #tpu.memory_space<hbm>> -> memref<501760x128xf32, #tpu.memory_space<hbm>>
      %dma_start3A_2606 = tpu.memref_slice %arg9[%dma_start3A_2595] : memref<4x!tpu.dma_semaphore, #tpu.memory_space<semaphore_mem>> -> memref<1x!tpu.dma_semaphore, #tpu.memory_space<semaphore_mem>>
      %dma_start3A_2607 = tpu.memref_squeeze %dma_start3A_2606 : memref<1x!tpu.dma_semaphore, #tpu.memory_space<semaphore_mem>> -> memref<!tpu.dma_semaphore, #tpu.memory_space<semaphore_mem>>
      tpu.enqueue_indirect_dma source(%dma_start3A_2605 : memref<501760x128xf32, #tpu.memory_space<hbm>>) target(%dma_start3A_2599 : memref<128x128xf32, #tpu.memory_space<vmem>>) offsets(%dma_start3A_2602 : memref<128xi32, #tpu.memory_space<vmem>>) semaphore(%dma_start3A_2607 : memref<!tpu.dma_semaphore, #tpu.memory_space<semaphore_mem>>)
    }
    %scan3A_1431 = arith.constant 48 : i32
    %dma_wait3A_1432 = arith.constant 0 : i32
    %dma_wait3A_1433 = arith.constant 0 : i32
    %dma_wait3A_1434 = arith.constant 0 : i32
    %dma_wait3A_1435 = arith.constant 0 : i32
    %dma_wait3A_1436 = arith.constant 0 : i32
    %dma_wait3A_1437 = tpu.memref_slice %arg7[%dma_wait3A_1433, %dma_wait3A_1435, %dma_wait3A_1436] : memref<4x128x128xf32, #tpu.memory_space<vmem>> -> memref<1x128x128xf32, #tpu.memory_space<vmem>>
    %dma_wait3A_1438 = tpu.memref_squeeze %dma_wait3A_1437 : memref<1x128x128xf32, #tpu.memory_space<vmem>> -> memref<128x128xf32, #tpu.memory_space<vmem>>
    %dma_wait3A_1439 = arith.constant 0 : i32
    %dma_wait3A_1440 = tpu.memref_slice %arg6[%dma_wait3A_1432, %dma_wait3A_1439] : memref<4x128xi32, #tpu.memory_space<vmem>> -> memref<1x128xi32, #tpu.memory_space<vmem>>
    %dma_wait3A_1441 = tpu.memref_squeeze %dma_wait3A_1440 : memref<1x128xi32, #tpu.memory_space<vmem>> -> memref<128xi32, #tpu.memory_space<vmem>>
    %dma_wait3A_1442 = arith.constant 0 : i32
    %dma_wait3A_1443 = arith.constant 0 : i32
    %dma_wait3A_1444 = tpu.memref_slice %arg3[%dma_wait3A_1442, %dma_wait3A_1443] : memref<501760x128xf32, #tpu.memory_space<hbm>> -> memref<501760x128xf32, #tpu.memory_space<hbm>>
    %dma_wait3A_1445 = tpu.memref_slice %arg9[%dma_wait3A_1434] : memref<4x!tpu.dma_semaphore, #tpu.memory_space<semaphore_mem>> -> memref<1x!tpu.dma_semaphore, #tpu.memory_space<semaphore_mem>>
    %dma_wait3A_1446 = tpu.memref_squeeze %dma_wait3A_1445 : memref<1x!tpu.dma_semaphore, #tpu.memory_space<semaphore_mem>> -> memref<!tpu.dma_semaphore, #tpu.memory_space<semaphore_mem>>
    tpu.wait_indirect_dma semaphore(%dma_wait3A_1446 : memref<!tpu.dma_semaphore, #tpu.memory_space<semaphore_mem>>) src(%dma_wait3A_1444 : memref<501760x128xf32, #tpu.memory_space<hbm>>) dst(%dma_wait3A_1438 : memref<128x128xf32, #tpu.memory_space<vmem>>)
    %dma_wait3A_1447 = arith.constant 0 : i32
    %dma_wait3A_1448 = arith.constant 192 : i32
    %dma_wait3A_1449 = arith.constant 0 : i32
    %dma_wait3A_1450 = arith.constant 0 : i32
    %dma_wait3A_1451 = arith.constant 0 : i32
    %dma_wait3A_1452 = tpu.memref_slice %arg8[%dma_wait3A_1447, %dma_wait3A_1450, %dma_wait3A_1451] : memref<4x64x128xf32, #tpu.memory_space<vmem>> -> memref<1x64x128xf32, #tpu.memory_space<vmem>>
    %dma_wait3A_1453 = tpu.memref_squeeze %dma_wait3A_1452 : memref<1x64x128xf32, #tpu.memory_space<vmem>> -> memref<64x128xf32, #tpu.memory_space<vmem>>
    %dma_wait3A_1454 = arith.constant 0 : i32
    %dma_wait3A_1455 = tpu.memref_slice %arg4[%dma_wait3A_1448, %dma_wait3A_1454, %mul3A_2] : memref<200x64x4096xf32, #tpu.memory_space<hbm>> -> memref<1x64x128xf32, #tpu.memory_space<hbm>>
    %dma_wait3A_1456 = tpu.memref_squeeze %dma_wait3A_1455 : memref<1x64x128xf32, #tpu.memory_space<hbm>> -> memref<64x128xf32, #tpu.memory_space<hbm>>
    %dma_wait3A_1457 = tpu.memref_slice %arg10[%dma_wait3A_1449] : memref<4x!tpu.dma_semaphore, #tpu.memory_space<semaphore_mem>> -> memref<1x!tpu.dma_semaphore, #tpu.memory_space<semaphore_mem>>
    %dma_wait3A_1458 = tpu.memref_squeeze %dma_wait3A_1457 : memref<1x!tpu.dma_semaphore, #tpu.memory_space<semaphore_mem>> -> memref<!tpu.dma_semaphore, #tpu.memory_space<semaphore_mem>>
    %dma_wait3A_1459 = arith.constant 0 : i32
    %dma_wait3A_1460 = tpu.memref_slice %arg4[%dma_wait3A_1448, %dma_wait3A_1459, %mul3A_2] : memref<200x64x4096xf32, #tpu.memory_space<hbm>> -> memref<1x64x128xf32, #tpu.memory_space<hbm>>
    %dma_wait3A_1461 = tpu.memref_squeeze %dma_wait3A_1460 : memref<1x64x128xf32, #tpu.memory_space<hbm>> -> memref<64x128xf32, #tpu.memory_space<hbm>>
    %dma_wait3A_1462 = arith.constant 0 : i32
    %dma_wait3A_1463 = arith.constant 0 : i32
    %dma_wait3A_1464 = tpu.memref_slice %arg8[%dma_wait3A_1447, %dma_wait3A_1462, %dma_wait3A_1463] : memref<4x64x128xf32, #tpu.memory_space<vmem>> -> memref<1x64x128xf32, #tpu.memory_space<vmem>>
    %dma_wait3A_1465 = tpu.memref_squeeze %dma_wait3A_1464 : memref<1x64x128xf32, #tpu.memory_space<vmem>> -> memref<64x128xf32, #tpu.memory_space<vmem>>
    tpu.wait_dma2 semaphore(%dma_wait3A_1458 : memref<!tpu.dma_semaphore, #tpu.memory_space<semaphore_mem>>) src(%dma_wait3A_1465 : memref<64x128xf32, #tpu.memory_space<vmem>>) dst(%dma_wait3A_1461 : memref<64x128xf32, #tpu.memory_space<hbm>>)
    %scan3A_1466 = arith.constant 0 : i32
    %scan3A_1467 = arith.constant 0 : i32
    %scan3A_1468 = arith.constant 8 : i32
    %scan3A_1469 = arith.addi %scan3A_1467, %scan3A_1468 : i32
    %scan3A_1470 = arith.constant 1 : i32
    scf.for %scan3A_1744 = %scan3A_1467 to %scan3A_1469 step %scan3A_1470  : i32 {
      %iota3A = tpu.iota {dimensions = array<i32: 0>} : vector<16xi32>
      %mul3A_1745 = arith.constant 16 : i32
      %mul3A_1746 = arith.muli %mul3A_1745, %scan3A_1744 : i32
      %add3A_1747 = vector.broadcast %mul3A_1746 : i32 to vector<16xi32>
      %add3A_1748 = arith.addi %iota3A, %add3A_1747 : vector<16xi32>
      %mul3A_1749 = arith.constant 16 : i32
      %mul3A_1750 = arith.muli %mul3A_1749, %scan3A_1744 : i32
      %get3A_1751 = arith.constant 196 : i32
      %get3A_1752 = arith.index_cast %get3A_1751 : i32 to index
      %get3A_1753 = arith.index_cast %mul3A_1750 : i32 to index
      %get3A_1754 = tpu.vector_load %arg5[%get3A_1752, %get3A_1753] {strides = array<i32>} : memref<200x128xi32, #tpu.memory_space<vmem>>, vector<16xi32>,
      %shift_right_arithmetic3A_1755 = arith.constant 5 : i32
      %shift_right_arithmetic3A_1756 = vector.broadcast %shift_right_arithmetic3A_1755 : i32 to vector<16xi32>
      %shift_right_arithmetic3A_1757 = arith.shrsi %get3A_1754, %shift_right_arithmetic3A_1756 : vector<16xi32>
      %and3A_1758 = arith.constant 64 : i32
      %and3A_1759 = vector.broadcast %and3A_1758 : i32 to vector<16xi32>
      %and3A_1760 = arith.andi %shift_right_arithmetic3A_1757, %and3A_1759 : vector<16xi32>
      %parallel_loop3A = arith.constant 0 : i32
      %parallel_loop3A_1761 = arith.constant 64 : i32
      %parallel_loop3A_1762 = arith.constant 1 : i32
      scf.for %parallel_loop3A_1763 = %parallel_loop3A to %parallel_loop3A_1761 step %parallel_loop3A_1762  : i32 {
        %parallel_loop3A_1764 = vector.broadcast %parallel_loop3A_1763 : i32 to vector<16xi32>
        %parallel_loop3A_1765 = arith.addi %and3A_1760, %parallel_loop3A_1764 : vector<16xi32>
        %parallel_loop3A_1766 = arith.constant 0 : i32
        %parallel_loop3A_1767 = arith.constant 0 : i32
        %parallel_loop3A_1768 = arith.constant 0 : i32
        %parallel_loop3A_1769 = tpu.memref_slice %arg7[%parallel_loop3A_1766, %parallel_loop3A_1767, %parallel_loop3A_1768] : memref<4x128x128xf32, #tpu.memory_space<vmem>> -> memref<1x128x128xf32, #tpu.memory_space<vmem>>
        %parallel_loop3A_1770 = tpu.memref_squeeze %parallel_loop3A_1769 : memref<1x128x128xf32, #tpu.memory_space<vmem>> -> memref<128x128xf32, #tpu.memory_space<vmem>>
        %parallel_loop3A_1771 = tpu.vector_load_idx %parallel_loop3A_1770[%add3A_1748, %parallel_loop3A_1765] : memref<128x128xf32, #tpu.memory_space<vmem>>[vector<16xi32>, vector<16xi32>], vector<16xf32>,
        %parallel_loop3A_1772 = arith.constant 16 : i32
        %parallel_loop3A_1773 = arith.muli %parallel_loop3A_1772, %scan3A_1744 : i32
        %parallel_loop3A_1774 = arith.constant 0 : i32
        %parallel_loop3A_1775 = arith.index_cast %parallel_loop3A_1774 : i32 to index
        %parallel_loop3A_1776 = arith.index_cast %parallel_loop3A_1763 : i32 to index
        %parallel_loop3A_1777 = arith.index_cast %parallel_loop3A_1773 : i32 to index
        %parallel_loop3A_1778 = tpu.vector_load %arg8[%parallel_loop3A_1775, %parallel_loop3A_1776, %parallel_loop3A_1777] {strides = array<i32>} : memref<4x64x128xf32, #tpu.memory_space<vmem>>, vector<16xf32>,
        tpu.vector_store %arg8[%parallel_loop3A_1775, %parallel_loop3A_1776, %parallel_loop3A_1777], %parallel_loop3A_1771 {strides = array<i32>} : memref<4x64x128xf32, #tpu.memory_space<vmem>>, vector<16xf32>,
      } {sc.loop_unroll_factor = 16 : i64, sc.parallel_access}
    }
    %scan3A_1471 = arith.constant 8 : i32
    %dma_start3A_1472 = arith.constant 0 : i32
    %dma_start3A_1473 = arith.constant 196 : i32
    %dma_start3A_1474 = arith.constant 0 : i32
    %dma_start3A_1475 = arith.constant 0 : i32
    %dma_start3A_1476 = arith.constant 0 : i32
    %dma_start3A_1477 = tpu.memref_slice %arg8[%dma_start3A_1472, %dma_start3A_1475, %dma_start3A_1476] : memref<4x64x128xf32, #tpu.memory_space<vmem>> -> memref<1x64x128xf32, #tpu.memory_space<vmem>>
    %dma_start3A_1478 = tpu.memref_squeeze %dma_start3A_1477 : memref<1x64x128xf32, #tpu.memory_space<vmem>> -> memref<64x128xf32, #tpu.memory_space<vmem>>
    %dma_start3A_1479 = arith.constant 0 : i32
    %dma_start3A_1480 = tpu.memref_slice %arg4[%dma_start3A_1473, %dma_start3A_1479, %mul3A_2] : memref<200x64x4096xf32, #tpu.memory_space<hbm>> -> memref<1x64x128xf32, #tpu.memory_space<hbm>>
    %dma_start3A_1481 = tpu.memref_squeeze %dma_start3A_1480 : memref<1x64x128xf32, #tpu.memory_space<hbm>> -> memref<64x128xf32, #tpu.memory_space<hbm>>
    %dma_start3A_1482 = tpu.memref_slice %arg10[%dma_start3A_1474] : memref<4x!tpu.dma_semaphore, #tpu.memory_space<semaphore_mem>> -> memref<1x!tpu.dma_semaphore, #tpu.memory_space<semaphore_mem>>
    %dma_start3A_1483 = tpu.memref_squeeze %dma_start3A_1482 : memref<1x!tpu.dma_semaphore, #tpu.memory_space<semaphore_mem>> -> memref<!tpu.dma_semaphore, #tpu.memory_space<semaphore_mem>>
    %dma_start3A_1484 = arith.constant 0 : i32
    %dma_start3A_1485 = tpu.memref_slice %arg4[%dma_start3A_1473, %dma_start3A_1484, %mul3A_2] : memref<200x64x4096xf32, #tpu.memory_space<hbm>> -> memref<1x64x128xf32, #tpu.memory_space<hbm>>
    %dma_start3A_1486 = tpu.memref_squeeze %dma_start3A_1485 : memref<1x64x128xf32, #tpu.memory_space<hbm>> -> memref<64x128xf32, #tpu.memory_space<hbm>>
    %dma_start3A_1487 = arith.constant 0 : i32
    %dma_start3A_1488 = arith.constant 0 : i32
    %dma_start3A_1489 = tpu.memref_slice %arg8[%dma_start3A_1472, %dma_start3A_1487, %dma_start3A_1488] : memref<4x64x128xf32, #tpu.memory_space<vmem>> -> memref<1x64x128xf32, #tpu.memory_space<vmem>>
    %dma_start3A_1490 = tpu.memref_squeeze %dma_start3A_1489 : memref<1x64x128xf32, #tpu.memory_space<vmem>> -> memref<64x128xf32, #tpu.memory_space<vmem>>
    tpu.enqueue_dma source(%dma_start3A_1490 : memref<64x128xf32, #tpu.memory_space<vmem>>) target(%dma_start3A_1486 : memref<64x128xf32, #tpu.memory_space<hbm>>) target_semaphore(%dma_start3A_1483 : memref<!tpu.dma_semaphore, #tpu.memory_space<semaphore_mem>>)
    %dma_wait3A_1491 = arith.constant 1 : i32
    %dma_wait3A_1492 = arith.constant 1 : i32
    %dma_wait3A_1493 = arith.constant 1 : i32
    %dma_wait3A_1494 = arith.constant 0 : i32
    %dma_wait3A_1495 = arith.constant 0 : i32
    %dma_wait3A_1496 = tpu.memref_slice %arg7[%dma_wait3A_1492, %dma_wait3A_1494, %dma_wait3A_1495] : memref<4x128x128xf32, #tpu.memory_space<vmem>> -> memref<1x128x128xf32, #tpu.memory_space<vmem>>
    %dma_wait3A_1497 = tpu.memref_squeeze %dma_wait3A_1496 : memref<1x128x128xf32, #tpu.memory_space<vmem>> -> memref<128x128xf32, #tpu.memory_space<vmem>>
    %dma_wait3A_1498 = arith.constant 0 : i32
    %dma_wait3A_1499 = tpu.memref_slice %arg6[%dma_wait3A_1491, %dma_wait3A_1498] : memref<4x128xi32, #tpu.memory_space<vmem>> -> memref<1x128xi32, #tpu.memory_space<vmem>>
    %dma_wait3A_1500 = tpu.memref_squeeze %dma_wait3A_1499 : memref<1x128xi32, #tpu.memory_space<vmem>> -> memref<128xi32, #tpu.memory_space<vmem>>
    %dma_wait3A_1501 = arith.constant 0 : i32
    %dma_wait3A_1502 = arith.constant 0 : i32
    %dma_wait3A_1503 = tpu.memref_slice %arg3[%dma_wait3A_1501, %dma_wait3A_1502] : memref<501760x128xf32, #tpu.memory_space<hbm>> -> memref<501760x128xf32, #tpu.memory_space<hbm>>
    %dma_wait3A_1504 = tpu.memref_slice %arg9[%dma_wait3A_1493] : memref<4x!tpu.dma_semaphore, #tpu.memory_space<semaphore_mem>> -> memref<1x!tpu.dma_semaphore, #tpu.memory_space<semaphore_mem>>
    %dma_wait3A_1505 = tpu.memref_squeeze %dma_wait3A_1504 : memref<1x!tpu.dma_semaphore, #tpu.memory_space<semaphore_mem>> -> memref<!tpu.dma_semaphore, #tpu.memory_space<semaphore_mem>>
    tpu.wait_indirect_dma semaphore(%dma_wait3A_1505 : memref<!tpu.dma_semaphore, #tpu.memory_space<semaphore_mem>>) src(%dma_wait3A_1503 : memref<501760x128xf32, #tpu.memory_space<hbm>>) dst(%dma_wait3A_1497 : memref<128x128xf32, #tpu.memory_space<vmem>>)
    %dma_wait3A_1506 = arith.constant 1 : i32
    %dma_wait3A_1507 = arith.constant 193 : i32
    %dma_wait3A_1508 = arith.constant 1 : i32
    %dma_wait3A_1509 = arith.constant 0 : i32
    %dma_wait3A_1510 = arith.constant 0 : i32
    %dma_wait3A_1511 = tpu.memref_slice %arg8[%dma_wait3A_1506, %dma_wait3A_1509, %dma_wait3A_1510] : memref<4x64x128xf32, #tpu.memory_space<vmem>> -> memref<1x64x128xf32, #tpu.memory_space<vmem>>
    %dma_wait3A_1512 = tpu.memref_squeeze %dma_wait3A_1511 : memref<1x64x128xf32, #tpu.memory_space<vmem>> -> memref<64x128xf32, #tpu.memory_space<vmem>>
    %dma_wait3A_1513 = arith.constant 0 : i32
    %dma_wait3A_1514 = tpu.memref_slice %arg4[%dma_wait3A_1507, %dma_wait3A_1513, %mul3A_2] : memref<200x64x4096xf32, #tpu.memory_space<hbm>> -> memref<1x64x128xf32, #tpu.memory_space<hbm>>
    %dma_wait3A_1515 = tpu.memref_squeeze %dma_wait3A_1514 : memref<1x64x128xf32, #tpu.memory_space<hbm>> -> memref<64x128xf32, #tpu.memory_space<hbm>>
    %dma_wait3A_1516 = tpu.memref_slice %arg10[%dma_wait3A_1508] : memref<4x!tpu.dma_semaphore, #tpu.memory_space<semaphore_mem>> -> memref<1x!tpu.dma_semaphore, #tpu.memory_space<semaphore_mem>>
    %dma_wait3A_1517 = tpu.memref_squeeze %dma_wait3A_1516 : memref<1x!tpu.dma_semaphore, #tpu.memory_space<semaphore_mem>> -> memref<!tpu.dma_semaphore, #tpu.memory_space<semaphore_mem>>
    %dma_wait3A_1518 = arith.constant 0 : i32
    %dma_wait3A_1519 = tpu.memref_slice %arg4[%dma_wait3A_1507, %dma_wait3A_1518, %mul3A_2] : memref<200x64x4096xf32, #tpu.memory_space<hbm>> -> memref<1x64x128xf32, #tpu.memory_space<hbm>>
    %dma_wait3A_1520 = tpu.memref_squeeze %dma_wait3A_1519 : memref<1x64x128xf32, #tpu.memory_space<hbm>> -> memref<64x128xf32, #tpu.memory_space<hbm>>
    %dma_wait3A_1521 = arith.constant 0 : i32
    %dma_wait3A_1522 = arith.constant 0 : i32
    %dma_wait3A_1523 = tpu.memref_slice %arg8[%dma_wait3A_1506, %dma_wait3A_1521, %dma_wait3A_1522] : memref<4x64x128xf32, #tpu.memory_space<vmem>> -> memref<1x64x128xf32, #tpu.memory_space<vmem>>
    %dma_wait3A_1524 = tpu.memref_squeeze %dma_wait3A_1523 : memref<1x64x128xf32, #tpu.memory_space<vmem>> -> memref<64x128xf32, #tpu.memory_space<vmem>>
    tpu.wait_dma2 semaphore(%dma_wait3A_1517 : memref<!tpu.dma_semaphore, #tpu.memory_space<semaphore_mem>>) src(%dma_wait3A_1524 : memref<64x128xf32, #tpu.memory_space<vmem>>) dst(%dma_wait3A_1520 : memref<64x128xf32, #tpu.memory_space<hbm>>)
    %scan3A_1525 = arith.constant 0 : i32
    %scan3A_1526 = arith.constant 0 : i32
    %scan3A_1527 = arith.constant 8 : i32
    %scan3A_1528 = arith.addi %scan3A_1526, %scan3A_1527 : i32
    %scan3A_1529 = arith.constant 1 : i32
    scf.for %scan3A_1744 = %scan3A_1526 to %scan3A_1528 step %scan3A_1529  : i32 {
      %iota3A = tpu.iota {dimensions = array<i32: 0>} : vector<16xi32>
      %mul3A_1745 = arith.constant 16 : i32
      %mul3A_1746 = arith.muli %mul3A_1745, %scan3A_1744 : i32
      %add3A_1747 = vector.broadcast %mul3A_1746 : i32 to vector<16xi32>
      %add3A_1748 = arith.addi %iota3A, %add3A_1747 : vector<16xi32>
      %mul3A_1749 = arith.constant 16 : i32
      %mul3A_1750 = arith.muli %mul3A_1749, %scan3A_1744 : i32
      %get3A_1751 = arith.constant 197 : i32
      %get3A_1752 = arith.index_cast %get3A_1751 : i32 to index
      %get3A_1753 = arith.index_cast %mul3A_1750 : i32 to index
      %get3A_1754 = tpu.vector_load %arg5[%get3A_1752, %get3A_1753] {strides = array<i32>} : memref<200x128xi32, #tpu.memory_space<vmem>>, vector<16xi32>,
      %shift_right_arithmetic3A_1755 = arith.constant 5 : i32
      %shift_right_arithmetic3A_1756 = vector.broadcast %shift_right_arithmetic3A_1755 : i32 to vector<16xi32>
      %shift_right_arithmetic3A_1757 = arith.shrsi %get3A_1754, %shift_right_arithmetic3A_1756 : vector<16xi32>
      %and3A_1758 = arith.constant 64 : i32
      %and3A_1759 = vector.broadcast %and3A_1758 : i32 to vector<16xi32>
      %and3A_1760 = arith.andi %shift_right_arithmetic3A_1757, %and3A_1759 : vector<16xi32>
      %parallel_loop3A = arith.constant 0 : i32
      %parallel_loop3A_1761 = arith.constant 64 : i32
      %parallel_loop3A_1762 = arith.constant 1 : i32
      scf.for %parallel_loop3A_1763 = %parallel_loop3A to %parallel_loop3A_1761 step %parallel_loop3A_1762  : i32 {
        %parallel_loop3A_1764 = vector.broadcast %parallel_loop3A_1763 : i32 to vector<16xi32>
        %parallel_loop3A_1765 = arith.addi %and3A_1760, %parallel_loop3A_1764 : vector<16xi32>
        %parallel_loop3A_1766 = arith.constant 1 : i32
        %parallel_loop3A_1767 = arith.constant 0 : i32
        %parallel_loop3A_1768 = arith.constant 0 : i32
        %parallel_loop3A_1769 = tpu.memref_slice %arg7[%parallel_loop3A_1766, %parallel_loop3A_1767, %parallel_loop3A_1768] : memref<4x128x128xf32, #tpu.memory_space<vmem>> -> memref<1x128x128xf32, #tpu.memory_space<vmem>>
        %parallel_loop3A_1770 = tpu.memref_squeeze %parallel_loop3A_1769 : memref<1x128x128xf32, #tpu.memory_space<vmem>> -> memref<128x128xf32, #tpu.memory_space<vmem>>
        %parallel_loop3A_1771 = tpu.vector_load_idx %parallel_loop3A_1770[%add3A_1748, %parallel_loop3A_1765] : memref<128x128xf32, #tpu.memory_space<vmem>>[vector<16xi32>, vector<16xi32>], vector<16xf32>,
        %parallel_loop3A_1772 = arith.constant 16 : i32
        %parallel_loop3A_1773 = arith.muli %parallel_loop3A_1772, %scan3A_1744 : i32
        %parallel_loop3A_1774 = arith.constant 1 : i32
        %parallel_loop3A_1775 = arith.index_cast %parallel_loop3A_1774 : i32 to index
        %parallel_loop3A_1776 = arith.index_cast %parallel_loop3A_1763 : i32 to index
        %parallel_loop3A_1777 = arith.index_cast %parallel_loop3A_1773 : i32 to index
        %parallel_loop3A_1778 = tpu.vector_load %arg8[%parallel_loop3A_1775, %parallel_loop3A_1776, %parallel_loop3A_1777] {strides = array<i32>} : memref<4x64x128xf32, #tpu.memory_space<vmem>>, vector<16xf32>,
        tpu.vector_store %arg8[%parallel_loop3A_1775, %parallel_loop3A_1776, %parallel_loop3A_1777], %parallel_loop3A_1771 {strides = array<i32>} : memref<4x64x128xf32, #tpu.memory_space<vmem>>, vector<16xf32>,
      } {sc.loop_unroll_factor = 16 : i64, sc.parallel_access}
    }
    %scan3A_1530 = arith.constant 8 : i32
    %dma_start3A_1531 = arith.constant 1 : i32
    %dma_start3A_1532 = arith.constant 197 : i32
    %dma_start3A_1533 = arith.constant 1 : i32
    %dma_start3A_1534 = arith.constant 0 : i32
    %dma_start3A_1535 = arith.constant 0 : i32
    %dma_start3A_1536 = tpu.memref_slice %arg8[%dma_start3A_1531, %dma_start3A_1534, %dma_start3A_1535] : memref<4x64x128xf32, #tpu.memory_space<vmem>> -> memref<1x64x128xf32, #tpu.memory_space<vmem>>
    %dma_start3A_1537 = tpu.memref_squeeze %dma_start3A_1536 : memref<1x64x128xf32, #tpu.memory_space<vmem>> -> memref<64x128xf32, #tpu.memory_space<vmem>>
    %dma_start3A_1538 = arith.constant 0 : i32
    %dma_start3A_1539 = tpu.memref_slice %arg4[%dma_start3A_1532, %dma_start3A_1538, %mul3A_2] : memref<200x64x4096xf32, #tpu.memory_space<hbm>> -> memref<1x64x128xf32, #tpu.memory_space<hbm>>
    %dma_start3A_1540 = tpu.memref_squeeze %dma_start3A_1539 : memref<1x64x128xf32, #tpu.memory_space<hbm>> -> memref<64x128xf32, #tpu.memory_space<hbm>>
    %dma_start3A_1541 = tpu.memref_slice %arg10[%dma_start3A_1533] : memref<4x!tpu.dma_semaphore, #tpu.memory_space<semaphore_mem>> -> memref<1x!tpu.dma_semaphore, #tpu.memory_space<semaphore_mem>>
    %dma_start3A_1542 = tpu.memref_squeeze %dma_start3A_1541 : memref<1x!tpu.dma_semaphore, #tpu.memory_space<semaphore_mem>> -> memref<!tpu.dma_semaphore, #tpu.memory_space<semaphore_mem>>
    %dma_start3A_1543 = arith.constant 0 : i32
    %dma_start3A_1544 = tpu.memref_slice %arg4[%dma_start3A_1532, %dma_start3A_1543, %mul3A_2] : memref<200x64x4096xf32, #tpu.memory_space<hbm>> -> memref<1x64x128xf32, #tpu.memory_space<hbm>>
    %dma_start3A_1545 = tpu.memref_squeeze %dma_start3A_1544 : memref<1x64x128xf32, #tpu.memory_space<hbm>> -> memref<64x128xf32, #tpu.memory_space<hbm>>
    %dma_start3A_1546 = arith.constant 0 : i32
    %dma_start3A_1547 = arith.constant 0 : i32
    %dma_start3A_1548 = tpu.memref_slice %arg8[%dma_start3A_1531, %dma_start3A_1546, %dma_start3A_1547] : memref<4x64x128xf32, #tpu.memory_space<vmem>> -> memref<1x64x128xf32, #tpu.memory_space<vmem>>
    %dma_start3A_1549 = tpu.memref_squeeze %dma_start3A_1548 : memref<1x64x128xf32, #tpu.memory_space<vmem>> -> memref<64x128xf32, #tpu.memory_space<vmem>>
    tpu.enqueue_dma source(%dma_start3A_1549 : memref<64x128xf32, #tpu.memory_space<vmem>>) target(%dma_start3A_1545 : memref<64x128xf32, #tpu.memory_space<hbm>>) target_semaphore(%dma_start3A_1542 : memref<!tpu.dma_semaphore, #tpu.memory_space<semaphore_mem>>)
    %dma_wait3A_1550 = arith.constant 2 : i32
    %dma_wait3A_1551 = arith.constant 2 : i32
    %dma_wait3A_1552 = arith.constant 2 : i32
    %dma_wait3A_1553 = arith.constant 0 : i32
    %dma_wait3A_1554 = arith.constant 0 : i32
    %dma_wait3A_1555 = tpu.memref_slice %arg7[%dma_wait3A_1551, %dma_wait3A_1553, %dma_wait3A_1554] : memref<4x128x128xf32, #tpu.memory_space<vmem>> -> memref<1x128x128xf32, #tpu.memory_space<vmem>>
    %dma_wait3A_1556 = tpu.memref_squeeze %dma_wait3A_1555 : memref<1x128x128xf32, #tpu.memory_space<vmem>> -> memref<128x128xf32, #tpu.memory_space<vmem>>
    %dma_wait3A_1557 = arith.constant 0 : i32
    %dma_wait3A_1558 = tpu.memref_slice %arg6[%dma_wait3A_1550, %dma_wait3A_1557] : memref<4x128xi32, #tpu.memory_space<vmem>> -> memref<1x128xi32, #tpu.memory_space<vmem>>
    %dma_wait3A_1559 = tpu.memref_squeeze %dma_wait3A_1558 : memref<1x128xi32, #tpu.memory_space<vmem>> -> memref<128xi32, #tpu.memory_space<vmem>>
    %dma_wait3A_1560 = arith.constant 0 : i32
    %dma_wait3A_1561 = arith.constant 0 : i32
    %dma_wait3A_1562 = tpu.memref_slice %arg3[%dma_wait3A_1560, %dma_wait3A_1561] : memref<501760x128xf32, #tpu.memory_space<hbm>> -> memref<501760x128xf32, #tpu.memory_space<hbm>>
    %dma_wait3A_1563 = tpu.memref_slice %arg9[%dma_wait3A_1552] : memref<4x!tpu.dma_semaphore, #tpu.memory_space<semaphore_mem>> -> memref<1x!tpu.dma_semaphore, #tpu.memory_space<semaphore_mem>>
    %dma_wait3A_1564 = tpu.memref_squeeze %dma_wait3A_1563 : memref<1x!tpu.dma_semaphore, #tpu.memory_space<semaphore_mem>> -> memref<!tpu.dma_semaphore, #tpu.memory_space<semaphore_mem>>
    tpu.wait_indirect_dma semaphore(%dma_wait3A_1564 : memref<!tpu.dma_semaphore, #tpu.memory_space<semaphore_mem>>) src(%dma_wait3A_1562 : memref<501760x128xf32, #tpu.memory_space<hbm>>) dst(%dma_wait3A_1556 : memref<128x128xf32, #tpu.memory_space<vmem>>)
    %dma_wait3A_1565 = arith.constant 2 : i32
    %dma_wait3A_1566 = arith.constant 194 : i32
    %dma_wait3A_1567 = arith.constant 2 : i32
    %dma_wait3A_1568 = arith.constant 0 : i32
    %dma_wait3A_1569 = arith.constant 0 : i32
    %dma_wait3A_1570 = tpu.memref_slice %arg8[%dma_wait3A_1565, %dma_wait3A_1568, %dma_wait3A_1569] : memref<4x64x128xf32, #tpu.memory_space<vmem>> -> memref<1x64x128xf32, #tpu.memory_space<vmem>>
    %dma_wait3A_1571 = tpu.memref_squeeze %dma_wait3A_1570 : memref<1x64x128xf32, #tpu.memory_space<vmem>> -> memref<64x128xf32, #tpu.memory_space<vmem>>
    %dma_wait3A_1572 = arith.constant 0 : i32
    %dma_wait3A_1573 = tpu.memref_slice %arg4[%dma_wait3A_1566, %dma_wait3A_1572, %mul3A_2] : memref<200x64x4096xf32, #tpu.memory_space<hbm>> -> memref<1x64x128xf32, #tpu.memory_space<hbm>>
    %dma_wait3A_1574 = tpu.memref_squeeze %dma_wait3A_1573 : memref<1x64x128xf32, #tpu.memory_space<hbm>> -> memref<64x128xf32, #tpu.memory_space<hbm>>
    %dma_wait3A_1575 = tpu.memref_slice %arg10[%dma_wait3A_1567] : memref<4x!tpu.dma_semaphore, #tpu.memory_space<semaphore_mem>> -> memref<1x!tpu.dma_semaphore, #tpu.memory_space<semaphore_mem>>
    %dma_wait3A_1576 = tpu.memref_squeeze %dma_wait3A_1575 : memref<1x!tpu.dma_semaphore, #tpu.memory_space<semaphore_mem>> -> memref<!tpu.dma_semaphore, #tpu.memory_space<semaphore_mem>>
    %dma_wait3A_1577 = arith.constant 0 : i32
    %dma_wait3A_1578 = tpu.memref_slice %arg4[%dma_wait3A_1566, %dma_wait3A_1577, %mul3A_2] : memref<200x64x4096xf32, #tpu.memory_space<hbm>> -> memref<1x64x128xf32, #tpu.memory_space<hbm>>
    %dma_wait3A_1579 = tpu.memref_squeeze %dma_wait3A_1578 : memref<1x64x128xf32, #tpu.memory_space<hbm>> -> memref<64x128xf32, #tpu.memory_space<hbm>>
    %dma_wait3A_1580 = arith.constant 0 : i32
    %dma_wait3A_1581 = arith.constant 0 : i32
    %dma_wait3A_1582 = tpu.memref_slice %arg8[%dma_wait3A_1565, %dma_wait3A_1580, %dma_wait3A_1581] : memref<4x64x128xf32, #tpu.memory_space<vmem>> -> memref<1x64x128xf32, #tpu.memory_space<vmem>>
    %dma_wait3A_1583 = tpu.memref_squeeze %dma_wait3A_1582 : memref<1x64x128xf32, #tpu.memory_space<vmem>> -> memref<64x128xf32, #tpu.memory_space<vmem>>
    tpu.wait_dma2 semaphore(%dma_wait3A_1576 : memref<!tpu.dma_semaphore, #tpu.memory_space<semaphore_mem>>) src(%dma_wait3A_1583 : memref<64x128xf32, #tpu.memory_space<vmem>>) dst(%dma_wait3A_1579 : memref<64x128xf32, #tpu.memory_space<hbm>>)
    %scan3A_1584 = arith.constant 0 : i32
    %scan3A_1585 = arith.constant 0 : i32
    %scan3A_1586 = arith.constant 8 : i32
    %scan3A_1587 = arith.addi %scan3A_1585, %scan3A_1586 : i32
    %scan3A_1588 = arith.constant 1 : i32
    scf.for %scan3A_1744 = %scan3A_1585 to %scan3A_1587 step %scan3A_1588  : i32 {
      %iota3A = tpu.iota {dimensions = array<i32: 0>} : vector<16xi32>
      %mul3A_1745 = arith.constant 16 : i32
      %mul3A_1746 = arith.muli %mul3A_1745, %scan3A_1744 : i32
      %add3A_1747 = vector.broadcast %mul3A_1746 : i32 to vector<16xi32>
      %add3A_1748 = arith.addi %iota3A, %add3A_1747 : vector<16xi32>
      %mul3A_1749 = arith.constant 16 : i32
      %mul3A_1750 = arith.muli %mul3A_1749, %scan3A_1744 : i32
      %get3A_1751 = arith.constant 198 : i32
      %get3A_1752 = arith.index_cast %get3A_1751 : i32 to index
      %get3A_1753 = arith.index_cast %mul3A_1750 : i32 to index
      %get3A_1754 = tpu.vector_load %arg5[%get3A_1752, %get3A_1753] {strides = array<i32>} : memref<200x128xi32, #tpu.memory_space<vmem>>, vector<16xi32>,
      %shift_right_arithmetic3A_1755 = arith.constant 5 : i32
      %shift_right_arithmetic3A_1756 = vector.broadcast %shift_right_arithmetic3A_1755 : i32 to vector<16xi32>
      %shift_right_arithmetic3A_1757 = arith.shrsi %get3A_1754, %shift_right_arithmetic3A_1756 : vector<16xi32>
      %and3A_1758 = arith.constant 64 : i32
      %and3A_1759 = vector.broadcast %and3A_1758 : i32 to vector<16xi32>
      %and3A_1760 = arith.andi %shift_right_arithmetic3A_1757, %and3A_1759 : vector<16xi32>
      %parallel_loop3A = arith.constant 0 : i32
      %parallel_loop3A_1761 = arith.constant 64 : i32
      %parallel_loop3A_1762 = arith.constant 1 : i32
      scf.for %parallel_loop3A_1763 = %parallel_loop3A to %parallel_loop3A_1761 step %parallel_loop3A_1762  : i32 {
        %parallel_loop3A_1764 = vector.broadcast %parallel_loop3A_1763 : i32 to vector<16xi32>
        %parallel_loop3A_1765 = arith.addi %and3A_1760, %parallel_loop3A_1764 : vector<16xi32>
        %parallel_loop3A_1766 = arith.constant 2 : i32
        %parallel_loop3A_1767 = arith.constant 0 : i32
        %parallel_loop3A_1768 = arith.constant 0 : i32
        %parallel_loop3A_1769 = tpu.memref_slice %arg7[%parallel_loop3A_1766, %parallel_loop3A_1767, %parallel_loop3A_1768] : memref<4x128x128xf32, #tpu.memory_space<vmem>> -> memref<1x128x128xf32, #tpu.memory_space<vmem>>
        %parallel_loop3A_1770 = tpu.memref_squeeze %parallel_loop3A_1769 : memref<1x128x128xf32, #tpu.memory_space<vmem>> -> memref<128x128xf32, #tpu.memory_space<vmem>>
        %parallel_loop3A_1771 = tpu.vector_load_idx %parallel_loop3A_1770[%add3A_1748, %parallel_loop3A_1765] : memref<128x128xf32, #tpu.memory_space<vmem>>[vector<16xi32>, vector<16xi32>], vector<16xf32>,
        %parallel_loop3A_1772 = arith.constant 16 : i32
        %parallel_loop3A_1773 = arith.muli %parallel_loop3A_1772, %scan3A_1744 : i32
        %parallel_loop3A_1774 = arith.constant 2 : i32
        %parallel_loop3A_1775 = arith.index_cast %parallel_loop3A_1774 : i32 to index
        %parallel_loop3A_1776 = arith.index_cast %parallel_loop3A_1763 : i32 to index
        %parallel_loop3A_1777 = arith.index_cast %parallel_loop3A_1773 : i32 to index
        %parallel_loop3A_1778 = tpu.vector_load %arg8[%parallel_loop3A_1775, %parallel_loop3A_1776, %parallel_loop3A_1777] {strides = array<i32>} : memref<4x64x128xf32, #tpu.memory_space<vmem>>, vector<16xf32>,
        tpu.vector_store %arg8[%parallel_loop3A_1775, %parallel_loop3A_1776, %parallel_loop3A_1777], %parallel_loop3A_1771 {strides = array<i32>} : memref<4x64x128xf32, #tpu.memory_space<vmem>>, vector<16xf32>,
      } {sc.loop_unroll_factor = 16 : i64, sc.parallel_access}
    }
    %scan3A_1589 = arith.constant 8 : i32
    %dma_start3A_1590 = arith.constant 2 : i32
    %dma_start3A_1591 = arith.constant 198 : i32
    %dma_start3A_1592 = arith.constant 2 : i32
    %dma_start3A_1593 = arith.constant 0 : i32
    %dma_start3A_1594 = arith.constant 0 : i32
    %dma_start3A_1595 = tpu.memref_slice %arg8[%dma_start3A_1590, %dma_start3A_1593, %dma_start3A_1594] : memref<4x64x128xf32, #tpu.memory_space<vmem>> -> memref<1x64x128xf32, #tpu.memory_space<vmem>>
    %dma_start3A_1596 = tpu.memref_squeeze %dma_start3A_1595 : memref<1x64x128xf32, #tpu.memory_space<vmem>> -> memref<64x128xf32, #tpu.memory_space<vmem>>
    %dma_start3A_1597 = arith.constant 0 : i32
    %dma_start3A_1598 = tpu.memref_slice %arg4[%dma_start3A_1591, %dma_start3A_1597, %mul3A_2] : memref<200x64x4096xf32, #tpu.memory_space<hbm>> -> memref<1x64x128xf32, #tpu.memory_space<hbm>>
    %dma_start3A_1599 = tpu.memref_squeeze %dma_start3A_1598 : memref<1x64x128xf32, #tpu.memory_space<hbm>> -> memref<64x128xf32, #tpu.memory_space<hbm>>
    %dma_start3A_1600 = tpu.memref_slice %arg10[%dma_start3A_1592] : memref<4x!tpu.dma_semaphore, #tpu.memory_space<semaphore_mem>> -> memref<1x!tpu.dma_semaphore, #tpu.memory_space<semaphore_mem>>
    %dma_start3A_1601 = tpu.memref_squeeze %dma_start3A_1600 : memref<1x!tpu.dma_semaphore, #tpu.memory_space<semaphore_mem>> -> memref<!tpu.dma_semaphore, #tpu.memory_space<semaphore_mem>>
    %dma_start3A_1602 = arith.constant 0 : i32
    %dma_start3A_1603 = tpu.memref_slice %arg4[%dma_start3A_1591, %dma_start3A_1602, %mul3A_2] : memref<200x64x4096xf32, #tpu.memory_space<hbm>> -> memref<1x64x128xf32, #tpu.memory_space<hbm>>
    %dma_start3A_1604 = tpu.memref_squeeze %dma_start3A_1603 : memref<1x64x128xf32, #tpu.memory_space<hbm>> -> memref<64x128xf32, #tpu.memory_space<hbm>>
    %dma_start3A_1605 = arith.constant 0 : i32
    %dma_start3A_1606 = arith.constant 0 : i32
    %dma_start3A_1607 = tpu.memref_slice %arg8[%dma_start3A_1590, %dma_start3A_1605, %dma_start3A_1606] : memref<4x64x128xf32, #tpu.memory_space<vmem>> -> memref<1x64x128xf32, #tpu.memory_space<vmem>>
    %dma_start3A_1608 = tpu.memref_squeeze %dma_start3A_1607 : memref<1x64x128xf32, #tpu.memory_space<vmem>> -> memref<64x128xf32, #tpu.memory_space<vmem>>
    tpu.enqueue_dma source(%dma_start3A_1608 : memref<64x128xf32, #tpu.memory_space<vmem>>) target(%dma_start3A_1604 : memref<64x128xf32, #tpu.memory_space<hbm>>) target_semaphore(%dma_start3A_1601 : memref<!tpu.dma_semaphore, #tpu.memory_space<semaphore_mem>>)
    %dma_wait3A_1609 = arith.constant 3 : i32
    %dma_wait3A_1610 = arith.constant 3 : i32
    %dma_wait3A_1611 = arith.constant 3 : i32
    %dma_wait3A_1612 = arith.constant 0 : i32
    %dma_wait3A_1613 = arith.constant 0 : i32
    %dma_wait3A_1614 = tpu.memref_slice %arg7[%dma_wait3A_1610, %dma_wait3A_1612, %dma_wait3A_1613] : memref<4x128x128xf32, #tpu.memory_space<vmem>> -> memref<1x128x128xf32, #tpu.memory_space<vmem>>
    %dma_wait3A_1615 = tpu.memref_squeeze %dma_wait3A_1614 : memref<1x128x128xf32, #tpu.memory_space<vmem>> -> memref<128x128xf32, #tpu.memory_space<vmem>>
    %dma_wait3A_1616 = arith.constant 0 : i32
    %dma_wait3A_1617 = tpu.memref_slice %arg6[%dma_wait3A_1609, %dma_wait3A_1616] : memref<4x128xi32, #tpu.memory_space<vmem>> -> memref<1x128xi32, #tpu.memory_space<vmem>>
    %dma_wait3A_1618 = tpu.memref_squeeze %dma_wait3A_1617 : memref<1x128xi32, #tpu.memory_space<vmem>> -> memref<128xi32, #tpu.memory_space<vmem>>
    %dma_wait3A_1619 = arith.constant 0 : i32
    %dma_wait3A_1620 = arith.constant 0 : i32
    %dma_wait3A_1621 = tpu.memref_slice %arg3[%dma_wait3A_1619, %dma_wait3A_1620] : memref<501760x128xf32, #tpu.memory_space<hbm>> -> memref<501760x128xf32, #tpu.memory_space<hbm>>
    %dma_wait3A_1622 = tpu.memref_slice %arg9[%dma_wait3A_1611] : memref<4x!tpu.dma_semaphore, #tpu.memory_space<semaphore_mem>> -> memref<1x!tpu.dma_semaphore, #tpu.memory_space<semaphore_mem>>
    %dma_wait3A_1623 = tpu.memref_squeeze %dma_wait3A_1622 : memref<1x!tpu.dma_semaphore, #tpu.memory_space<semaphore_mem>> -> memref<!tpu.dma_semaphore, #tpu.memory_space<semaphore_mem>>
    tpu.wait_indirect_dma semaphore(%dma_wait3A_1623 : memref<!tpu.dma_semaphore, #tpu.memory_space<semaphore_mem>>) src(%dma_wait3A_1621 : memref<501760x128xf32, #tpu.memory_space<hbm>>) dst(%dma_wait3A_1615 : memref<128x128xf32, #tpu.memory_space<vmem>>)
    %dma_wait3A_1624 = arith.constant 3 : i32
    %dma_wait3A_1625 = arith.constant 195 : i32
    %dma_wait3A_1626 = arith.constant 3 : i32
    %dma_wait3A_1627 = arith.constant 0 : i32
    %dma_wait3A_1628 = arith.constant 0 : i32
    %dma_wait3A_1629 = tpu.memref_slice %arg8[%dma_wait3A_1624, %dma_wait3A_1627, %dma_wait3A_1628] : memref<4x64x128xf32, #tpu.memory_space<vmem>> -> memref<1x64x128xf32, #tpu.memory_space<vmem>>
    %dma_wait3A_1630 = tpu.memref_squeeze %dma_wait3A_1629 : memref<1x64x128xf32, #tpu.memory_space<vmem>> -> memref<64x128xf32, #tpu.memory_space<vmem>>
    %dma_wait3A_1631 = arith.constant 0 : i32
    %dma_wait3A_1632 = tpu.memref_slice %arg4[%dma_wait3A_1625, %dma_wait3A_1631, %mul3A_2] : memref<200x64x4096xf32, #tpu.memory_space<hbm>> -> memref<1x64x128xf32, #tpu.memory_space<hbm>>
    %dma_wait3A_1633 = tpu.memref_squeeze %dma_wait3A_1632 : memref<1x64x128xf32, #tpu.memory_space<hbm>> -> memref<64x128xf32, #tpu.memory_space<hbm>>
    %dma_wait3A_1634 = tpu.memref_slice %arg10[%dma_wait3A_1626] : memref<4x!tpu.dma_semaphore, #tpu.memory_space<semaphore_mem>> -> memref<1x!tpu.dma_semaphore, #tpu.memory_space<semaphore_mem>>
    %dma_wait3A_1635 = tpu.memref_squeeze %dma_wait3A_1634 : memref<1x!tpu.dma_semaphore, #tpu.memory_space<semaphore_mem>> -> memref<!tpu.dma_semaphore, #tpu.memory_space<semaphore_mem>>
    %dma_wait3A_1636 = arith.constant 0 : i32
    %dma_wait3A_1637 = tpu.memref_slice %arg4[%dma_wait3A_1625, %dma_wait3A_1636, %mul3A_2] : memref<200x64x4096xf32, #tpu.memory_space<hbm>> -> memref<1x64x128xf32, #tpu.memory_space<hbm>>
    %dma_wait3A_1638 = tpu.memref_squeeze %dma_wait3A_1637 : memref<1x64x128xf32, #tpu.memory_space<hbm>> -> memref<64x128xf32, #tpu.memory_space<hbm>>
    %dma_wait3A_1639 = arith.constant 0 : i32
    %dma_wait3A_1640 = arith.constant 0 : i32
    %dma_wait3A_1641 = tpu.memref_slice %arg8[%dma_wait3A_1624, %dma_wait3A_1639, %dma_wait3A_1640] : memref<4x64x128xf32, #tpu.memory_space<vmem>> -> memref<1x64x128xf32, #tpu.memory_space<vmem>>
    %dma_wait3A_1642 = tpu.memref_squeeze %dma_wait3A_1641 : memref<1x64x128xf32, #tpu.memory_space<vmem>> -> memref<64x128xf32, #tpu.memory_space<vmem>>
    tpu.wait_dma2 semaphore(%dma_wait3A_1635 : memref<!tpu.dma_semaphore, #tpu.memory_space<semaphore_mem>>) src(%dma_wait3A_1642 : memref<64x128xf32, #tpu.memory_space<vmem>>) dst(%dma_wait3A_1638 : memref<64x128xf32, #tpu.memory_space<hbm>>)
    %scan3A_1643 = arith.constant 0 : i32
    %scan3A_1644 = arith.constant 0 : i32
    %scan3A_1645 = arith.constant 8 : i32
    %scan3A_1646 = arith.addi %scan3A_1644, %scan3A_1645 : i32
    %scan3A_1647 = arith.constant 1 : i32
    scf.for %scan3A_1744 = %scan3A_1644 to %scan3A_1646 step %scan3A_1647  : i32 {
      %iota3A = tpu.iota {dimensions = array<i32: 0>} : vector<16xi32>
      %mul3A_1745 = arith.constant 16 : i32
      %mul3A_1746 = arith.muli %mul3A_1745, %scan3A_1744 : i32
      %add3A_1747 = vector.broadcast %mul3A_1746 : i32 to vector<16xi32>
      %add3A_1748 = arith.addi %iota3A, %add3A_1747 : vector<16xi32>
      %mul3A_1749 = arith.constant 16 : i32
      %mul3A_1750 = arith.muli %mul3A_1749, %scan3A_1744 : i32
      %get3A_1751 = arith.constant 199 : i32
      %get3A_1752 = arith.index_cast %get3A_1751 : i32 to index
      %get3A_1753 = arith.index_cast %mul3A_1750 : i32 to index
      %get3A_1754 = tpu.vector_load %arg5[%get3A_1752, %get3A_1753] {strides = array<i32>} : memref<200x128xi32, #tpu.memory_space<vmem>>, vector<16xi32>,
      %shift_right_arithmetic3A_1755 = arith.constant 5 : i32
      %shift_right_arithmetic3A_1756 = vector.broadcast %shift_right_arithmetic3A_1755 : i32 to vector<16xi32>
      %shift_right_arithmetic3A_1757 = arith.shrsi %get3A_1754, %shift_right_arithmetic3A_1756 : vector<16xi32>
      %and3A_1758 = arith.constant 64 : i32
      %and3A_1759 = vector.broadcast %and3A_1758 : i32 to vector<16xi32>
      %and3A_1760 = arith.andi %shift_right_arithmetic3A_1757, %and3A_1759 : vector<16xi32>
      %parallel_loop3A = arith.constant 0 : i32
      %parallel_loop3A_1761 = arith.constant 64 : i32
      %parallel_loop3A_1762 = arith.constant 1 : i32
      scf.for %parallel_loop3A_1763 = %parallel_loop3A to %parallel_loop3A_1761 step %parallel_loop3A_1762  : i32 {
        %parallel_loop3A_1764 = vector.broadcast %parallel_loop3A_1763 : i32 to vector<16xi32>
        %parallel_loop3A_1765 = arith.addi %and3A_1760, %parallel_loop3A_1764 : vector<16xi32>
        %parallel_loop3A_1766 = arith.constant 3 : i32
        %parallel_loop3A_1767 = arith.constant 0 : i32
        %parallel_loop3A_1768 = arith.constant 0 : i32
        %parallel_loop3A_1769 = tpu.memref_slice %arg7[%parallel_loop3A_1766, %parallel_loop3A_1767, %parallel_loop3A_1768] : memref<4x128x128xf32, #tpu.memory_space<vmem>> -> memref<1x128x128xf32, #tpu.memory_space<vmem>>
        %parallel_loop3A_1770 = tpu.memref_squeeze %parallel_loop3A_1769 : memref<1x128x128xf32, #tpu.memory_space<vmem>> -> memref<128x128xf32, #tpu.memory_space<vmem>>
        %parallel_loop3A_1771 = tpu.vector_load_idx %parallel_loop3A_1770[%add3A_1748, %parallel_loop3A_1765] : memref<128x128xf32, #tpu.memory_space<vmem>>[vector<16xi32>, vector<16xi32>], vector<16xf32>,
        %parallel_loop3A_1772 = arith.constant 16 : i32
        %parallel_loop3A_1773 = arith.muli %parallel_loop3A_1772, %scan3A_1744 : i32
        %parallel_loop3A_1774 = arith.constant 3 : i32
        %parallel_loop3A_1775 = arith.index_cast %parallel_loop3A_1774 : i32 to index
        %parallel_loop3A_1776 = arith.index_cast %parallel_loop3A_1763 : i32 to index
        %parallel_loop3A_1777 = arith.index_cast %parallel_loop3A_1773 : i32 to index
        %parallel_loop3A_1778 = tpu.vector_load %arg8[%parallel_loop3A_1775, %parallel_loop3A_1776, %parallel_loop3A_1777] {strides = array<i32>} : memref<4x64x128xf32, #tpu.memory_space<vmem>>, vector<16xf32>,
        tpu.vector_store %arg8[%parallel_loop3A_1775, %parallel_loop3A_1776, %parallel_loop3A_1777], %parallel_loop3A_1771 {strides = array<i32>} : memref<4x64x128xf32, #tpu.memory_space<vmem>>, vector<16xf32>,
      } {sc.loop_unroll_factor = 16 : i64, sc.parallel_access}
    }
    %scan3A_1648 = arith.constant 8 : i32
    %dma_start3A_1649 = arith.constant 3 : i32
    %dma_start3A_1650 = arith.constant 199 : i32
    %dma_start3A_1651 = arith.constant 3 : i32
    %dma_start3A_1652 = arith.constant 0 : i32
    %dma_start3A_1653 = arith.constant 0 : i32
    %dma_start3A_1654 = tpu.memref_slice %arg8[%dma_start3A_1649, %dma_start3A_1652, %dma_start3A_1653] : memref<4x64x128xf32, #tpu.memory_space<vmem>> -> memref<1x64x128xf32, #tpu.memory_space<vmem>>
    %dma_start3A_1655 = tpu.memref_squeeze %dma_start3A_1654 : memref<1x64x128xf32, #tpu.memory_space<vmem>> -> memref<64x128xf32, #tpu.memory_space<vmem>>
    %dma_start3A_1656 = arith.constant 0 : i32
    %dma_start3A_1657 = tpu.memref_slice %arg4[%dma_start3A_1650, %dma_start3A_1656, %mul3A_2] : memref<200x64x4096xf32, #tpu.memory_space<hbm>> -> memref<1x64x128xf32, #tpu.memory_space<hbm>>
    %dma_start3A_1658 = tpu.memref_squeeze %dma_start3A_1657 : memref<1x64x128xf32, #tpu.memory_space<hbm>> -> memref<64x128xf32, #tpu.memory_space<hbm>>
    %dma_start3A_1659 = tpu.memref_slice %arg10[%dma_start3A_1651] : memref<4x!tpu.dma_semaphore, #tpu.memory_space<semaphore_mem>> -> memref<1x!tpu.dma_semaphore, #tpu.memory_space<semaphore_mem>>
    %dma_start3A_1660 = tpu.memref_squeeze %dma_start3A_1659 : memref<1x!tpu.dma_semaphore, #tpu.memory_space<semaphore_mem>> -> memref<!tpu.dma_semaphore, #tpu.memory_space<semaphore_mem>>
    %dma_start3A_1661 = arith.constant 0 : i32
    %dma_start3A_1662 = tpu.memref_slice %arg4[%dma_start3A_1650, %dma_start3A_1661, %mul3A_2] : memref<200x64x4096xf32, #tpu.memory_space<hbm>> -> memref<1x64x128xf32, #tpu.memory_space<hbm>>
    %dma_start3A_1663 = tpu.memref_squeeze %dma_start3A_1662 : memref<1x64x128xf32, #tpu.memory_space<hbm>> -> memref<64x128xf32, #tpu.memory_space<hbm>>
    %dma_start3A_1664 = arith.constant 0 : i32
    %dma_start3A_1665 = arith.constant 0 : i32
    %dma_start3A_1666 = tpu.memref_slice %arg8[%dma_start3A_1649, %dma_start3A_1664, %dma_start3A_1665] : memref<4x64x128xf32, #tpu.memory_space<vmem>> -> memref<1x64x128xf32, #tpu.memory_space<vmem>>
    %dma_start3A_1667 = tpu.memref_squeeze %dma_start3A_1666 : memref<1x64x128xf32, #tpu.memory_space<vmem>> -> memref<64x128xf32, #tpu.memory_space<vmem>>
    tpu.enqueue_dma source(%dma_start3A_1667 : memref<64x128xf32, #tpu.memory_space<vmem>>) target(%dma_start3A_1663 : memref<64x128xf32, #tpu.memory_space<hbm>>) target_semaphore(%dma_start3A_1660 : memref<!tpu.dma_semaphore, #tpu.memory_space<semaphore_mem>>)
    %dma_wait3A_1668 = arith.constant 0 : i32
    %dma_wait3A_1669 = arith.constant 196 : i32
    %dma_wait3A_1670 = arith.constant 0 : i32
    %dma_wait3A_1671 = arith.constant 0 : i32
    %dma_wait3A_1672 = arith.constant 0 : i32
    %dma_wait3A_1673 = tpu.memref_slice %arg8[%dma_wait3A_1668, %dma_wait3A_1671, %dma_wait3A_1672] : memref<4x64x128xf32, #tpu.memory_space<vmem>> -> memref<1x64x128xf32, #tpu.memory_space<vmem>>
    %dma_wait3A_1674 = tpu.memref_squeeze %dma_wait3A_1673 : memref<1x64x128xf32, #tpu.memory_space<vmem>> -> memref<64x128xf32, #tpu.memory_space<vmem>>
    %dma_wait3A_1675 = arith.constant 0 : i32
    %dma_wait3A_1676 = tpu.memref_slice %arg4[%dma_wait3A_1669, %dma_wait3A_1675, %mul3A_2] : memref<200x64x4096xf32, #tpu.memory_space<hbm>> -> memref<1x64x128xf32, #tpu.memory_space<hbm>>
    %dma_wait3A_1677 = tpu.memref_squeeze %dma_wait3A_1676 : memref<1x64x128xf32, #tpu.memory_space<hbm>> -> memref<64x128xf32, #tpu.memory_space<hbm>>
    %dma_wait3A_1678 = tpu.memref_slice %arg10[%dma_wait3A_1670] : memref<4x!tpu.dma_semaphore, #tpu.memory_space<semaphore_mem>> -> memref<1x!tpu.dma_semaphore, #tpu.memory_space<semaphore_mem>>
    %dma_wait3A_1679 = tpu.memref_squeeze %dma_wait3A_1678 : memref<1x!tpu.dma_semaphore, #tpu.memory_space<semaphore_mem>> -> memref<!tpu.dma_semaphore, #tpu.memory_space<semaphore_mem>>
    %dma_wait3A_1680 = arith.constant 0 : i32
    %dma_wait3A_1681 = tpu.memref_slice %arg4[%dma_wait3A_1669, %dma_wait3A_1680, %mul3A_2] : memref<200x64x4096xf32, #tpu.memory_space<hbm>> -> memref<1x64x128xf32, #tpu.memory_space<hbm>>
    %dma_wait3A_1682 = tpu.memref_squeeze %dma_wait3A_1681 : memref<1x64x128xf32, #tpu.memory_space<hbm>> -> memref<64x128xf32, #tpu.memory_space<hbm>>
    %dma_wait3A_1683 = arith.constant 0 : i32
    %dma_wait3A_1684 = arith.constant 0 : i32
    %dma_wait3A_1685 = tpu.memref_slice %arg8[%dma_wait3A_1668, %dma_wait3A_1683, %dma_wait3A_1684] : memref<4x64x128xf32, #tpu.memory_space<vmem>> -> memref<1x64x128xf32, #tpu.memory_space<vmem>>
    %dma_wait3A_1686 = tpu.memref_squeeze %dma_wait3A_1685 : memref<1x64x128xf32, #tpu.memory_space<vmem>> -> memref<64x128xf32, #tpu.memory_space<vmem>>
    tpu.wait_dma2 semaphore(%dma_wait3A_1679 : memref<!tpu.dma_semaphore, #tpu.memory_space<semaphore_mem>>) src(%dma_wait3A_1686 : memref<64x128xf32, #tpu.memory_space<vmem>>) dst(%dma_wait3A_1682 : memref<64x128xf32, #tpu.memory_space<hbm>>)
    %dma_wait3A_1687 = arith.constant 1 : i32
    %dma_wait3A_1688 = arith.constant 197 : i32
    %dma_wait3A_1689 = arith.constant 1 : i32
    %dma_wait3A_1690 = arith.constant 0 : i32
    %dma_wait3A_1691 = arith.constant 0 : i32
    %dma_wait3A_1692 = tpu.memref_slice %arg8[%dma_wait3A_1687, %dma_wait3A_1690, %dma_wait3A_1691] : memref<4x64x128xf32, #tpu.memory_space<vmem>> -> memref<1x64x128xf32, #tpu.memory_space<vmem>>
    %dma_wait3A_1693 = tpu.memref_squeeze %dma_wait3A_1692 : memref<1x64x128xf32, #tpu.memory_space<vmem>> -> memref<64x128xf32, #tpu.memory_space<vmem>>
    %dma_wait3A_1694 = arith.constant 0 : i32
    %dma_wait3A_1695 = tpu.memref_slice %arg4[%dma_wait3A_1688, %dma_wait3A_1694, %mul3A_2] : memref<200x64x4096xf32, #tpu.memory_space<hbm>> -> memref<1x64x128xf32, #tpu.memory_space<hbm>>
    %dma_wait3A_1696 = tpu.memref_squeeze %dma_wait3A_1695 : memref<1x64x128xf32, #tpu.memory_space<hbm>> -> memref<64x128xf32, #tpu.memory_space<hbm>>
    %dma_wait3A_1697 = tpu.memref_slice %arg10[%dma_wait3A_1689] : memref<4x!tpu.dma_semaphore, #tpu.memory_space<semaphore_mem>> -> memref<1x!tpu.dma_semaphore, #tpu.memory_space<semaphore_mem>>
    %dma_wait3A_1698 = tpu.memref_squeeze %dma_wait3A_1697 : memref<1x!tpu.dma_semaphore, #tpu.memory_space<semaphore_mem>> -> memref<!tpu.dma_semaphore, #tpu.memory_space<semaphore_mem>>
    %dma_wait3A_1699 = arith.constant 0 : i32
    %dma_wait3A_1700 = tpu.memref_slice %arg4[%dma_wait3A_1688, %dma_wait3A_1699, %mul3A_2] : memref<200x64x4096xf32, #tpu.memory_space<hbm>> -> memref<1x64x128xf32, #tpu.memory_space<hbm>>
    %dma_wait3A_1701 = tpu.memref_squeeze %dma_wait3A_1700 : memref<1x64x128xf32, #tpu.memory_space<hbm>> -> memref<64x128xf32, #tpu.memory_space<hbm>>
    %dma_wait3A_1702 = arith.constant 0 : i32
    %dma_wait3A_1703 = arith.constant 0 : i32
    %dma_wait3A_1704 = tpu.memref_slice %arg8[%dma_wait3A_1687, %dma_wait3A_1702, %dma_wait3A_1703] : memref<4x64x128xf32, #tpu.memory_space<vmem>> -> memref<1x64x128xf32, #tpu.memory_space<vmem>>
    %dma_wait3A_1705 = tpu.memref_squeeze %dma_wait3A_1704 : memref<1x64x128xf32, #tpu.memory_space<vmem>> -> memref<64x128xf32, #tpu.memory_space<vmem>>
    tpu.wait_dma2 semaphore(%dma_wait3A_1698 : memref<!tpu.dma_semaphore, #tpu.memory_space<semaphore_mem>>) src(%dma_wait3A_1705 : memref<64x128xf32, #tpu.memory_space<vmem>>) dst(%dma_wait3A_1701 : memref<64x128xf32, #tpu.memory_space<hbm>>)
    %dma_wait3A_1706 = arith.constant 2 : i32
    %dma_wait3A_1707 = arith.constant 198 : i32
    %dma_wait3A_1708 = arith.constant 2 : i32
    %dma_wait3A_1709 = arith.constant 0 : i32
    %dma_wait3A_1710 = arith.constant 0 : i32
    %dma_wait3A_1711 = tpu.memref_slice %arg8[%dma_wait3A_1706, %dma_wait3A_1709, %dma_wait3A_1710] : memref<4x64x128xf32, #tpu.memory_space<vmem>> -> memref<1x64x128xf32, #tpu.memory_space<vmem>>
    %dma_wait3A_1712 = tpu.memref_squeeze %dma_wait3A_1711 : memref<1x64x128xf32, #tpu.memory_space<vmem>> -> memref<64x128xf32, #tpu.memory_space<vmem>>
    %dma_wait3A_1713 = arith.constant 0 : i32
    %dma_wait3A_1714 = tpu.memref_slice %arg4[%dma_wait3A_1707, %dma_wait3A_1713, %mul3A_2] : memref<200x64x4096xf32, #tpu.memory_space<hbm>> -> memref<1x64x128xf32, #tpu.memory_space<hbm>>
    %dma_wait3A_1715 = tpu.memref_squeeze %dma_wait3A_1714 : memref<1x64x128xf32, #tpu.memory_space<hbm>> -> memref<64x128xf32, #tpu.memory_space<hbm>>
    %dma_wait3A_1716 = tpu.memref_slice %arg10[%dma_wait3A_1708] : memref<4x!tpu.dma_semaphore, #tpu.memory_space<semaphore_mem>> -> memref<1x!tpu.dma_semaphore, #tpu.memory_space<semaphore_mem>>
    %dma_wait3A_1717 = tpu.memref_squeeze %dma_wait3A_1716 : memref<1x!tpu.dma_semaphore, #tpu.memory_space<semaphore_mem>> -> memref<!tpu.dma_semaphore, #tpu.memory_space<semaphore_mem>>
    %dma_wait3A_1718 = arith.constant 0 : i32
    %dma_wait3A_1719 = tpu.memref_slice %arg4[%dma_wait3A_1707, %dma_wait3A_1718, %mul3A_2] : memref<200x64x4096xf32, #tpu.memory_space<hbm>> -> memref<1x64x128xf32, #tpu.memory_space<hbm>>
    %dma_wait3A_1720 = tpu.memref_squeeze %dma_wait3A_1719 : memref<1x64x128xf32, #tpu.memory_space<hbm>> -> memref<64x128xf32, #tpu.memory_space<hbm>>
    %dma_wait3A_1721 = arith.constant 0 : i32
    %dma_wait3A_1722 = arith.constant 0 : i32
    %dma_wait3A_1723 = tpu.memref_slice %arg8[%dma_wait3A_1706, %dma_wait3A_1721, %dma_wait3A_1722] : memref<4x64x128xf32, #tpu.memory_space<vmem>> -> memref<1x64x128xf32, #tpu.memory_space<vmem>>
    %dma_wait3A_1724 = tpu.memref_squeeze %dma_wait3A_1723 : memref<1x64x128xf32, #tpu.memory_space<vmem>> -> memref<64x128xf32, #tpu.memory_space<vmem>>
    tpu.wait_dma2 semaphore(%dma_wait3A_1717 : memref<!tpu.dma_semaphore, #tpu.memory_space<semaphore_mem>>) src(%dma_wait3A_1724 : memref<64x128xf32, #tpu.memory_space<vmem>>) dst(%dma_wait3A_1720 : memref<64x128xf32, #tpu.memory_space<hbm>>)
    %dma_wait3A_1725 = arith.constant 3 : i32
    %dma_wait3A_1726 = arith.constant 199 : i32
    %dma_wait3A_1727 = arith.constant 3 : i32
    %dma_wait3A_1728 = arith.constant 0 : i32
    %dma_wait3A_1729 = arith.constant 0 : i32
    %dma_wait3A_1730 = tpu.memref_slice %arg8[%dma_wait3A_1725, %dma_wait3A_1728, %dma_wait3A_1729] : memref<4x64x128xf32, #tpu.memory_space<vmem>> -> memref<1x64x128xf32, #tpu.memory_space<vmem>>
    %dma_wait3A_1731 = tpu.memref_squeeze %dma_wait3A_1730 : memref<1x64x128xf32, #tpu.memory_space<vmem>> -> memref<64x128xf32, #tpu.memory_space<vmem>>
    %dma_wait3A_1732 = arith.constant 0 : i32
    %dma_wait3A_1733 = tpu.memref_slice %arg4[%dma_wait3A_1726, %dma_wait3A_1732, %mul3A_2] : memref<200x64x4096xf32, #tpu.memory_space<hbm>> -> memref<1x64x128xf32, #tpu.memory_space<hbm>>
    %dma_wait3A_1734 = tpu.memref_squeeze %dma_wait3A_1733 : memref<1x64x128xf32, #tpu.memory_space<hbm>> -> memref<64x128xf32, #tpu.memory_space<hbm>>
    %dma_wait3A_1735 = tpu.memref_slice %arg10[%dma_wait3A_1727] : memref<4x!tpu.dma_semaphore, #tpu.memory_space<semaphore_mem>> -> memref<1x!tpu.dma_semaphore, #tpu.memory_space<semaphore_mem>>
    %dma_wait3A_1736 = tpu.memref_squeeze %dma_wait3A_1735 : memref<1x!tpu.dma_semaphore, #tpu.memory_space<semaphore_mem>> -> memref<!tpu.dma_semaphore, #tpu.memory_space<semaphore_mem>>
    %dma_wait3A_1737 = arith.constant 0 : i32
    %dma_wait3A_1738 = tpu.memref_slice %arg4[%dma_wait3A_1726, %dma_wait3A_1737, %mul3A_2] : memref<200x64x4096xf32, #tpu.memory_space<hbm>> -> memref<1x64x128xf32, #tpu.memory_space<hbm>>
    %dma_wait3A_1739 = tpu.memref_squeeze %dma_wait3A_1738 : memref<1x64x128xf32, #tpu.memory_space<hbm>> -> memref<64x128xf32, #tpu.memory_space<hbm>>
    %dma_wait3A_1740 = arith.constant 0 : i32
    %dma_wait3A_1741 = arith.constant 0 : i32
    %dma_wait3A_1742 = tpu.memref_slice %arg8[%dma_wait3A_1725, %dma_wait3A_1740, %dma_wait3A_1741] : memref<4x64x128xf32, #tpu.memory_space<vmem>> -> memref<1x64x128xf32, #tpu.memory_space<vmem>>
    %dma_wait3A_1743 = tpu.memref_squeeze %dma_wait3A_1742 : memref<1x64x128xf32, #tpu.memory_space<vmem>> -> memref<64x128xf32, #tpu.memory_space<vmem>>
    tpu.wait_dma2 semaphore(%dma_wait3A_1736 : memref<!tpu.dma_semaphore, #tpu.memory_space<semaphore_mem>>) src(%dma_wait3A_1743 : memref<64x128xf32, #tpu.memory_space<vmem>>) dst(%dma_wait3A_1739 : memref<64x128xf32, #tpu.memory_space<hbm>>)
    return
  }
}

module attributes {stable_mosaic.version = 14 : i64} {
  func.func @body(%arg0: i32, %arg1: memref<64x4096xf32, #tpu.memory_space<vmem>>, %arg2: memref<2048x128xf32, #tpu.memory_space<vmem>>) attributes {dimension_semantics = [#tpu.dimension_semantics<arbitrary>], iteration_bounds = array<i64: 245>, scalar_prefetch = 0 : i64, scratch_operands = 0 : i64, tpu.core_type = #tpu.core_type<tc>, window_params = [{transform_indices = @transform_0, window_bounds = array<i64: 64, 4096>}, {transform_indices = @transform_1, window_bounds = array<i64: 2048, 128>}]} {
    %iota3A = tpu.iota {dimensions = array<i32: 0>} : vector<64x64xi32>
    %iota3A_0 = tpu.iota {dimensions = array<i32: 1>} : vector<64x64xi32>
    %eq3A = arith.cmpi eq, %iota3A, %iota3A_0 : vector<64x64xi32>
    %convert_element_type3A = arith.extui %eq3A : vector<64x64xi1> to vector<64x64xi32>
    %convert_element_type3A_1 = arith.sitofp %convert_element_type3A : vector<64x64xi32> to vector<64x64xf32>
    %get3A = arith.constant 0 : index
    %get3A_2 = arith.constant 0 : index
    %get3A_3 = vector.load %arg1[%get3A, %get3A_2] : memref<64x4096xf32, #tpu.memory_space<vmem>>, vector<64x4096xf32>
    %slice3A = vector.extract_strided_slice %get3A_3 {offsets = [0, 0], sizes = [64, 2048], strides = [1, 1]} : vector<64x4096xf32> to vector<64x2048xf32>
    %dot_general3A = arith.constant dense<0.000000e+00> : vector<2048x64xf32>
    %dot_general3A_4 = tpu.matmul %slice3A, %convert_element_type3A_1, %dot_general3A {dimension_numbers = #tpu.dot_dimension_numbers<[0], [0], [1], [1], [0, 1, 1, 1], [], []>, precision = #tpu.contract_precision<fp32>, transpose_lhs_hint = false} : vector<64x2048xf32>, vector<64x64xf32>, vector<2048x64xf32> -> vector<2048x64xf32>
    %swap3A = arith.constant 0 : index
    %swap3A_5 = arith.constant 0 : index
    %swap3A_6 = vector.load %arg2[%swap3A, %swap3A_5] : memref<2048x128xf32, #tpu.memory_space<vmem>>, vector<2048x64xf32>
    tpu.vector_store %arg2[%swap3A, %swap3A_5], %dot_general3A_4 {strides = array<i32>} : memref<2048x128xf32, #tpu.memory_space<vmem>>, vector<2048x64xf32>,
    %slice3A_7 = vector.extract_strided_slice %get3A_3 {offsets = [0, 2048], sizes = [64, 2048], strides = [1, 1]} : vector<64x4096xf32> to vector<64x2048xf32>
    %dot_general3A_8 = arith.constant dense<0.000000e+00> : vector<2048x64xf32>
    %dot_general3A_9 = tpu.matmul %slice3A_7, %convert_element_type3A_1, %dot_general3A_8 {dimension_numbers = #tpu.dot_dimension_numbers<[0], [0], [1], [1], [0, 1, 1, 1], [], []>, precision = #tpu.contract_precision<fp32>, transpose_lhs_hint = false} : vector<64x2048xf32>, vector<64x64xf32>, vector<2048x64xf32> -> vector<2048x64xf32>
    %swap3A_10 = arith.constant 0 : index
    %swap3A_11 = arith.constant 64 : index
    %swap3A_12 = vector.load %arg2[%swap3A_10, %swap3A_11] : memref<2048x128xf32, #tpu.memory_space<vmem>>, vector<2048x64xf32>
    tpu.vector_store %arg2[%swap3A_10, %swap3A_11], %dot_general3A_9 {strides = array<i32>} : memref<2048x128xf32, #tpu.memory_space<vmem>>, vector<2048x64xf32>,
    return
  }
  func.func @transform_0(%arg0: i32) -> (i32, i32) {
    %c0_i32 = arith.constant 0 : i32
    %c0_i32_0 = arith.constant 0 : i32
    return %c0_i32, %arg0 : i32, i32
  }
  func.func @transform_1(%arg0: i32) -> (i32, i32) {
    %c0_i32 = arith.constant 0 : i32
    %c0_i32_0 = arith.constant 0 : i32
    return %arg0, %c0_i32 : i32, i32
  }
}

</mosaic_0001>

<sc_bundles>
// kernel: kernel.4.cloned.1.call-start
scs
__scs_entry_jumppad:
0x0: {  	(pc) =	sbr.rel $0x88, $3  }
0x1: {  	(tag) =	ssettag $0x0;
	lr =	simm.s32 $0x1  }
0x2: {  	[smem:$0x3F9F] =	sst lr;
	_ =	strace $0xD0000000  }
0x3: {  	_ = 	snop  }
0x4: {  	_ = 	snop  }
0x5: {  	_ = 	snop  }
0x6: {  	_ = 	snop  }
0x7: {  	_ = 	snop  }
__scs_overlays_trampoline_lowered:
0x8: {  	[smem:$0x3FAE] =	sst s0  }
0x9: {  	[smem:$0x3FAF] =	sst s1  }
0xa: {  	[smem:$0x3FB0] =	sst s2  }
0xb: {  	[smem:$0x3FB1] =	sst s3  }
0xc: {  	[smem:$0x3FB2] =	sst s4  }
0xd: {  	[smem:$0x3FB3] =	sst s5  }
0xe: {  	[smem:$0x3FB4] =	sst s6  }
0xf: {  	[smem:$0x3FB5] =	sst s7  }
0x10: {  	[smem:$0x3FB6] =	sst s8  }
0x11: {  	[smem:$0x3FB7] =	sst s9;
	s0 =	simm.s32 @!p0 $0x0  }
0x12: {  	s1 =	sld [smem:$0x3F9D];
	s0 =	simm.s32 @p0 $0x1  }
0x13: {  	[smem:$0x3FB8] =	sst s0;
	s0 =	simm.s32 @!p1 $0x0  }
0x14: {  	s2 =	sld [smem:$0x3F9C];
	s0 =	simm.s32 @p1 $0x1  }
0x15: {  	[smem:$0x3FB9] =	sst s0;
	s0 =	simm.s32 @!p2 $0x0  }
0x16: {  	s3 =	sld [smem:$0x3FDB];
	s0 =	simm.s32 @p2 $0x1  }
0x17: {  	s4 =	simm.s32 $0x1BF5;
	[smem:$0x3FBB] =	sst s0  }
0x18: {  	s0 =	sld [smem:$0x3F9E];
	_ =	swait.ge [sflag:s4], $0x0  }
0x19: {  	s7 =	sld [smem:$0x3F9F]  }
0x1a: {  	s8 =	sadd.s32 $0xFFFFE003, lr  }
0x1b: {  	s9 =	sadd.s32 $0xFFFFFEF7, lr;
	s5 =	simm.s32 $0xFFFFFFFF;
	p2 =	slt.u32 s8, $0xFFFFF086  }
0x1c: {  	p1 =	slt.u32 s9, $0xF7A;
	s5 =	simm.s32 @!p2 $0x0  }
0x1d: {  	s5 =	simm.s32 @p1 $0x1;
	p0 =	seq.s32 s7, s2  }
0x1e: {  	s7 =	smul.u32 @!p0 $0xF7A, s2;
	p2 =	seq.s32 @!p0 s5, $0x0  }
0x1f: {  	s9 =	smul.u32 $0xF7A, s1;
	s8 =	simm.s32 @!p0 $0x1BF5;
	p2 =	por !p2, p0  }
0x20: {  	[sflag:s8] =	ssyncset.s32 @!p0 $0xFFFFF086;
	s6 =	sadd.s32 @!p0 s3, s7;
	s7 =	simm.s32 @!p0 $0x108  }
0x21: {  	s3 =	sadd.s32 s3, s9;
	s6 =	sadd.s32 @!p0 $0x88, s6;
	s7 =	simm.s32 @p2 $0x1082  }
0x22: {  	[simem:s7], [sflag:s8] =	dma.local @!p0 [hbm:s6], $0xF7A  }
0x23: {  	s9 =	sor.u32 $0xD0000000, s2;
	s6 =	simm.s32 $0x108;
	_ =	swait.ge @!p0 [sflag:s8], $0x0  }
0x24: {  	s3 =	sadd.s32 $0x88, s3;
	s6 =	simm.s32 @!p1 $0x1082;
	[sflag:s4] =	ssyncset.s32 $0xFFFFF086  }
0x25: {  	[simem:s6], [sflag:s4] =	dma.local [hbm:s3], $0xF7A  }
0x26: {  	[smem:$0x3F9F] =	sst s1;
	(tag) =	ssettag s2;
	_ =	strace s9  }
0x27: {  	s1 =	sld [smem:$0x3FAF]  }
0x28: {  	s2 =	sld [smem:$0x3FB0]  }
0x29: {  	s4 =	sld [smem:$0x3FB2]  }
0x2a: {  	p0 =	seq.s32 s5, $0x0;
	s5 =	sld [smem:$0x3FB3]  }
0x2b: {  	s6 =	sld [smem:$0x3FB4]  }
0x2c: {  	s7 =	sld [smem:$0x3FB5]  }
0x2d: {  	s3 =	simm.s32 $0x108;
	s8 =	sld [smem:$0x3FB6]  }
0x2e: {  	s3 =	simm.s32 @!p0 $0x1082;
	s9 =	sld [smem:$0x3FB7]  }
0x2f: {  	lr =	sadd.s32 s0, s3;
	s0 =	sld [smem:$0x3FAE]  }
0x30: {  	s3 =	sld [smem:$0x3FB1]  }
0x31: {  	[smem:$0x3FBA] =	sst s10  }
0x32: {  	s10 =	sld [smem:$0x3FB8];
	_ =	sdelay $0x3  }
0x33: {  	p0 =	seq.s32 s10, $0x1;
	s10 =	sld [smem:$0x3FBA];
	_ =	sdelay $0x3  }
0x34: {  	[smem:$0x3FBA] =	sst s10  }
0x35: {  	s10 =	sld [smem:$0x3FB9];
	_ =	sdelay $0x3  }
0x36: {  	p1 =	seq.s32 s10, $0x1;
	s10 =	sld [smem:$0x3FBA];
	_ =	sdelay $0x3  }
0x37: {  	[smem:$0x3FBA] =	sst s10  }
0x38: {  	s10 =	sld [smem:$0x3FBB]  }
0x39: {  	_ = 	snop;
	(pc) =	sbr.ind lr, $3  }
0x3a: {  	_ = 	snop  }
0x3b: {  	_ = 	snop  }
0x3c: {  	p2 =	seq.s32 s10, $0x1;
	s10 =	sld [smem:$0x3FBA]  }
0x3d: {  	_ =	shalt  }
0x3e: {  	_ =	shalt  }
0x3f: {  	_ =	shalt  }
0x40: {  	_ =	shalt  }
0x41: {  	_ =	shalt  }
0x42: {  	_ =	shalt  }
0x43: {  	_ =	shalt  }
0x44: {  	_ =	shalt  }
0x45: {  	_ =	shalt  }
0x46: {  	_ =	shalt  }
0x47: {  	_ =	shalt  }
0x48: {  	_ =	shalt  }
0x49: {  	_ =	shalt  }
0x4a: {  	_ =	shalt  }
0x4b: {  	_ =	shalt  }
0x4c: {  	_ =	shalt  }
0x4d: {  	_ =	shalt  }
0x4e: {  	_ =	shalt  }
0x4f: {  	_ =	shalt  }
0x50: {  	_ =	shalt  }
0x51: {  	_ =	shalt  }
0x52: {  	_ =	shalt  }
0x53: {  	_ =	shalt  }
0x54: {  	_ =	shalt  }
0x55: {  	_ =	shalt  }
0x56: {  	_ =	shalt  }
0x57: {  	_ =	shalt  }
0x58: {  	_ =	shalt  }
0x59: {  	_ =	shalt  }
0x5a: {  	_ =	shalt  }
0x5b: {  	_ =	shalt  }
0x5c: {  	_ =	shalt  }
0x5d: {  	_ =	shalt  }
0x5e: {  	_ =	shalt  }
0x5f: {  	_ =	shalt  }
0x60: {  	_ =	shalt  }
0x61: {  	_ =	shalt  }
0x62: {  	_ =	shalt  }
0x63: {  	_ =	shalt  }
0x64: {  	_ =	shalt  }
0x65: {  	_ =	shalt  }
0x66: {  	_ =	shalt  }
0x67: {  	_ =	shalt  }
0x68: {  	_ =	shalt  }
0x69: {  	_ =	shalt  }
0x6a: {  	_ =	shalt  }
0x6b: {  	_ =	shalt  }
0x6c: {  	_ =	shalt  }
0x6d: {  	_ =	shalt  }
0x6e: {  	_ =	shalt  }
0x6f: {  	_ =	shalt  }
0x70: {  	_ =	shalt  }
0x71: {  	_ =	shalt  }
0x72: {  	_ =	shalt  }
0x73: {  	_ =	shalt  }
0x74: {  	_ =	shalt  }
0x75: {  	_ =	shalt  }
0x76: {  	_ =	shalt  }
0x77: {  	_ =	shalt  }
0x78: {  	_ =	shalt  }
0x79: {  	_ =	shalt  }
0x7a: {  	_ =	shalt  }
0x7b: {  	_ =	shalt  }
0x7c: {  	_ =	shalt  }
0x7d: {  	_ =	shalt  }
0x7e: {  	_ =	shalt  }
0x7f: {  	_ =	shalt  }
0x80: {  	_ =	shalt  }
0x81: {  	_ =	shalt  }
0x82: {  	_ =	shalt  }
0x83: {  	_ =	shalt  }
0x84: {  	_ =	shalt  }
0x85: {  	_ =	shalt  }
0x86: {  	_ =	shalt  }
0x87: {  	_ =	shalt  }
.Lfunc_end0:
.L_simem_size_0:
called_computation_lowered:
.L_overlay_start_0:
0x88: {  	s2 =	sld [smem:$0x3FD9]  }
0x89: {  	s3 =	sld [smem:$0x3FFE];
	_ =	sdelay $0x1  }
0x8a: {  	s1 =	srdreg.scid  }
0x8b: {  	s0 =	sand.u32 $0x1, s1  }
0x8c: {  	s17 =	sshll.u32 s0, $0xA;
	s2 =	sadd.s32 s3, s2  }
0x8d: {  	s2 =	sadd.s32 s2, s17  }
0x8e: {  	[smem:$0x3FC6] =	sst s2  }
0x8f: {  	_ = 	snop  }
0x90: {  	s2 =	sld [smem:$0x3FC9]  }
0x91: {  	s18 =	sld [smem:$0x3FD0];
	(tm) =	ssettm $0x1  }
0x92: {  	s4 =	sld [smem:$0x3FFB];
	_ =	sdelay $0x3  }
0x93: {  	_ =	strace s4  }
0x94: {  	s4 =	sld [smem:$0x3FFC];
	_ =	sdelay $0x3  }
0x95: {  	_ =	strace s4  }
0x96: {  	s4 =	sld [smem:$0x3FFD];
	_ =	sdelay $0x3  }
0x97: {  	_ =	strace s4  }
0x98: {  	_ =	strace $0x8FFFFFFF  }
0x99: {  	s19 =	sld [smem:$0x3FDB];
	_ =	sdelay $0x1  }
0x9a: {  	s5 =	simm.s32 $_scs_section_size  }
0x9b: {  	s6 =	simm.s32 $_size__tile_overlayer_lowered;
	s7 =	simm.s32 $_tile_overlayer_lowered  }
0x9c: {  	s22 =	simm.s32 $0x1BFF;
	s21 =	sshll.u32 s7, $0x1;
	s4 =	sadd.s32 s5, s19  }
0x9d: {  	s8 =	simm.s32 $0x0;
	s20 =	sshll.u32 s6, $0x1;
	s6 =	sadd.s32 s21, s4  }
0x9e: {  	[timem:s8], [sflag:s22] =	dma.local [hbm:s6], s20  }
0x9f: {  	_ =	swait.ge [sflag:s22], s20  }
0xa0: {  	s5 =	ssub.s32 $0x0, s20;
	[sflag:s22] =	ssyncset.done $0x0  }
0xa1: {  	[sflag:s22] =	ssyncadd.s32 s5;
	_ =	sdelay $0x1  }
0xa2: {  	s23 =	simm.s32 $0x1B8B  }
0xa3: {  	_ =	swait.ge [sflag:s23], $0x1  }
0xa4: {  	[sflag:s23] =	ssyncset.done $0x0  }
0xa5: {  	s25 =	simm.s32 $0x1B8E;
	s24 =	sld [smem:$0x3FFE];
	[sflag:s23] =	ssyncadd.s32 $0xFFFFFFFF  }
0xa6: {  	s26 =	simm.s32 $execute0_lowered;
	[smem:$0x3FD2] =	sst s25  }
0xa7: {  	s6 =	sshll.u32 s26, $0x1;
	_ =	strace $0x80000046;
	[dreg:$0x1] =	wrdreg $0xFFFFFFFF  }
0xa8: {  	s28 =	simm.s32 $_size_execute0_lowered;
	s4 =	sadd.s32 s4, s6;
	[dreg:$0x0] =	wrdreg $0x0  }
0xa9: {  	s6 =	sshll.u32 s28, $0x1;
	[dreg:$0x2] =	wrdreg s4  }
0xaa: {  	[dreg:$0x3] =	wrdreg s6  }
0xab: {  	[dreg:$0x4] =	wrdreg $0xC0  }
0xac: {  	_ =	task [dreg:s8], $0x5FFFF  }
0xad: {  	[dreg:$0x1] =	wrdreg $0xFFFFFFFF  }
0xae: {  	[dreg:$0x0] =	wrdreg $0x60  }
0xaf: {  	[dreg:$0x2] =	wrdreg s2  }
0xb0: {  	[dreg:$0x3] =	wrdreg s24  }
0xb1: {  	[dreg:$0x4] =	wrdreg s18  }
0xb2: {  	[dreg:$0x5] =	wrdreg $0x9  }
0xb3: {  	_ =	task.clear_ibuf [dreg:s8], $0x6FFFF;
	_ =	strace $0x90000046  }
0xb4: {  	s29 =	simm.s32 $0x9;
	_ =	strace $0x80000048  }
0xb5: {  	_ =	swait.ge [sflag:s29], $0x1  }
0xb6: {  	[sflag:s29] =	ssyncadd.s32 $0xFFFFFFFF  }
0xb7: {  	_ =	strace $0x90000048  }
0xb8: {  	_ =	sfence  }
0xb9: {  	s30 =	sld [smem:$0x0];
	_ =	sdelay $0x2  }
0xba: {  	s31 =	sshll.u32 s1, $0xD;
	s1 =	sshrl.u32 s1, $0x2  }
0xbb: {  	s3 =	sand.u32 $0x4000, s31;
	s1 =	sadd.s32 s1, s30  }
0xbc: {  	s0 =	sor.u32 s3, s0;
	s1 =	sshll.u32 s1, $0x11  }
0xbd: {  	s0 =	sor.u32 s1, s0  }
0xbe: {  	s0 =	sadd.s32 $0x8F2B, s0  }
0xbf: {  	[sflag:s0] =	ssyncadd.remote.s32 $0x1  }
0xc0: {  	_ =	sfence.sel $0xFFFF  }
0xc1: {  	[dreg:$0x0] =	wrdreg $0xFFFFFFFF;
	(pc) =	sbr.abs _section_cstart, $3  }
0xc2: {  	[dreg:$0x1] =	wrdreg $0xFFFFFFFF  }
0xc3: {  	_ =	task.clear_ibuf [dreg:s8], $0x2FFFF;
	_ =	strace $0x9FFFFFFF  }
0xc4: {  	(tm) =	ssettm $0x7FFFFFFF  }
0xc5: {  	_ =	shalt  }
tec
execute0_lowered:
.L_overlay_start_1:
0x0: {  	(tag) =	ssettag $0x1  }
0x1: {  	s0 =	rddreg [dreg:$0x0]  }
0x2: {  	s1 =	rddreg [dreg:$0x1]  }
0x3: {  	s2 =	rddreg [dreg:$0x2]  }
0x4: {  	s3 =	srdreg.scid;
	s5 =	simm.s32 $0x0;
	s4 =	stileid.u32  }
0x5: {  	s16 =	simm.s32 $0x400;
	s17 =	simm.s32 $0x8000;
	s3 =	sand.u32 $0x1, s3  }
0x6: {  	s28 =	simm.s32 $0x12600;
	s4 =	sshll.u32 s4, $0xB;
	s18 =	sshll.u32 s3, $0xA  }
0x7: {  	s29 =	simm.s32 $0x1;
	[smem:$0x7FF] =	sst s5;
	s4 =	sor.u32 s18, s4  }
0x8: {  	s5 =	sadd.s32 $0x400, s1;
	s3 =	ssub.s32 $0x2, s3;
	s6 =	sshrl.u32 s4, $0x3  }
0x9: {  	_ =	strace $0x80000047;
	s19 =	sshrl.u32 s3, $0x1;
	s0 =	sadd.s32 s0, s6  }
0xa: {  	s1 =	ssub.s32 s3, s19;
	s20 =	sadd.s32 s2, s6;
	[dreg:$0x4] =	wrdreg s0  }
0xb: {  	s31 =	simm.s32 $0x2;
	s30 =	smax.u32 s1, $0x1;
	[dreg:$0x5] =	wrdreg s20  }
0xc: {  	s8 =	simm.s32 $0x1C600;
	s21 =	sadd.s32 $0x8000, s20;
	[dreg:$0xd] =	wrdreg s30  }
0xd: {  	s9 =	simm.s32 $0x5;
	s22 =	sadd.s32 $0x10000, s20;
	[dreg:$0x6] =	wrdreg s21  }
0xe: {  	s10 =	simm.s32 $0x6;
	s23 =	sadd.s32 $0x18000, s20;
	[dreg:$0x7] =	wrdreg s22  }
0xf: {  	s11 =	simm.s32 $0x7;
	s24 =	sadd.s32 $0x620000, s20;
	[dreg:$0x8] =	wrdreg s23  }
0x10: {  	s12 =	simm.s32 $0x8;
	s25 =	sadd.s32 $0x628000, s20;
	[dreg:$0x9] =	wrdreg s24  }
0x11: {  	s19 =	simm.s32 $0x80;
	s26 =	sadd.s32 $0x630000, s20;
	[dreg:$0xa] =	wrdreg s25  }
0x12: {  	s3 =	simm.s32 $0x0;
	s0 =	sadd.s32 $0x638000, s20;
	[dreg:$0xb] =	wrdreg s26  }
0x13: {  	v0 =	vlaneseq.u32;
	s1 =	simm.s32 $0x3;
	s6 =	simm.s32 $0x4;
	[dreg:$0xc] =	wrdreg s0  }
0x14: {  	v0 =	vmul.u32 $0x80, v0;
	s21 =	simm.s32 $0x6600;
	s23 =	simm.s32 $0xA600;
	s25 =	simm.s32 $0xE600  }
.LBB2_1:
0x15: {  	[dreg:$0xe] =	wrdreg s3  }
0x16: {  	s0 =	simm.s32 $0x0;
	s18 =	rddreg [dreg:$0x4];
	s20 =	simm.s32 $0x9  }
0x17: {  	[tilespmem:s0], [sflag:$0x9] =	stream.strided.gather [hbm4b:s18+s16], $0x6400, s17, s16, $0x38;
	[tilespmem:$0x1E600] =	vst v63  }
0x18: {  	_ =	swait.ge [sflag:s20], $0x6400  }
0x19: {  	[sflag:s20] =	ssyncset.done $0x0  }
0x1a: {  	[sflag:s20] =	ssyncadd.s32 $0xFFFF9C00  }
0x1b: {  	v1 =	vld [tilespmem:$0x0]  }
0x1c: {  	v2 =	vld [tilespmem:$0x10]  }
0x1d: {  	v3 =	vld [tilespmem:$0x20]  }
0x1e: {  	v4 =	vld [tilespmem:$0x30]  }
0x1f: {  	v6 =	vld [tilespmem:$0x40]  }
0x20: {  	v8 =	vld [tilespmem:$0x50]  }
0x21: {  	v5 =	vshra.s32 v1, $0x1  }
0x22: {  	v17 =	vld [tilespmem:$0x70];
	v1 =	vand.u32 $0x7FF, v1;
	v7 =	vshra.s32 v2, $0x1;
	v15 =	vshra.s32 v3, $0x1  }
0x23: {  	v2 =	vand.u32 $0x7FF, v2;
	v3 =	vand.u32 $0x7FF, v3;
	v16 =	vshra.s32 v4, $0x1  }
0x24: {  	v9 =	vld [tilespmem:$0x60];
	v4 =	vand.u32 $0x7FF, v4;
	v18 =	vshra.s32 v6, $0x1;
	v5 =	vand.u32 $0xFFFFF800, v5  }
0x25: {  	v19 =	vshra.s32 v8, $0x1;
	v14 =	vand.u32 $0xFFFFF800, v7;
	v1 =	vor.u32 v1, v5  }
0x26: {  	v20 =	vand.u32 $0x7FF, v8;
	v7 =	vand.u32 $0xFFFFF800, v15;
	v2 =	vor.u32 v2, v14;
	[tilespmem:$0x6400] =	vst v1  }
0x27: {  	v21 =	vshra.s32 v17, $0x1;
	v3 =	vor.u32 v3, v7;
	v1 =	vand.u32 $0xFFFFF800, v16;
	[tilespmem:$0x6410] =	vst v2  }
0x28: {  	v2 =	vand.u32 $0xFFFFF800, v18;
	[tilespmem:$0x6420] =	vst v3;
	v3 =	vand.u32 $0x7FF, v6;
	v1 =	vor.u32 v4, v1  }
0x29: {  	v4 =	vand.u32 $0xFFFFF800, v19;
	[tilespmem:$0x6430] =	vst v1;
	v1 =	vor.u32 v3, v2;
	v3 =	vshra.s32 v9, $0x1  }
0x2a: {  	v2 =	vor.u32 v20, v4;
	[tilespmem:$0x6440] =	vst v1;
	v1 =	vand.u32 $0xFFFFF800, v3;
	v3 =	vand.u32 $0x7FF, v9  }
0x2b: {  	[tilespmem:$0x6450] =	vst v2;
	v2 =	vand.u32 $0xFFFFF800, v21;
	v1 =	vor.u32 v3, v1;
	v3 =	vand.u32 $0x7FF, v17  }
0x2c: {  	[tilespmem:$0x6460] =	vst v1;
	v1 =	vor.u32 v3, v2  }
0x2d: {  	s22 =	simm.s32 $0x6400;
	[tilespmem:$0x6470] =	vst v1  }
0x2e: {  	[tilespmem:s21], [sflag:$0x1] =	stream.indirect.gather [hbm4b:s5+s19], $0x80, s22, s19, $0xb8;
	[tilespmem:$0x1E600] =	vst v63  }
0x2f: {  	v1 =	vld [tilespmem:$0x80]  }
0x30: {  	v2 =	vld [tilespmem:$0x90]  }
0x31: {  	v3 =	vld [tilespmem:$0xA0]  }
0x32: {  	v22 =	vld [tilespmem:$0xB0]  }
0x33: {  	v24 =	vld [tilespmem:$0xC0]  }
0x34: {  	v26 =	vld [tilespmem:$0xD0]  }
0x35: {  	v23 =	vshra.s32 v1, $0x1  }
0x36: {  	v31 =	vld [tilespmem:$0xF0];
	v1 =	vand.u32 $0x7FF, v1;
	v25 =	vshra.s32 v2, $0x1;
	v28 =	vshra.s32 v3, $0x1  }
0x37: {  	v2 =	vand.u32 $0x7FF, v2;
	v3 =	vand.u32 $0x7FF, v3;
	v30 =	vshra.s32 v22, $0x1  }
0x38: {  	v29 =	vld [tilespmem:$0xE0];
	v4 =	vand.u32 $0x7FF, v22;
	v32 =	vshra.s32 v24, $0x1;
	v5 =	vand.u32 $0xFFFFF800, v23  }
0x39: {  	v33 =	vshra.s32 v26, $0x1;
	v27 =	vand.u32 $0xFFFFF800, v25;
	v1 =	vor.u32 v1, v5  }
0x3a: {  	v34 =	vand.u32 $0x7FF, v26;
	v7 =	vand.u32 $0xFFFFF800, v28;
	v2 =	vor.u32 v2, v27;
	[tilespmem:$0x6480] =	vst v1  }
0x3b: {  	v35 =	vshra.s32 v31, $0x1;
	v3 =	vor.u32 v3, v7;
	v1 =	vand.u32 $0xFFFFF800, v30;
	[tilespmem:$0x6490] =	vst v2  }
0x3c: {  	v2 =	vand.u32 $0xFFFFF800, v32;
	[tilespmem:$0x64A0] =	vst v3;
	v3 =	vand.u32 $0x7FF, v24;
	v1 =	vor.u32 v4, v1  }
0x3d: {  	v4 =	vand.u32 $0xFFFFF800, v33;
	[tilespmem:$0x64B0] =	vst v1;
	v1 =	vor.u32 v3, v2;
	v3 =	vshra.s32 v29, $0x1  }
0x3e: {  	v2 =	vor.u32 v34, v4;
	[tilespmem:$0x64C0] =	vst v1;
	v1 =	vand.u32 $0xFFFFF800, v3;
	v3 =	vand.u32 $0x7FF, v29  }
0x3f: {  	[tilespmem:$0x64D0] =	vst v2;
	v2 =	vand.u32 $0xFFFFF800, v35;
	v1 =	vor.u32 v3, v1;
	v3 =	vand.u32 $0x7FF, v31  }
0x40: {  	[tilespmem:$0x64E0] =	vst v1;
	v1 =	vor.u32 v3, v2  }
0x41: {  	s24 =	simm.s32 $0x6480;
	[tilespmem:$0x64F0] =	vst v1  }
0x42: {  	[tilespmem:s23], [sflag:$0x2] =	stream.indirect.gather [hbm4b:s5+s19], $0x80, s24, s19, $0xb8;
	[tilespmem:$0x1E600] =	vst v63  }
0x43: {  	v1 =	vld [tilespmem:$0x100]  }
0x44: {  	v2 =	vld [tilespmem:$0x110]  }
0x45: {  	v3 =	vld [tilespmem:$0x120]  }
0x46: {  	v36 =	vld [tilespmem:$0x130]  }
0x47: {  	v38 =	vld [tilespmem:$0x140]  }
0x48: {  	v40 =	vld [tilespmem:$0x150]  }
0x49: {  	v37 =	vshra.s32 v1, $0x1  }
0x4a: {  	v45 =	vld [tilespmem:$0x170];
	v1 =	vand.u32 $0x7FF, v1;
	v39 =	vshra.s32 v2, $0x1;
	v42 =	vshra.s32 v3, $0x1  }
0x4b: {  	v2 =	vand.u32 $0x7FF, v2;
	v3 =	vand.u32 $0x7FF, v3;
	v44 =	vshra.s32 v36, $0x1  }
0x4c: {  	v43 =	vld [tilespmem:$0x160];
	v4 =	vand.u32 $0x7FF, v36;
	v46 =	vshra.s32 v38, $0x1;
	v5 =	vand.u32 $0xFFFFF800, v37  }
0x4d: {  	v47 =	vshra.s32 v40, $0x1;
	v41 =	vand.u32 $0xFFFFF800, v39;
	v1 =	vor.u32 v1, v5  }
0x4e: {  	v48 =	vand.u32 $0x7FF, v40;
	v7 =	vand.u32 $0xFFFFF800, v42;
	v2 =	vor.u32 v2, v41;
	[tilespmem:$0x6500] =	vst v1  }
0x4f: {  	v49 =	vshra.s32 v45, $0x1;
	v3 =	vor.u32 v3, v7;
	v1 =	vand.u32 $0xFFFFF800, v44;
	[tilespmem:$0x6510] =	vst v2  }
0x50: {  	v2 =	vand.u32 $0xFFFFF800, v46;
	[tilespmem:$0x6520] =	vst v3;
	v3 =	vand.u32 $0x7FF, v38;
	v1 =	vor.u32 v4, v1  }
0x51: {  	v4 =	vand.u32 $0xFFFFF800, v47;
	[tilespmem:$0x6530] =	vst v1;
	v1 =	vor.u32 v3, v2;
	v3 =	vshra.s32 v43, $0x1  }
0x52: {  	v2 =	vor.u32 v48, v4;
	[tilespmem:$0x6540] =	vst v1;
	v1 =	vand.u32 $0xFFFFF800, v3;
	v3 =	vand.u32 $0x7FF, v43  }
0x53: {  	[tilespmem:$0x6550] =	vst v2;
	v2 =	vand.u32 $0xFFFFF800, v49;
	v1 =	vor.u32 v3, v1;
	v3 =	vand.u32 $0x7FF, v45  }
0x54: {  	[tilespmem:$0x6560] =	vst v1;
	v1 =	vor.u32 v3, v2  }
0x55: {  	s26 =	simm.s32 $0x6500;
	[tilespmem:$0x6570] =	vst v1  }
0x56: {  	[tilespmem:s25], [sflag:$0x3] =	stream.indirect.gather [hbm4b:s5+s19], $0x80, s26, s19, $0xb8;
	[tilespmem:$0x1E600] =	vst v63  }
0x57: {  	v1 =	vld [tilespmem:$0x180]  }
0x58: {  	v2 =	vld [tilespmem:$0x190]  }
0x59: {  	v3 =	vld [tilespmem:$0x1A0]  }
0x5a: {  	v50 =	vld [tilespmem:$0x1B0]  }
0x5b: {  	v52 =	vld [tilespmem:$0x1C0]  }
0x5c: {  	v54 =	vld [tilespmem:$0x1D0]  }
0x5d: {  	v51 =	vshra.s32 v1, $0x1  }
0x5e: {  	v59 =	vld [tilespmem:$0x1F0];
	v1 =	vand.u32 $0x7FF, v1;
	v53 =	vshra.s32 v2, $0x1;
	v56 =	vshra.s32 v3, $0x1  }
0x5f: {  	v2 =	vand.u32 $0x7FF, v2;
	v3 =	vand.u32 $0x7FF, v3;
	v58 =	vshra.s32 v50, $0x1  }
0x60: {  	v57 =	vld [tilespmem:$0x1E0];
	v4 =	vand.u32 $0x7FF, v50;
	v60 =	vshra.s32 v52, $0x1;
	v5 =	vand.u32 $0xFFFFF800, v51  }
0x61: {  	v61 =	vshra.s32 v54, $0x1;
	v55 =	vand.u32 $0xFFFFF800, v53;
	v1 =	vor.u32 v1, v5  }
0x62: {  	v62 =	vand.u32 $0x7FF, v54;
	v7 =	vand.u32 $0xFFFFF800, v56;
	v2 =	vor.u32 v2, v55;
	[tilespmem:$0x6580] =	vst v1  }
0x63: {  	v63 =	vshra.s32 v59, $0x1;
	v3 =	vor.u32 v3, v7;
	v1 =	vand.u32 $0xFFFFF800, v58;
	[tilespmem:$0x6590] =	vst v2  }
0x64: {  	v2 =	vand.u32 $0xFFFFF800, v60;
	[tilespmem:$0x65A0] =	vst v3;
	v3 =	vand.u32 $0x7FF, v52;
	v1 =	vor.u32 v4, v1  }
0x65: {  	v4 =	vand.u32 $0xFFFFF800, v61;
	[tilespmem:$0x65B0] =	vst v1;
	v1 =	vor.u32 v3, v2;
	v3 =	vshra.s32 v57, $0x1  }
0x66: {  	v2 =	vor.u32 v62, v4;
	[tilespmem:$0x65C0] =	vst v1;
	v1 =	vand.u32 $0xFFFFF800, v3;
	v3 =	vand.u32 $0x7FF, v57  }
0x67: {  	[tilespmem:$0x65D0] =	vst v2;
	v2 =	vand.u32 $0xFFFFF800, v63;
	v1 =	vor.u32 v3, v1;
	v3 =	vand.u32 $0x7FF, v59  }
0x68: {  	[tilespmem:$0x65E0] =	vst v1;
	v1 =	vor.u32 v3, v2  }
0x69: {  	s30 =	simm.s32 $0x6580;
	[tilespmem:$0x65F0] =	vst v1  }
0x6a: {  	[tilespmem:s28], [sflag:$0x4] =	stream.indirect.gather [hbm4b:s5+s19], $0x80, s30, s19, $0xb8;
	[tilespmem:$0x1E600] =	vst v63  }
0x6b: {  	_ =	swait.ge [sflag:s29], $0x4000  }
0x6c: {  	[sflag:s29] =	ssyncset.done $0x0  }
0x6d: {  	s7 =	simm.s32 $0x16A00;
	s13 =	simm.s32 $0x0;
	[sflag:s29] =	ssyncadd.s32 $0xFFFFC000  }
.LBB2_2:
0x6e: {  	s0 =	sshll.u32 s13, $0x4  }
0x6f: {  	v1 =	vld [tilespmem:s0+$0x0];
	_ =	sdelay $0x3  }
0x70: {  	v2 =	vmov s0  }
0x71: {  	v2 =	vshll.u32 v2, $0x7;
	v1 =	vshrl.u32 v1, $0x5  }
0x72: {  	v2 =	vor.u32 v0, v2;
	v1 =	vand.u32 $0x40, v1  }
0x73: {  	s20 =	simm.s32 $0xF;
	v1 =	vor.u32 v2, v1  }
0x74: {  	s14 =	simm.s32 $0x1;
	v2 =	vor.u32 s20, v1  }
0x75: {  	s22 =	simm.s32 $0x2;
	v3 =	vor.u32 s14, v1  }
0x76: {  	s24 =	simm.s32 $0x3;
	v4 =	vor.u32 s22, v1  }
0x77: {  	s26 =	simm.s32 $0x4;
	v5 =	vor.u32 s24, v1  }
0x78: {  	s30 =	simm.s32 $0x5;
	v6 =	vor.u32 s26, v1  }
0x79: {  	s3 =	simm.s32 $0x6;
	v7 =	vor.u32 s30, v1;
	v8 =	vld.idx.msk [tilespmem:v2+s21+$0x0], $0xffff  }
0x7a: {  	s14 =	simm.s32 $0x7;
	v9 =	vld.idx.msk [tilespmem:v3+s21+$0x0], $0xffff;
	v2 =	vor.u32 s3, v1  }
0x7b: {  	s15 =	simm.s32 $0x8;
	v10 =	vld.idx.msk [tilespmem:v4+s21+$0x0], $0xffff;
	v4 =	vor.u32 s14, v1  }
0x7c: {  	s18 =	simm.s32 $0x9;
	v11 =	vld.idx.msk [tilespmem:v5+s21+$0x0], $0xffff;
	v5 =	vor.u32 s15, v1  }
0x7d: {  	s20 =	simm.s32 $0xA;
	v13 =	vld.idx.msk [tilespmem:v6+s21+$0x0], $0xffff;
	v6 =	vor.u32 s18, v1  }
0x7e: {  	s22 =	simm.s32 $0xB;
	v3 =	vld.idx.msk [tilespmem:v7+s21+$0x0], $0xffff;
	v7 =	vor.u32 s20, v1  }
0x7f: {  	s24 =	simm.s32 $0xC;
	v2 =	vld.idx.msk [tilespmem:v2+s21+$0x0], $0xffff;
	[tilespmem:s7+$0xFFFFFC80] =	vst v9;
	v9 =	vor.u32 s22, v1  }
0x80: {  	s26 =	simm.s32 $0xD;
	v12 =	vor.u32 s24, v1;
	[tilespmem:s7+$0x380] =	vst v8;
	v4 =	vld.idx.msk [tilespmem:v4+s21+$0x0], $0xffff  }
0x81: {  	s30 =	simm.s32 $0xE;
	[tilespmem:s7+$0xFFFFFD00] =	vst v10;
	v5 =	vld.idx.msk [tilespmem:v5+s21+$0x0], $0xffff;
	v10 =	vor.u32 s26, v1  }
0x82: {  	s15 =	simm.s32 $0x0;
	s14 =	simm.s32 $0x10;
	[tilespmem:s7+$0xFFFFFD80] =	vst v11;
	v6 =	vld.idx.msk [tilespmem:v6+s21+$0x0], $0xffff;
	v11 =	vor.u32 s30, v1  }
0x83: {  	s20 =	simm.s32 $0x1F;
	s18 =	simm.s32 $0x20;
	v8 =	vor.u32 s15, v1;
	[tilespmem:s7+$0xFFFFFE00] =	vst v13;
	v7 =	vld.idx.msk [tilespmem:v7+s21+$0x0], $0xffff;
	s15 =	smov.u32 s7  }
.LBB2_3:
0x84: {  	p0 =	slt.u32 s18, $0x30;
	s0 =	sadd.s32 $0x1, s14;
	v13 =	vor.u32 s20, v1;
	[tilespmem:s15+$0xFFFFFE80] =	vst v3;
	v3 =	vld.idx.msk [tilespmem:v9+s21+$0x0], $0xffff  }
0x85: {  	v9 =	vor.u32 s0, v1;
	s0 =	sadd.s32 $0x2, s14;
	[tilespmem:s15+$0xFFFFFF00] =	vst v2;
	v2 =	vld.idx.msk [tilespmem:v12+s21+$0x0], $0xffff  }
0x86: {  	v12 =	vor.u32 s0, v1;
	s0 =	sadd.s32 $0x3, s14;
	[tilespmem:s15+$0xFFFFFF80] =	vst v4;
	v4 =	vld.idx.msk [tilespmem:v10+s21+$0x0], $0xffff  }
0x87: {  	v10 =	vor.u32 s0, v1;
	s0 =	sadd.s32 $0x4, s14;
	[tilespmem:s15+$0x0] =	vst v5;
	v5 =	vld.idx.msk [tilespmem:v11+s21+$0x0], $0xffff  }
0x88: {  	v11 =	vor.u32 s0, v1;
	s0 =	sadd.s32 $0x5, s14;
	v8 =	vld.idx.msk [tilespmem:v8+s21+$0x0], $0xffff;
	[tilespmem:s15+$0x80] =	vst v6  }
0x89: {  	v6 =	vor.u32 s0, v1;
	s0 =	sadd.s32 $0x6, s14;
	v13 =	vld.idx.msk [tilespmem:v13+s21+$0x0], $0xffff;
	[tilespmem:s15+$0x100] =	vst v7  }
0x8a: {  	v7 =	vld.idx.msk [tilespmem:v9+s21+$0x0], $0xffff;
	v9 =	vor.u32 s0, v1;
	s0 =	sadd.s32 $0x7, s14;
	[tilespmem:s15+$0x180] =	vst v3  }
0x8b: {  	v14 =	vld.idx.msk [tilespmem:v12+s21+$0x0], $0xffff;
	v12 =	vor.u32 s0, v1;
	s0 =	sadd.s32 $0x8, s14;
	[tilespmem:s15+$0x200] =	vst v2  }
0x8c: {  	v15 =	vld.idx.msk [tilespmem:v10+s21+$0x0], $0xffff;
	v10 =	vor.u32 s0, v1;
	s0 =	sadd.s32 $0x9, s14;
	[tilespmem:s15+$0x280] =	vst v4  }
0x8d: {  	v16 =	vld.idx.msk [tilespmem:v11+s21+$0x0], $0xffff;
	v11 =	vor.u32 s0, v1;
	s0 =	sadd.s32 $0xA, s14;
	[tilespmem:s15+$0x300] =	vst v5  }
0x8e: {  	v3 =	vld.idx.msk [tilespmem:v6+s21+$0x0], $0xffff;
	v17 =	vor.u32 s0, v1;
	s0 =	sadd.s32 $0xB, s14;
	[tilespmem:s15+$0xFFFFFC00] =	vst v8;
	s15 =	sadd.s32 $0x800, s15  }
.Ltmp0:
0x8f: {  	v2 =	vld.idx.msk [tilespmem:v9+s21+$0x0], $0xffff;
	v9 =	vor.u32 s0, v1;
	s0 =	sadd.s32 $0xC, s14;
	[tilespmem:s15+$0x380] =	vst v13;
	(pc) =	sbr.rel @p0 .LBB2_3-.Ltmp0, $4  }
0x90: {  	[tilespmem:s15+$0xFFFFFC80] =	vst v7;
	v4 =	vld.idx.msk [tilespmem:v12+s21+$0x0], $0xffff;
	v12 =	vor.u32 s0, v1;
	s0 =	sadd.s32 $0xD, s14  }
0x91: {  	[tilespmem:s15+$0xFFFFFD00] =	vst v14;
	v5 =	vld.idx.msk [tilespmem:v10+s21+$0x0], $0xffff;
	v10 =	vor.u32 s0, v1;
	s0 =	sadd.s32 $0xE, s14  }
0x92: {  	[tilespmem:s15+$0xFFFFFD80] =	vst v15;
	v6 =	vld.idx.msk [tilespmem:v11+s21+$0x0], $0xffff;
	v11 =	vor.u32 s0, v1  }
0x93: {  	s20 =	sadd.s32 $0xF, s18;
	v8 =	vor.u32 s14, v1;
	s14 =	smov.u32 s18;
	s18 =	sadd.s32 $0x10, s18;
	[tilespmem:s15+$0xFFFFFE00] =	vst v16;
	v7 =	vld.idx.msk [tilespmem:v17+s21+$0x0], $0xffff  }
0x94: {  	_ =	sdelay $0x2  }
0x95: {  	[tilespmem:s15+$0xFFFFFE80] =	vst v3  }
0x96: {  	s0 =	sadd.s32 $0x1, s14;
	v3 =	vor.u32 s20, v1;
	v9 =	vld.idx.msk [tilespmem:v9+s21+$0x0], $0xffff;
	[tilespmem:s15+$0xFFFFFF00] =	vst v2  }
0x97: {  	s3 =	sadd.s32 $0x2, s14;
	v12 =	vld.idx.msk [tilespmem:v12+s21+$0x0], $0xffff;
	v2 =	vor.u32 s0, v1;
	[tilespmem:s15+$0xFFFFFF80] =	vst v4  }
0x98: {  	s18 =	sadd.s32 $0x3, s14;
	v10 =	vld.idx.msk [tilespmem:v10+s21+$0x0], $0xffff;
	v46 =	vor.u32 s3, v1;
	[tilespmem:s15+$0x0] =	vst v5  }
0x99: {  	s20 =	sadd.s32 $0x4, s14;
	v11 =	vld.idx.msk [tilespmem:v11+s21+$0x0], $0xffff;
	v47 =	vor.u32 s18, v1;
	[tilespmem:s15+$0x80] =	vst v6  }
0x9a: {  	s22 =	sadd.s32 $0x5, s14;
	v8 =	vld.idx.msk [tilespmem:v8+s21+$0x0], $0xffff;
	v48 =	vor.u32 s20, v1;
	[tilespmem:s15+$0x100] =	vst v7  }
0x9b: {  	s30 =	sadd.s32 $0x8, s14;
	v49 =	vor.u32 s22, v1;
	v3 =	vld.idx.msk [tilespmem:v3+s21+$0x0], $0xffff;
	[tilespmem:s15+$0x180] =	vst v9  }
0x9c: {  	v52 =	vor.u32 s30, v1;
	s3 =	sadd.s32 $0x9, s14;
	[tilespmem:s15+$0x200] =	vst v12;
	v2 =	vld.idx.msk [tilespmem:v2+s21+$0x0], $0xffff  }
0x9d: {  	s18 =	sadd.s32 $0xA, s14;
	v53 =	vor.u32 s3, v1;
	[tilespmem:s15+$0x280] =	vst v10;
	v4 =	vld.idx.msk [tilespmem:v46+s21+$0x0], $0xffff  }
0x9e: {  	s24 =	sadd.s32 $0x6, s14;
	v54 =	vor.u32 s18, v1;
	[tilespmem:s15+$0x300] =	vst v11;
	v5 =	vld.idx.msk [tilespmem:v47+s21+$0x0], $0xffff  }
0x9f: {  	s26 =	sadd.s32 $0x7, s14;
	v50 =	vor.u32 s24, v1;
	s20 =	sadd.s32 $0x800, s15;
	[tilespmem:s15+$0xFFFFFC00] =	vst v8;
	v6 =	vld.idx.msk [tilespmem:v48+s21+$0x0], $0xffff  }
0xa0: {  	v51 =	vor.u32 s26, v1;
	s22 =	sadd.s32 $0xB, s14;
	v7 =	vld.idx.msk [tilespmem:v49+s21+$0x0], $0xffff;
	[tilespmem:s20+$0x380] =	vst v3  }
0xa1: {  	s24 =	sadd.s32 $0xC, s14;
	s30 =	sadd.s32 $0xE, s14;
	v55 =	vor.u32 s22, v1;
	v57 =	vld.idx.msk [tilespmem:v52+s21+$0x0], $0xffff;
	[tilespmem:s20+$0xFFFFFC80] =	vst v2  }
0xa2: {  	s26 =	sadd.s32 $0xD, s14;
	v56 =	vor.u32 s24, v1;
	v60 =	vor.u32 s30, v1;
	v59 =	vld.idx.msk [tilespmem:v53+s21+$0x0], $0xffff;
	[tilespmem:s20+$0xFFFFFD00] =	vst v4  }
0xa3: {  	v58 =	vor.u32 s26, v1;
	v1 =	vor.u32 s14, v1;
	v61 =	vld.idx.msk [tilespmem:v54+s21+$0x0], $0xffff;
	[tilespmem:s20+$0xFFFFFD80] =	vst v5  }
0xa4: {  	v3 =	vld.idx.msk [tilespmem:v50+s21+$0x0], $0xffff;
	[tilespmem:s20+$0xFFFFFE00] =	vst v6  }
0xa5: {  	v2 =	vld.idx.msk [tilespmem:v51+s21+$0x0], $0xffff;
	[tilespmem:s20+$0xFFFFFE80] =	vst v7  }
0xa6: {  	v62 =	vld.idx.msk [tilespmem:v55+s21+$0x0], $0xffff;
	[tilespmem:s20+$0x0] =	vst v57  }
0xa7: {  	v63 =	vld.idx.msk [tilespmem:v60+s21+$0x0], $0xffff;
	[tilespmem:s20+$0x80] =	vst v59  }
0xa8: {  	v1 =	vld.idx.msk [tilespmem:v1+s21+$0x0], $0xffff;
	[tilespmem:s20+$0x100] =	vst v61  }
0xa9: {  	s13 =	sadd.s32 $0x1, s13;
	[tilespmem:s20+$0xFFFFFF00] =	vst v3;
	v3 =	vld.idx.msk [tilespmem:v56+s21+$0x0], $0xffff  }
0xaa: {  	p0 =	sne.s32 s13, $0x8;
	[tilespmem:s20+$0xFFFFFF80] =	vst v2;
	v2 =	vld.idx.msk [tilespmem:v58+s21+$0x0], $0xffff  }
.Ltmp1:
0xab: {  	[tilespmem:s20+$0x180] =	vst v62;
	(pc) =	sbr.rel @p0 .LBB2_2-.Ltmp1, $4  }
0xac: {  	[tilespmem:s20+$0x300] =	vst v63  }
0xad: {  	[tilespmem:s20+$0xFFFFFC00] =	vst v1  }
0xae: {  	[tilespmem:s20+$0x200] =	vst v3  }
0xaf: {  	s7 =	sadd.s32 $0x10, s7;
	[tilespmem:s20+$0x280] =	vst v2  }
0xb0: {  	s0 =	rddreg [dreg:$0x5];
	s3 =	simm.s32 $0x16600  }
0xb1: {  	[hbm4b:s0+s16] =	stream.strided.scatter [tilespmem:s3], [sflag:$0x5], $0x2000, s17, s16, $0x38;
	[tilespmem:$0x1E600] =	vst v63  }
0xb2: {  	v1 =	vld [tilespmem:$0x200]  }
0xb3: {  	v2 =	vld [tilespmem:$0x210]  }
0xb4: {  	v3 =	vld [tilespmem:$0x220]  }
0xb5: {  	v4 =	vld [tilespmem:$0x230]  }
0xb6: {  	v6 =	vld [tilespmem:$0x240]  }
0xb7: {  	v8 =	vld [tilespmem:$0x250]  }
0xb8: {  	v5 =	vshra.s32 v1, $0x1  }
0xb9: {  	v59 =	vld [tilespmem:$0x270];
	v1 =	vand.u32 $0x7FF, v1;
	v7 =	vshra.s32 v2, $0x1;
	v57 =	vshra.s32 v3, $0x1  }
0xba: {  	v2 =	vand.u32 $0x7FF, v2;
	v3 =	vand.u32 $0x7FF, v3;
	v58 =	vshra.s32 v4, $0x1  }
0xbb: {  	v9 =	vld [tilespmem:$0x260];
	v4 =	vand.u32 $0x7FF, v4;
	v60 =	vshra.s32 v6, $0x1;
	v5 =	vand.u32 $0xFFFFF800, v5  }
0xbc: {  	v61 =	vshra.s32 v8, $0x1;
	v56 =	vand.u32 $0xFFFFF800, v7;
	v1 =	vor.u32 v1, v5  }
0xbd: {  	v62 =	vand.u32 $0x7FF, v8;
	v7 =	vand.u32 $0xFFFFF800, v57;
	v2 =	vor.u32 v2, v56;
	[tilespmem:$0x6400] =	vst v1  }
0xbe: {  	v63 =	vshra.s32 v59, $0x1;
	v3 =	vor.u32 v3, v7;
	v1 =	vand.u32 $0xFFFFF800, v58;
	[tilespmem:$0x6410] =	vst v2  }
0xbf: {  	v2 =	vand.u32 $0xFFFFF800, v60;
	[tilespmem:$0x6420] =	vst v3;
	v3 =	vand.u32 $0x7FF, v6;
	v1 =	vor.u32 v4, v1  }
0xc0: {  	v4 =	vand.u32 $0xFFFFF800, v61;
	[tilespmem:$0x6430] =	vst v1;
	v1 =	vor.u32 v3, v2;
	v3 =	vshra.s32 v9, $0x1  }
0xc1: {  	v2 =	vor.u32 v62, v4;
	[tilespmem:$0x6440] =	vst v1;
	v1 =	vand.u32 $0xFFFFF800, v3;
	v3 =	vand.u32 $0x7FF, v9  }
0xc2: {  	[tilespmem:$0x6450] =	vst v2;
	v2 =	vand.u32 $0xFFFFF800, v63;
	v1 =	vor.u32 v3, v1;
	v3 =	vand.u32 $0x7FF, v59  }
0xc3: {  	[tilespmem:$0x6460] =	vst v1;
	v1 =	vor.u32 v3, v2  }
0xc4: {  	s30 =	simm.s32 $0x6400;
	[tilespmem:$0x6470] =	vst v1  }
0xc5: {  	[tilespmem:s21], [sflag:$0x1] =	stream.indirect.gather [hbm4b:s5+s19], $0x80, s30, s19, $0xb8;
	[tilespmem:$0x1E600] =	vst v63  }
0xc6: {  	_ =	swait.ge [sflag:s31], $0x4000  }
0xc7: {  	s7 =	simm.s32 $0x0;
	[sflag:s31] =	ssyncset.done $0x0  }
0xc8: {  	s13 =	simm.s32 $0x18D80;
	s14 =	simm.s32 $0x0;
	[sflag:s31] =	ssyncadd.s32 $0xFFFFC000  }
.LBB2_6:
0xc9: {  	s0 =	sshll.u32 s14, $0x4  }
0xca: {  	v1 =	vld [tilespmem:s0+$0x80];
	_ =	sdelay $0x3  }
0xcb: {  	v2 =	vmov s0  }
0xcc: {  	v2 =	vshll.u32 v2, $0x7;
	v1 =	vshrl.u32 v1, $0x5  }
0xcd: {  	v2 =	vor.u32 v0, v2;
	v1 =	vand.u32 $0x40, v1  }
0xce: {  	s18 =	simm.s32 $0xF;
	v1 =	vor.u32 v2, v1  }
0xcf: {  	s15 =	simm.s32 $0x1;
	v2 =	vor.u32 s18, v1  }
0xd0: {  	s20 =	simm.s32 $0x2;
	v3 =	vor.u32 s15, v1  }
0xd1: {  	s22 =	simm.s32 $0x3;
	v4 =	vor.u32 s20, v1  }
0xd2: {  	s24 =	simm.s32 $0x4;
	v5 =	vor.u32 s22, v1  }
0xd3: {  	s26 =	simm.s32 $0x5;
	v6 =	vor.u32 s24, v1  }
0xd4: {  	s30 =	simm.s32 $0x6;
	v7 =	vor.u32 s26, v1;
	v8 =	vld.idx.msk [tilespmem:v2+s23+$0x0], $0xffff  }
0xd5: {  	s3 =	simm.s32 $0x7;
	v9 =	vld.idx.msk [tilespmem:v3+s23+$0x0], $0xffff;
	v2 =	vor.u32 s30, v1  }
0xd6: {  	s15 =	simm.s32 $0x8;
	v11 =	vld.idx.msk [tilespmem:v4+s23+$0x0], $0xffff;
	v4 =	vor.u32 s3, v1  }
0xd7: {  	s18 =	simm.s32 $0x9;
	v13 =	vld.idx.msk [tilespmem:v5+s23+$0x0], $0xffff;
	v5 =	vor.u32 s15, v1  }
0xd8: {  	s20 =	simm.s32 $0xA;
	v14 =	vld.idx.msk [tilespmem:v6+s23+$0x0], $0xffff;
	v6 =	vor.u32 s18, v1  }
0xd9: {  	s22 =	simm.s32 $0xB;
	v3 =	vld.idx.msk [tilespmem:v7+s23+$0x0], $0xffff;
	v7 =	vor.u32 s20, v1  }
0xda: {  	s24 =	simm.s32 $0xC;
	v10 =	vor.u32 s22, v1;
	v2 =	vld.idx.msk [tilespmem:v2+s23+$0x0], $0xffff;
	[tilespmem:s13+$0x0] =	vst v8  }
0xdb: {  	s26 =	simm.s32 $0xD;
	v12 =	vor.u32 s24, v1;
	[tilespmem:s13+$0xFFFFF900] =	vst v9;
	v4 =	vld.idx.msk [tilespmem:v4+s23+$0x0], $0xffff  }
0xdc: {  	s30 =	simm.s32 $0xE;
	[tilespmem:s13+$0xFFFFF980] =	vst v11;
	v5 =	vld.idx.msk [tilespmem:v5+s23+$0x0], $0xffff;
	v9 =	vor.u32 s26, v1  }
0xdd: {  	s22 =	simm.s32 $0x1F;
	[tilespmem:s13+$0xFFFFFA00] =	vst v13;
	v6 =	vld.idx.msk [tilespmem:v6+s23+$0x0], $0xffff;
	v11 =	vor.u32 s30, v1  }
0xde: {  	s15 =	simm.s32 $0x10;
	s20 =	simm.s32 $0x20;
	s18 =	smov.u32 s13;
	v8 =	vor.u32 s7, v1;
	[tilespmem:s13+$0xFFFFFA80] =	vst v14;
	v7 =	vld.idx.msk [tilespmem:v7+s23+$0x0], $0xffff  }
.LBB2_7:
0xdf: {  	p0 =	slt.u32 s20, $0x30;
	s0 =	sadd.s32 $0x1, s15;
	v13 =	vor.u32 s22, v1;
	[tilespmem:s18+$0xFFFFFB00] =	vst v3;
	v3 =	vld.idx.msk [tilespmem:v10+s23+$0x0], $0xffff  }
0xe0: {  	v10 =	vor.u32 s0, v1;
	s0 =	sadd.s32 $0x2, s15;
	[tilespmem:s18+$0xFFFFFB80] =	vst v2;
	v2 =	vld.idx.msk [tilespmem:v12+s23+$0x0], $0xffff  }
0xe1: {  	v12 =	vor.u32 s0, v1;
	s0 =	sadd.s32 $0x3, s15;
	[tilespmem:s18+$0xFFFFFC00] =	vst v4;
	v4 =	vld.idx.msk [tilespmem:v9+s23+$0x0], $0xffff  }
0xe2: {  	v9 =	vor.u32 s0, v1;
	s0 =	sadd.s32 $0x4, s15;
	[tilespmem:s18+$0xFFFFFC80] =	vst v5;
	v5 =	vld.idx.msk [tilespmem:v11+s23+$0x0], $0xffff  }
0xe3: {  	v11 =	vor.u32 s0, v1;
	s0 =	sadd.s32 $0x5, s15;
	v8 =	vld.idx.msk [tilespmem:v8+s23+$0x0], $0xffff;
	[tilespmem:s18+$0xFFFFFD00] =	vst v6  }
0xe4: {  	v6 =	vor.u32 s0, v1;
	s0 =	sadd.s32 $0x6, s15;
	v13 =	vld.idx.msk [tilespmem:v13+s23+$0x0], $0xffff;
	[tilespmem:s18+$0xFFFFFD80] =	vst v7  }
0xe5: {  	v7 =	vld.idx.msk [tilespmem:v10+s23+$0x0], $0xffff;
	v10 =	vor.u32 s0, v1;
	s0 =	sadd.s32 $0x7, s15;
	[tilespmem:s18+$0xFFFFFE00] =	vst v3  }
0xe6: {  	v14 =	vld.idx.msk [tilespmem:v12+s23+$0x0], $0xffff;
	v12 =	vor.u32 s0, v1;
	s0 =	sadd.s32 $0x8, s15;
	[tilespmem:s18+$0xFFFFFE80] =	vst v2  }
0xe7: {  	v15 =	vld.idx.msk [tilespmem:v9+s23+$0x0], $0xffff;
	v9 =	vor.u32 s0, v1;
	s0 =	sadd.s32 $0x9, s15;
	[tilespmem:s18+$0xFFFFFF00] =	vst v4  }
0xe8: {  	v16 =	vld.idx.msk [tilespmem:v11+s23+$0x0], $0xffff;
	v11 =	vor.u32 s0, v1;
	s0 =	sadd.s32 $0xA, s15;
	[tilespmem:s18+$0xFFFFFF80] =	vst v5  }
0xe9: {  	v3 =	vld.idx.msk [tilespmem:v6+s23+$0x0], $0xffff;
	v17 =	vor.u32 s0, v1;
	s0 =	sadd.s32 $0xB, s15;
	[tilespmem:s18+$0xFFFFF880] =	vst v8;
	s18 =	sadd.s32 $0x800, s18  }
.Ltmp2:
0xea: {  	v2 =	vld.idx.msk [tilespmem:v10+s23+$0x0], $0xffff;
	v10 =	vor.u32 s0, v1;
	s0 =	sadd.s32 $0xC, s15;
	[tilespmem:s18+$0x0] =	vst v13;
	(pc) =	sbr.rel @p0 .LBB2_7-.Ltmp2, $4  }
0xeb: {  	[tilespmem:s18+$0xFFFFF900] =	vst v7;
	v4 =	vld.idx.msk [tilespmem:v12+s23+$0x0], $0xffff;
	v12 =	vor.u32 s0, v1;
	s0 =	sadd.s32 $0xD, s15  }
0xec: {  	[tilespmem:s18+$0xFFFFF980] =	vst v14;
	v5 =	vld.idx.msk [tilespmem:v9+s23+$0x0], $0xffff;
	v9 =	vor.u32 s0, v1;
	s0 =	sadd.s32 $0xE, s15  }
0xed: {  	[tilespmem:s18+$0xFFFFFA00] =	vst v15;
	v6 =	vld.idx.msk [tilespmem:v11+s23+$0x0], $0xffff;
	v11 =	vor.u32 s0, v1  }
0xee: {  	s22 =	sadd.s32 $0xF, s20;
	v8 =	vor.u32 s15, v1;
	s15 =	smov.u32 s20;
	s20 =	sadd.s32 $0x10, s20;
	[tilespmem:s18+$0xFFFFFA80] =	vst v16;
	v7 =	vld.idx.msk [tilespmem:v17+s23+$0x0], $0xffff  }
0xef: {  	_ =	sdelay $0x2  }
0xf0: {  	[tilespmem:s18+$0xFFFFFB00] =	vst v3  }
0xf1: {  	s0 =	sadd.s32 $0x1, s15;
	v3 =	vor.u32 s22, v1;
	v10 =	vld.idx.msk [tilespmem:v10+s23+$0x0], $0xffff;
	[tilespmem:s18+$0xFFFFFB80] =	vst v2  }
0xf2: {  	s26 =	sadd.s32 $0x2, s15;
	v12 =	vld.idx.msk [tilespmem:v12+s23+$0x0], $0xffff;
	v2 =	vor.u32 s0, v1;
	[tilespmem:s18+$0xFFFFFC00] =	vst v4  }
0xf3: {  	s30 =	sadd.s32 $0x3, s15;
	v9 =	vld.idx.msk [tilespmem:v9+s23+$0x0], $0xffff;
	v46 =	vor.u32 s26, v1;
	[tilespmem:s18+$0xFFFFFC80] =	vst v5  }
0xf4: {  	s3 =	sadd.s32 $0x4, s15;
	v11 =	vld.idx.msk [tilespmem:v11+s23+$0x0], $0xffff;
	v47 =	vor.u32 s30, v1;
	[tilespmem:s18+$0xFFFFFD00] =	vst v6  }
0xf5: {  	s20 =	sadd.s32 $0x5, s15;
	v8 =	vld.idx.msk [tilespmem:v8+s23+$0x0], $0xffff;
	v48 =	vor.u32 s3, v1;
	[tilespmem:s18+$0xFFFFFD80] =	vst v7  }
0xf6: {  	v49 =	vor.u32 s20, v1;
	s26 =	sadd.s32 $0x8, s15;
	v3 =	vld.idx.msk [tilespmem:v3+s23+$0x0], $0xffff;
	[tilespmem:s18+$0xFFFFFE00] =	vst v10  }
0xf7: {  	s30 =	sadd.s32 $0x9, s15;
	v52 =	vor.u32 s26, v1;
	[tilespmem:s18+$0xFFFFFE80] =	vst v12;
	v2 =	vld.idx.msk [tilespmem:v2+s23+$0x0], $0xffff  }
0xf8: {  	s3 =	sadd.s32 $0xA, s15;
	v53 =	vor.u32 s30, v1;
	[tilespmem:s18+$0xFFFFFF00] =	vst v9;
	v4 =	vld.idx.msk [tilespmem:v46+s23+$0x0], $0xffff  }
0xf9: {  	s22 =	sadd.s32 $0x6, s15;
	v54 =	vor.u32 s3, v1;
	[tilespmem:s18+$0xFFFFFF80] =	vst v11;
	v5 =	vld.idx.msk [tilespmem:v47+s23+$0x0], $0xffff  }
0xfa: {  	s24 =	sadd.s32 $0x7, s15;
	v50 =	vor.u32 s22, v1;
	s20 =	sadd.s32 $0x800, s18;
	[tilespmem:s18+$0xFFFFF880] =	vst v8;
	v6 =	vld.idx.msk [tilespmem:v48+s23+$0x0], $0xffff  }
0xfb: {  	v51 =	vor.u32 s24, v1;
	s22 =	sadd.s32 $0xB, s15;
	v7 =	vld.idx.msk [tilespmem:v49+s23+$0x0], $0xffff;
	[tilespmem:s20+$0x0] =	vst v3  }
0xfc: {  	s24 =	sadd.s32 $0xC, s15;
	v55 =	vor.u32 s22, v1;
	s30 =	sadd.s32 $0xE, s15;
	v57 =	vld.idx.msk [tilespmem:v52+s23+$0x0], $0xffff;
	[tilespmem:s20+$0xFFFFF900] =	vst v2  }
0xfd: {  	v56 =	vor.u32 s24, v1;
	s26 =	sadd.s32 $0xD, s15;
	v60 =	vor.u32 s30, v1;
	v59 =	vld.idx.msk [tilespmem:v53+s23+$0x0], $0xffff;
	[tilespmem:s20+$0xFFFFF980] =	vst v4  }
0xfe: {  	v58 =	vor.u32 s26, v1;
	v1 =	vor.u32 s15, v1;
	v61 =	vld.idx.msk [tilespmem:v54+s23+$0x0], $0xffff;
	[tilespmem:s20+$0xFFFFFA00] =	vst v5  }
0xff: {  	v3 =	vld.idx.msk [tilespmem:v50+s23+$0x0], $0xffff;
	[tilespmem:s20+$0xFFFFFA80] =	vst v6  }
0x100: {  	v2 =	vld.idx.msk [tilespmem:v51+s23+$0x0], $0xffff;
	[tilespmem:s20+$0xFFFFFB00] =	vst v7  }
0x101: {  	v62 =	vld.idx.msk [tilespmem:v55+s23+$0x0], $0xffff;
	[tilespmem:s20+$0xFFFFFC80] =	vst v57  }
0x102: {  	v63 =	vld.idx.msk [tilespmem:v60+s23+$0x0], $0xffff;
	[tilespmem:s20+$0xFFFFFD00] =	vst v59  }
0x103: {  	v1 =	vld.idx.msk [tilespmem:v1+s23+$0x0], $0xffff;
	[tilespmem:s20+$0xFFFFFD80] =	vst v61  }
0x104: {  	s14 =	sadd.s32 $0x1, s14;
	[tilespmem:s20+$0xFFFFFB80] =	vst v3;
	v3 =	vld.idx.msk [tilespmem:v56+s23+$0x0], $0xffff  }
0x105: {  	p0 =	sne.s32 s14, $0x8;
	[tilespmem:s20+$0xFFFFFC00] =	vst v2;
	v2 =	vld.idx.msk [tilespmem:v58+s23+$0x0], $0xffff  }
.Ltmp3:
0x106: {  	[tilespmem:s20+$0xFFFFFE00] =	vst v62;
	(pc) =	sbr.rel @p0 .LBB2_6-.Ltmp3, $4  }
0x107: {  	[tilespmem:s20+$0xFFFFFF80] =	vst v63  }
0x108: {  	[tilespmem:s20+$0xFFFFF880] =	vst v1  }
0x109: {  	[tilespmem:s20+$0xFFFFFE80] =	vst v3  }
0x10a: {  	s13 =	sadd.s32 $0x10, s13;
	[tilespmem:s20+$0xFFFFFF00] =	vst v2  }
0x10b: {  	s0 =	rddreg [dreg:$0x6];
	s3 =	simm.s32 $0x18600  }
0x10c: {  	[hbm4b:s0+s16] =	stream.strided.scatter [tilespmem:s3], [sflag:$0x6], $0x2000, s17, s16, $0x38;
	[tilespmem:$0x1E600] =	vst v63  }
0x10d: {  	v1 =	vld [tilespmem:$0x280]  }
0x10e: {  	v2 =	vld [tilespmem:$0x290]  }
0x10f: {  	v3 =	vld [tilespmem:$0x2A0]  }
0x110: {  	v4 =	vld [tilespmem:$0x2B0]  }
0x111: {  	v6 =	vld [tilespmem:$0x2C0]  }
0x112: {  	v8 =	vld [tilespmem:$0x2D0]  }
0x113: {  	v5 =	vshra.s32 v1, $0x1  }
0x114: {  	v59 =	vld [tilespmem:$0x2F0];
	v1 =	vand.u32 $0x7FF, v1;
	v7 =	vshra.s32 v2, $0x1;
	v57 =	vshra.s32 v3, $0x1  }
0x115: {  	v2 =	vand.u32 $0x7FF, v2;
	v3 =	vand.u32 $0x7FF, v3;
	v58 =	vshra.s32 v4, $0x1  }
0x116: {  	v9 =	vld [tilespmem:$0x2E0];
	v4 =	vand.u32 $0x7FF, v4;
	v60 =	vshra.s32 v6, $0x1;
	v5 =	vand.u32 $0xFFFFF800, v5  }
0x117: {  	v61 =	vshra.s32 v8, $0x1;
	v56 =	vand.u32 $0xFFFFF800, v7;
	v1 =	vor.u32 v1, v5  }
0x118: {  	v62 =	vand.u32 $0x7FF, v8;
	v7 =	vand.u32 $0xFFFFF800, v57;
	v2 =	vor.u32 v2, v56;
	[tilespmem:$0x6480] =	vst v1  }
0x119: {  	v63 =	vshra.s32 v59, $0x1;
	v3 =	vor.u32 v3, v7;
	v1 =	vand.u32 $0xFFFFF800, v58;
	[tilespmem:$0x6490] =	vst v2  }
0x11a: {  	v2 =	vand.u32 $0xFFFFF800, v60;
	[tilespmem:$0x64A0] =	vst v3;
	v3 =	vand.u32 $0x7FF, v6;
	v1 =	vor.u32 v4, v1  }
0x11b: {  	v4 =	vand.u32 $0xFFFFF800, v61;
	[tilespmem:$0x64B0] =	vst v1;
	v1 =	vor.u32 v3, v2;
	v3 =	vshra.s32 v9, $0x1  }
0x11c: {  	v2 =	vor.u32 v62, v4;
	[tilespmem:$0x64C0] =	vst v1;
	v1 =	vand.u32 $0xFFFFF800, v3;
	v3 =	vand.u32 $0x7FF, v9  }
0x11d: {  	[tilespmem:$0x64D0] =	vst v2;
	v2 =	vand.u32 $0xFFFFF800, v63;
	v1 =	vor.u32 v3, v1;
	v3 =	vand.u32 $0x7FF, v59  }
0x11e: {  	[tilespmem:$0x64E0] =	vst v1;
	v1 =	vor.u32 v3, v2  }
0x11f: {  	s30 =	simm.s32 $0x6480;
	[tilespmem:$0x64F0] =	vst v1  }
0x120: {  	[tilespmem:s23], [sflag:$0x2] =	stream.indirect.gather [hbm4b:s5+s19], $0x80, s30, s19, $0xb8;
	[tilespmem:$0x1E600] =	vst v63  }
0x121: {  	_ =	swait.ge [sflag:s1], $0x4000  }
0x122: {  	s7 =	simm.s32 $0x0;
	[sflag:s1] =	ssyncset.done $0x0  }
0x123: {  	s13 =	simm.s32 $0x1AD80;
	s14 =	simm.s32 $0x0;
	[sflag:s1] =	ssyncadd.s32 $0xFFFFC000  }
.LBB2_10:
0x124: {  	s0 =	sshll.u32 s14, $0x4  }
0x125: {  	v1 =	vld [tilespmem:s0+$0x100];
	_ =	sdelay $0x3  }
0x126: {  	v2 =	vmov s0  }
0x127: {  	v2 =	vshll.u32 v2, $0x7;
	v1 =	vshrl.u32 v1, $0x5  }
0x128: {  	v2 =	vor.u32 v0, v2;
	v1 =	vand.u32 $0x40, v1  }
0x129: {  	s18 =	simm.s32 $0xF;
	v1 =	vor.u32 v2, v1  }
0x12a: {  	s15 =	simm.s32 $0x1;
	v2 =	vor.u32 s18, v1  }
0x12b: {  	s20 =	simm.s32 $0x2;
	v3 =	vor.u32 s15, v1  }
0x12c: {  	s22 =	simm.s32 $0x3;
	v4 =	vor.u32 s20, v1  }
0x12d: {  	s24 =	simm.s32 $0x4;
	v5 =	vor.u32 s22, v1  }
0x12e: {  	s26 =	simm.s32 $0x5;
	v6 =	vor.u32 s24, v1  }
0x12f: {  	s30 =	simm.s32 $0x6;
	v7 =	vor.u32 s26, v1;
	v8 =	vld.idx.msk [tilespmem:v2+s25+$0x0], $0xffff  }
0x130: {  	s3 =	simm.s32 $0x7;
	v9 =	vld.idx.msk [tilespmem:v3+s25+$0x0], $0xffff;
	v2 =	vor.u32 s30, v1  }
0x131: {  	s15 =	simm.s32 $0x8;
	v11 =	vld.idx.msk [tilespmem:v4+s25+$0x0], $0xffff;
	v4 =	vor.u32 s3, v1  }
0x132: {  	s18 =	simm.s32 $0x9;
	v13 =	vld.idx.msk [tilespmem:v5+s25+$0x0], $0xffff;
	v5 =	vor.u32 s15, v1  }
0x133: {  	s20 =	simm.s32 $0xA;
	v14 =	vld.idx.msk [tilespmem:v6+s25+$0x0], $0xffff;
	v6 =	vor.u32 s18, v1  }
0x134: {  	s22 =	simm.s32 $0xB;
	v3 =	vld.idx.msk [tilespmem:v7+s25+$0x0], $0xffff;
	v7 =	vor.u32 s20, v1  }
0x135: {  	s24 =	simm.s32 $0xC;
	v10 =	vor.u32 s22, v1;
	v2 =	vld.idx.msk [tilespmem:v2+s25+$0x0], $0xffff;
	[tilespmem:s13+$0x0] =	vst v8  }
0x136: {  	s26 =	simm.s32 $0xD;
	v12 =	vor.u32 s24, v1;
	[tilespmem:s13+$0xFFFFF900] =	vst v9;
	v4 =	vld.idx.msk [tilespmem:v4+s25+$0x0], $0xffff  }
0x137: {  	s30 =	simm.s32 $0xE;
	[tilespmem:s13+$0xFFFFF980] =	vst v11;
	v5 =	vld.idx.msk [tilespmem:v5+s25+$0x0], $0xffff;
	v9 =	vor.u32 s26, v1  }
0x138: {  	s22 =	simm.s32 $0x1F;
	[tilespmem:s13+$0xFFFFFA00] =	vst v13;
	v6 =	vld.idx.msk [tilespmem:v6+s25+$0x0], $0xffff;
	v11 =	vor.u32 s30, v1  }
0x139: {  	s15 =	simm.s32 $0x10;
	s20 =	simm.s32 $0x20;
	s18 =	smov.u32 s13;
	v8 =	vor.u32 s7, v1;
	[tilespmem:s13+$0xFFFFFA80] =	vst v14;
	v7 =	vld.idx.msk [tilespmem:v7+s25+$0x0], $0xffff  }
.LBB2_11:
0x13a: {  	p0 =	slt.u32 s20, $0x30;
	s0 =	sadd.s32 $0x1, s15;
	v13 =	vor.u32 s22, v1;
	[tilespmem:s18+$0xFFFFFB00] =	vst v3;
	v3 =	vld.idx.msk [tilespmem:v10+s25+$0x0], $0xffff  }
0x13b: {  	v10 =	vor.u32 s0, v1;
	s0 =	sadd.s32 $0x2, s15;
	[tilespmem:s18+$0xFFFFFB80] =	vst v2;
	v2 =	vld.idx.msk [tilespmem:v12+s25+$0x0], $0xffff  }
0x13c: {  	v12 =	vor.u32 s0, v1;
	s0 =	sadd.s32 $0x3, s15;
	[tilespmem:s18+$0xFFFFFC00] =	vst v4;
	v4 =	vld.idx.msk [tilespmem:v9+s25+$0x0], $0xffff  }
0x13d: {  	v9 =	vor.u32 s0, v1;
	s0 =	sadd.s32 $0x4, s15;
	[tilespmem:s18+$0xFFFFFC80] =	vst v5;
	v5 =	vld.idx.msk [tilespmem:v11+s25+$0x0], $0xffff  }
0x13e: {  	v11 =	vor.u32 s0, v1;
	s0 =	sadd.s32 $0x5, s15;
	v8 =	vld.idx.msk [tilespmem:v8+s25+$0x0], $0xffff;
	[tilespmem:s18+$0xFFFFFD00] =	vst v6  }
0x13f: {  	v6 =	vor.u32 s0, v1;
	s0 =	sadd.s32 $0x6, s15;
	v13 =	vld.idx.msk [tilespmem:v13+s25+$0x0], $0xffff;
	[tilespmem:s18+$0xFFFFFD80] =	vst v7  }
0x140: {  	v7 =	vld.idx.msk [tilespmem:v10+s25+$0x0], $0xffff;
	v10 =	vor.u32 s0, v1;
	s0 =	sadd.s32 $0x7, s15;
	[tilespmem:s18+$0xFFFFFE00] =	vst v3  }
0x141: {  	v14 =	vld.idx.msk [tilespmem:v12+s25+$0x0], $0xffff;
	v12 =	vor.u32 s0, v1;
	s0 =	sadd.s32 $0x8, s15;
	[tilespmem:s18+$0xFFFFFE80] =	vst v2  }
0x142: {  	v15 =	vld.idx.msk [tilespmem:v9+s25+$0x0], $0xffff;
	v9 =	vor.u32 s0, v1;
	s0 =	sadd.s32 $0x9, s15;
	[tilespmem:s18+$0xFFFFFF00] =	vst v4  }
0x143: {  	v16 =	vld.idx.msk [tilespmem:v11+s25+$0x0], $0xffff;
	v11 =	vor.u32 s0, v1;
	s0 =	sadd.s32 $0xA, s15;
	[tilespmem:s18+$0xFFFFFF80] =	vst v5  }
0x144: {  	v3 =	vld.idx.msk [tilespmem:v6+s25+$0x0], $0xffff;
	v17 =	vor.u32 s0, v1;
	s0 =	sadd.s32 $0xB, s15;
	[tilespmem:s18+$0xFFFFF880] =	vst v8;
	s18 =	sadd.s32 $0x800, s18  }
.Ltmp4:
0x145: {  	v2 =	vld.idx.msk [tilespmem:v10+s25+$0x0], $0xffff;
	v10 =	vor.u32 s0, v1;
	s0 =	sadd.s32 $0xC, s15;
	[tilespmem:s18+$0x0] =	vst v13;
	(pc) =	sbr.rel @p0 .LBB2_11-.Ltmp4, $4  }
0x146: {  	[tilespmem:s18+$0xFFFFF900] =	vst v7;
	v4 =	vld.idx.msk [tilespmem:v12+s25+$0x0], $0xffff;
	v12 =	vor.u32 s0, v1;
	s0 =	sadd.s32 $0xD, s15  }
0x147: {  	[tilespmem:s18+$0xFFFFF980] =	vst v14;
	v5 =	vld.idx.msk [tilespmem:v9+s25+$0x0], $0xffff;
	v9 =	vor.u32 s0, v1;
	s0 =	sadd.s32 $0xE, s15  }
0x148: {  	[tilespmem:s18+$0xFFFFFA00] =	vst v15;
	v6 =	vld.idx.msk [tilespmem:v11+s25+$0x0], $0xffff;
	v11 =	vor.u32 s0, v1  }
0x149: {  	s22 =	sadd.s32 $0xF, s20;
	v8 =	vor.u32 s15, v1;
	s15 =	smov.u32 s20;
	s20 =	sadd.s32 $0x10, s20;
	[tilespmem:s18+$0xFFFFFA80] =	vst v16;
	v7 =	vld.idx.msk [tilespmem:v17+s25+$0x0], $0xffff  }
0x14a: {  	_ =	sdelay $0x2  }
0x14b: {  	[tilespmem:s18+$0xFFFFFB00] =	vst v3  }
0x14c: {  	s0 =	sadd.s32 $0x1, s15;
	v3 =	vor.u32 s22, v1;
	v10 =	vld.idx.msk [tilespmem:v10+s25+$0x0], $0xffff;
	[tilespmem:s18+$0xFFFFFB80] =	vst v2  }
0x14d: {  	s26 =	sadd.s32 $0x2, s15;
	v12 =	vld.idx.msk [tilespmem:v12+s25+$0x0], $0xffff;
	v2 =	vor.u32 s0, v1;
	[tilespmem:s18+$0xFFFFFC00] =	vst v4  }
0x14e: {  	s30 =	sadd.s32 $0x3, s15;
	v9 =	vld.idx.msk [tilespmem:v9+s25+$0x0], $0xffff;
	v46 =	vor.u32 s26, v1;
	[tilespmem:s18+$0xFFFFFC80] =	vst v5  }
0x14f: {  	s3 =	sadd.s32 $0x4, s15;
	v11 =	vld.idx.msk [tilespmem:v11+s25+$0x0], $0xffff;
	v47 =	vor.u32 s30, v1;
	[tilespmem:s18+$0xFFFFFD00] =	vst v6  }
0x150: {  	s20 =	sadd.s32 $0x5, s15;
	v8 =	vld.idx.msk [tilespmem:v8+s25+$0x0], $0xffff;
	v48 =	vor.u32 s3, v1;
	[tilespmem:s18+$0xFFFFFD80] =	vst v7  }
0x151: {  	v49 =	vor.u32 s20, v1;
	s26 =	sadd.s32 $0x8, s15;
	v3 =	vld.idx.msk [tilespmem:v3+s25+$0x0], $0xffff;
	[tilespmem:s18+$0xFFFFFE00] =	vst v10  }
0x152: {  	s30 =	sadd.s32 $0x9, s15;
	v52 =	vor.u32 s26, v1;
	[tilespmem:s18+$0xFFFFFE80] =	vst v12;
	v2 =	vld.idx.msk [tilespmem:v2+s25+$0x0], $0xffff  }
0x153: {  	s3 =	sadd.s32 $0xA, s15;
	v53 =	vor.u32 s30, v1;
	[tilespmem:s18+$0xFFFFFF00] =	vst v9;
	v4 =	vld.idx.msk [tilespmem:v46+s25+$0x0], $0xffff  }
0x154: {  	s22 =	sadd.s32 $0x6, s15;
	v54 =	vor.u32 s3, v1;
	[tilespmem:s18+$0xFFFFFF80] =	vst v11;
	v5 =	vld.idx.msk [tilespmem:v47+s25+$0x0], $0xffff  }
0x155: {  	s24 =	sadd.s32 $0x7, s15;
	v50 =	vor.u32 s22, v1;
	s20 =	sadd.s32 $0x800, s18;
	[tilespmem:s18+$0xFFFFF880] =	vst v8;
	v6 =	vld.idx.msk [tilespmem:v48+s25+$0x0], $0xffff  }
0x156: {  	v51 =	vor.u32 s24, v1;
	s22 =	sadd.s32 $0xB, s15;
	v7 =	vld.idx.msk [tilespmem:v49+s25+$0x0], $0xffff;
	[tilespmem:s20+$0x0] =	vst v3  }
0x157: {  	s24 =	sadd.s32 $0xC, s15;
	v55 =	vor.u32 s22, v1;
	s30 =	sadd.s32 $0xE, s15;
	v57 =	vld.idx.msk [tilespmem:v52+s25+$0x0], $0xffff;
	[tilespmem:s20+$0xFFFFF900] =	vst v2  }
0x158: {  	v56 =	vor.u32 s24, v1;
	s26 =	sadd.s32 $0xD, s15;
	v60 =	vor.u32 s30, v1;
	v59 =	vld.idx.msk [tilespmem:v53+s25+$0x0], $0xffff;
	[tilespmem:s20+$0xFFFFF980] =	vst v4  }
0x159: {  	v58 =	vor.u32 s26, v1;
	v1 =	vor.u32 s15, v1;
	v61 =	vld.idx.msk [tilespmem:v54+s25+$0x0], $0xffff;
	[tilespmem:s20+$0xFFFFFA00] =	vst v5  }
0x15a: {  	v3 =	vld.idx.msk [tilespmem:v50+s25+$0x0], $0xffff;
	[tilespmem:s20+$0xFFFFFA80] =	vst v6  }
0x15b: {  	v2 =	vld.idx.msk [tilespmem:v51+s25+$0x0], $0xffff;
	[tilespmem:s20+$0xFFFFFB00] =	vst v7  }
0x15c: {  	v62 =	vld.idx.msk [tilespmem:v55+s25+$0x0], $0xffff;
	[tilespmem:s20+$0xFFFFFC80] =	vst v57  }
0x15d: {  	v63 =	vld.idx.msk [tilespmem:v60+s25+$0x0], $0xffff;
	[tilespmem:s20+$0xFFFFFD00] =	vst v59  }
0x15e: {  	v1 =	vld.idx.msk [tilespmem:v1+s25+$0x0], $0xffff;
	[tilespmem:s20+$0xFFFFFD80] =	vst v61  }
0x15f: {  	s14 =	sadd.s32 $0x1, s14;
	[tilespmem:s20+$0xFFFFFB80] =	vst v3;
	v3 =	vld.idx.msk [tilespmem:v56+s25+$0x0], $0xffff  }
0x160: {  	p0 =	sne.s32 s14, $0x8;
	[tilespmem:s20+$0xFFFFFC00] =	vst v2;
	v2 =	vld.idx.msk [tilespmem:v58+s25+$0x0], $0xffff  }
.Ltmp5:
0x161: {  	[tilespmem:s20+$0xFFFFFE00] =	vst v62;
	(pc) =	sbr.rel @p0 .LBB2_10-.Ltmp5, $4  }
0x162: {  	[tilespmem:s20+$0xFFFFFF80] =	vst v63  }
0x163: {  	[tilespmem:s20+$0xFFFFF880] =	vst v1  }
0x164: {  	[tilespmem:s20+$0xFFFFFE80] =	vst v3  }
0x165: {  	s13 =	sadd.s32 $0x10, s13;
	[tilespmem:s20+$0xFFFFFF00] =	vst v2  }
0x166: {  	s0 =	rddreg [dreg:$0x7];
	s3 =	simm.s32 $0x1A600  }
0x167: {  	[hbm4b:s0+s16] =	stream.strided.scatter [tilespmem:s3], [sflag:$0x7], $0x2000, s17, s16, $0x38;
	[tilespmem:$0x1E600] =	vst v63  }
0x168: {  	v1 =	vld [tilespmem:$0x300]  }
0x169: {  	v2 =	vld [tilespmem:$0x310]  }
0x16a: {  	v3 =	vld [tilespmem:$0x320]  }
0x16b: {  	v4 =	vld [tilespmem:$0x330]  }
0x16c: {  	v6 =	vld [tilespmem:$0x340]  }
0x16d: {  	v8 =	vld [tilespmem:$0x350]  }
0x16e: {  	v5 =	vshra.s32 v1, $0x1  }
0x16f: {  	v59 =	vld [tilespmem:$0x370];
	v1 =	vand.u32 $0x7FF, v1;
	v7 =	vshra.s32 v2, $0x1;
	v57 =	vshra.s32 v3, $0x1  }
0x170: {  	v2 =	vand.u32 $0x7FF, v2;
	v3 =	vand.u32 $0x7FF, v3;
	v58 =	vshra.s32 v4, $0x1  }
0x171: {  	v9 =	vld [tilespmem:$0x360];
	v4 =	vand.u32 $0x7FF, v4;
	v60 =	vshra.s32 v6, $0x1;
	v5 =	vand.u32 $0xFFFFF800, v5  }
0x172: {  	v61 =	vshra.s32 v8, $0x1;
	v56 =	vand.u32 $0xFFFFF800, v7;
	v1 =	vor.u32 v1, v5  }
0x173: {  	v62 =	vand.u32 $0x7FF, v8;
	v7 =	vand.u32 $0xFFFFF800, v57;
	v2 =	vor.u32 v2, v56;
	[tilespmem:$0x6500] =	vst v1  }
0x174: {  	v63 =	vshra.s32 v59, $0x1;
	v3 =	vor.u32 v3, v7;
	v1 =	vand.u32 $0xFFFFF800, v58;
	[tilespmem:$0x6510] =	vst v2  }
0x175: {  	v2 =	vand.u32 $0xFFFFF800, v60;
	[tilespmem:$0x6520] =	vst v3;
	v3 =	vand.u32 $0x7FF, v6;
	v1 =	vor.u32 v4, v1  }
0x176: {  	v4 =	vand.u32 $0xFFFFF800, v61;
	[tilespmem:$0x6530] =	vst v1;
	v1 =	vor.u32 v3, v2;
	v3 =	vshra.s32 v9, $0x1  }
0x177: {  	v2 =	vor.u32 v62, v4;
	[tilespmem:$0x6540] =	vst v1;
	v1 =	vand.u32 $0xFFFFF800, v3;
	v3 =	vand.u32 $0x7FF, v9  }
0x178: {  	[tilespmem:$0x6550] =	vst v2;
	v2 =	vand.u32 $0xFFFFF800, v63;
	v1 =	vor.u32 v3, v1;
	v3 =	vand.u32 $0x7FF, v59  }
0x179: {  	[tilespmem:$0x6560] =	vst v1;
	v1 =	vor.u32 v3, v2  }
0x17a: {  	s30 =	simm.s32 $0x6500;
	[tilespmem:$0x6570] =	vst v1  }
0x17b: {  	[tilespmem:s25], [sflag:$0x3] =	stream.indirect.gather [hbm4b:s5+s19], $0x80, s30, s19, $0xb8;
	[tilespmem:$0x1E600] =	vst v63  }
0x17c: {  	_ =	swait.ge [sflag:s6], $0x4000  }
0x17d: {  	s7 =	simm.s32 $0x0;
	[sflag:s6] =	ssyncset.done $0x0  }
0x17e: {  	s13 =	simm.s32 $0x1CD80;
	s14 =	simm.s32 $0x0;
	[sflag:s6] =	ssyncadd.s32 $0xFFFFC000  }
.LBB2_14:
0x17f: {  	s0 =	sshll.u32 s14, $0x4  }
0x180: {  	v1 =	vld [tilespmem:s0+$0x180];
	_ =	sdelay $0x3  }
0x181: {  	v2 =	vmov s0  }
0x182: {  	v2 =	vshll.u32 v2, $0x7;
	v1 =	vshrl.u32 v1, $0x5  }
0x183: {  	v2 =	vor.u32 v0, v2;
	v1 =	vand.u32 $0x40, v1  }
0x184: {  	s18 =	simm.s32 $0xF;
	v1 =	vor.u32 v2, v1  }
0x185: {  	s15 =	simm.s32 $0x1;
	v2 =	vor.u32 s18, v1  }
0x186: {  	s20 =	simm.s32 $0x2;
	v3 =	vor.u32 s15, v1  }
0x187: {  	s22 =	simm.s32 $0x3;
	v4 =	vor.u32 s20, v1  }
0x188: {  	s24 =	simm.s32 $0x4;
	v5 =	vor.u32 s22, v1  }
0x189: {  	s26 =	simm.s32 $0x5;
	v6 =	vor.u32 s24, v1  }
0x18a: {  	s30 =	simm.s32 $0x6;
	v7 =	vor.u32 s26, v1;
	v8 =	vld.idx.msk [tilespmem:v2+s28+$0x0], $0xffff  }
0x18b: {  	s3 =	simm.s32 $0x7;
	v9 =	vld.idx.msk [tilespmem:v3+s28+$0x0], $0xffff;
	v2 =	vor.u32 s30, v1  }
0x18c: {  	s15 =	simm.s32 $0x8;
	v11 =	vld.idx.msk [tilespmem:v4+s28+$0x0], $0xffff;
	v4 =	vor.u32 s3, v1  }
0x18d: {  	s18 =	simm.s32 $0x9;
	v13 =	vld.idx.msk [tilespmem:v5+s28+$0x0], $0xffff;
	v5 =	vor.u32 s15, v1  }
0x18e: {  	s20 =	simm.s32 $0xA;
	v14 =	vld.idx.msk [tilespmem:v6+s28+$0x0], $0xffff;
	v6 =	vor.u32 s18, v1  }
0x18f: {  	s22 =	simm.s32 $0xB;
	v3 =	vld.idx.msk [tilespmem:v7+s28+$0x0], $0xffff;
	v7 =	vor.u32 s20, v1  }
0x190: {  	s24 =	simm.s32 $0xC;
	v10 =	vor.u32 s22, v1;
	v2 =	vld.idx.msk [tilespmem:v2+s28+$0x0], $0xffff;
	[tilespmem:s13+$0x0] =	vst v8  }
0x191: {  	s26 =	simm.s32 $0xD;
	v12 =	vor.u32 s24, v1;
	[tilespmem:s13+$0xFFFFF900] =	vst v9;
	v4 =	vld.idx.msk [tilespmem:v4+s28+$0x0], $0xffff  }
0x192: {  	s30 =	simm.s32 $0xE;
	[tilespmem:s13+$0xFFFFF980] =	vst v11;
	v5 =	vld.idx.msk [tilespmem:v5+s28+$0x0], $0xffff;
	v9 =	vor.u32 s26, v1  }
0x193: {  	s22 =	simm.s32 $0x1F;
	[tilespmem:s13+$0xFFFFFA00] =	vst v13;
	v6 =	vld.idx.msk [tilespmem:v6+s28+$0x0], $0xffff;
	v11 =	vor.u32 s30, v1  }
0x194: {  	s15 =	simm.s32 $0x10;
	s20 =	simm.s32 $0x20;
	s18 =	smov.u32 s13;
	v8 =	vor.u32 s7, v1;
	[tilespmem:s13+$0xFFFFFA80] =	vst v14;
	v7 =	vld.idx.msk [tilespmem:v7+s28+$0x0], $0xffff  }
.LBB2_15:
0x195: {  	p0 =	slt.u32 s20, $0x30;
	s0 =	sadd.s32 $0x1, s15;
	v13 =	vor.u32 s22, v1;
	[tilespmem:s18+$0xFFFFFB00] =	vst v3;
	v3 =	vld.idx.msk [tilespmem:v10+s28+$0x0], $0xffff  }
0x196: {  	v10 =	vor.u32 s0, v1;
	s0 =	sadd.s32 $0x2, s15;
	[tilespmem:s18+$0xFFFFFB80] =	vst v2;
	v2 =	vld.idx.msk [tilespmem:v12+s28+$0x0], $0xffff  }
0x197: {  	v12 =	vor.u32 s0, v1;
	s0 =	sadd.s32 $0x3, s15;
	[tilespmem:s18+$0xFFFFFC00] =	vst v4;
	v4 =	vld.idx.msk [tilespmem:v9+s28+$0x0], $0xffff  }
0x198: {  	v9 =	vor.u32 s0, v1;
	s0 =	sadd.s32 $0x4, s15;
	[tilespmem:s18+$0xFFFFFC80] =	vst v5;
	v5 =	vld.idx.msk [tilespmem:v11+s28+$0x0], $0xffff  }
0x199: {  	v11 =	vor.u32 s0, v1;
	s0 =	sadd.s32 $0x5, s15;
	v8 =	vld.idx.msk [tilespmem:v8+s28+$0x0], $0xffff;
	[tilespmem:s18+$0xFFFFFD00] =	vst v6  }
0x19a: {  	v6 =	vor.u32 s0, v1;
	s0 =	sadd.s32 $0x6, s15;
	v13 =	vld.idx.msk [tilespmem:v13+s28+$0x0], $0xffff;
	[tilespmem:s18+$0xFFFFFD80] =	vst v7  }
0x19b: {  	v7 =	vld.idx.msk [tilespmem:v10+s28+$0x0], $0xffff;
	v10 =	vor.u32 s0, v1;
	s0 =	sadd.s32 $0x7, s15;
	[tilespmem:s18+$0xFFFFFE00] =	vst v3  }
0x19c: {  	v14 =	vld.idx.msk [tilespmem:v12+s28+$0x0], $0xffff;
	v12 =	vor.u32 s0, v1;
	s0 =	sadd.s32 $0x8, s15;
	[tilespmem:s18+$0xFFFFFE80] =	vst v2  }
0x19d: {  	v15 =	vld.idx.msk [tilespmem:v9+s28+$0x0], $0xffff;
	v9 =	vor.u32 s0, v1;
	s0 =	sadd.s32 $0x9, s15;
	[tilespmem:s18+$0xFFFFFF00] =	vst v4  }
0x19e: {  	v16 =	vld.idx.msk [tilespmem:v11+s28+$0x0], $0xffff;
	v11 =	vor.u32 s0, v1;
	s0 =	sadd.s32 $0xA, s15;
	[tilespmem:s18+$0xFFFFFF80] =	vst v5  }
0x19f: {  	v3 =	vld.idx.msk [tilespmem:v6+s28+$0x0], $0xffff;
	v17 =	vor.u32 s0, v1;
	s0 =	sadd.s32 $0xB, s15;
	[tilespmem:s18+$0xFFFFF880] =	vst v8;
	s18 =	sadd.s32 $0x800, s18  }
.Ltmp6:
0x1a0: {  	v2 =	vld.idx.msk [tilespmem:v10+s28+$0x0], $0xffff;
	v10 =	vor.u32 s0, v1;
	s0 =	sadd.s32 $0xC, s15;
	[tilespmem:s18+$0x0] =	vst v13;
	(pc) =	sbr.rel @p0 .LBB2_15-.Ltmp6, $4  }
0x1a1: {  	[tilespmem:s18+$0xFFFFF900] =	vst v7;
	v4 =	vld.idx.msk [tilespmem:v12+s28+$0x0], $0xffff;
	v12 =	vor.u32 s0, v1;
	s0 =	sadd.s32 $0xD, s15  }
0x1a2: {  	[tilespmem:s18+$0xFFFFF980] =	vst v14;
	v5 =	vld.idx.msk [tilespmem:v9+s28+$0x0], $0xffff;
	v9 =	vor.u32 s0, v1;
	s0 =	sadd.s32 $0xE, s15  }
0x1a3: {  	[tilespmem:s18+$0xFFFFFA00] =	vst v15;
	v6 =	vld.idx.msk [tilespmem:v11+s28+$0x0], $0xffff;
	v11 =	vor.u32 s0, v1  }
0x1a4: {  	s22 =	sadd.s32 $0xF, s20;
	v8 =	vor.u32 s15, v1;
	s15 =	smov.u32 s20;
	s20 =	sadd.s32 $0x10, s20;
	[tilespmem:s18+$0xFFFFFA80] =	vst v16;
	v7 =	vld.idx.msk [tilespmem:v17+s28+$0x0], $0xffff  }
0x1a5: {  	_ =	sdelay $0x2  }
0x1a6: {  	[tilespmem:s18+$0xFFFFFB00] =	vst v3  }
0x1a7: {  	s0 =	sadd.s32 $0x1, s15;
	v3 =	vor.u32 s22, v1;
	v10 =	vld.idx.msk [tilespmem:v10+s28+$0x0], $0xffff;
	[tilespmem:s18+$0xFFFFFB80] =	vst v2  }
0x1a8: {  	s26 =	sadd.s32 $0x2, s15;
	v12 =	vld.idx.msk [tilespmem:v12+s28+$0x0], $0xffff;
	v2 =	vor.u32 s0, v1;
	[tilespmem:s18+$0xFFFFFC00] =	vst v4  }
0x1a9: {  	s30 =	sadd.s32 $0x3, s15;
	v9 =	vld.idx.msk [tilespmem:v9+s28+$0x0], $0xffff;
	v46 =	vor.u32 s26, v1;
	[tilespmem:s18+$0xFFFFFC80] =	vst v5  }
0x1aa: {  	s3 =	sadd.s32 $0x4, s15;
	v11 =	vld.idx.msk [tilespmem:v11+s28+$0x0], $0xffff;
	v47 =	vor.u32 s30, v1;
	[tilespmem:s18+$0xFFFFFD00] =	vst v6  }
0x1ab: {  	s20 =	sadd.s32 $0x5, s15;
	v8 =	vld.idx.msk [tilespmem:v8+s28+$0x0], $0xffff;
	v48 =	vor.u32 s3, v1;
	[tilespmem:s18+$0xFFFFFD80] =	vst v7  }
0x1ac: {  	v49 =	vor.u32 s20, v1;
	s26 =	sadd.s32 $0x8, s15;
	v3 =	vld.idx.msk [tilespmem:v3+s28+$0x0], $0xffff;
	[tilespmem:s18+$0xFFFFFE00] =	vst v10  }
0x1ad: {  	s30 =	sadd.s32 $0x9, s15;
	v52 =	vor.u32 s26, v1;
	[tilespmem:s18+$0xFFFFFE80] =	vst v12;
	v2 =	vld.idx.msk [tilespmem:v2+s28+$0x0], $0xffff  }
0x1ae: {  	s3 =	sadd.s32 $0xA, s15;
	v53 =	vor.u32 s30, v1;
	[tilespmem:s18+$0xFFFFFF00] =	vst v9;
	v4 =	vld.idx.msk [tilespmem:v46+s28+$0x0], $0xffff  }
0x1af: {  	s22 =	sadd.s32 $0x6, s15;
	v54 =	vor.u32 s3, v1;
	[tilespmem:s18+$0xFFFFFF80] =	vst v11;
	v5 =	vld.idx.msk [tilespmem:v47+s28+$0x0], $0xffff  }
0x1b0: {  	s24 =	sadd.s32 $0x7, s15;
	v50 =	vor.u32 s22, v1;
	s20 =	sadd.s32 $0x800, s18;
	[tilespmem:s18+$0xFFFFF880] =	vst v8;
	v6 =	vld.idx.msk [tilespmem:v48+s28+$0x0], $0xffff  }
0x1b1: {  	v51 =	vor.u32 s24, v1;
	s22 =	sadd.s32 $0xB, s15;
	v7 =	vld.idx.msk [tilespmem:v49+s28+$0x0], $0xffff;
	[tilespmem:s20+$0x0] =	vst v3  }
0x1b2: {  	s24 =	sadd.s32 $0xC, s15;
	v55 =	vor.u32 s22, v1;
	s30 =	sadd.s32 $0xE, s15;
	v57 =	vld.idx.msk [tilespmem:v52+s28+$0x0], $0xffff;
	[tilespmem:s20+$0xFFFFF900] =	vst v2  }
0x1b3: {  	v56 =	vor.u32 s24, v1;
	s26 =	sadd.s32 $0xD, s15;
	v60 =	vor.u32 s30, v1;
	v59 =	vld.idx.msk [tilespmem:v53+s28+$0x0], $0xffff;
	[tilespmem:s20+$0xFFFFF980] =	vst v4  }
0x1b4: {  	v58 =	vor.u32 s26, v1;
	v1 =	vor.u32 s15, v1;
	v61 =	vld.idx.msk [tilespmem:v54+s28+$0x0], $0xffff;
	[tilespmem:s20+$0xFFFFFA00] =	vst v5  }
0x1b5: {  	v3 =	vld.idx.msk [tilespmem:v50+s28+$0x0], $0xffff;
	[tilespmem:s20+$0xFFFFFA80] =	vst v6  }
0x1b6: {  	v2 =	vld.idx.msk [tilespmem:v51+s28+$0x0], $0xffff;
	[tilespmem:s20+$0xFFFFFB00] =	vst v7  }
0x1b7: {  	v62 =	vld.idx.msk [tilespmem:v55+s28+$0x0], $0xffff;
	[tilespmem:s20+$0xFFFFFC80] =	vst v57  }
0x1b8: {  	v63 =	vld.idx.msk [tilespmem:v60+s28+$0x0], $0xffff;
	[tilespmem:s20+$0xFFFFFD00] =	vst v59  }
0x1b9: {  	v1 =	vld.idx.msk [tilespmem:v1+s28+$0x0], $0xffff;
	[tilespmem:s20+$0xFFFFFD80] =	vst v61  }
0x1ba: {  	s14 =	sadd.s32 $0x1, s14;
	[tilespmem:s20+$0xFFFFFB80] =	vst v3;
	v3 =	vld.idx.msk [tilespmem:v56+s28+$0x0], $0xffff  }
0x1bb: {  	p0 =	sne.s32 s14, $0x8;
	[tilespmem:s20+$0xFFFFFC00] =	vst v2;
	v2 =	vld.idx.msk [tilespmem:v58+s28+$0x0], $0xffff  }
.Ltmp7:
0x1bc: {  	[tilespmem:s20+$0xFFFFFE00] =	vst v62;
	(pc) =	sbr.rel @p0 .LBB2_14-.Ltmp7, $4  }
0x1bd: {  	[tilespmem:s20+$0xFFFFFF80] =	vst v63  }
0x1be: {  	[tilespmem:s20+$0xFFFFF880] =	vst v1  }
0x1bf: {  	[tilespmem:s20+$0xFFFFFE80] =	vst v3  }
0x1c0: {  	s13 =	sadd.s32 $0x10, s13;
	[tilespmem:s20+$0xFFFFFF00] =	vst v2  }
0x1c1: {  	s0 =	rddreg [dreg:$0x8]  }
0x1c2: {  	[hbm4b:s0+s16] =	stream.strided.scatter [tilespmem:s8], [sflag:$0x8], $0x2000, s17, s16, $0x38;
	[tilespmem:$0x1E600] =	vst v63  }
0x1c3: {  	v1 =	vld [tilespmem:$0x380]  }
0x1c4: {  	v2 =	vld [tilespmem:$0x390]  }
0x1c5: {  	v3 =	vld [tilespmem:$0x3A0]  }
0x1c6: {  	v4 =	vld [tilespmem:$0x3B0]  }
0x1c7: {  	v6 =	vld [tilespmem:$0x3C0]  }
0x1c8: {  	v8 =	vld [tilespmem:$0x3D0]  }
0x1c9: {  	v5 =	vshra.s32 v1, $0x1  }
0x1ca: {  	v59 =	vld [tilespmem:$0x3F0];
	v1 =	vand.u32 $0x7FF, v1;
	v7 =	vshra.s32 v2, $0x1;
	v57 =	vshra.s32 v3, $0x1  }
0x1cb: {  	v2 =	vand.u32 $0x7FF, v2;
	v3 =	vand.u32 $0x7FF, v3;
	v58 =	vshra.s32 v4, $0x1  }
0x1cc: {  	v9 =	vld [tilespmem:$0x3E0];
	v4 =	vand.u32 $0x7FF, v4;
	v60 =	vshra.s32 v6, $0x1;
	v5 =	vand.u32 $0xFFFFF800, v5  }
0x1cd: {  	v61 =	vshra.s32 v8, $0x1;
	v56 =	vand.u32 $0xFFFFF800, v7;
	v1 =	vor.u32 v1, v5  }
0x1ce: {  	v62 =	vand.u32 $0x7FF, v8;
	v7 =	vand.u32 $0xFFFFF800, v57;
	v2 =	vor.u32 v2, v56;
	[tilespmem:$0x6580] =	vst v1  }
0x1cf: {  	v63 =	vshra.s32 v59, $0x1;
	v3 =	vor.u32 v3, v7;
	v1 =	vand.u32 $0xFFFFF800, v58;
	[tilespmem:$0x6590] =	vst v2  }
0x1d0: {  	v2 =	vand.u32 $0xFFFFF800, v60;
	[tilespmem:$0x65A0] =	vst v3;
	v3 =	vand.u32 $0x7FF, v6;
	v1 =	vor.u32 v4, v1  }
0x1d1: {  	v4 =	vand.u32 $0xFFFFF800, v61;
	[tilespmem:$0x65B0] =	vst v1;
	v1 =	vor.u32 v3, v2;
	v3 =	vshra.s32 v9, $0x1  }
0x1d2: {  	v2 =	vor.u32 v62, v4;
	[tilespmem:$0x65C0] =	vst v1;
	v1 =	vand.u32 $0xFFFFF800, v3;
	v3 =	vand.u32 $0x7FF, v9  }
0x1d3: {  	[tilespmem:$0x65D0] =	vst v2;
	v2 =	vand.u32 $0xFFFFF800, v63;
	v1 =	vor.u32 v3, v1;
	v3 =	vand.u32 $0x7FF, v59  }
0x1d4: {  	[tilespmem:$0x65E0] =	vst v1;
	v1 =	vor.u32 v3, v2  }
0x1d5: {  	s30 =	simm.s32 $0x6580;
	s14 =	simm.s32 $0x1;
	[tilespmem:$0x65F0] =	vst v1  }
0x1d6: {  	[tilespmem:s28], [sflag:$0x4] =	stream.indirect.gather [hbm4b:s5+s19], $0x80, s30, s19, $0xb8;
	[tilespmem:$0x1E600] =	vst v63  }
.LBB2_18:
0x1d7: {  	_ =	swait.ge [sflag:s29], $0x4000  }
0x1d8: {  	[sflag:s29] =	ssyncset.done $0x0  }
0x1d9: {  	[sflag:s29] =	ssyncadd.s32 $0xFFFFC000  }
0x1da: {  	s0 =	sshll.u32 s14, $0x9;
	_ =	swait.ge [sflag:s9], $0x2000  }
0x1db: {  	s7 =	simm.s32 $0x0;
	s15 =	sand.u32 $0x3FFFFE00, s0;
	[sflag:s9] =	ssyncset.done $0x0  }
0x1dc: {  	s13 =	simm.s32 $0x16A00;
	s18 =	simm.s32 $0x0;
	v1 =	vmov s15;
	[sflag:s9] =	ssyncadd.s32 $0xFFFFE000  }
.LBB2_19:
0x1dd: {  	_ =	sdelay $0x2  }
0x1de: {  	s0 =	sshll.u32 s18, $0x4  }
0x1df: {  	v2 =	vld.idx.msk [tilespmem:v1+s0+$0x0 ss:$0x1], $0xffff;
	_ =	sdelay $0x3  }
0x1e0: {  	v3 =	vmov s0  }
0x1e1: {  	v3 =	vshll.u32 v3, $0x7;
	v2 =	vshrl.u32 v2, $0x5  }
0x1e2: {  	v3 =	vor.u32 v0, v3;
	v2 =	vand.u32 $0x40, v2  }
0x1e3: {  	s26 =	simm.s32 $0xF;
	v2 =	vor.u32 v3, v2  }
0x1e4: {  	s20 =	simm.s32 $0x1;
	v3 =	vor.u32 s26, v2  }
0x1e5: {  	s30 =	simm.s32 $0x2;
	v4 =	vor.u32 s20, v2  }
0x1e6: {  	s3 =	simm.s32 $0x3;
	v5 =	vor.u32 s30, v2  }
0x1e7: {  	s22 =	simm.s32 $0x5;
	v6 =	vor.u32 s3, v2  }
0x1e8: {  	s20 =	simm.s32 $0x4;
	v8 =	vor.u32 s22, v2  }
0x1e9: {  	s24 =	simm.s32 $0x6;
	v7 =	vor.u32 s20, v2;
	v9 =	vld.idx.msk [tilespmem:v3+s21+$0x0], $0xffff  }
0x1ea: {  	s26 =	simm.s32 $0x7;
	v10 =	vld.idx.msk [tilespmem:v4+s21+$0x0], $0xffff;
	v3 =	vor.u32 s24, v2  }
0x1eb: {  	s30 =	simm.s32 $0x8;
	v12 =	vld.idx.msk [tilespmem:v5+s21+$0x0], $0xffff;
	v5 =	vor.u32 s26, v2  }
0x1ec: {  	s20 =	simm.s32 $0xA;
	v14 =	vld.idx.msk [tilespmem:v6+s21+$0x0], $0xffff;
	v6 =	vor.u32 s30, v2  }
0x1ed: {  	s3 =	simm.s32 $0x9;
	v4 =	vld.idx.msk [tilespmem:v8+s21+$0x0], $0xffff;
	v8 =	vor.u32 s20, v2  }
0x1ee: {  	s22 =	simm.s32 $0xB;
	v15 =	vld.idx.msk [tilespmem:v7+s21+$0x0], $0xffff;
	v7 =	vor.u32 s3, v2  }
0x1ef: {  	v11 =	vor.u32 s22, v2;
	s24 =	simm.s32 $0xC;
	v3 =	vld.idx.msk [tilespmem:v3+s21+$0x0], $0xffff;
	[tilespmem:s13+$0x380] =	vst v9  }
0x1f0: {  	s26 =	simm.s32 $0xD;
	v13 =	vor.u32 s24, v2;
	[tilespmem:s13+$0xFFFFFC80] =	vst v10;
	v5 =	vld.idx.msk [tilespmem:v5+s21+$0x0], $0xffff  }
0x1f1: {  	s30 =	simm.s32 $0xE;
	[tilespmem:s13+$0xFFFFFD00] =	vst v12;
	v6 =	vld.idx.msk [tilespmem:v6+s21+$0x0], $0xffff;
	v10 =	vor.u32 s26, v2  }
0x1f2: {  	s22 =	smov.u32 s13;
	[tilespmem:s13+$0xFFFFFD80] =	vst v14;
	v12 =	vor.u32 s30, v2;
	v8 =	vld.idx.msk [tilespmem:v8+s21+$0x0], $0xffff  }
0x1f3: {  	s20 =	simm.s32 $0x10;
	s24 =	simm.s32 $0x20;
	s26 =	simm.s32 $0x1F;
	v9 =	vor.u32 s7, v2;
	v7 =	vld.idx.msk [tilespmem:v7+s21+$0x0], $0xffff;
	[tilespmem:s13+$0xFFFFFE00] =	vst v15  }
.LBB2_20:
0x1f4: {  	p0 =	slt.u32 s24, $0x30;
	s0 =	sadd.s32 $0x1, s20;
	v14 =	vor.u32 s26, v2;
	[tilespmem:s22+$0xFFFFFE80] =	vst v4;
	v4 =	vld.idx.msk [tilespmem:v11+s21+$0x0], $0xffff  }
0x1f5: {  	v11 =	vor.u32 s0, v2;
	s0 =	sadd.s32 $0x2, s20;
	[tilespmem:s22+$0xFFFFFF00] =	vst v3;
	v3 =	vld.idx.msk [tilespmem:v13+s21+$0x0], $0xffff  }
0x1f6: {  	v13 =	vor.u32 s0, v2;
	s0 =	sadd.s32 $0x3, s20;
	[tilespmem:s22+$0xFFFFFF80] =	vst v5;
	v5 =	vld.idx.msk [tilespmem:v10+s21+$0x0], $0xffff  }
0x1f7: {  	v10 =	vor.u32 s0, v2;
	s0 =	sadd.s32 $0x4, s20;
	[tilespmem:s22+$0x0] =	vst v6;
	v6 =	vld.idx.msk [tilespmem:v12+s21+$0x0], $0xffff  }
0x1f8: {  	v12 =	vor.u32 s0, v2;
	s0 =	sadd.s32 $0x5, s20;
	v9 =	vld.idx.msk [tilespmem:v9+s21+$0x0], $0xffff;
	[tilespmem:s22+$0x80] =	vst v7  }
0x1f9: {  	v7 =	vor.u32 s0, v2;
	s0 =	sadd.s32 $0x6, s20;
	v14 =	vld.idx.msk [tilespmem:v14+s21+$0x0], $0xffff;
	[tilespmem:s22+$0x100] =	vst v8  }
0x1fa: {  	v8 =	vld.idx.msk [tilespmem:v11+s21+$0x0], $0xffff;
	v11 =	vor.u32 s0, v2;
	s0 =	sadd.s32 $0x7, s20;
	[tilespmem:s22+$0x180] =	vst v4  }
0x1fb: {  	v15 =	vld.idx.msk [tilespmem:v13+s21+$0x0], $0xffff;
	v13 =	vor.u32 s0, v2;
	s0 =	sadd.s32 $0x8, s20;
	[tilespmem:s22+$0x200] =	vst v3  }
0x1fc: {  	v16 =	vld.idx.msk [tilespmem:v10+s21+$0x0], $0xffff;
	v10 =	vor.u32 s0, v2;
	s0 =	sadd.s32 $0x9, s20;
	[tilespmem:s22+$0x280] =	vst v5  }
0x1fd: {  	v17 =	vld.idx.msk [tilespmem:v12+s21+$0x0], $0xffff;
	v12 =	vor.u32 s0, v2;
	s0 =	sadd.s32 $0xA, s20;
	[tilespmem:s22+$0x300] =	vst v6  }
0x1fe: {  	v4 =	vld.idx.msk [tilespmem:v7+s21+$0x0], $0xffff;
	v18 =	vor.u32 s0, v2;
	s0 =	sadd.s32 $0xB, s20;
	[tilespmem:s22+$0xFFFFFC00] =	vst v9;
	s22 =	sadd.s32 $0x800, s22  }
.Ltmp8:
0x1ff: {  	v3 =	vld.idx.msk [tilespmem:v11+s21+$0x0], $0xffff;
	v11 =	vor.u32 s0, v2;
	s0 =	sadd.s32 $0xC, s20;
	[tilespmem:s22+$0x380] =	vst v14;
	(pc) =	sbr.rel @p0 .LBB2_20-.Ltmp8, $4  }
0x200: {  	[tilespmem:s22+$0xFFFFFC80] =	vst v8;
	v5 =	vld.idx.msk [tilespmem:v13+s21+$0x0], $0xffff;
	v13 =	vor.u32 s0, v2;
	s0 =	sadd.s32 $0xD, s20  }
0x201: {  	[tilespmem:s22+$0xFFFFFD00] =	vst v15;
	v6 =	vld.idx.msk [tilespmem:v10+s21+$0x0], $0xffff;
	v10 =	vor.u32 s0, v2;
	s0 =	sadd.s32 $0xE, s20  }
0x202: {  	[tilespmem:s22+$0xFFFFFD80] =	vst v16;
	v7 =	vld.idx.msk [tilespmem:v12+s21+$0x0], $0xffff;
	v12 =	vor.u32 s0, v2  }
0x203: {  	s26 =	sadd.s32 $0xF, s24;
	v9 =	vor.u32 s20, v2;
	s20 =	smov.u32 s24;
	s24 =	sadd.s32 $0x10, s24;
	[tilespmem:s22+$0xFFFFFE00] =	vst v17;
	v8 =	vld.idx.msk [tilespmem:v18+s21+$0x0], $0xffff  }
0x204: {  	_ =	sdelay $0x2  }
0x205: {  	[tilespmem:s22+$0xFFFFFE80] =	vst v4  }
0x206: {  	s0 =	sadd.s32 $0x1, s20;
	v43 =	vor.u32 s26, v2;
	v11 =	vld.idx.msk [tilespmem:v11+s21+$0x0], $0xffff;
	[tilespmem:s22+$0xFFFFFF00] =	vst v3  }
0x207: {  	s30 =	sadd.s32 $0x2, s20;
	v13 =	vld.idx.msk [tilespmem:v13+s21+$0x0], $0xffff;
	v3 =	vor.u32 s0, v2;
	[tilespmem:s22+$0xFFFFFF80] =	vst v5  }
0x208: {  	s3 =	sadd.s32 $0x3, s20;
	v10 =	vld.idx.msk [tilespmem:v10+s21+$0x0], $0xffff;
	v44 =	vor.u32 s30, v2;
	[tilespmem:s22+$0x0] =	vst v6  }
0x209: {  	s24 =	sadd.s32 $0x4, s20;
	v12 =	vld.idx.msk [tilespmem:v12+s21+$0x0], $0xffff;
	v45 =	vor.u32 s3, v2;
	[tilespmem:s22+$0x80] =	vst v7  }
0x20a: {  	s26 =	sadd.s32 $0x5, s20;
	v9 =	vld.idx.msk [tilespmem:v9+s21+$0x0], $0xffff;
	v46 =	vor.u32 s24, v2;
	[tilespmem:s22+$0x100] =	vst v8  }
0x20b: {  	v47 =	vor.u32 s26, v2;
	s30 =	sadd.s32 $0x6, s20;
	v4 =	vld.idx.msk [tilespmem:v43+s21+$0x0], $0xffff;
	[tilespmem:s22+$0x180] =	vst v11  }
0x20c: {  	s24 =	sadd.s32 $0x8, s20;
	v48 =	vor.u32 s30, v2;
	[tilespmem:s22+$0x200] =	vst v13;
	v3 =	vld.idx.msk [tilespmem:v3+s21+$0x0], $0xffff  }
0x20d: {  	s26 =	sadd.s32 $0x9, s20;
	v50 =	vor.u32 s24, v2;
	[tilespmem:s22+$0x280] =	vst v10;
	v5 =	vld.idx.msk [tilespmem:v44+s21+$0x0], $0xffff  }
0x20e: {  	v51 =	vor.u32 s26, v2;
	s30 =	sadd.s32 $0xA, s20;
	[tilespmem:s22+$0x300] =	vst v12;
	v6 =	vld.idx.msk [tilespmem:v45+s21+$0x0], $0xffff  }
0x20f: {  	s3 =	sadd.s32 $0x7, s20;
	v52 =	vor.u32 s30, v2;
	[tilespmem:s22+$0xFFFFFC00] =	vst v9;
	s22 =	sadd.s32 $0x800, s22;
	v7 =	vld.idx.msk [tilespmem:v46+s21+$0x0], $0xffff  }
0x210: {  	v49 =	vor.u32 s3, v2;
	s3 =	sadd.s32 $0xB, s20;
	v8 =	vld.idx.msk [tilespmem:v47+s21+$0x0], $0xffff;
	[tilespmem:s22+$0x380] =	vst v4  }
0x211: {  	s24 =	sadd.s32 $0xC, s20;
	v54 =	vor.u32 s3, v2;
	v53 =	vld.idx.msk [tilespmem:v48+s21+$0x0], $0xffff;
	[tilespmem:s22+$0xFFFFFC80] =	vst v3  }
0x212: {  	v55 =	vor.u32 s24, v2;
	s30 =	sadd.s32 $0xE, s20;
	v56 =	vld.idx.msk [tilespmem:v50+s21+$0x0], $0xffff;
	[tilespmem:s22+$0xFFFFFD00] =	vst v5  }
0x213: {  	s26 =	sadd.s32 $0xD, s20;
	v59 =	vor.u32 s30, v2;
	v58 =	vld.idx.msk [tilespmem:v51+s21+$0x0], $0xffff;
	[tilespmem:s22+$0xFFFFFD80] =	vst v6  }
0x214: {  	v57 =	vor.u32 s26, v2;
	v2 =	vor.u32 s20, v2;
	v60 =	vld.idx.msk [tilespmem:v52+s21+$0x0], $0xffff;
	[tilespmem:s22+$0xFFFFFE00] =	vst v7  }
0x215: {  	v3 =	vld.idx.msk [tilespmem:v49+s21+$0x0], $0xffff;
	[tilespmem:s22+$0xFFFFFE80] =	vst v8  }
0x216: {  	v61 =	vld.idx.msk [tilespmem:v54+s21+$0x0], $0xffff;
	[tilespmem:s22+$0xFFFFFF00] =	vst v53  }
0x217: {  	v62 =	vld.idx.msk [tilespmem:v55+s21+$0x0], $0xffff;
	[tilespmem:s22+$0x0] =	vst v56  }
0x218: {  	v63 =	vld.idx.msk [tilespmem:v59+s21+$0x0], $0xffff;
	[tilespmem:s22+$0x80] =	vst v58  }
0x219: {  	s18 =	sadd.s32 $0x1, s18;
	v2 =	vld.idx.msk [tilespmem:v2+s21+$0x0], $0xffff;
	[tilespmem:s22+$0x100] =	vst v60  }
0x21a: {  	p0 =	sne.s32 s18, $0x8;
	[tilespmem:s22+$0xFFFFFF80] =	vst v3;
	v3 =	vld.idx.msk [tilespmem:v57+s21+$0x0], $0xffff  }
.Ltmp9:
0x21b: {  	[tilespmem:s22+$0x180] =	vst v61;
	(pc) =	sbr.rel @p0 .LBB2_19-.Ltmp9, $4  }
0x21c: {  	[tilespmem:s22+$0x200] =	vst v62  }
0x21d: {  	[tilespmem:s22+$0x300] =	vst v63  }
0x21e: {  	[tilespmem:s22+$0xFFFFFC00] =	vst v2  }
0x21f: {  	s13 =	sadd.s32 $0x10, s13;
	[tilespmem:s22+$0x280] =	vst v3  }
0x220: {  	s0 =	sshll.u32 s14, $0x14  }
0x221: {  	s0 =	sor.u32 s4, s0  }
0x222: {  	s0 =	sshrl.u32 s0, $0x3  }
0x223: {  	s3 =	simm.s32 $0x16600;
	s0 =	sadd.s32 s2, s0  }
0x224: {  	[hbm4b:s0+s16] =	stream.strided.scatter [tilespmem:s3], [sflag:$0x5], $0x2000, s17, s16, $0x38;
	[tilespmem:$0x1E600] =	vst v63  }
0x225: {  	v1 =	vld [tilespmem:s15+$0x200];
	_ =	sdelay $0x4  }
0x226: {  	v2 =	vshra.s32 v1, $0x1  }
0x227: {  	v1 =	vand.u32 $0x7FF, v1;
	v2 =	vand.u32 $0xFFFFF800, v2  }
0x228: {  	v1 =	vor.u32 v1, v2  }
0x229: {  	[tilespmem:$0x6400] =	vst v1  }
0x22a: {  	v1 =	vld [tilespmem:s15+$0x210];
	_ =	sdelay $0x4  }
0x22b: {  	v2 =	vshra.s32 v1, $0x1  }
0x22c: {  	v1 =	vand.u32 $0x7FF, v1;
	v2 =	vand.u32 $0xFFFFF800, v2  }
0x22d: {  	v1 =	vor.u32 v1, v2  }
0x22e: {  	[tilespmem:$0x6410] =	vst v1  }
0x22f: {  	v1 =	vld [tilespmem:s15+$0x220];
	_ =	sdelay $0x4  }
0x230: {  	v2 =	vshra.s32 v1, $0x1  }
0x231: {  	v1 =	vand.u32 $0x7FF, v1;
	v2 =	vand.u32 $0xFFFFF800, v2  }
0x232: {  	v1 =	vor.u32 v1, v2  }
0x233: {  	[tilespmem:$0x6420] =	vst v1  }
0x234: {  	v1 =	vld [tilespmem:s15+$0x230];
	_ =	sdelay $0x4  }
0x235: {  	v2 =	vshra.s32 v1, $0x1  }
0x236: {  	v1 =	vand.u32 $0x7FF, v1;
	v2 =	vand.u32 $0xFFFFF800, v2  }
0x237: {  	v1 =	vor.u32 v1, v2  }
0x238: {  	[tilespmem:$0x6430] =	vst v1  }
0x239: {  	v1 =	vld [tilespmem:s15+$0x240];
	_ =	sdelay $0x4  }
0x23a: {  	v2 =	vshra.s32 v1, $0x1  }
0x23b: {  	v1 =	vand.u32 $0x7FF, v1;
	v2 =	vand.u32 $0xFFFFF800, v2  }
0x23c: {  	v1 =	vor.u32 v1, v2  }
0x23d: {  	[tilespmem:$0x6440] =	vst v1  }
0x23e: {  	v1 =	vld [tilespmem:s15+$0x250];
	_ =	sdelay $0x4  }
0x23f: {  	v2 =	vshra.s32 v1, $0x1  }
0x240: {  	v1 =	vand.u32 $0x7FF, v1;
	v2 =	vand.u32 $0xFFFFF800, v2  }
0x241: {  	v1 =	vor.u32 v1, v2  }
0x242: {  	[tilespmem:$0x6450] =	vst v1  }
0x243: {  	v1 =	vld [tilespmem:s15+$0x260];
	_ =	sdelay $0x4  }
0x244: {  	v2 =	vshra.s32 v1, $0x1  }
0x245: {  	v1 =	vand.u32 $0x7FF, v1;
	v2 =	vand.u32 $0xFFFFF800, v2  }
0x246: {  	v1 =	vor.u32 v1, v2  }
0x247: {  	[tilespmem:$0x6460] =	vst v1  }
0x248: {  	v1 =	vld [tilespmem:s15+$0x270];
	_ =	sdelay $0x4  }
0x249: {  	v2 =	vshra.s32 v1, $0x1  }
0x24a: {  	v1 =	vand.u32 $0x7FF, v1;
	v2 =	vand.u32 $0xFFFFF800, v2  }
0x24b: {  	v1 =	vor.u32 v1, v2  }
0x24c: {  	s26 =	simm.s32 $0x6400;
	[tilespmem:$0x6470] =	vst v1  }
0x24d: {  	[tilespmem:s21], [sflag:$0x1] =	stream.indirect.gather [hbm4b:s5+s19], $0x80, s26, s19, $0xb8;
	[tilespmem:$0x1E600] =	vst v63  }
0x24e: {  	_ =	swait.ge [sflag:s31], $0x4000  }
0x24f: {  	s7 =	sshll.u32 s14, $0x2;
	[sflag:s31] =	ssyncset.done $0x0  }
0x250: {  	s18 =	sor.u32 $0x1, s7;
	[sflag:s31] =	ssyncadd.s32 $0xFFFFC000  }
0x251: {  	s30 =	sshll.u32 s18, $0x7;
	_ =	swait.ge [sflag:s10], $0x2000  }
0x252: {  	s13 =	simm.s32 $0x0;
	s0 =	sand.u32 $0x3FFFFE80, s30;
	[sflag:s10] =	ssyncset.done $0x0  }
0x253: {  	s22 =	simm.s32 $0x0;
	v1 =	vmov s0;
	s26 =	simm.s32 $0x18D80;
	[sflag:s10] =	ssyncadd.s32 $0xFFFFE000  }
.LBB2_23:
0x254: {  	_ =	sdelay $0x2  }
0x255: {  	s0 =	sshll.u32 s22, $0x4  }
0x256: {  	v2 =	vld.idx.msk [tilespmem:v1+s0+$0x0 ss:$0x1], $0xffff;
	_ =	sdelay $0x3  }
0x257: {  	v3 =	vmov s0  }
0x258: {  	v3 =	vshll.u32 v3, $0x7;
	v2 =	vshrl.u32 v2, $0x5  }
0x259: {  	v3 =	vor.u32 v0, v3;
	v2 =	vand.u32 $0x40, v2  }
0x25a: {  	s3 =	simm.s32 $0xF;
	v2 =	vor.u32 v3, v2  }
0x25b: {  	s20 =	simm.s32 $0x1;
	v3 =	vor.u32 s3, v2  }
0x25c: {  	s24 =	simm.s32 $0x3;
	v4 =	vor.u32 s20, v2  }
0x25d: {  	s20 =	simm.s32 $0x2;
	v6 =	vor.u32 s24, v2  }
0x25e: {  	s3 =	simm.s32 $0x4;
	v5 =	vor.u32 s20, v2  }
0x25f: {  	v7 =	vor.u32 s3, v2;
	s20 =	simm.s32 $0x5  }
0x260: {  	s24 =	simm.s32 $0x6;
	v8 =	vor.u32 s20, v2;
	v9 =	vld.idx.msk [tilespmem:v3+s23+$0x0], $0xffff  }
0x261: {  	s20 =	simm.s32 $0x8;
	v10 =	vld.idx.msk [tilespmem:v4+s23+$0x0], $0xffff;
	v3 =	vor.u32 s24, v2  }
0x262: {  	s3 =	simm.s32 $0x7;
	v14 =	vld.idx.msk [tilespmem:v6+s23+$0x0], $0xffff;
	v6 =	vor.u32 s20, v2  }
0x263: {  	s24 =	simm.s32 $0x9;
	v12 =	vld.idx.msk [tilespmem:v5+s23+$0x0], $0xffff;
	v5 =	vor.u32 s3, v2  }
0x264: {  	v15 =	vld.idx.msk [tilespmem:v7+s23+$0x0], $0xffff;
	v7 =	vor.u32 s24, v2;
	s3 =	simm.s32 $0xA  }
0x265: {  	s20 =	simm.s32 $0xB;
	v4 =	vld.idx.msk [tilespmem:v8+s23+$0x0], $0xffff;
	v8 =	vor.u32 s3, v2  }
0x266: {  	v11 =	vor.u32 s20, v2;
	s24 =	simm.s32 $0xC;
	v3 =	vld.idx.msk [tilespmem:v3+s23+$0x0], $0xffff;
	[tilespmem:s26+$0x0] =	vst v9  }
0x267: {  	s3 =	simm.s32 $0xD;
	v13 =	vor.u32 s24, v2;
	[tilespmem:s26+$0xFFFFF900] =	vst v10;
	v6 =	vld.idx.msk [tilespmem:v6+s23+$0x0], $0xffff  }
0x268: {  	s20 =	simm.s32 $0xE;
	v10 =	vor.u32 s3, v2;
	[tilespmem:s26+$0xFFFFFA00] =	vst v14;
	v5 =	vld.idx.msk [tilespmem:v5+s23+$0x0], $0xffff  }
0x269: {  	s30 =	simm.s32 $0x20;
	[tilespmem:s26+$0xFFFFF980] =	vst v12;
	v7 =	vld.idx.msk [tilespmem:v7+s23+$0x0], $0xffff;
	v12 =	vor.u32 s20, v2  }
0x26a: {  	s0 =	simm.s32 $0x1F;
	s24 =	simm.s32 $0x10;
	v9 =	vor.u32 s13, v2;
	[tilespmem:s26+$0xFFFFFA80] =	vst v15;
	s20 =	smov.u32 s26;
	v8 =	vld.idx.msk [tilespmem:v8+s23+$0x0], $0xffff  }
.LBB2_24:
0x26b: {  	p0 =	slt.u32 s30, $0x30;
	s3 =	sadd.s32 $0x1, s24;
	v14 =	vor.u32 s0, v2;
	[tilespmem:s20+$0xFFFFFB00] =	vst v4;
	v4 =	vld.idx.msk [tilespmem:v11+s23+$0x0], $0xffff  }
0x26c: {  	s0 =	sadd.s32 $0x2, s24;
	v11 =	vor.u32 s3, v2;
	[tilespmem:s20+$0xFFFFFB80] =	vst v3;
	v3 =	vld.idx.msk [tilespmem:v13+s23+$0x0], $0xffff  }
0x26d: {  	v13 =	vor.u32 s0, v2;
	s0 =	sadd.s32 $0x3, s24;
	[tilespmem:s20+$0xFFFFFC00] =	vst v5;
	v5 =	vld.idx.msk [tilespmem:v10+s23+$0x0], $0xffff  }
0x26e: {  	v10 =	vor.u32 s0, v2;
	s0 =	sadd.s32 $0x4, s24;
	[tilespmem:s20+$0xFFFFFC80] =	vst v6;
	v6 =	vld.idx.msk [tilespmem:v12+s23+$0x0], $0xffff  }
0x26f: {  	v12 =	vor.u32 s0, v2;
	s0 =	sadd.s32 $0x5, s24;
	v9 =	vld.idx.msk [tilespmem:v9+s23+$0x0], $0xffff;
	[tilespmem:s20+$0xFFFFFD00] =	vst v7  }
0x270: {  	v7 =	vor.u32 s0, v2;
	s0 =	sadd.s32 $0x6, s24;
	v14 =	vld.idx.msk [tilespmem:v14+s23+$0x0], $0xffff;
	[tilespmem:s20+$0xFFFFFD80] =	vst v8  }
0x271: {  	v8 =	vld.idx.msk [tilespmem:v11+s23+$0x0], $0xffff;
	v11 =	vor.u32 s0, v2;
	s0 =	sadd.s32 $0x7, s24;
	[tilespmem:s20+$0xFFFFFE00] =	vst v4  }
0x272: {  	v15 =	vld.idx.msk [tilespmem:v13+s23+$0x0], $0xffff;
	v13 =	vor.u32 s0, v2;
	s0 =	sadd.s32 $0x8, s24;
	[tilespmem:s20+$0xFFFFFE80] =	vst v3  }
0x273: {  	v16 =	vld.idx.msk [tilespmem:v10+s23+$0x0], $0xffff;
	v10 =	vor.u32 s0, v2;
	s0 =	sadd.s32 $0x9, s24;
	[tilespmem:s20+$0xFFFFFF00] =	vst v5  }
0x274: {  	v17 =	vld.idx.msk [tilespmem:v12+s23+$0x0], $0xffff;
	v12 =	vor.u32 s0, v2;
	s0 =	sadd.s32 $0xA, s24;
	[tilespmem:s20+$0xFFFFFF80] =	vst v6  }
0x275: {  	v4 =	vld.idx.msk [tilespmem:v7+s23+$0x0], $0xffff;
	v18 =	vor.u32 s0, v2;
	s0 =	sadd.s32 $0xB, s24;
	[tilespmem:s20+$0xFFFFF880] =	vst v9;
	s20 =	sadd.s32 $0x800, s20  }
.Ltmp10:
0x276: {  	v3 =	vld.idx.msk [tilespmem:v11+s23+$0x0], $0xffff;
	v11 =	vor.u32 s0, v2;
	s0 =	sadd.s32 $0xC, s24;
	[tilespmem:s20+$0x0] =	vst v14;
	(pc) =	sbr.rel @p0 .LBB2_24-.Ltmp10, $4  }
0x277: {  	[tilespmem:s20+$0xFFFFF900] =	vst v8;
	v5 =	vld.idx.msk [tilespmem:v13+s23+$0x0], $0xffff;
	v13 =	vor.u32 s0, v2;
	s0 =	sadd.s32 $0xD, s24  }
0x278: {  	[tilespmem:s20+$0xFFFFF980] =	vst v15;
	v6 =	vld.idx.msk [tilespmem:v10+s23+$0x0], $0xffff;
	v10 =	vor.u32 s0, v2;
	s0 =	sadd.s32 $0xE, s24  }
0x279: {  	[tilespmem:s20+$0xFFFFFA00] =	vst v16;
	v7 =	vld.idx.msk [tilespmem:v12+s23+$0x0], $0xffff;
	v12 =	vor.u32 s0, v2  }
0x27a: {  	v9 =	vor.u32 s24, v2;
	s24 =	smov.u32 s30;
	s0 =	sadd.s32 $0xF, s30;
	s30 =	sadd.s32 $0x10, s30;
	[tilespmem:s20+$0xFFFFFA80] =	vst v17;
	v8 =	vld.idx.msk [tilespmem:v18+s23+$0x0], $0xffff  }
0x27b: {  	_ =	sdelay $0x2  }
0x27c: {  	[tilespmem:s20+$0xFFFFFB00] =	vst v4  }
0x27d: {  	s3 =	sadd.s32 $0x1, s24;
	v43 =	vor.u32 s0, v2;
	v11 =	vld.idx.msk [tilespmem:v11+s23+$0x0], $0xffff;
	[tilespmem:s20+$0xFFFFFB80] =	vst v3  }
0x27e: {  	s30 =	sadd.s32 $0x2, s24;
	v13 =	vld.idx.msk [tilespmem:v13+s23+$0x0], $0xffff;
	v3 =	vor.u32 s3, v2;
	[tilespmem:s20+$0xFFFFFC00] =	vst v5  }
0x27f: {  	v10 =	vld.idx.msk [tilespmem:v10+s23+$0x0], $0xffff;
	v44 =	vor.u32 s30, v2;
	s3 =	sadd.s32 $0x3, s24;
	[tilespmem:s20+$0xFFFFFC80] =	vst v6  }
0x280: {  	v12 =	vld.idx.msk [tilespmem:v12+s23+$0x0], $0xffff;
	s30 =	sadd.s32 $0x4, s24;
	v45 =	vor.u32 s3, v2;
	[tilespmem:s20+$0xFFFFFD00] =	vst v7  }
0x281: {  	v9 =	vld.idx.msk [tilespmem:v9+s23+$0x0], $0xffff;
	v46 =	vor.u32 s30, v2;
	s3 =	sadd.s32 $0x5, s24;
	[tilespmem:s20+$0xFFFFFD80] =	vst v8  }
0x282: {  	s30 =	sadd.s32 $0x6, s24;
	v47 =	vor.u32 s3, v2;
	v4 =	vld.idx.msk [tilespmem:v43+s23+$0x0], $0xffff;
	[tilespmem:s20+$0xFFFFFE00] =	vst v11  }
0x283: {  	v48 =	vor.u32 s30, v2;
	s3 =	sadd.s32 $0x7, s24;
	s30 =	sadd.s32 $0x8, s24;
	[tilespmem:s20+$0xFFFFFE80] =	vst v13;
	v3 =	vld.idx.msk [tilespmem:v3+s23+$0x0], $0xffff  }
0x284: {  	v49 =	vor.u32 s3, v2;
	v50 =	vor.u32 s30, v2;
	s3 =	sadd.s32 $0x9, s24;
	[tilespmem:s20+$0xFFFFFF00] =	vst v10;
	v5 =	vld.idx.msk [tilespmem:v44+s23+$0x0], $0xffff  }
0x285: {  	s30 =	sadd.s32 $0xA, s24;
	[tilespmem:s20+$0xFFFFFF80] =	vst v12;
	v51 =	vor.u32 s3, v2;
	v6 =	vld.idx.msk [tilespmem:v45+s23+$0x0], $0xffff  }
0x286: {  	[tilespmem:s20+$0xFFFFF880] =	vst v9;
	s3 =	sadd.s32 $0x800, s20;
	v52 =	vor.u32 s30, v2;
	v7 =	vld.idx.msk [tilespmem:v46+s23+$0x0], $0xffff  }
0x287: {  	s20 =	sadd.s32 $0xB, s24;
	v8 =	vld.idx.msk [tilespmem:v47+s23+$0x0], $0xffff;
	[tilespmem:s3+$0x0] =	vst v4  }
0x288: {  	s30 =	sadd.s32 $0xC, s24;
	v54 =	vor.u32 s20, v2;
	v53 =	vld.idx.msk [tilespmem:v48+s23+$0x0], $0xffff;
	[tilespmem:s3+$0xFFFFF900] =	vst v3  }
0x289: {  	v55 =	vor.u32 s30, v2;
	s30 =	sadd.s32 $0xE, s24;
	v56 =	vld.idx.msk [tilespmem:v50+s23+$0x0], $0xffff;
	[tilespmem:s3+$0xFFFFF980] =	vst v5  }
0x28a: {  	s20 =	sadd.s32 $0xD, s24;
	v59 =	vor.u32 s30, v2;
	v58 =	vld.idx.msk [tilespmem:v51+s23+$0x0], $0xffff;
	[tilespmem:s3+$0xFFFFFA00] =	vst v6  }
0x28b: {  	v57 =	vor.u32 s20, v2;
	v2 =	vor.u32 s24, v2;
	v60 =	vld.idx.msk [tilespmem:v52+s23+$0x0], $0xffff;
	[tilespmem:s3+$0xFFFFFA80] =	vst v7  }
0x28c: {  	v3 =	vld.idx.msk [tilespmem:v49+s23+$0x0], $0xffff;
	[tilespmem:s3+$0xFFFFFB00] =	vst v8  }
0x28d: {  	v61 =	vld.idx.msk [tilespmem:v54+s23+$0x0], $0xffff;
	[tilespmem:s3+$0xFFFFFB80] =	vst v53  }
0x28e: {  	v62 =	vld.idx.msk [tilespmem:v55+s23+$0x0], $0xffff;
	[tilespmem:s3+$0xFFFFFC80] =	vst v56  }
0x28f: {  	v63 =	vld.idx.msk [tilespmem:v59+s23+$0x0], $0xffff;
	[tilespmem:s3+$0xFFFFFD00] =	vst v58  }
0x290: {  	s22 =	sadd.s32 $0x1, s22;
	v2 =	vld.idx.msk [tilespmem:v2+s23+$0x0], $0xffff;
	[tilespmem:s3+$0xFFFFFD80] =	vst v60  }
0x291: {  	p0 =	sne.s32 s22, $0x8;
	[tilespmem:s3+$0xFFFFFC00] =	vst v3;
	v3 =	vld.idx.msk [tilespmem:v57+s23+$0x0], $0xffff  }
.Ltmp11:
0x292: {  	[tilespmem:s3+$0xFFFFFE00] =	vst v61;
	(pc) =	sbr.rel @p0 .LBB2_23-.Ltmp11, $4  }
0x293: {  	[tilespmem:s3+$0xFFFFFE80] =	vst v62  }
0x294: {  	[tilespmem:s3+$0xFFFFFF80] =	vst v63  }
0x295: {  	[tilespmem:s3+$0xFFFFF880] =	vst v2  }
0x296: {  	s26 =	sadd.s32 $0x10, s26;
	[tilespmem:s3+$0xFFFFFF00] =	vst v3  }
0x297: {  	s0 =	sshll.u32 s18, $0x12  }
0x298: {  	s0 =	sor.u32 s4, s0  }
0x299: {  	s0 =	sshrl.u32 s0, $0x3  }
0x29a: {  	s3 =	simm.s32 $0x18600;
	s0 =	sadd.s32 s2, s0  }
0x29b: {  	[hbm4b:s0+s16] =	stream.strided.scatter [tilespmem:s3], [sflag:$0x6], $0x2000, s17, s16, $0x38;
	[tilespmem:$0x1E600] =	vst v63  }
0x29c: {  	v1 =	vld [tilespmem:s15+$0x280];
	_ =	sdelay $0x4  }
0x29d: {  	v2 =	vshra.s32 v1, $0x1  }
0x29e: {  	v1 =	vand.u32 $0x7FF, v1;
	v2 =	vand.u32 $0xFFFFF800, v2  }
0x29f: {  	v1 =	vor.u32 v1, v2  }
0x2a0: {  	[tilespmem:$0x6480] =	vst v1  }
0x2a1: {  	v1 =	vld [tilespmem:s15+$0x290];
	_ =	sdelay $0x4  }
0x2a2: {  	v2 =	vshra.s32 v1, $0x1  }
0x2a3: {  	v1 =	vand.u32 $0x7FF, v1;
	v2 =	vand.u32 $0xFFFFF800, v2  }
0x2a4: {  	v1 =	vor.u32 v1, v2  }
0x2a5: {  	[tilespmem:$0x6490] =	vst v1  }
0x2a6: {  	v1 =	vld [tilespmem:s15+$0x2A0];
	_ =	sdelay $0x4  }
0x2a7: {  	v2 =	vshra.s32 v1, $0x1  }
0x2a8: {  	v1 =	vand.u32 $0x7FF, v1;
	v2 =	vand.u32 $0xFFFFF800, v2  }
0x2a9: {  	v1 =	vor.u32 v1, v2  }
0x2aa: {  	[tilespmem:$0x64A0] =	vst v1  }
0x2ab: {  	v1 =	vld [tilespmem:s15+$0x2B0];
	_ =	sdelay $0x4  }
0x2ac: {  	v2 =	vshra.s32 v1, $0x1  }
0x2ad: {  	v1 =	vand.u32 $0x7FF, v1;
	v2 =	vand.u32 $0xFFFFF800, v2  }
0x2ae: {  	v1 =	vor.u32 v1, v2  }
0x2af: {  	[tilespmem:$0x64B0] =	vst v1  }
0x2b0: {  	v1 =	vld [tilespmem:s15+$0x2C0];
	_ =	sdelay $0x4  }
0x2b1: {  	v2 =	vshra.s32 v1, $0x1  }
0x2b2: {  	v1 =	vand.u32 $0x7FF, v1;
	v2 =	vand.u32 $0xFFFFF800, v2  }
0x2b3: {  	v1 =	vor.u32 v1, v2  }
0x2b4: {  	[tilespmem:$0x64C0] =	vst v1  }
0x2b5: {  	v1 =	vld [tilespmem:s15+$0x2D0];
	_ =	sdelay $0x4  }
0x2b6: {  	v2 =	vshra.s32 v1, $0x1  }
0x2b7: {  	v1 =	vand.u32 $0x7FF, v1;
	v2 =	vand.u32 $0xFFFFF800, v2  }
0x2b8: {  	v1 =	vor.u32 v1, v2  }
0x2b9: {  	[tilespmem:$0x64D0] =	vst v1  }
0x2ba: {  	v1 =	vld [tilespmem:s15+$0x2E0];
	_ =	sdelay $0x4  }
0x2bb: {  	v2 =	vshra.s32 v1, $0x1  }
0x2bc: {  	v1 =	vand.u32 $0x7FF, v1;
	v2 =	vand.u32 $0xFFFFF800, v2  }
0x2bd: {  	v1 =	vor.u32 v1, v2  }
0x2be: {  	[tilespmem:$0x64E0] =	vst v1  }
0x2bf: {  	v1 =	vld [tilespmem:s15+$0x2F0];
	_ =	sdelay $0x4  }
0x2c0: {  	v2 =	vshra.s32 v1, $0x1  }
0x2c1: {  	v1 =	vand.u32 $0x7FF, v1;
	v2 =	vand.u32 $0xFFFFF800, v2  }
0x2c2: {  	v1 =	vor.u32 v1, v2  }
0x2c3: {  	s26 =	simm.s32 $0x6480;
	[tilespmem:$0x64F0] =	vst v1  }
0x2c4: {  	[tilespmem:s23], [sflag:$0x2] =	stream.indirect.gather [hbm4b:s5+s19], $0x80, s26, s19, $0xb8;
	[tilespmem:$0x1E600] =	vst v63  }
0x2c5: {  	_ =	swait.ge [sflag:s1], $0x4000  }
0x2c6: {  	[sflag:s1] =	ssyncset.done $0x0  }
0x2c7: {  	s18 =	sor.u32 $0x2, s7;
	[sflag:s1] =	ssyncadd.s32 $0xFFFFC000  }
0x2c8: {  	s30 =	sshll.u32 s18, $0x7;
	_ =	swait.ge [sflag:s11], $0x2000  }
0x2c9: {  	s13 =	simm.s32 $0x0;
	s0 =	sand.u32 $0x3FFFFF80, s30;
	[sflag:s11] =	ssyncset.done $0x0  }
0x2ca: {  	s20 =	simm.s32 $0x1AD80;
	s22 =	simm.s32 $0x0;
	v1 =	vmov s0;
	[sflag:s11] =	ssyncadd.s32 $0xFFFFE000  }
.LBB2_27:
0x2cb: {  	_ =	sdelay $0x2  }
0x2cc: {  	s0 =	sshll.u32 s22, $0x4  }
0x2cd: {  	v2 =	vld.idx.msk [tilespmem:v1+s0+$0x0 ss:$0x1], $0xffff;
	_ =	sdelay $0x3  }
0x2ce: {  	v3 =	vmov s0  }
0x2cf: {  	v3 =	vshll.u32 v3, $0x7;
	v2 =	vshrl.u32 v2, $0x5  }
0x2d0: {  	v3 =	vor.u32 v0, v3;
	v2 =	vand.u32 $0x40, v2  }
0x2d1: {  	s24 =	simm.s32 $0xF;
	v2 =	vor.u32 v3, v2  }
0x2d2: {  	s3 =	simm.s32 $0x1;
	v3 =	vor.u32 s24, v2  }
0x2d3: {  	s26 =	simm.s32 $0x2;
	v4 =	vor.u32 s3, v2  }
0x2d4: {  	v5 =	vor.u32 s26, v2;
	s3 =	simm.s32 $0x3  }
0x2d5: {  	s24 =	simm.s32 $0x4;
	v6 =	vor.u32 s3, v2  }
0x2d6: {  	s26 =	simm.s32 $0x5;
	v7 =	vor.u32 s24, v2  }
0x2d7: {  	v8 =	vor.u32 s26, v2;
	s3 =	simm.s32 $0x6;
	v9 =	vld.idx.msk [tilespmem:v3+s25+$0x0], $0xffff  }
0x2d8: {  	s24 =	simm.s32 $0x7;
	v10 =	vld.idx.msk [tilespmem:v4+s25+$0x0], $0xffff;
	v3 =	vor.u32 s3, v2  }
0x2d9: {  	s26 =	simm.s32 $0x8;
	v12 =	vld.idx.msk [tilespmem:v5+s25+$0x0], $0xffff;
	v5 =	vor.u32 s24, v2  }
0x2da: {  	s3 =	simm.s32 $0x9;
	v14 =	vld.idx.msk [tilespmem:v6+s25+$0x0], $0xffff;
	v6 =	vor.u32 s26, v2  }
0x2db: {  	s24 =	simm.s32 $0xA;
	v15 =	vld.idx.msk [tilespmem:v7+s25+$0x0], $0xffff;
	v7 =	vor.u32 s3, v2  }
0x2dc: {  	v4 =	vld.idx.msk [tilespmem:v8+s25+$0x0], $0xffff;
	v8 =	vor.u32 s24, v2;
	s26 =	simm.s32 $0xB  }
0x2dd: {  	s3 =	simm.s32 $0xC;
	v11 =	vor.u32 s26, v2;
	v3 =	vld.idx.msk [tilespmem:v3+s25+$0x0], $0xffff;
	[tilespmem:s20+$0x0] =	vst v9  }
0x2de: {  	s24 =	simm.s32 $0xD;
	v13 =	vor.u32 s3, v2;
	[tilespmem:s20+$0xFFFFF900] =	vst v10;
	v5 =	vld.idx.msk [tilespmem:v5+s25+$0x0], $0xffff  }
0x2df: {  	s26 =	simm.s32 $0xE;
	[tilespmem:s20+$0xFFFFF980] =	vst v12;
	v10 =	vor.u32 s24, v2;
	v6 =	vld.idx.msk [tilespmem:v6+s25+$0x0], $0xffff  }
0x2e0: {  	s30 =	simm.s32 $0x20;
	v12 =	vor.u32 s26, v2;
	[tilespmem:s20+$0xFFFFFA00] =	vst v14;
	v7 =	vld.idx.msk [tilespmem:v7+s25+$0x0], $0xffff  }
0x2e1: {  	s0 =	simm.s32 $0x1F;
	s24 =	simm.s32 $0x10;
	v9 =	vor.u32 s13, v2;
	s26 =	smov.u32 s20;
	[tilespmem:s20+$0xFFFFFA80] =	vst v15;
	v8 =	vld.idx.msk [tilespmem:v8+s25+$0x0], $0xffff  }
.LBB2_28:
0x2e2: {  	p0 =	slt.u32 s30, $0x30;
	s3 =	sadd.s32 $0x1, s24;
	v14 =	vor.u32 s0, v2;
	[tilespmem:s26+$0xFFFFFB00] =	vst v4;
	v4 =	vld.idx.msk [tilespmem:v11+s25+$0x0], $0xffff  }
0x2e3: {  	s0 =	sadd.s32 $0x2, s24;
	v11 =	vor.u32 s3, v2;
	[tilespmem:s26+$0xFFFFFB80] =	vst v3;
	v3 =	vld.idx.msk [tilespmem:v13+s25+$0x0], $0xffff  }
0x2e4: {  	v13 =	vor.u32 s0, v2;
	s0 =	sadd.s32 $0x3, s24;
	[tilespmem:s26+$0xFFFFFC00] =	vst v5;
	v5 =	vld.idx.msk [tilespmem:v10+s25+$0x0], $0xffff  }
0x2e5: {  	v10 =	vor.u32 s0, v2;
	s0 =	sadd.s32 $0x4, s24;
	[tilespmem:s26+$0xFFFFFC80] =	vst v6;
	v6 =	vld.idx.msk [tilespmem:v12+s25+$0x0], $0xffff  }
0x2e6: {  	v12 =	vor.u32 s0, v2;
	s0 =	sadd.s32 $0x5, s24;
	v9 =	vld.idx.msk [tilespmem:v9+s25+$0x0], $0xffff;
	[tilespmem:s26+$0xFFFFFD00] =	vst v7  }
0x2e7: {  	v7 =	vor.u32 s0, v2;
	s0 =	sadd.s32 $0x6, s24;
	v14 =	vld.idx.msk [tilespmem:v14+s25+$0x0], $0xffff;
	[tilespmem:s26+$0xFFFFFD80] =	vst v8  }
0x2e8: {  	v8 =	vld.idx.msk [tilespmem:v11+s25+$0x0], $0xffff;
	v11 =	vor.u32 s0, v2;
	s0 =	sadd.s32 $0x7, s24;
	[tilespmem:s26+$0xFFFFFE00] =	vst v4  }
0x2e9: {  	v15 =	vld.idx.msk [tilespmem:v13+s25+$0x0], $0xffff;
	v13 =	vor.u32 s0, v2;
	s0 =	sadd.s32 $0x8, s24;
	[tilespmem:s26+$0xFFFFFE80] =	vst v3  }
0x2ea: {  	v16 =	vld.idx.msk [tilespmem:v10+s25+$0x0], $0xffff;
	v10 =	vor.u32 s0, v2;
	s0 =	sadd.s32 $0x9, s24;
	[tilespmem:s26+$0xFFFFFF00] =	vst v5  }
0x2eb: {  	v17 =	vld.idx.msk [tilespmem:v12+s25+$0x0], $0xffff;
	v12 =	vor.u32 s0, v2;
	s0 =	sadd.s32 $0xA, s24;
	[tilespmem:s26+$0xFFFFFF80] =	vst v6  }
0x2ec: {  	v4 =	vld.idx.msk [tilespmem:v7+s25+$0x0], $0xffff;
	v18 =	vor.u32 s0, v2;
	s0 =	sadd.s32 $0xB, s24;
	[tilespmem:s26+$0xFFFFF880] =	vst v9;
	s26 =	sadd.s32 $0x800, s26  }
.Ltmp12:
0x2ed: {  	v3 =	vld.idx.msk [tilespmem:v11+s25+$0x0], $0xffff;
	v11 =	vor.u32 s0, v2;
	s0 =	sadd.s32 $0xC, s24;
	[tilespmem:s26+$0x0] =	vst v14;
	(pc) =	sbr.rel @p0 .LBB2_28-.Ltmp12, $4  }
0x2ee: {  	[tilespmem:s26+$0xFFFFF900] =	vst v8;
	v5 =	vld.idx.msk [tilespmem:v13+s25+$0x0], $0xffff;
	v13 =	vor.u32 s0, v2;
	s0 =	sadd.s32 $0xD, s24  }
0x2ef: {  	[tilespmem:s26+$0xFFFFF980] =	vst v15;
	v6 =	vld.idx.msk [tilespmem:v10+s25+$0x0], $0xffff;
	v10 =	vor.u32 s0, v2;
	s0 =	sadd.s32 $0xE, s24  }
0x2f0: {  	[tilespmem:s26+$0xFFFFFA00] =	vst v16;
	v7 =	vld.idx.msk [tilespmem:v12+s25+$0x0], $0xffff;
	v12 =	vor.u32 s0, v2  }
0x2f1: {  	v9 =	vor.u32 s24, v2;
	s24 =	smov.u32 s30;
	s0 =	sadd.s32 $0xF, s30;
	s30 =	sadd.s32 $0x10, s30;
	[tilespmem:s26+$0xFFFFFA80] =	vst v17;
	v8 =	vld.idx.msk [tilespmem:v18+s25+$0x0], $0xffff  }
0x2f2: {  	_ =	sdelay $0x2  }
0x2f3: {  	[tilespmem:s26+$0xFFFFFB00] =	vst v4  }
0x2f4: {  	s3 =	sadd.s32 $0x1, s24;
	v43 =	vor.u32 s0, v2;
	v11 =	vld.idx.msk [tilespmem:v11+s25+$0x0], $0xffff;
	[tilespmem:s26+$0xFFFFFB80] =	vst v3  }
0x2f5: {  	s30 =	sadd.s32 $0x2, s24;
	v13 =	vld.idx.msk [tilespmem:v13+s25+$0x0], $0xffff;
	v3 =	vor.u32 s3, v2;
	[tilespmem:s26+$0xFFFFFC00] =	vst v5  }
0x2f6: {  	v10 =	vld.idx.msk [tilespmem:v10+s25+$0x0], $0xffff;
	v44 =	vor.u32 s30, v2;
	s3 =	sadd.s32 $0x3, s24;
	[tilespmem:s26+$0xFFFFFC80] =	vst v6  }
0x2f7: {  	v12 =	vld.idx.msk [tilespmem:v12+s25+$0x0], $0xffff;
	s30 =	sadd.s32 $0x4, s24;
	v45 =	vor.u32 s3, v2;
	[tilespmem:s26+$0xFFFFFD00] =	vst v7  }
0x2f8: {  	v9 =	vld.idx.msk [tilespmem:v9+s25+$0x0], $0xffff;
	v46 =	vor.u32 s30, v2;
	s3 =	sadd.s32 $0x5, s24;
	[tilespmem:s26+$0xFFFFFD80] =	vst v8  }
0x2f9: {  	s30 =	sadd.s32 $0x6, s24;
	v47 =	vor.u32 s3, v2;
	v4 =	vld.idx.msk [tilespmem:v43+s25+$0x0], $0xffff;
	[tilespmem:s26+$0xFFFFFE00] =	vst v11  }
0x2fa: {  	v48 =	vor.u32 s30, v2;
	s3 =	sadd.s32 $0x7, s24;
	s30 =	sadd.s32 $0x8, s24;
	[tilespmem:s26+$0xFFFFFE80] =	vst v13;
	v3 =	vld.idx.msk [tilespmem:v3+s25+$0x0], $0xffff  }
0x2fb: {  	v49 =	vor.u32 s3, v2;
	v50 =	vor.u32 s30, v2;
	s3 =	sadd.s32 $0x9, s24;
	[tilespmem:s26+$0xFFFFFF00] =	vst v10;
	v5 =	vld.idx.msk [tilespmem:v44+s25+$0x0], $0xffff  }
0x2fc: {  	s30 =	sadd.s32 $0xA, s24;
	[tilespmem:s26+$0xFFFFFF80] =	vst v12;
	v51 =	vor.u32 s3, v2;
	v6 =	vld.idx.msk [tilespmem:v45+s25+$0x0], $0xffff  }
0x2fd: {  	[tilespmem:s26+$0xFFFFF880] =	vst v9;
	s3 =	sadd.s32 $0x800, s26;
	v52 =	vor.u32 s30, v2;
	v7 =	vld.idx.msk [tilespmem:v46+s25+$0x0], $0xffff  }
0x2fe: {  	s26 =	sadd.s32 $0xB, s24;
	v8 =	vld.idx.msk [tilespmem:v47+s25+$0x0], $0xffff;
	[tilespmem:s3+$0x0] =	vst v4  }
0x2ff: {  	s30 =	sadd.s32 $0xC, s24;
	v54 =	vor.u32 s26, v2;
	v53 =	vld.idx.msk [tilespmem:v48+s25+$0x0], $0xffff;
	[tilespmem:s3+$0xFFFFF900] =	vst v3  }
0x300: {  	v55 =	vor.u32 s30, v2;
	s30 =	sadd.s32 $0xE, s24;
	v56 =	vld.idx.msk [tilespmem:v50+s25+$0x0], $0xffff;
	[tilespmem:s3+$0xFFFFF980] =	vst v5  }
0x301: {  	s26 =	sadd.s32 $0xD, s24;
	v59 =	vor.u32 s30, v2;
	v58 =	vld.idx.msk [tilespmem:v51+s25+$0x0], $0xffff;
	[tilespmem:s3+$0xFFFFFA00] =	vst v6  }
0x302: {  	v57 =	vor.u32 s26, v2;
	v2 =	vor.u32 s24, v2;
	v60 =	vld.idx.msk [tilespmem:v52+s25+$0x0], $0xffff;
	[tilespmem:s3+$0xFFFFFA80] =	vst v7  }
0x303: {  	v3 =	vld.idx.msk [tilespmem:v49+s25+$0x0], $0xffff;
	[tilespmem:s3+$0xFFFFFB00] =	vst v8  }
0x304: {  	v61 =	vld.idx.msk [tilespmem:v54+s25+$0x0], $0xffff;
	[tilespmem:s3+$0xFFFFFB80] =	vst v53  }
0x305: {  	v62 =	vld.idx.msk [tilespmem:v55+s25+$0x0], $0xffff;
	[tilespmem:s3+$0xFFFFFC80] =	vst v56  }
0x306: {  	v63 =	vld.idx.msk [tilespmem:v59+s25+$0x0], $0xffff;
	[tilespmem:s3+$0xFFFFFD00] =	vst v58  }
0x307: {  	s22 =	sadd.s32 $0x1, s22;
	v2 =	vld.idx.msk [tilespmem:v2+s25+$0x0], $0xffff;
	[tilespmem:s3+$0xFFFFFD80] =	vst v60  }
0x308: {  	p0 =	sne.s32 s22, $0x8;
	[tilespmem:s3+$0xFFFFFC00] =	vst v3;
	v3 =	vld.idx.msk [tilespmem:v57+s25+$0x0], $0xffff  }
.Ltmp13:
0x309: {  	[tilespmem:s3+$0xFFFFFE00] =	vst v61;
	(pc) =	sbr.rel @p0 .LBB2_27-.Ltmp13, $4  }
0x30a: {  	[tilespmem:s3+$0xFFFFFE80] =	vst v62  }
0x30b: {  	[tilespmem:s3+$0xFFFFFF80] =	vst v63  }
0x30c: {  	[tilespmem:s3+$0xFFFFF880] =	vst v2  }
0x30d: {  	s20 =	sadd.s32 $0x10, s20;
	[tilespmem:s3+$0xFFFFFF00] =	vst v3  }
0x30e: {  	s0 =	sshll.u32 s18, $0x12  }
0x30f: {  	s0 =	sor.u32 s4, s0  }
0x310: {  	s0 =	sshrl.u32 s0, $0x3  }
0x311: {  	s3 =	simm.s32 $0x1A600;
	s0 =	sadd.s32 s2, s0  }
0x312: {  	[hbm4b:s0+s16] =	stream.strided.scatter [tilespmem:s3], [sflag:$0x7], $0x2000, s17, s16, $0x38;
	[tilespmem:$0x1E600] =	vst v63  }
0x313: {  	v1 =	vld [tilespmem:s15+$0x300];
	_ =	sdelay $0x4  }
0x314: {  	v2 =	vshra.s32 v1, $0x1  }
0x315: {  	v1 =	vand.u32 $0x7FF, v1;
	v2 =	vand.u32 $0xFFFFF800, v2  }
0x316: {  	v1 =	vor.u32 v1, v2  }
0x317: {  	[tilespmem:$0x6500] =	vst v1  }
0x318: {  	v1 =	vld [tilespmem:s15+$0x310];
	_ =	sdelay $0x4  }
0x319: {  	v2 =	vshra.s32 v1, $0x1  }
0x31a: {  	v1 =	vand.u32 $0x7FF, v1;
	v2 =	vand.u32 $0xFFFFF800, v2  }
0x31b: {  	v1 =	vor.u32 v1, v2  }
0x31c: {  	[tilespmem:$0x6510] =	vst v1  }
0x31d: {  	v1 =	vld [tilespmem:s15+$0x320];
	_ =	sdelay $0x4  }
0x31e: {  	v2 =	vshra.s32 v1, $0x1  }
0x31f: {  	v1 =	vand.u32 $0x7FF, v1;
	v2 =	vand.u32 $0xFFFFF800, v2  }
0x320: {  	v1 =	vor.u32 v1, v2  }
0x321: {  	[tilespmem:$0x6520] =	vst v1  }
0x322: {  	v1 =	vld [tilespmem:s15+$0x330];
	_ =	sdelay $0x4  }
0x323: {  	v2 =	vshra.s32 v1, $0x1  }
0x324: {  	v1 =	vand.u32 $0x7FF, v1;
	v2 =	vand.u32 $0xFFFFF800, v2  }
0x325: {  	v1 =	vor.u32 v1, v2  }
0x326: {  	[tilespmem:$0x6530] =	vst v1  }
0x327: {  	v1 =	vld [tilespmem:s15+$0x340];
	_ =	sdelay $0x4  }
0x328: {  	v2 =	vshra.s32 v1, $0x1  }
0x329: {  	v1 =	vand.u32 $0x7FF, v1;
	v2 =	vand.u32 $0xFFFFF800, v2  }
0x32a: {  	v1 =	vor.u32 v1, v2  }
0x32b: {  	[tilespmem:$0x6540] =	vst v1  }
0x32c: {  	v1 =	vld [tilespmem:s15+$0x350];
	_ =	sdelay $0x4  }
0x32d: {  	v2 =	vshra.s32 v1, $0x1  }
0x32e: {  	v1 =	vand.u32 $0x7FF, v1;
	v2 =	vand.u32 $0xFFFFF800, v2  }
0x32f: {  	v1 =	vor.u32 v1, v2  }
0x330: {  	[tilespmem:$0x6550] =	vst v1  }
0x331: {  	v1 =	vld [tilespmem:s15+$0x360];
	_ =	sdelay $0x4  }
0x332: {  	v2 =	vshra.s32 v1, $0x1  }
0x333: {  	v1 =	vand.u32 $0x7FF, v1;
	v2 =	vand.u32 $0xFFFFF800, v2  }
0x334: {  	v1 =	vor.u32 v1, v2  }
0x335: {  	[tilespmem:$0x6560] =	vst v1  }
0x336: {  	v1 =	vld [tilespmem:s15+$0x370];
	_ =	sdelay $0x4  }
0x337: {  	v2 =	vshra.s32 v1, $0x1  }
0x338: {  	v1 =	vand.u32 $0x7FF, v1;
	v2 =	vand.u32 $0xFFFFF800, v2  }
0x339: {  	v1 =	vor.u32 v1, v2  }
0x33a: {  	s26 =	simm.s32 $0x6500;
	[tilespmem:$0x6570] =	vst v1  }
0x33b: {  	[tilespmem:s25], [sflag:$0x3] =	stream.indirect.gather [hbm4b:s5+s19], $0x80, s26, s19, $0xb8;
	[tilespmem:$0x1E600] =	vst v63  }
0x33c: {  	_ =	swait.ge [sflag:s6], $0x4000  }
0x33d: {  	[sflag:s6] =	ssyncset.done $0x0  }
0x33e: {  	s7 =	sor.u32 $0x3, s7;
	[sflag:s6] =	ssyncadd.s32 $0xFFFFC000  }
0x33f: {  	s30 =	sshll.u32 s7, $0x7;
	_ =	swait.ge [sflag:s12], $0x2000  }
0x340: {  	s13 =	simm.s32 $0x0;
	s0 =	sand.u32 $0x3FFFFF80, s30;
	[sflag:s12] =	ssyncset.done $0x0  }
0x341: {  	s18 =	simm.s32 $0x1CD80;
	s20 =	simm.s32 $0x0;
	v1 =	vmov s0;
	[sflag:s12] =	ssyncadd.s32 $0xFFFFE000  }
.LBB2_31:
0x342: {  	_ =	sdelay $0x2  }
0x343: {  	s0 =	sshll.u32 s20, $0x4  }
0x344: {  	v2 =	vld.idx.msk [tilespmem:v1+s0+$0x0 ss:$0x1], $0xffff;
	_ =	sdelay $0x3  }
0x345: {  	v3 =	vmov s0  }
0x346: {  	v3 =	vshll.u32 v3, $0x7;
	v2 =	vshrl.u32 v2, $0x5  }
0x347: {  	v3 =	vor.u32 v0, v3;
	v2 =	vand.u32 $0x40, v2  }
0x348: {  	s22 =	simm.s32 $0xF;
	v2 =	vor.u32 v3, v2  }
0x349: {  	s3 =	simm.s32 $0x1;
	v3 =	vor.u32 s22, v2  }
0x34a: {  	s24 =	simm.s32 $0x2;
	v4 =	vor.u32 s3, v2  }
0x34b: {  	s26 =	simm.s32 $0x3;
	v5 =	vor.u32 s24, v2  }
0x34c: {  	s30 =	simm.s32 $0x4;
	v6 =	vor.u32 s26, v2  }
0x34d: {  	v7 =	vor.u32 s30, v2;
	s3 =	simm.s32 $0x5  }
0x34e: {  	s22 =	simm.s32 $0x6;
	v8 =	vor.u32 s3, v2;
	v9 =	vld.idx.msk [tilespmem:v3+s28+$0x0], $0xffff  }
0x34f: {  	s24 =	simm.s32 $0x7;
	v10 =	vld.idx.msk [tilespmem:v4+s28+$0x0], $0xffff;
	v3 =	vor.u32 s22, v2  }
0x350: {  	s26 =	simm.s32 $0x8;
	v12 =	vld.idx.msk [tilespmem:v5+s28+$0x0], $0xffff;
	v5 =	vor.u32 s24, v2  }
0x351: {  	s30 =	simm.s32 $0x9;
	v14 =	vld.idx.msk [tilespmem:v6+s28+$0x0], $0xffff;
	v6 =	vor.u32 s26, v2  }
0x352: {  	s3 =	simm.s32 $0xA;
	v15 =	vld.idx.msk [tilespmem:v7+s28+$0x0], $0xffff;
	v7 =	vor.u32 s30, v2  }
0x353: {  	s22 =	simm.s32 $0xB;
	v4 =	vld.idx.msk [tilespmem:v8+s28+$0x0], $0xffff;
	v8 =	vor.u32 s3, v2  }
0x354: {  	s24 =	simm.s32 $0xC;
	v11 =	vor.u32 s22, v2;
	v3 =	vld.idx.msk [tilespmem:v3+s28+$0x0], $0xffff;
	[tilespmem:s18+$0x0] =	vst v9  }
0x355: {  	s26 =	simm.s32 $0xD;
	v13 =	vor.u32 s24, v2;
	[tilespmem:s18+$0xFFFFF900] =	vst v10;
	v5 =	vld.idx.msk [tilespmem:v5+s28+$0x0], $0xffff  }
0x356: {  	s30 =	simm.s32 $0xE;
	[tilespmem:s18+$0xFFFFF980] =	vst v12;
	v6 =	vld.idx.msk [tilespmem:v6+s28+$0x0], $0xffff;
	v10 =	vor.u32 s26, v2  }
0x357: {  	s0 =	simm.s32 $0x1F;
	[tilespmem:s18+$0xFFFFFA00] =	vst v14;
	v7 =	vld.idx.msk [tilespmem:v7+s28+$0x0], $0xffff;
	v12 =	vor.u32 s30, v2  }
0x358: {  	s22 =	simm.s32 $0x10;
	s24 =	smov.u32 s18;
	s26 =	simm.s32 $0x20;
	v9 =	vor.u32 s13, v2;
	[tilespmem:s18+$0xFFFFFA80] =	vst v15;
	v8 =	vld.idx.msk [tilespmem:v8+s28+$0x0], $0xffff  }
.LBB2_32:
0x359: {  	p0 =	slt.u32 s26, $0x30;
	s3 =	sadd.s32 $0x1, s22;
	v14 =	vor.u32 s0, v2;
	[tilespmem:s24+$0xFFFFFB00] =	vst v4;
	v4 =	vld.idx.msk [tilespmem:v11+s28+$0x0], $0xffff  }
0x35a: {  	s0 =	sadd.s32 $0x2, s22;
	v11 =	vor.u32 s3, v2;
	[tilespmem:s24+$0xFFFFFB80] =	vst v3;
	v3 =	vld.idx.msk [tilespmem:v13+s28+$0x0], $0xffff  }
0x35b: {  	v13 =	vor.u32 s0, v2;
	s0 =	sadd.s32 $0x3, s22;
	[tilespmem:s24+$0xFFFFFC00] =	vst v5;
	v5 =	vld.idx.msk [tilespmem:v10+s28+$0x0], $0xffff  }
0x35c: {  	v10 =	vor.u32 s0, v2;
	s0 =	sadd.s32 $0x4, s22;
	[tilespmem:s24+$0xFFFFFC80] =	vst v6;
	v6 =	vld.idx.msk [tilespmem:v12+s28+$0x0], $0xffff  }
0x35d: {  	v12 =	vor.u32 s0, v2;
	s0 =	sadd.s32 $0x5, s22;
	v9 =	vld.idx.msk [tilespmem:v9+s28+$0x0], $0xffff;
	[tilespmem:s24+$0xFFFFFD00] =	vst v7  }
0x35e: {  	v7 =	vor.u32 s0, v2;
	s0 =	sadd.s32 $0x6, s22;
	v14 =	vld.idx.msk [tilespmem:v14+s28+$0x0], $0xffff;
	[tilespmem:s24+$0xFFFFFD80] =	vst v8  }
0x35f: {  	v8 =	vld.idx.msk [tilespmem:v11+s28+$0x0], $0xffff;
	v11 =	vor.u32 s0, v2;
	s0 =	sadd.s32 $0x7, s22;
	[tilespmem:s24+$0xFFFFFE00] =	vst v4  }
0x360: {  	v15 =	vld.idx.msk [tilespmem:v13+s28+$0x0], $0xffff;
	v13 =	vor.u32 s0, v2;
	s0 =	sadd.s32 $0x8, s22;
	[tilespmem:s24+$0xFFFFFE80] =	vst v3  }
0x361: {  	v16 =	vld.idx.msk [tilespmem:v10+s28+$0x0], $0xffff;
	v10 =	vor.u32 s0, v2;
	s0 =	sadd.s32 $0x9, s22;
	[tilespmem:s24+$0xFFFFFF00] =	vst v5  }
0x362: {  	v17 =	vld.idx.msk [tilespmem:v12+s28+$0x0], $0xffff;
	v12 =	vor.u32 s0, v2;
	s0 =	sadd.s32 $0xA, s22;
	[tilespmem:s24+$0xFFFFFF80] =	vst v6  }
0x363: {  	v4 =	vld.idx.msk [tilespmem:v7+s28+$0x0], $0xffff;
	v18 =	vor.u32 s0, v2;
	s0 =	sadd.s32 $0xB, s22;
	[tilespmem:s24+$0xFFFFF880] =	vst v9;
	s24 =	sadd.s32 $0x800, s24  }
.Ltmp14:
0x364: {  	v3 =	vld.idx.msk [tilespmem:v11+s28+$0x0], $0xffff;
	v11 =	vor.u32 s0, v2;
	s0 =	sadd.s32 $0xC, s22;
	[tilespmem:s24+$0x0] =	vst v14;
	(pc) =	sbr.rel @p0 .LBB2_32-.Ltmp14, $4  }
0x365: {  	[tilespmem:s24+$0xFFFFF900] =	vst v8;
	v5 =	vld.idx.msk [tilespmem:v13+s28+$0x0], $0xffff;
	v13 =	vor.u32 s0, v2;
	s0 =	sadd.s32 $0xD, s22  }
0x366: {  	[tilespmem:s24+$0xFFFFF980] =	vst v15;
	v6 =	vld.idx.msk [tilespmem:v10+s28+$0x0], $0xffff;
	v10 =	vor.u32 s0, v2;
	s0 =	sadd.s32 $0xE, s22  }
0x367: {  	[tilespmem:s24+$0xFFFFFA00] =	vst v16;
	v7 =	vld.idx.msk [tilespmem:v12+s28+$0x0], $0xffff;
	v12 =	vor.u32 s0, v2  }
0x368: {  	v9 =	vor.u32 s22, v2;
	s22 =	smov.u32 s26;
	s0 =	sadd.s32 $0xF, s26;
	s26 =	sadd.s32 $0x10, s26;
	[tilespmem:s24+$0xFFFFFA80] =	vst v17;
	v8 =	vld.idx.msk [tilespmem:v18+s28+$0x0], $0xffff  }
0x369: {  	_ =	sdelay $0x2  }
0x36a: {  	[tilespmem:s24+$0xFFFFFB00] =	vst v4  }
0x36b: {  	s3 =	sadd.s32 $0x1, s22;
	v43 =	vor.u32 s0, v2;
	v11 =	vld.idx.msk [tilespmem:v11+s28+$0x0], $0xffff;
	[tilespmem:s24+$0xFFFFFB80] =	vst v3  }
0x36c: {  	s30 =	sadd.s32 $0x2, s22;
	v13 =	vld.idx.msk [tilespmem:v13+s28+$0x0], $0xffff;
	v3 =	vor.u32 s3, v2;
	[tilespmem:s24+$0xFFFFFC00] =	vst v5  }
0x36d: {  	v10 =	vld.idx.msk [tilespmem:v10+s28+$0x0], $0xffff;
	s26 =	sadd.s32 $0x4, s22;
	v44 =	vor.u32 s30, v2;
	[tilespmem:s24+$0xFFFFFC80] =	vst v6  }
0x36e: {  	v12 =	vld.idx.msk [tilespmem:v12+s28+$0x0], $0xffff;
	s3 =	sadd.s32 $0x3, s22;
	v46 =	vor.u32 s26, v2;
	[tilespmem:s24+$0xFFFFFD00] =	vst v7  }
0x36f: {  	v9 =	vld.idx.msk [tilespmem:v9+s28+$0x0], $0xffff;
	s30 =	sadd.s32 $0x5, s22;
	v45 =	vor.u32 s3, v2;
	[tilespmem:s24+$0xFFFFFD80] =	vst v8  }
0x370: {  	v47 =	vor.u32 s30, v2;
	s3 =	sadd.s32 $0x6, s22;
	v4 =	vld.idx.msk [tilespmem:v43+s28+$0x0], $0xffff;
	[tilespmem:s24+$0xFFFFFE00] =	vst v11  }
0x371: {  	s26 =	sadd.s32 $0x7, s22;
	s30 =	sadd.s32 $0x8, s22;
	v48 =	vor.u32 s3, v2;
	[tilespmem:s24+$0xFFFFFE80] =	vst v13;
	v3 =	vld.idx.msk [tilespmem:v3+s28+$0x0], $0xffff  }
0x372: {  	v49 =	vor.u32 s26, v2;
	s26 =	sadd.s32 $0xA, s22;
	v50 =	vor.u32 s30, v2;
	[tilespmem:s24+$0xFFFFFF00] =	vst v10;
	v5 =	vld.idx.msk [tilespmem:v44+s28+$0x0], $0xffff  }
0x373: {  	s3 =	sadd.s32 $0x9, s22;
	v52 =	vor.u32 s26, v2;
	[tilespmem:s24+$0xFFFFFF80] =	vst v12;
	v7 =	vld.idx.msk [tilespmem:v46+s28+$0x0], $0xffff  }
0x374: {  	v51 =	vor.u32 s3, v2;
	s3 =	sadd.s32 $0x800, s24;
	[tilespmem:s24+$0xFFFFF880] =	vst v9;
	v6 =	vld.idx.msk [tilespmem:v45+s28+$0x0], $0xffff  }
0x375: {  	s30 =	sadd.s32 $0xB, s22;
	v8 =	vld.idx.msk [tilespmem:v47+s28+$0x0], $0xffff;
	[tilespmem:s3+$0x0] =	vst v4  }
0x376: {  	v54 =	vor.u32 s30, v2;
	s30 =	sadd.s32 $0xE, s22;
	v53 =	vld.idx.msk [tilespmem:v48+s28+$0x0], $0xffff;
	[tilespmem:s3+$0xFFFFF900] =	vst v3  }
0x377: {  	s24 =	sadd.s32 $0xC, s22;
	v59 =	vor.u32 s30, v2;
	v56 =	vld.idx.msk [tilespmem:v50+s28+$0x0], $0xffff;
	[tilespmem:s3+$0xFFFFF980] =	vst v5  }
0x378: {  	s26 =	sadd.s32 $0xD, s22;
	v55 =	vor.u32 s24, v2;
	v60 =	vld.idx.msk [tilespmem:v52+s28+$0x0], $0xffff;
	[tilespmem:s3+$0xFFFFFA80] =	vst v7  }
0x379: {  	v57 =	vor.u32 s26, v2;
	v2 =	vor.u32 s22, v2;
	v58 =	vld.idx.msk [tilespmem:v51+s28+$0x0], $0xffff;
	[tilespmem:s3+$0xFFFFFA00] =	vst v6  }
0x37a: {  	v3 =	vld.idx.msk [tilespmem:v49+s28+$0x0], $0xffff;
	[tilespmem:s3+$0xFFFFFB00] =	vst v8  }
0x37b: {  	v61 =	vld.idx.msk [tilespmem:v54+s28+$0x0], $0xffff;
	[tilespmem:s3+$0xFFFFFB80] =	vst v53  }
0x37c: {  	v63 =	vld.idx.msk [tilespmem:v59+s28+$0x0], $0xffff;
	[tilespmem:s3+$0xFFFFFC80] =	vst v56  }
0x37d: {  	v62 =	vld.idx.msk [tilespmem:v55+s28+$0x0], $0xffff;
	[tilespmem:s3+$0xFFFFFD80] =	vst v60  }
0x37e: {  	s20 =	sadd.s32 $0x1, s20;
	v2 =	vld.idx.msk [tilespmem:v2+s28+$0x0], $0xffff;
	[tilespmem:s3+$0xFFFFFD00] =	vst v58  }
0x37f: {  	p0 =	sne.s32 s20, $0x8;
	[tilespmem:s3+$0xFFFFFC00] =	vst v3;
	v3 =	vld.idx.msk [tilespmem:v57+s28+$0x0], $0xffff  }
.Ltmp15:
0x380: {  	[tilespmem:s3+$0xFFFFFE00] =	vst v61;
	(pc) =	sbr.rel @p0 .LBB2_31-.Ltmp15, $4  }
0x381: {  	[tilespmem:s3+$0xFFFFFF80] =	vst v63  }
0x382: {  	[tilespmem:s3+$0xFFFFFE80] =	vst v62  }
0x383: {  	[tilespmem:s3+$0xFFFFF880] =	vst v2  }
0x384: {  	s18 =	sadd.s32 $0x10, s18;
	[tilespmem:s3+$0xFFFFFF00] =	vst v3  }
0x385: {  	s0 =	sshll.u32 s7, $0x12  }
0x386: {  	s0 =	sor.u32 s4, s0  }
0x387: {  	s0 =	sshrl.u32 s0, $0x3  }
0x388: {  	s0 =	sadd.s32 s2, s0  }
0x389: {  	[hbm4b:s0+s16] =	stream.strided.scatter [tilespmem:s8], [sflag:$0x8], $0x2000, s17, s16, $0x38;
	[tilespmem:$0x1E600] =	vst v63  }
0x38a: {  	v1 =	vld [tilespmem:s15+$0x380];
	_ =	sdelay $0x4  }
0x38b: {  	v2 =	vshra.s32 v1, $0x1  }
0x38c: {  	v1 =	vand.u32 $0x7FF, v1;
	v2 =	vand.u32 $0xFFFFF800, v2  }
0x38d: {  	v1 =	vor.u32 v1, v2  }
0x38e: {  	[tilespmem:$0x6580] =	vst v1  }
0x38f: {  	v1 =	vld [tilespmem:s15+$0x390];
	_ =	sdelay $0x4  }
0x390: {  	v2 =	vshra.s32 v1, $0x1  }
0x391: {  	v1 =	vand.u32 $0x7FF, v1;
	v2 =	vand.u32 $0xFFFFF800, v2  }
0x392: {  	v1 =	vor.u32 v1, v2  }
0x393: {  	[tilespmem:$0x6590] =	vst v1  }
0x394: {  	v1 =	vld [tilespmem:s15+$0x3A0];
	_ =	sdelay $0x4  }
0x395: {  	v2 =	vshra.s32 v1, $0x1  }
0x396: {  	v1 =	vand.u32 $0x7FF, v1;
	v2 =	vand.u32 $0xFFFFF800, v2  }
0x397: {  	v1 =	vor.u32 v1, v2  }
0x398: {  	[tilespmem:$0x65A0] =	vst v1  }
0x399: {  	v1 =	vld [tilespmem:s15+$0x3B0];
	_ =	sdelay $0x4  }
0x39a: {  	v2 =	vshra.s32 v1, $0x1  }
0x39b: {  	v1 =	vand.u32 $0x7FF, v1;
	v2 =	vand.u32 $0xFFFFF800, v2  }
0x39c: {  	v1 =	vor.u32 v1, v2  }
0x39d: {  	[tilespmem:$0x65B0] =	vst v1  }
0x39e: {  	v1 =	vld [tilespmem:s15+$0x3C0];
	_ =	sdelay $0x4  }
0x39f: {  	v2 =	vshra.s32 v1, $0x1  }
0x3a0: {  	v1 =	vand.u32 $0x7FF, v1;
	v2 =	vand.u32 $0xFFFFF800, v2  }
0x3a1: {  	v1 =	vor.u32 v1, v2  }
0x3a2: {  	[tilespmem:$0x65C0] =	vst v1  }
0x3a3: {  	v1 =	vld [tilespmem:s15+$0x3D0];
	_ =	sdelay $0x4  }
0x3a4: {  	v2 =	vshra.s32 v1, $0x1  }
0x3a5: {  	v1 =	vand.u32 $0x7FF, v1;
	v2 =	vand.u32 $0xFFFFF800, v2  }
0x3a6: {  	v1 =	vor.u32 v1, v2  }
0x3a7: {  	[tilespmem:$0x65D0] =	vst v1  }
0x3a8: {  	v1 =	vld [tilespmem:s15+$0x3E0];
	_ =	sdelay $0x4  }
0x3a9: {  	v2 =	vshra.s32 v1, $0x1  }
0x3aa: {  	v1 =	vand.u32 $0x7FF, v1;
	v2 =	vand.u32 $0xFFFFF800, v2  }
0x3ab: {  	v1 =	vor.u32 v1, v2  }
0x3ac: {  	[tilespmem:$0x65E0] =	vst v1  }
0x3ad: {  	v1 =	vld [tilespmem:s15+$0x3F0];
	_ =	sdelay $0x2  }
0x3ae: {  	s14 =	sadd.s32 $0x1, s14  }
0x3af: {  	p0 =	sne.s32 s14, $0x31  }
.Ltmp16:
0x3b0: {  	v2 =	vshra.s32 v1, $0x1;
	(pc) =	sbr.rel @p0 .LBB2_18-.Ltmp16, $4  }
0x3b1: {  	v1 =	vand.u32 $0x7FF, v1;
	v2 =	vand.u32 $0xFFFFF800, v2  }
0x3b2: {  	v1 =	vor.u32 v1, v2  }
0x3b3: {  	s30 =	simm.s32 $0x6580;
	[tilespmem:$0x65F0] =	vst v1  }
0x3b4: {  	[tilespmem:s28], [sflag:$0x4] =	stream.indirect.gather [hbm4b:s5+s19], $0x80, s30, s19, $0xb8;
	[tilespmem:$0x1E600] =	vst v63  }
0x3b5: {  	_ =	swait.ge [sflag:s29], $0x4000  }
0x3b6: {  	[sflag:s29] =	ssyncset.done $0x0  }
0x3b7: {  	[sflag:s29] =	ssyncadd.s32 $0xFFFFC000  }
0x3b8: {  	_ =	swait.ge [sflag:s9], $0x2000  }
0x3b9: {  	s7 =	simm.s32 $0x0;
	[sflag:s9] =	ssyncset.done $0x0  }
0x3ba: {  	s13 =	simm.s32 $0x16A00;
	s14 =	simm.s32 $0x0;
	[sflag:s9] =	ssyncadd.s32 $0xFFFFE000  }
.LBB2_36:
0x3bb: {  	s0 =	sshll.u32 s14, $0x4  }
0x3bc: {  	v1 =	vld [tilespmem:s0+$0x6200];
	_ =	sdelay $0x3  }
0x3bd: {  	v2 =	vmov s0  }
0x3be: {  	v2 =	vshll.u32 v2, $0x7;
	v1 =	vshrl.u32 v1, $0x5  }
0x3bf: {  	v2 =	vor.u32 v0, v2;
	v1 =	vand.u32 $0x40, v1  }
0x3c0: {  	s18 =	simm.s32 $0xF;
	v1 =	vor.u32 v2, v1  }
0x3c1: {  	s3 =	simm.s32 $0x1;
	v2 =	vor.u32 s18, v1  }
0x3c2: {  	s20 =	simm.s32 $0x2;
	v3 =	vor.u32 s3, v1  }
0x3c3: {  	s22 =	simm.s32 $0x3;
	v4 =	vor.u32 s20, v1  }
0x3c4: {  	s24 =	simm.s32 $0x4;
	v5 =	vor.u32 s22, v1  }
0x3c5: {  	s26 =	simm.s32 $0x5;
	v6 =	vor.u32 s24, v1  }
0x3c6: {  	s30 =	simm.s32 $0x6;
	v7 =	vor.u32 s26, v1;
	v8 =	vld.idx.msk [tilespmem:v2+s21+$0x0], $0xffff  }
0x3c7: {  	s3 =	simm.s32 $0x7;
	v9 =	vld.idx.msk [tilespmem:v3+s21+$0x0], $0xffff;
	v2 =	vor.u32 s30, v1  }
0x3c8: {  	s15 =	simm.s32 $0x8;
	v11 =	vld.idx.msk [tilespmem:v4+s21+$0x0], $0xffff;
	v4 =	vor.u32 s3, v1  }
0x3c9: {  	s18 =	simm.s32 $0x9;
	v13 =	vld.idx.msk [tilespmem:v5+s21+$0x0], $0xffff;
	v5 =	vor.u32 s15, v1  }
0x3ca: {  	s20 =	simm.s32 $0xA;
	v14 =	vld.idx.msk [tilespmem:v6+s21+$0x0], $0xffff;
	v6 =	vor.u32 s18, v1  }
0x3cb: {  	s22 =	simm.s32 $0xB;
	v3 =	vld.idx.msk [tilespmem:v7+s21+$0x0], $0xffff;
	v7 =	vor.u32 s20, v1  }
0x3cc: {  	s24 =	simm.s32 $0xC;
	v10 =	vor.u32 s22, v1;
	v2 =	vld.idx.msk [tilespmem:v2+s21+$0x0], $0xffff;
	[tilespmem:s13+$0x380] =	vst v8  }
0x3cd: {  	s26 =	simm.s32 $0xD;
	v12 =	vor.u32 s24, v1;
	[tilespmem:s13+$0xFFFFFC80] =	vst v9;
	v4 =	vld.idx.msk [tilespmem:v4+s21+$0x0], $0xffff  }
0x3ce: {  	s30 =	simm.s32 $0xE;
	[tilespmem:s13+$0xFFFFFD00] =	vst v11;
	v5 =	vld.idx.msk [tilespmem:v5+s21+$0x0], $0xffff;
	v9 =	vor.u32 s26, v1  }
0x3cf: {  	s0 =	simm.s32 $0x1F;
	[tilespmem:s13+$0xFFFFFD80] =	vst v13;
	v6 =	vld.idx.msk [tilespmem:v6+s21+$0x0], $0xffff;
	v11 =	vor.u32 s30, v1  }
0x3d0: {  	s15 =	simm.s32 $0x10;
	s20 =	simm.s32 $0x20;
	s18 =	smov.u32 s13;
	v8 =	vor.u32 s7, v1;
	[tilespmem:s13+$0xFFFFFE00] =	vst v14;
	v7 =	vld.idx.msk [tilespmem:v7+s21+$0x0], $0xffff  }
.LBB2_37:
0x3d1: {  	p0 =	slt.u32 s20, $0x30;
	s3 =	sadd.s32 $0x1, s15;
	v13 =	vor.u32 s0, v1;
	[tilespmem:s18+$0xFFFFFE80] =	vst v3;
	v3 =	vld.idx.msk [tilespmem:v10+s21+$0x0], $0xffff  }
0x3d2: {  	s0 =	sadd.s32 $0x2, s15;
	v10 =	vor.u32 s3, v1;
	[tilespmem:s18+$0xFFFFFF00] =	vst v2;
	v2 =	vld.idx.msk [tilespmem:v12+s21+$0x0], $0xffff  }
0x3d3: {  	v12 =	vor.u32 s0, v1;
	s0 =	sadd.s32 $0x3, s15;
	[tilespmem:s18+$0xFFFFFF80] =	vst v4;
	v4 =	vld.idx.msk [tilespmem:v9+s21+$0x0], $0xffff  }
0x3d4: {  	v9 =	vor.u32 s0, v1;
	s0 =	sadd.s32 $0x4, s15;
	[tilespmem:s18+$0x0] =	vst v5;
	v5 =	vld.idx.msk [tilespmem:v11+s21+$0x0], $0xffff  }
0x3d5: {  	v11 =	vor.u32 s0, v1;
	s0 =	sadd.s32 $0x5, s15;
	v8 =	vld.idx.msk [tilespmem:v8+s21+$0x0], $0xffff;
	[tilespmem:s18+$0x80] =	vst v6  }
0x3d6: {  	v6 =	vor.u32 s0, v1;
	s0 =	sadd.s32 $0x6, s15;
	v13 =	vld.idx.msk [tilespmem:v13+s21+$0x0], $0xffff;
	[tilespmem:s18+$0x100] =	vst v7  }
0x3d7: {  	v7 =	vld.idx.msk [tilespmem:v10+s21+$0x0], $0xffff;
	v10 =	vor.u32 s0, v1;
	s0 =	sadd.s32 $0x7, s15;
	[tilespmem:s18+$0x180] =	vst v3  }
0x3d8: {  	v14 =	vld.idx.msk [tilespmem:v12+s21+$0x0], $0xffff;
	v12 =	vor.u32 s0, v1;
	s0 =	sadd.s32 $0x8, s15;
	[tilespmem:s18+$0x200] =	vst v2  }
0x3d9: {  	v15 =	vld.idx.msk [tilespmem:v9+s21+$0x0], $0xffff;
	v9 =	vor.u32 s0, v1;
	s0 =	sadd.s32 $0x9, s15;
	[tilespmem:s18+$0x280] =	vst v4  }
0x3da: {  	v16 =	vld.idx.msk [tilespmem:v11+s21+$0x0], $0xffff;
	v11 =	vor.u32 s0, v1;
	s0 =	sadd.s32 $0xA, s15;
	[tilespmem:s18+$0x300] =	vst v5  }
0x3db: {  	v3 =	vld.idx.msk [tilespmem:v6+s21+$0x0], $0xffff;
	v17 =	vor.u32 s0, v1;
	s0 =	sadd.s32 $0xB, s15;
	[tilespmem:s18+$0xFFFFFC00] =	vst v8;
	s18 =	sadd.s32 $0x800, s18  }
.Ltmp17:
0x3dc: {  	v2 =	vld.idx.msk [tilespmem:v10+s21+$0x0], $0xffff;
	v10 =	vor.u32 s0, v1;
	s0 =	sadd.s32 $0xC, s15;
	[tilespmem:s18+$0x380] =	vst v13;
	(pc) =	sbr.rel @p0 .LBB2_37-.Ltmp17, $4  }
0x3dd: {  	[tilespmem:s18+$0xFFFFFC80] =	vst v7;
	v4 =	vld.idx.msk [tilespmem:v12+s21+$0x0], $0xffff;
	v12 =	vor.u32 s0, v1;
	s0 =	sadd.s32 $0xD, s15  }
0x3de: {  	[tilespmem:s18+$0xFFFFFD00] =	vst v14;
	v5 =	vld.idx.msk [tilespmem:v9+s21+$0x0], $0xffff;
	v9 =	vor.u32 s0, v1;
	s0 =	sadd.s32 $0xE, s15  }
0x3df: {  	[tilespmem:s18+$0xFFFFFD80] =	vst v15;
	v6 =	vld.idx.msk [tilespmem:v11+s21+$0x0], $0xffff;
	v11 =	vor.u32 s0, v1  }
0x3e0: {  	v8 =	vor.u32 s15, v1;
	s15 =	smov.u32 s20;
	s0 =	sadd.s32 $0xF, s20;
	s20 =	sadd.s32 $0x10, s20;
	[tilespmem:s18+$0xFFFFFE00] =	vst v16;
	v7 =	vld.idx.msk [tilespmem:v17+s21+$0x0], $0xffff  }
0x3e1: {  	_ =	sdelay $0x2  }
0x3e2: {  	[tilespmem:s18+$0xFFFFFE80] =	vst v3  }
0x3e3: {  	s3 =	sadd.s32 $0x1, s15;
	v3 =	vor.u32 s0, v1;
	v10 =	vld.idx.msk [tilespmem:v10+s21+$0x0], $0xffff;
	[tilespmem:s18+$0xFFFFFF00] =	vst v2  }
0x3e4: {  	s26 =	sadd.s32 $0x2, s15;
	v12 =	vld.idx.msk [tilespmem:v12+s21+$0x0], $0xffff;
	v2 =	vor.u32 s3, v1;
	[tilespmem:s18+$0xFFFFFF80] =	vst v4  }
0x3e5: {  	s30 =	sadd.s32 $0x3, s15;
	v9 =	vld.idx.msk [tilespmem:v9+s21+$0x0], $0xffff;
	v46 =	vor.u32 s26, v1;
	[tilespmem:s18+$0x0] =	vst v5  }
0x3e6: {  	v11 =	vld.idx.msk [tilespmem:v11+s21+$0x0], $0xffff;
	s20 =	sadd.s32 $0x5, s15;
	v47 =	vor.u32 s30, v1;
	[tilespmem:s18+$0x80] =	vst v6  }
0x3e7: {  	v8 =	vld.idx.msk [tilespmem:v8+s21+$0x0], $0xffff;
	s3 =	sadd.s32 $0x4, s15;
	v49 =	vor.u32 s20, v1;
	[tilespmem:s18+$0x100] =	vst v7  }
0x3e8: {  	s26 =	sadd.s32 $0x8, s15;
	v48 =	vor.u32 s3, v1;
	v3 =	vld.idx.msk [tilespmem:v3+s21+$0x0], $0xffff;
	[tilespmem:s18+$0x180] =	vst v10  }
0x3e9: {  	s22 =	sadd.s32 $0x6, s15;
	s30 =	sadd.s32 $0x9, s15;
	v52 =	vor.u32 s26, v1;
	[tilespmem:s18+$0x200] =	vst v12;
	v2 =	vld.idx.msk [tilespmem:v2+s21+$0x0], $0xffff  }
0x3ea: {  	v50 =	vor.u32 s22, v1;
	s22 =	sadd.s32 $0xB, s15;
	v53 =	vor.u32 s30, v1;
	[tilespmem:s18+$0x280] =	vst v9;
	v4 =	vld.idx.msk [tilespmem:v46+s21+$0x0], $0xffff  }
0x3eb: {  	v55 =	vor.u32 s22, v1;
	[tilespmem:s18+$0x300] =	vst v11;
	v5 =	vld.idx.msk [tilespmem:v47+s21+$0x0], $0xffff  }
0x3ec: {  	s24 =	sadd.s32 $0x7, s15;
	s20 =	sadd.s32 $0x800, s18;
	[tilespmem:s18+$0xFFFFFC00] =	vst v8;
	v7 =	vld.idx.msk [tilespmem:v49+s21+$0x0], $0xffff  }
0x3ed: {  	v51 =	vor.u32 s24, v1;
	s3 =	sadd.s32 $0xA, s15;
	v6 =	vld.idx.msk [tilespmem:v48+s21+$0x0], $0xffff;
	[tilespmem:s20+$0x380] =	vst v3  }
0x3ee: {  	s24 =	sadd.s32 $0xC, s15;
	s30 =	sadd.s32 $0xE, s15;
	v54 =	vor.u32 s3, v1;
	v57 =	vld.idx.msk [tilespmem:v52+s21+$0x0], $0xffff;
	[tilespmem:s20+$0xFFFFFC80] =	vst v2  }
0x3ef: {  	v56 =	vor.u32 s24, v1;
	s26 =	sadd.s32 $0xD, s15;
	v60 =	vor.u32 s30, v1;
	v59 =	vld.idx.msk [tilespmem:v53+s21+$0x0], $0xffff;
	[tilespmem:s20+$0xFFFFFD00] =	vst v4  }
0x3f0: {  	v58 =	vor.u32 s26, v1;
	v1 =	vor.u32 s15, v1;
	v62 =	vld.idx.msk [tilespmem:v55+s21+$0x0], $0xffff;
	[tilespmem:s20+$0xFFFFFD80] =	vst v5  }
0x3f1: {  	v3 =	vld.idx.msk [tilespmem:v50+s21+$0x0], $0xffff;
	[tilespmem:s20+$0xFFFFFE80] =	vst v7  }
0x3f2: {  	v2 =	vld.idx.msk [tilespmem:v51+s21+$0x0], $0xffff;
	[tilespmem:s20+$0xFFFFFE00] =	vst v6  }
0x3f3: {  	v61 =	vld.idx.msk [tilespmem:v54+s21+$0x0], $0xffff;
	[tilespmem:s20+$0x0] =	vst v57  }
0x3f4: {  	v63 =	vld.idx.msk [tilespmem:v60+s21+$0x0], $0xffff;
	[tilespmem:s20+$0x80] =	vst v59  }
0x3f5: {  	v1 =	vld.idx.msk [tilespmem:v1+s21+$0x0], $0xffff;
	[tilespmem:s20+$0x180] =	vst v62  }
0x3f6: {  	s14 =	sadd.s32 $0x1, s14;
	[tilespmem:s20+$0xFFFFFF00] =	vst v3;
	v3 =	vld.idx.msk [tilespmem:v56+s21+$0x0], $0xffff  }
0x3f7: {  	p0 =	sne.s32 s14, $0x8;
	[tilespmem:s20+$0xFFFFFF80] =	vst v2;
	v2 =	vld.idx.msk [tilespmem:v58+s21+$0x0], $0xffff  }
.Ltmp18:
0x3f8: {  	[tilespmem:s20+$0x100] =	vst v61;
	(pc) =	sbr.rel @p0 .LBB2_36-.Ltmp18, $4  }
0x3f9: {  	[tilespmem:s20+$0x300] =	vst v63  }
0x3fa: {  	[tilespmem:s20+$0xFFFFFC00] =	vst v1  }
0x3fb: {  	[tilespmem:s20+$0x200] =	vst v3  }
0x3fc: {  	s13 =	sadd.s32 $0x10, s13;
	[tilespmem:s20+$0x280] =	vst v2  }
0x3fd: {  	s0 =	rddreg [dreg:$0x9];
	s3 =	simm.s32 $0x16600  }
0x3fe: {  	[hbm4b:s0+s16] =	stream.strided.scatter [tilespmem:s3], [sflag:$0x5], $0x2000, s17, s16, $0x38;
	[tilespmem:$0x1E600] =	vst v63  }
0x3ff: {  	_ =	swait.ge [sflag:s31], $0x4000  }
0x400: {  	[sflag:s31] =	ssyncset.done $0x0  }
0x401: {  	[sflag:s31] =	ssyncadd.s32 $0xFFFFC000  }
0x402: {  	_ =	swait.ge [sflag:s10], $0x2000  }
0x403: {  	s7 =	simm.s32 $0x0;
	[sflag:s10] =	ssyncset.done $0x0  }
0x404: {  	s13 =	simm.s32 $0x18D80;
	s14 =	simm.s32 $0x0;
	[sflag:s10] =	ssyncadd.s32 $0xFFFFE000  }
.LBB2_40:
0x405: {  	s0 =	sshll.u32 s14, $0x4  }
0x406: {  	v1 =	vld [tilespmem:s0+$0x6280];
	_ =	sdelay $0x3  }
0x407: {  	v2 =	vmov s0  }
0x408: {  	v2 =	vshll.u32 v2, $0x7;
	v1 =	vshrl.u32 v1, $0x5  }
0x409: {  	v2 =	vor.u32 v0, v2;
	v1 =	vand.u32 $0x40, v1  }
0x40a: {  	s18 =	simm.s32 $0xF;
	v1 =	vor.u32 v2, v1  }
0x40b: {  	s3 =	simm.s32 $0x1;
	v2 =	vor.u32 s18, v1  }
0x40c: {  	s20 =	simm.s32 $0x2;
	v3 =	vor.u32 s3, v1  }
0x40d: {  	s22 =	simm.s32 $0x3;
	v4 =	vor.u32 s20, v1  }
0x40e: {  	s24 =	simm.s32 $0x4;
	v5 =	vor.u32 s22, v1  }
0x40f: {  	s26 =	simm.s32 $0x5;
	v6 =	vor.u32 s24, v1  }
0x410: {  	s30 =	simm.s32 $0x6;
	v7 =	vor.u32 s26, v1;
	v8 =	vld.idx.msk [tilespmem:v2+s23+$0x0], $0xffff  }
0x411: {  	s3 =	simm.s32 $0x7;
	v9 =	vld.idx.msk [tilespmem:v3+s23+$0x0], $0xffff;
	v2 =	vor.u32 s30, v1  }
0x412: {  	s15 =	simm.s32 $0x8;
	v11 =	vld.idx.msk [tilespmem:v4+s23+$0x0], $0xffff;
	v4 =	vor.u32 s3, v1  }
0x413: {  	s18 =	simm.s32 $0x9;
	v13 =	vld.idx.msk [tilespmem:v5+s23+$0x0], $0xffff;
	v5 =	vor.u32 s15, v1  }
0x414: {  	s20 =	simm.s32 $0xA;
	v14 =	vld.idx.msk [tilespmem:v6+s23+$0x0], $0xffff;
	v6 =	vor.u32 s18, v1  }
0x415: {  	s22 =	simm.s32 $0xB;
	v3 =	vld.idx.msk [tilespmem:v7+s23+$0x0], $0xffff;
	v7 =	vor.u32 s20, v1  }
0x416: {  	s24 =	simm.s32 $0xC;
	v10 =	vor.u32 s22, v1;
	v2 =	vld.idx.msk [tilespmem:v2+s23+$0x0], $0xffff;
	[tilespmem:s13+$0x0] =	vst v8  }
0x417: {  	s26 =	simm.s32 $0xD;
	v12 =	vor.u32 s24, v1;
	[tilespmem:s13+$0xFFFFF900] =	vst v9;
	v4 =	vld.idx.msk [tilespmem:v4+s23+$0x0], $0xffff  }
0x418: {  	s30 =	simm.s32 $0xE;
	[tilespmem:s13+$0xFFFFF980] =	vst v11;
	v5 =	vld.idx.msk [tilespmem:v5+s23+$0x0], $0xffff;
	v9 =	vor.u32 s26, v1  }
0x419: {  	s0 =	simm.s32 $0x1F;
	[tilespmem:s13+$0xFFFFFA00] =	vst v13;
	v6 =	vld.idx.msk [tilespmem:v6+s23+$0x0], $0xffff;
	v11 =	vor.u32 s30, v1  }
0x41a: {  	s15 =	simm.s32 $0x10;
	s20 =	simm.s32 $0x20;
	s18 =	smov.u32 s13;
	v8 =	vor.u32 s7, v1;
	[tilespmem:s13+$0xFFFFFA80] =	vst v14;
	v7 =	vld.idx.msk [tilespmem:v7+s23+$0x0], $0xffff  }
.LBB2_41:
0x41b: {  	p0 =	slt.u32 s20, $0x30;
	s3 =	sadd.s32 $0x1, s15;
	v13 =	vor.u32 s0, v1;
	[tilespmem:s18+$0xFFFFFB00] =	vst v3;
	v3 =	vld.idx.msk [tilespmem:v10+s23+$0x0], $0xffff  }
0x41c: {  	s0 =	sadd.s32 $0x2, s15;
	v10 =	vor.u32 s3, v1;
	[tilespmem:s18+$0xFFFFFB80] =	vst v2;
	v2 =	vld.idx.msk [tilespmem:v12+s23+$0x0], $0xffff  }
0x41d: {  	v12 =	vor.u32 s0, v1;
	s0 =	sadd.s32 $0x3, s15;
	[tilespmem:s18+$0xFFFFFC00] =	vst v4;
	v4 =	vld.idx.msk [tilespmem:v9+s23+$0x0], $0xffff  }
0x41e: {  	v9 =	vor.u32 s0, v1;
	s0 =	sadd.s32 $0x4, s15;
	[tilespmem:s18+$0xFFFFFC80] =	vst v5;
	v5 =	vld.idx.msk [tilespmem:v11+s23+$0x0], $0xffff  }
0x41f: {  	v11 =	vor.u32 s0, v1;
	s0 =	sadd.s32 $0x5, s15;
	v8 =	vld.idx.msk [tilespmem:v8+s23+$0x0], $0xffff;
	[tilespmem:s18+$0xFFFFFD00] =	vst v6  }
0x420: {  	v6 =	vor.u32 s0, v1;
	s0 =	sadd.s32 $0x6, s15;
	v13 =	vld.idx.msk [tilespmem:v13+s23+$0x0], $0xffff;
	[tilespmem:s18+$0xFFFFFD80] =	vst v7  }
0x421: {  	v7 =	vld.idx.msk [tilespmem:v10+s23+$0x0], $0xffff;
	v10 =	vor.u32 s0, v1;
	s0 =	sadd.s32 $0x7, s15;
	[tilespmem:s18+$0xFFFFFE00] =	vst v3  }
0x422: {  	v14 =	vld.idx.msk [tilespmem:v12+s23+$0x0], $0xffff;
	v12 =	vor.u32 s0, v1;
	s0 =	sadd.s32 $0x8, s15;
	[tilespmem:s18+$0xFFFFFE80] =	vst v2  }
0x423: {  	v15 =	vld.idx.msk [tilespmem:v9+s23+$0x0], $0xffff;
	v9 =	vor.u32 s0, v1;
	s0 =	sadd.s32 $0x9, s15;
	[tilespmem:s18+$0xFFFFFF00] =	vst v4  }
0x424: {  	v16 =	vld.idx.msk [tilespmem:v11+s23+$0x0], $0xffff;
	v11 =	vor.u32 s0, v1;
	s0 =	sadd.s32 $0xA, s15;
	[tilespmem:s18+$0xFFFFFF80] =	vst v5  }
0x425: {  	v3 =	vld.idx.msk [tilespmem:v6+s23+$0x0], $0xffff;
	v17 =	vor.u32 s0, v1;
	s0 =	sadd.s32 $0xB, s15;
	[tilespmem:s18+$0xFFFFF880] =	vst v8;
	s18 =	sadd.s32 $0x800, s18  }
.Ltmp19:
0x426: {  	v2 =	vld.idx.msk [tilespmem:v10+s23+$0x0], $0xffff;
	v10 =	vor.u32 s0, v1;
	s0 =	sadd.s32 $0xC, s15;
	[tilespmem:s18+$0x0] =	vst v13;
	(pc) =	sbr.rel @p0 .LBB2_41-.Ltmp19, $4  }
0x427: {  	[tilespmem:s18+$0xFFFFF900] =	vst v7;
	v4 =	vld.idx.msk [tilespmem:v12+s23+$0x0], $0xffff;
	v12 =	vor.u32 s0, v1;
	s0 =	sadd.s32 $0xD, s15  }
0x428: {  	[tilespmem:s18+$0xFFFFF980] =	vst v14;
	v5 =	vld.idx.msk [tilespmem:v9+s23+$0x0], $0xffff;
	v9 =	vor.u32 s0, v1;
	s0 =	sadd.s32 $0xE, s15  }
0x429: {  	[tilespmem:s18+$0xFFFFFA00] =	vst v15;
	v6 =	vld.idx.msk [tilespmem:v11+s23+$0x0], $0xffff;
	v11 =	vor.u32 s0, v1  }
0x42a: {  	v8 =	vor.u32 s15, v1;
	s15 =	smov.u32 s20;
	s0 =	sadd.s32 $0xF, s20;
	s20 =	sadd.s32 $0x10, s20;
	[tilespmem:s18+$0xFFFFFA80] =	vst v16;
	v7 =	vld.idx.msk [tilespmem:v17+s23+$0x0], $0xffff  }
0x42b: {  	_ =	sdelay $0x2  }
0x42c: {  	[tilespmem:s18+$0xFFFFFB00] =	vst v3  }
0x42d: {  	s3 =	sadd.s32 $0x1, s15;
	v3 =	vor.u32 s0, v1;
	v10 =	vld.idx.msk [tilespmem:v10+s23+$0x0], $0xffff;
	[tilespmem:s18+$0xFFFFFB80] =	vst v2  }
0x42e: {  	s26 =	sadd.s32 $0x2, s15;
	v12 =	vld.idx.msk [tilespmem:v12+s23+$0x0], $0xffff;
	v2 =	vor.u32 s3, v1;
	[tilespmem:s18+$0xFFFFFC00] =	vst v4  }
0x42f: {  	s30 =	sadd.s32 $0x3, s15;
	v9 =	vld.idx.msk [tilespmem:v9+s23+$0x0], $0xffff;
	v46 =	vor.u32 s26, v1;
	[tilespmem:s18+$0xFFFFFC80] =	vst v5  }
0x430: {  	v11 =	vld.idx.msk [tilespmem:v11+s23+$0x0], $0xffff;
	s20 =	sadd.s32 $0x5, s15;
	v47 =	vor.u32 s30, v1;
	[tilespmem:s18+$0xFFFFFD00] =	vst v6  }
0x431: {  	v8 =	vld.idx.msk [tilespmem:v8+s23+$0x0], $0xffff;
	s3 =	sadd.s32 $0x4, s15;
	v49 =	vor.u32 s20, v1;
	[tilespmem:s18+$0xFFFFFD80] =	vst v7  }
0x432: {  	s26 =	sadd.s32 $0x8, s15;
	v48 =	vor.u32 s3, v1;
	v3 =	vld.idx.msk [tilespmem:v3+s23+$0x0], $0xffff;
	[tilespmem:s18+$0xFFFFFE00] =	vst v10  }
0x433: {  	s22 =	sadd.s32 $0x6, s15;
	s30 =	sadd.s32 $0x9, s15;
	v52 =	vor.u32 s26, v1;
	[tilespmem:s18+$0xFFFFFE80] =	vst v12;
	v2 =	vld.idx.msk [tilespmem:v2+s23+$0x0], $0xffff  }
0x434: {  	v50 =	vor.u32 s22, v1;
	s22 =	sadd.s32 $0xB, s15;
	v53 =	vor.u32 s30, v1;
	[tilespmem:s18+$0xFFFFFF00] =	vst v9;
	v4 =	vld.idx.msk [tilespmem:v46+s23+$0x0], $0xffff  }
0x435: {  	v55 =	vor.u32 s22, v1;
	[tilespmem:s18+$0xFFFFFF80] =	vst v11;
	v5 =	vld.idx.msk [tilespmem:v47+s23+$0x0], $0xffff  }
0x436: {  	s24 =	sadd.s32 $0x7, s15;
	s20 =	sadd.s32 $0x800, s18;
	[tilespmem:s18+$0xFFFFF880] =	vst v8;
	v7 =	vld.idx.msk [tilespmem:v49+s23+$0x0], $0xffff  }
0x437: {  	v51 =	vor.u32 s24, v1;
	s3 =	sadd.s32 $0xA, s15;
	v6 =	vld.idx.msk [tilespmem:v48+s23+$0x0], $0xffff;
	[tilespmem:s20+$0x0] =	vst v3  }
0x438: {  	s24 =	sadd.s32 $0xC, s15;
	s30 =	sadd.s32 $0xE, s15;
	v54 =	vor.u32 s3, v1;
	v57 =	vld.idx.msk [tilespmem:v52+s23+$0x0], $0xffff;
	[tilespmem:s20+$0xFFFFF900] =	vst v2  }
0x439: {  	v56 =	vor.u32 s24, v1;
	s26 =	sadd.s32 $0xD, s15;
	v60 =	vor.u32 s30, v1;
	v59 =	vld.idx.msk [tilespmem:v53+s23+$0x0], $0xffff;
	[tilespmem:s20+$0xFFFFF980] =	vst v4  }
0x43a: {  	v58 =	vor.u32 s26, v1;
	v1 =	vor.u32 s15, v1;
	v62 =	vld.idx.msk [tilespmem:v55+s23+$0x0], $0xffff;
	[tilespmem:s20+$0xFFFFFA00] =	vst v5  }
0x43b: {  	v3 =	vld.idx.msk [tilespmem:v50+s23+$0x0], $0xffff;
	[tilespmem:s20+$0xFFFFFB00] =	vst v7  }
0x43c: {  	v2 =	vld.idx.msk [tilespmem:v51+s23+$0x0], $0xffff;
	[tilespmem:s20+$0xFFFFFA80] =	vst v6  }
0x43d: {  	v61 =	vld.idx.msk [tilespmem:v54+s23+$0x0], $0xffff;
	[tilespmem:s20+$0xFFFFFC80] =	vst v57  }
0x43e: {  	v63 =	vld.idx.msk [tilespmem:v60+s23+$0x0], $0xffff;
	[tilespmem:s20+$0xFFFFFD00] =	vst v59  }
0x43f: {  	v1 =	vld.idx.msk [tilespmem:v1+s23+$0x0], $0xffff;
	[tilespmem:s20+$0xFFFFFE00] =	vst v62  }
0x440: {  	s14 =	sadd.s32 $0x1, s14;
	[tilespmem:s20+$0xFFFFFB80] =	vst v3;
	v3 =	vld.idx.msk [tilespmem:v56+s23+$0x0], $0xffff  }
0x441: {  	p0 =	sne.s32 s14, $0x8;
	[tilespmem:s20+$0xFFFFFC00] =	vst v2;
	v2 =	vld.idx.msk [tilespmem:v58+s23+$0x0], $0xffff  }
.Ltmp20:
0x442: {  	[tilespmem:s20+$0xFFFFFD80] =	vst v61;
	(pc) =	sbr.rel @p0 .LBB2_40-.Ltmp20, $4  }
0x443: {  	[tilespmem:s20+$0xFFFFFF80] =	vst v63  }
0x444: {  	[tilespmem:s20+$0xFFFFF880] =	vst v1  }
0x445: {  	[tilespmem:s20+$0xFFFFFE80] =	vst v3  }
0x446: {  	s13 =	sadd.s32 $0x10, s13;
	[tilespmem:s20+$0xFFFFFF00] =	vst v2  }
0x447: {  	s0 =	rddreg [dreg:$0xa];
	s3 =	simm.s32 $0x18600  }
0x448: {  	[hbm4b:s0+s16] =	stream.strided.scatter [tilespmem:s3], [sflag:$0x6], $0x2000, s17, s16, $0x38;
	[tilespmem:$0x1E600] =	vst v63  }
0x449: {  	_ =	swait.ge [sflag:s1], $0x4000  }
0x44a: {  	[sflag:s1] =	ssyncset.done $0x0  }
0x44b: {  	[sflag:s1] =	ssyncadd.s32 $0xFFFFC000  }
0x44c: {  	_ =	swait.ge [sflag:s11], $0x2000  }
0x44d: {  	s7 =	simm.s32 $0x0;
	[sflag:s11] =	ssyncset.done $0x0  }
0x44e: {  	s13 =	simm.s32 $0x1AD80;
	s14 =	simm.s32 $0x0;
	[sflag:s11] =	ssyncadd.s32 $0xFFFFE000  }
.LBB2_44:
0x44f: {  	s0 =	sshll.u32 s14, $0x4  }
0x450: {  	v1 =	vld [tilespmem:s0+$0x6300];
	_ =	sdelay $0x3  }
0x451: {  	v2 =	vmov s0  }
0x452: {  	v2 =	vshll.u32 v2, $0x7;
	v1 =	vshrl.u32 v1, $0x5  }
0x453: {  	v2 =	vor.u32 v0, v2;
	v1 =	vand.u32 $0x40, v1  }
0x454: {  	s18 =	simm.s32 $0xF;
	v1 =	vor.u32 v2, v1  }
0x455: {  	s3 =	simm.s32 $0x1;
	v2 =	vor.u32 s18, v1  }
0x456: {  	s20 =	simm.s32 $0x2;
	v3 =	vor.u32 s3, v1  }
0x457: {  	s22 =	simm.s32 $0x3;
	v4 =	vor.u32 s20, v1  }
0x458: {  	s24 =	simm.s32 $0x4;
	v5 =	vor.u32 s22, v1  }
0x459: {  	s26 =	simm.s32 $0x5;
	v6 =	vor.u32 s24, v1  }
0x45a: {  	s30 =	simm.s32 $0x6;
	v7 =	vor.u32 s26, v1;
	v8 =	vld.idx.msk [tilespmem:v2+s25+$0x0], $0xffff  }
0x45b: {  	s3 =	simm.s32 $0x7;
	v9 =	vld.idx.msk [tilespmem:v3+s25+$0x0], $0xffff;
	v2 =	vor.u32 s30, v1  }
0x45c: {  	s15 =	simm.s32 $0x8;
	v11 =	vld.idx.msk [tilespmem:v4+s25+$0x0], $0xffff;
	v4 =	vor.u32 s3, v1  }
0x45d: {  	s18 =	simm.s32 $0x9;
	v13 =	vld.idx.msk [tilespmem:v5+s25+$0x0], $0xffff;
	v5 =	vor.u32 s15, v1  }
0x45e: {  	s20 =	simm.s32 $0xA;
	v14 =	vld.idx.msk [tilespmem:v6+s25+$0x0], $0xffff;
	v6 =	vor.u32 s18, v1  }
0x45f: {  	s22 =	simm.s32 $0xB;
	v3 =	vld.idx.msk [tilespmem:v7+s25+$0x0], $0xffff;
	v7 =	vor.u32 s20, v1  }
0x460: {  	s24 =	simm.s32 $0xC;
	v10 =	vor.u32 s22, v1;
	v2 =	vld.idx.msk [tilespmem:v2+s25+$0x0], $0xffff;
	[tilespmem:s13+$0x0] =	vst v8  }
0x461: {  	s26 =	simm.s32 $0xD;
	v12 =	vor.u32 s24, v1;
	[tilespmem:s13+$0xFFFFF900] =	vst v9;
	v4 =	vld.idx.msk [tilespmem:v4+s25+$0x0], $0xffff  }
0x462: {  	s30 =	simm.s32 $0xE;
	[tilespmem:s13+$0xFFFFF980] =	vst v11;
	v5 =	vld.idx.msk [tilespmem:v5+s25+$0x0], $0xffff;
	v9 =	vor.u32 s26, v1  }
0x463: {  	s0 =	simm.s32 $0x1F;
	[tilespmem:s13+$0xFFFFFA00] =	vst v13;
	v6 =	vld.idx.msk [tilespmem:v6+s25+$0x0], $0xffff;
	v11 =	vor.u32 s30, v1  }
0x464: {  	s15 =	simm.s32 $0x10;
	s20 =	simm.s32 $0x20;
	s18 =	smov.u32 s13;
	v8 =	vor.u32 s7, v1;
	[tilespmem:s13+$0xFFFFFA80] =	vst v14;
	v7 =	vld.idx.msk [tilespmem:v7+s25+$0x0], $0xffff  }
.LBB2_45:
0x465: {  	p0 =	slt.u32 s20, $0x30;
	s3 =	sadd.s32 $0x1, s15;
	v13 =	vor.u32 s0, v1;
	[tilespmem:s18+$0xFFFFFB00] =	vst v3;
	v3 =	vld.idx.msk [tilespmem:v10+s25+$0x0], $0xffff  }
0x466: {  	s0 =	sadd.s32 $0x2, s15;
	v10 =	vor.u32 s3, v1;
	[tilespmem:s18+$0xFFFFFB80] =	vst v2;
	v2 =	vld.idx.msk [tilespmem:v12+s25+$0x0], $0xffff  }
0x467: {  	v12 =	vor.u32 s0, v1;
	s0 =	sadd.s32 $0x3, s15;
	[tilespmem:s18+$0xFFFFFC00] =	vst v4;
	v4 =	vld.idx.msk [tilespmem:v9+s25+$0x0], $0xffff  }
0x468: {  	v9 =	vor.u32 s0, v1;
	s0 =	sadd.s32 $0x4, s15;
	[tilespmem:s18+$0xFFFFFC80] =	vst v5;
	v5 =	vld.idx.msk [tilespmem:v11+s25+$0x0], $0xffff  }
0x469: {  	v11 =	vor.u32 s0, v1;
	s0 =	sadd.s32 $0x5, s15;
	v8 =	vld.idx.msk [tilespmem:v8+s25+$0x0], $0xffff;
	[tilespmem:s18+$0xFFFFFD00] =	vst v6  }
0x46a: {  	v6 =	vor.u32 s0, v1;
	s0 =	sadd.s32 $0x6, s15;
	v13 =	vld.idx.msk [tilespmem:v13+s25+$0x0], $0xffff;
	[tilespmem:s18+$0xFFFFFD80] =	vst v7  }
0x46b: {  	v7 =	vld.idx.msk [tilespmem:v10+s25+$0x0], $0xffff;
	v10 =	vor.u32 s0, v1;
	s0 =	sadd.s32 $0x7, s15;
	[tilespmem:s18+$0xFFFFFE00] =	vst v3  }
0x46c: {  	v14 =	vld.idx.msk [tilespmem:v12+s25+$0x0], $0xffff;
	v12 =	vor.u32 s0, v1;
	s0 =	sadd.s32 $0x8, s15;
	[tilespmem:s18+$0xFFFFFE80] =	vst v2  }
0x46d: {  	v15 =	vld.idx.msk [tilespmem:v9+s25+$0x0], $0xffff;
	v9 =	vor.u32 s0, v1;
	s0 =	sadd.s32 $0x9, s15;
	[tilespmem:s18+$0xFFFFFF00] =	vst v4  }
0x46e: {  	v16 =	vld.idx.msk [tilespmem:v11+s25+$0x0], $0xffff;
	v11 =	vor.u32 s0, v1;
	s0 =	sadd.s32 $0xA, s15;
	[tilespmem:s18+$0xFFFFFF80] =	vst v5  }
0x46f: {  	v3 =	vld.idx.msk [tilespmem:v6+s25+$0x0], $0xffff;
	v17 =	vor.u32 s0, v1;
	s0 =	sadd.s32 $0xB, s15;
	[tilespmem:s18+$0xFFFFF880] =	vst v8;
	s18 =	sadd.s32 $0x800, s18  }
.Ltmp21:
0x470: {  	v2 =	vld.idx.msk [tilespmem:v10+s25+$0x0], $0xffff;
	v10 =	vor.u32 s0, v1;
	s0 =	sadd.s32 $0xC, s15;
	[tilespmem:s18+$0x0] =	vst v13;
	(pc) =	sbr.rel @p0 .LBB2_45-.Ltmp21, $4  }
0x471: {  	[tilespmem:s18+$0xFFFFF900] =	vst v7;
	v4 =	vld.idx.msk [tilespmem:v12+s25+$0x0], $0xffff;
	v12 =	vor.u32 s0, v1;
	s0 =	sadd.s32 $0xD, s15  }
0x472: {  	[tilespmem:s18+$0xFFFFF980] =	vst v14;
	v5 =	vld.idx.msk [tilespmem:v9+s25+$0x0], $0xffff;
	v9 =	vor.u32 s0, v1;
	s0 =	sadd.s32 $0xE, s15  }
0x473: {  	[tilespmem:s18+$0xFFFFFA00] =	vst v15;
	v6 =	vld.idx.msk [tilespmem:v11+s25+$0x0], $0xffff;
	v11 =	vor.u32 s0, v1  }
0x474: {  	v8 =	vor.u32 s15, v1;
	s15 =	smov.u32 s20;
	s0 =	sadd.s32 $0xF, s20;
	s20 =	sadd.s32 $0x10, s20;
	[tilespmem:s18+$0xFFFFFA80] =	vst v16;
	v7 =	vld.idx.msk [tilespmem:v17+s25+$0x0], $0xffff  }
0x475: {  	_ =	sdelay $0x2  }
0x476: {  	[tilespmem:s18+$0xFFFFFB00] =	vst v3  }
0x477: {  	s3 =	sadd.s32 $0x1, s15;
	v3 =	vor.u32 s0, v1;
	v10 =	vld.idx.msk [tilespmem:v10+s25+$0x0], $0xffff;
	[tilespmem:s18+$0xFFFFFB80] =	vst v2  }
0x478: {  	s26 =	sadd.s32 $0x2, s15;
	v12 =	vld.idx.msk [tilespmem:v12+s25+$0x0], $0xffff;
	v2 =	vor.u32 s3, v1;
	[tilespmem:s18+$0xFFFFFC00] =	vst v4  }
0x479: {  	s30 =	sadd.s32 $0x3, s15;
	v9 =	vld.idx.msk [tilespmem:v9+s25+$0x0], $0xffff;
	v46 =	vor.u32 s26, v1;
	[tilespmem:s18+$0xFFFFFC80] =	vst v5  }
0x47a: {  	v11 =	vld.idx.msk [tilespmem:v11+s25+$0x0], $0xffff;
	s20 =	sadd.s32 $0x5, s15;
	v47 =	vor.u32 s30, v1;
	[tilespmem:s18+$0xFFFFFD00] =	vst v6  }
0x47b: {  	v8 =	vld.idx.msk [tilespmem:v8+s25+$0x0], $0xffff;
	s3 =	sadd.s32 $0x4, s15;
	v49 =	vor.u32 s20, v1;
	[tilespmem:s18+$0xFFFFFD80] =	vst v7  }
0x47c: {  	s26 =	sadd.s32 $0x8, s15;
	v48 =	vor.u32 s3, v1;
	v3 =	vld.idx.msk [tilespmem:v3+s25+$0x0], $0xffff;
	[tilespmem:s18+$0xFFFFFE00] =	vst v10  }
0x47d: {  	s22 =	sadd.s32 $0x6, s15;
	s30 =	sadd.s32 $0x9, s15;
	v52 =	vor.u32 s26, v1;
	[tilespmem:s18+$0xFFFFFE80] =	vst v12;
	v2 =	vld.idx.msk [tilespmem:v2+s25+$0x0], $0xffff  }
0x47e: {  	v50 =	vor.u32 s22, v1;
	s22 =	sadd.s32 $0xB, s15;
	v53 =	vor.u32 s30, v1;
	[tilespmem:s18+$0xFFFFFF00] =	vst v9;
	v4 =	vld.idx.msk [tilespmem:v46+s25+$0x0], $0xffff  }
0x47f: {  	v55 =	vor.u32 s22, v1;
	[tilespmem:s18+$0xFFFFFF80] =	vst v11;
	v5 =	vld.idx.msk [tilespmem:v47+s25+$0x0], $0xffff  }
0x480: {  	s24 =	sadd.s32 $0x7, s15;
	s20 =	sadd.s32 $0x800, s18;
	[tilespmem:s18+$0xFFFFF880] =	vst v8;
	v7 =	vld.idx.msk [tilespmem:v49+s25+$0x0], $0xffff  }
0x481: {  	v51 =	vor.u32 s24, v1;
	s3 =	sadd.s32 $0xA, s15;
	v6 =	vld.idx.msk [tilespmem:v48+s25+$0x0], $0xffff;
	[tilespmem:s20+$0x0] =	vst v3  }
0x482: {  	s24 =	sadd.s32 $0xC, s15;
	s30 =	sadd.s32 $0xE, s15;
	v54 =	vor.u32 s3, v1;
	v57 =	vld.idx.msk [tilespmem:v52+s25+$0x0], $0xffff;
	[tilespmem:s20+$0xFFFFF900] =	vst v2  }
0x483: {  	v56 =	vor.u32 s24, v1;
	s26 =	sadd.s32 $0xD, s15;
	v60 =	vor.u32 s30, v1;
	v59 =	vld.idx.msk [tilespmem:v53+s25+$0x0], $0xffff;
	[tilespmem:s20+$0xFFFFF980] =	vst v4  }
0x484: {  	v58 =	vor.u32 s26, v1;
	v1 =	vor.u32 s15, v1;
	v62 =	vld.idx.msk [tilespmem:v55+s25+$0x0], $0xffff;
	[tilespmem:s20+$0xFFFFFA00] =	vst v5  }
0x485: {  	v3 =	vld.idx.msk [tilespmem:v50+s25+$0x0], $0xffff;
	[tilespmem:s20+$0xFFFFFB00] =	vst v7  }
0x486: {  	v2 =	vld.idx.msk [tilespmem:v51+s25+$0x0], $0xffff;
	[tilespmem:s20+$0xFFFFFA80] =	vst v6  }
0x487: {  	v61 =	vld.idx.msk [tilespmem:v54+s25+$0x0], $0xffff;
	[tilespmem:s20+$0xFFFFFC80] =	vst v57  }
0x488: {  	v63 =	vld.idx.msk [tilespmem:v60+s25+$0x0], $0xffff;
	[tilespmem:s20+$0xFFFFFD00] =	vst v59  }
0x489: {  	v1 =	vld.idx.msk [tilespmem:v1+s25+$0x0], $0xffff;
	[tilespmem:s20+$0xFFFFFE00] =	vst v62  }
0x48a: {  	s14 =	sadd.s32 $0x1, s14;
	[tilespmem:s20+$0xFFFFFB80] =	vst v3;
	v3 =	vld.idx.msk [tilespmem:v56+s25+$0x0], $0xffff  }
0x48b: {  	p0 =	sne.s32 s14, $0x8;
	[tilespmem:s20+$0xFFFFFC00] =	vst v2;
	v2 =	vld.idx.msk [tilespmem:v58+s25+$0x0], $0xffff  }
.Ltmp22:
0x48c: {  	[tilespmem:s20+$0xFFFFFD80] =	vst v61;
	(pc) =	sbr.rel @p0 .LBB2_44-.Ltmp22, $4  }
0x48d: {  	[tilespmem:s20+$0xFFFFFF80] =	vst v63  }
0x48e: {  	[tilespmem:s20+$0xFFFFF880] =	vst v1  }
0x48f: {  	[tilespmem:s20+$0xFFFFFE80] =	vst v3  }
0x490: {  	s13 =	sadd.s32 $0x10, s13;
	[tilespmem:s20+$0xFFFFFF00] =	vst v2  }
0x491: {  	s0 =	rddreg [dreg:$0xb];
	s3 =	simm.s32 $0x1A600  }
0x492: {  	[hbm4b:s0+s16] =	stream.strided.scatter [tilespmem:s3], [sflag:$0x7], $0x2000, s17, s16, $0x38;
	[tilespmem:$0x1E600] =	vst v63  }
0x493: {  	_ =	swait.ge [sflag:s6], $0x4000  }
0x494: {  	[sflag:s6] =	ssyncset.done $0x0  }
0x495: {  	[sflag:s6] =	ssyncadd.s32 $0xFFFFC000  }
0x496: {  	_ =	swait.ge [sflag:s12], $0x2000  }
0x497: {  	s7 =	simm.s32 $0x0;
	[sflag:s12] =	ssyncset.done $0x0  }
0x498: {  	s13 =	simm.s32 $0x1CD80;
	s14 =	simm.s32 $0x0;
	[sflag:s12] =	ssyncadd.s32 $0xFFFFE000  }
.LBB2_48:
0x499: {  	s0 =	sshll.u32 s14, $0x4  }
0x49a: {  	v1 =	vld [tilespmem:s0+$0x6380];
	_ =	sdelay $0x3  }
0x49b: {  	v2 =	vmov s0  }
0x49c: {  	v2 =	vshll.u32 v2, $0x7;
	v1 =	vshrl.u32 v1, $0x5  }
0x49d: {  	v2 =	vor.u32 v0, v2;
	v1 =	vand.u32 $0x40, v1  }
0x49e: {  	s18 =	simm.s32 $0xF;
	v1 =	vor.u32 v2, v1  }
0x49f: {  	s3 =	simm.s32 $0x1;
	v2 =	vor.u32 s18, v1  }
0x4a0: {  	s20 =	simm.s32 $0x2;
	v3 =	vor.u32 s3, v1  }
0x4a1: {  	s22 =	simm.s32 $0x3;
	v4 =	vor.u32 s20, v1  }
0x4a2: {  	s24 =	simm.s32 $0x4;
	v5 =	vor.u32 s22, v1  }
0x4a3: {  	s26 =	simm.s32 $0x5;
	v6 =	vor.u32 s24, v1  }
0x4a4: {  	s30 =	simm.s32 $0x6;
	v7 =	vor.u32 s26, v1;
	v8 =	vld.idx.msk [tilespmem:v2+s28+$0x0], $0xffff  }
0x4a5: {  	s3 =	simm.s32 $0x7;
	v9 =	vld.idx.msk [tilespmem:v3+s28+$0x0], $0xffff;
	v2 =	vor.u32 s30, v1  }
0x4a6: {  	s15 =	simm.s32 $0x8;
	v11 =	vld.idx.msk [tilespmem:v4+s28+$0x0], $0xffff;
	v4 =	vor.u32 s3, v1  }
0x4a7: {  	s18 =	simm.s32 $0x9;
	v13 =	vld.idx.msk [tilespmem:v5+s28+$0x0], $0xffff;
	v5 =	vor.u32 s15, v1  }
0x4a8: {  	s20 =	simm.s32 $0xA;
	v14 =	vld.idx.msk [tilespmem:v6+s28+$0x0], $0xffff;
	v6 =	vor.u32 s18, v1  }
0x4a9: {  	s22 =	simm.s32 $0xB;
	v3 =	vld.idx.msk [tilespmem:v7+s28+$0x0], $0xffff;
	v7 =	vor.u32 s20, v1  }
0x4aa: {  	s24 =	simm.s32 $0xC;
	v10 =	vor.u32 s22, v1;
	v2 =	vld.idx.msk [tilespmem:v2+s28+$0x0], $0xffff;
	[tilespmem:s13+$0x0] =	vst v8  }
0x4ab: {  	s26 =	simm.s32 $0xD;
	v12 =	vor.u32 s24, v1;
	[tilespmem:s13+$0xFFFFF900] =	vst v9;
	v4 =	vld.idx.msk [tilespmem:v4+s28+$0x0], $0xffff  }
0x4ac: {  	s30 =	simm.s32 $0xE;
	[tilespmem:s13+$0xFFFFF980] =	vst v11;
	v5 =	vld.idx.msk [tilespmem:v5+s28+$0x0], $0xffff;
	v9 =	vor.u32 s26, v1  }
0x4ad: {  	s0 =	simm.s32 $0x1F;
	[tilespmem:s13+$0xFFFFFA00] =	vst v13;
	v6 =	vld.idx.msk [tilespmem:v6+s28+$0x0], $0xffff;
	v11 =	vor.u32 s30, v1  }
0x4ae: {  	s15 =	simm.s32 $0x10;
	s20 =	simm.s32 $0x20;
	s18 =	smov.u32 s13;
	v8 =	vor.u32 s7, v1;
	[tilespmem:s13+$0xFFFFFA80] =	vst v14;
	v7 =	vld.idx.msk [tilespmem:v7+s28+$0x0], $0xffff  }
.LBB2_49:
0x4af: {  	p0 =	slt.u32 s20, $0x30;
	s3 =	sadd.s32 $0x1, s15;
	v13 =	vor.u32 s0, v1;
	[tilespmem:s18+$0xFFFFFB00] =	vst v3;
	v3 =	vld.idx.msk [tilespmem:v10+s28+$0x0], $0xffff  }
0x4b0: {  	s0 =	sadd.s32 $0x2, s15;
	v10 =	vor.u32 s3, v1;
	[tilespmem:s18+$0xFFFFFB80] =	vst v2;
	v2 =	vld.idx.msk [tilespmem:v12+s28+$0x0], $0xffff  }
0x4b1: {  	v12 =	vor.u32 s0, v1;
	s0 =	sadd.s32 $0x3, s15;
	[tilespmem:s18+$0xFFFFFC00] =	vst v4;
	v4 =	vld.idx.msk [tilespmem:v9+s28+$0x0], $0xffff  }
0x4b2: {  	v9 =	vor.u32 s0, v1;
	s0 =	sadd.s32 $0x4, s15;
	[tilespmem:s18+$0xFFFFFC80] =	vst v5;
	v5 =	vld.idx.msk [tilespmem:v11+s28+$0x0], $0xffff  }
0x4b3: {  	v11 =	vor.u32 s0, v1;
	s0 =	sadd.s32 $0x5, s15;
	v8 =	vld.idx.msk [tilespmem:v8+s28+$0x0], $0xffff;
	[tilespmem:s18+$0xFFFFFD00] =	vst v6  }
0x4b4: {  	v6 =	vor.u32 s0, v1;
	s0 =	sadd.s32 $0x6, s15;
	v13 =	vld.idx.msk [tilespmem:v13+s28+$0x0], $0xffff;
	[tilespmem:s18+$0xFFFFFD80] =	vst v7  }
0x4b5: {  	v7 =	vld.idx.msk [tilespmem:v10+s28+$0x0], $0xffff;
	v10 =	vor.u32 s0, v1;
	s0 =	sadd.s32 $0x7, s15;
	[tilespmem:s18+$0xFFFFFE00] =	vst v3  }
0x4b6: {  	v14 =	vld.idx.msk [tilespmem:v12+s28+$0x0], $0xffff;
	v12 =	vor.u32 s0, v1;
	s0 =	sadd.s32 $0x8, s15;
	[tilespmem:s18+$0xFFFFFE80] =	vst v2  }
0x4b7: {  	v15 =	vld.idx.msk [tilespmem:v9+s28+$0x0], $0xffff;
	v9 =	vor.u32 s0, v1;
	s0 =	sadd.s32 $0x9, s15;
	[tilespmem:s18+$0xFFFFFF00] =	vst v4  }
0x4b8: {  	v16 =	vld.idx.msk [tilespmem:v11+s28+$0x0], $0xffff;
	v11 =	vor.u32 s0, v1;
	s0 =	sadd.s32 $0xA, s15;
	[tilespmem:s18+$0xFFFFFF80] =	vst v5  }
0x4b9: {  	v3 =	vld.idx.msk [tilespmem:v6+s28+$0x0], $0xffff;
	v17 =	vor.u32 s0, v1;
	s0 =	sadd.s32 $0xB, s15;
	[tilespmem:s18+$0xFFFFF880] =	vst v8;
	s18 =	sadd.s32 $0x800, s18  }
.Ltmp23:
0x4ba: {  	v2 =	vld.idx.msk [tilespmem:v10+s28+$0x0], $0xffff;
	v10 =	vor.u32 s0, v1;
	s0 =	sadd.s32 $0xC, s15;
	[tilespmem:s18+$0x0] =	vst v13;
	(pc) =	sbr.rel @p0 .LBB2_49-.Ltmp23, $4  }
0x4bb: {  	[tilespmem:s18+$0xFFFFF900] =	vst v7;
	v4 =	vld.idx.msk [tilespmem:v12+s28+$0x0], $0xffff;
	v12 =	vor.u32 s0, v1;
	s0 =	sadd.s32 $0xD, s15  }
0x4bc: {  	[tilespmem:s18+$0xFFFFF980] =	vst v14;
	v5 =	vld.idx.msk [tilespmem:v9+s28+$0x0], $0xffff;
	v9 =	vor.u32 s0, v1;
	s0 =	sadd.s32 $0xE, s15  }
0x4bd: {  	[tilespmem:s18+$0xFFFFFA00] =	vst v15;
	v6 =	vld.idx.msk [tilespmem:v11+s28+$0x0], $0xffff;
	v11 =	vor.u32 s0, v1  }
0x4be: {  	v8 =	vor.u32 s15, v1;
	s15 =	smov.u32 s20;
	s0 =	sadd.s32 $0xF, s20;
	s20 =	sadd.s32 $0x10, s20;
	[tilespmem:s18+$0xFFFFFA80] =	vst v16;
	v7 =	vld.idx.msk [tilespmem:v17+s28+$0x0], $0xffff  }
0x4bf: {  	_ =	sdelay $0x2  }
0x4c0: {  	[tilespmem:s18+$0xFFFFFB00] =	vst v3  }
0x4c1: {  	s3 =	sadd.s32 $0x1, s15;
	v3 =	vor.u32 s0, v1;
	v10 =	vld.idx.msk [tilespmem:v10+s28+$0x0], $0xffff;
	[tilespmem:s18+$0xFFFFFB80] =	vst v2  }
0x4c2: {  	s26 =	sadd.s32 $0x2, s15;
	v12 =	vld.idx.msk [tilespmem:v12+s28+$0x0], $0xffff;
	v2 =	vor.u32 s3, v1;
	[tilespmem:s18+$0xFFFFFC00] =	vst v4  }
0x4c3: {  	s30 =	sadd.s32 $0x3, s15;
	v9 =	vld.idx.msk [tilespmem:v9+s28+$0x0], $0xffff;
	v46 =	vor.u32 s26, v1;
	[tilespmem:s18+$0xFFFFFC80] =	vst v5  }
0x4c4: {  	v11 =	vld.idx.msk [tilespmem:v11+s28+$0x0], $0xffff;
	s20 =	sadd.s32 $0x5, s15;
	v47 =	vor.u32 s30, v1;
	[tilespmem:s18+$0xFFFFFD00] =	vst v6  }
0x4c5: {  	v8 =	vld.idx.msk [tilespmem:v8+s28+$0x0], $0xffff;
	s3 =	sadd.s32 $0x4, s15;
	v49 =	vor.u32 s20, v1;
	[tilespmem:s18+$0xFFFFFD80] =	vst v7  }
0x4c6: {  	s26 =	sadd.s32 $0x8, s15;
	v48 =	vor.u32 s3, v1;
	v3 =	vld.idx.msk [tilespmem:v3+s28+$0x0], $0xffff;
	[tilespmem:s18+$0xFFFFFE00] =	vst v10  }
0x4c7: {  	s22 =	sadd.s32 $0x6, s15;
	s30 =	sadd.s32 $0x9, s15;
	v52 =	vor.u32 s26, v1;
	[tilespmem:s18+$0xFFFFFE80] =	vst v12;
	v2 =	vld.idx.msk [tilespmem:v2+s28+$0x0], $0xffff  }
0x4c8: {  	v50 =	vor.u32 s22, v1;
	s22 =	sadd.s32 $0xB, s15;
	v53 =	vor.u32 s30, v1;
	[tilespmem:s18+$0xFFFFFF00] =	vst v9;
	v4 =	vld.idx.msk [tilespmem:v46+s28+$0x0], $0xffff  }
0x4c9: {  	v55 =	vor.u32 s22, v1;
	[tilespmem:s18+$0xFFFFFF80] =	vst v11;
	v5 =	vld.idx.msk [tilespmem:v47+s28+$0x0], $0xffff  }
0x4ca: {  	s24 =	sadd.s32 $0x7, s15;
	s20 =	sadd.s32 $0x800, s18;
	[tilespmem:s18+$0xFFFFF880] =	vst v8;
	v7 =	vld.idx.msk [tilespmem:v49+s28+$0x0], $0xffff  }
0x4cb: {  	v51 =	vor.u32 s24, v1;
	s3 =	sadd.s32 $0xA, s15;
	v6 =	vld.idx.msk [tilespmem:v48+s28+$0x0], $0xffff;
	[tilespmem:s20+$0x0] =	vst v3  }
0x4cc: {  	s24 =	sadd.s32 $0xC, s15;
	s30 =	sadd.s32 $0xE, s15;
	v54 =	vor.u32 s3, v1;
	v57 =	vld.idx.msk [tilespmem:v52+s28+$0x0], $0xffff;
	[tilespmem:s20+$0xFFFFF900] =	vst v2  }
0x4cd: {  	v56 =	vor.u32 s24, v1;
	s26 =	sadd.s32 $0xD, s15;
	v60 =	vor.u32 s30, v1;
	v59 =	vld.idx.msk [tilespmem:v53+s28+$0x0], $0xffff;
	[tilespmem:s20+$0xFFFFF980] =	vst v4  }
0x4ce: {  	v58 =	vor.u32 s26, v1;
	v1 =	vor.u32 s15, v1;
	v62 =	vld.idx.msk [tilespmem:v55+s28+$0x0], $0xffff;
	[tilespmem:s20+$0xFFFFFA00] =	vst v5  }
0x4cf: {  	v3 =	vld.idx.msk [tilespmem:v50+s28+$0x0], $0xffff;
	[tilespmem:s20+$0xFFFFFB00] =	vst v7  }
0x4d0: {  	v2 =	vld.idx.msk [tilespmem:v51+s28+$0x0], $0xffff;
	[tilespmem:s20+$0xFFFFFA80] =	vst v6  }
0x4d1: {  	v61 =	vld.idx.msk [tilespmem:v54+s28+$0x0], $0xffff;
	[tilespmem:s20+$0xFFFFFC80] =	vst v57  }
0x4d2: {  	v63 =	vld.idx.msk [tilespmem:v60+s28+$0x0], $0xffff;
	[tilespmem:s20+$0xFFFFFD00] =	vst v59  }
0x4d3: {  	v1 =	vld.idx.msk [tilespmem:v1+s28+$0x0], $0xffff;
	[tilespmem:s20+$0xFFFFFE00] =	vst v62  }
0x4d4: {  	s14 =	sadd.s32 $0x1, s14;
	[tilespmem:s20+$0xFFFFFB80] =	vst v3;
	v3 =	vld.idx.msk [tilespmem:v56+s28+$0x0], $0xffff  }
0x4d5: {  	p0 =	sne.s32 s14, $0x8;
	[tilespmem:s20+$0xFFFFFC00] =	vst v2;
	v2 =	vld.idx.msk [tilespmem:v58+s28+$0x0], $0xffff  }
.Ltmp24:
0x4d6: {  	[tilespmem:s20+$0xFFFFFD80] =	vst v61;
	(pc) =	sbr.rel @p0 .LBB2_48-.Ltmp24, $4  }
0x4d7: {  	[tilespmem:s20+$0xFFFFFF80] =	vst v63  }
0x4d8: {  	[tilespmem:s20+$0xFFFFF880] =	vst v1  }
0x4d9: {  	[tilespmem:s20+$0xFFFFFE80] =	vst v3  }
0x4da: {  	s13 =	sadd.s32 $0x10, s13;
	[tilespmem:s20+$0xFFFFFF00] =	vst v2  }
0x4db: {  	s0 =	rddreg [dreg:$0xc]  }
0x4dc: {  	[hbm4b:s0+s16] =	stream.strided.scatter [tilespmem:s8], [sflag:$0x8], $0x2000, s17, s16, $0x38;
	[tilespmem:$0x1E600] =	vst v63  }
0x4dd: {  	_ =	swait.ge [sflag:s9], $0x2000  }
0x4de: {  	[sflag:s9] =	ssyncset.done $0x0  }
0x4df: {  	[sflag:s9] =	ssyncadd.s32 $0xFFFFE000  }
0x4e0: {  	_ =	swait.ge [sflag:s10], $0x2000  }
0x4e1: {  	[sflag:s10] =	ssyncset.done $0x0  }
0x4e2: {  	[sflag:s10] =	ssyncadd.s32 $0xFFFFE000  }
0x4e3: {  	_ =	swait.ge [sflag:s11], $0x2000  }
0x4e4: {  	[sflag:s11] =	ssyncset.done $0x0  }
0x4e5: {  	[sflag:s11] =	ssyncadd.s32 $0xFFFFE000  }
0x4e6: {  	_ =	swait.ge [sflag:s12], $0x2000  }
0x4e7: {  	s3 =	rddreg [dreg:$0xe]  }
0x4e8: {  	s30 =	rddreg [dreg:$0xd];
	s3 =	sadd.s32 $0x1, s3  }
0x4e9: {  	p0 =	sne.s32 s3, s30  }
.Ltmp25:
0x4ea: {  	_ = 	snop;
	(pc) =	sbr.rel @p0 .LBB2_1-.Ltmp25, $3  }
0x4eb: {  	_ =	sdelay $0x1  }
0x4ec: {  	[sflag:s12] =	ssyncset.done $0x0  }
0x4ed: {  	[sflag:s12] =	ssyncadd.s32 $0xFFFFE000  }
0x4ee: {  	_ =	sfence.sel $0x180000  }
0x4ef: {  	[bflag:$0x0] =	sbarrier.arrive $0xFFFF  }
0x4f0: {  	_ =	strace $0x90000047  }
0x4f1: {  	s0 =	stileid.u32;
	[bflag:$0x2] =	sbarrier.arrive $0xFFFF  }
0x4f2: {  	p0 =	sne.s32 s0, $0x0;
	s0 =	rddreg [dreg:$0x3]  }
0x4f3: {  	s0 =	sadd.s32 @!p0 $0x100000, s0  }
0x4f4: {  	[sflag:s0] =	ssyncadd.tile.s32 @!p0 $0x1;
	_ =	shalt  }
.Lfunc_end2:
_tile_overlayer_lowered:
.L_overlay_start_2:
0x4f5: {  	(tag) =	ssettag $0x2  }
0x4f6: {  	s0 =	rddreg [dreg:$0x0];
	s2 =	stileid.u32  }
0x4f7: {  	s1 =	rddreg [dreg:$0x1];
	p0 =	sne.s32 s2, $0x0  }
0x4f8: {  	s3 =	rddreg [dreg:$0x2];
	[bflag:$0x3] =	sbarrier.arrive $0xFFFF;
	s2 =	simm.s32 @!p0 $0x1C09  }
0x4f9: {  	[timem:s3], [sflag:s2] =	dma.local @!p0 [hbm:s0], s1  }
0x4fa: {  	s0 =	simm.s32 @!p0 $0x9  }
0x4fb: {  	_ =	swait.ge @!p0 [sflag:s0], s1  }
0x4fc: {  	s1 =	ssub.s32 @!p0 $0x0, s1;
	[sflag:s0] =	ssyncset.done @!p0 $0x0  }
0x4fd: {  	[sflag:s0] =	ssyncadd.s32 @!p0 s1  }
0x4fe: {  	[bflag:$0x3] =	sbarrier.arrive $0xFFFF  }
0x4ff: {  	_ =	shalt  }

</sc_bundles>
